<compile_context>
chip_gen: v7x
topology: tpu7x:2x2x1
jax: 0.10.2.dev20260603
libtpu: 0.0.44.dev20260713+nightly
codegen_flags: <defaults>
</compile_context>

<pallas_src>
import functools

import jax
import jax.numpy as jnp
from jax import lax
from jax.experimental import pallas as pl
from jax.experimental.pallas import tpu as pltpu
from jax.experimental.pallas import tpu_sc as plsc

E = 500000
D = 128
B = 128
NUM_BLOCKS = (E + B - 1) // B
LAST_BASE = E - B
NC = 2
NS = 16
NW = NC * NS
ITERS = (NUM_BLOCKS + NW - 1) // NW


def _sc_body(n1_hbm, n2_hbm, w_hbm, out_hbm,
             idx1a, idx1b, idx2a, idx2b,
             rows1a, rows1b, rows2a, rows2b, out_v,
             sem1a, sem1b, sem2a, sem2b):
  wid = lax.axis_index("s") * NC + lax.axis_index("c")
  idx1 = (idx1a, idx1b)
  idx2 = (idx2a, idx2b)
  rows1 = (rows1a, rows1b)
  rows2 = (rows2a, rows2b)
  sem1 = (sem1a, sem1b)
  sem2 = (sem2a, sem2b)

  def block_base(block):
    return pl.multiple_of(jnp.minimum(block * B, LAST_BASE), 8)

  def prefetch(block, b):
    base = block_base(block)
    pltpu.sync_copy(n1_hbm.at[pl.ds(base, B)], idx1[b])
    pltpu.sync_copy(n2_hbm.at[pl.ds(base, B)], idx2[b])
    pltpu.async_copy(w_hbm.at[idx1[b]], rows1[b], sem1[b])
    pltpu.async_copy(w_hbm.at[idx2[b]], rows2[b], sem2[b])

  prefetch(wid, 0)

  lane = lax.iota(jnp.int32, 16)

  def step(t, b):
    block = wid + t * NW
    nxt = block + NW

    @pl.when(nxt < NUM_BLOCKS)
    def _():
      prefetch(nxt, 1 - b)

    @pl.when(block < NUM_BLOCKS)
    def _():
      pltpu.make_async_copy(w_hbm.at[idx1[b]], rows1[b], sem1[b]).wait()
      pltpu.make_async_copy(w_hbm.at[idx2[b]], rows2[b], sem2[b]).wait()
      r1, r2 = rows1[b], rows2[b]

      def group_body(g, c):
        base_j = g * 16
        vec = jnp.zeros((16,), jnp.float32)
        for l in range(16):
          j = base_j + l
          acc = r1[j, pl.ds(0, 16)] * r2[j, pl.ds(0, 16)]
          for k in range(1, D // 16):
            acc = acc + r1[j, pl.ds(k * 16, 16)] * r2[j, pl.ds(k * 16, 16)]
          s = jnp.sum(acc)
          vec = jnp.where(lane == l, s, vec)
        out_v[pl.ds(base_j, 16)] = vec
        return c

      lax.fori_loop(0, B // 16, group_body, 0)
      pltpu.sync_copy(out_v, out_hbm.at[pl.ds(block_base(block), B)])

  def pair_body(t0, carry):
    step(t0 * 2, 0)
    step(t0 * 2 + 1, 1)
    return carry

  lax.fori_loop(0, (ITERS + 1) // 2, pair_body, 0)


@jax.jit
def _run(n1, n2, w):
  mesh = plsc.VectorSubcoreMesh(core_axis_name="c", subcore_axis_name="s")
  f = pl.kernel(
      _sc_body,
      mesh=mesh,
      compiler_params=pltpu.CompilerParams(needs_layout_passes=False),
      out_type=jax.ShapeDtypeStruct((E,), jnp.float32),
      scratch_types=[
          pltpu.VMEM((B,), jnp.int32),
          pltpu.VMEM((B,), jnp.int32),
          pltpu.VMEM((B,), jnp.int32),
          pltpu.VMEM((B,), jnp.int32),
          pltpu.VMEM((B, D), jnp.float32),
          pltpu.VMEM((B, D), jnp.float32),
          pltpu.VMEM((B, D), jnp.float32),
          pltpu.VMEM((B, D), jnp.float32),
          pltpu.VMEM((B,), jnp.float32),
          pltpu.SemaphoreType.DMA,
          pltpu.SemaphoreType.DMA,
          pltpu.SemaphoreType.DMA,
          pltpu.SemaphoreType.DMA,
      ],
  )
  return f(n1, n2, w)


def kernel(n1_indices, n2_indices, W):
  n1 = n1_indices.astype(jnp.int32)
  n2 = n2_indices.astype(jnp.int32)
  return _run(n1, n2, W)

# --- scband reference (transcript-rebuilt; emitter-appended) ---
"""Pipeline reference for scband-node2-vec-71751723647685 (READ-ONLY COPY).

The authoritative reference and input builder live on the scoring server;
editing this copy changes nothing except your own understanding.
"""

import jax, jax.numpy as jnp
import numpy as np

N_NODES = 100000
D = 128
E = 500000

def setup_inputs(seed: int = 0) -> dict:
    key = jax.random.key(seed)
    k_w, k_n1, k_n2 = jax.random.split(key, 3)
    W = jax.random.normal(k_w, (N_NODES, D), dtype=jnp.float32)
    n1_indices = jax.random.randint(k_n1, (E,), 0, N_NODES, dtype=jnp.int64)
    n2_indices = jax.random.randint(k_n2, (E,), 0, N_NODES, dtype=jnp.int64)
    return {"n1_indices": n1_indices, "n2_indices": n2_indices, "W": W}

def reference(n1_indices, n2_indices, W):
    # torch.index_select(W, 0, idx) -> jnp.take(W, idx, axis=0)
    n1_val = jnp.take(W, n1_indices, axis=0)
    n2_val = jnp.take(W, n2_indices, axis=0)
    adj = jnp.sum(n1_val * n2_val, axis=1)
    return adj

if __name__ == "__main__":
    import jax
    _d = setup_inputs()
    print(jax.jit(kernel)(*tuple(_d.values())))

</pallas_src>

<mosaic_0001>
#map = affine_map<(d0, d1) -> (0)>
#map1 = affine_map<(d0, d1) -> (0, 0)>
module attributes {stable_mosaic.version = 14 : i64} {
  func.func @_sc_body(%arg0: i32, %arg1: i32, %arg2: memref<500000xi32, #tpu.memory_space<hbm>>, %arg3: memref<500000xi32, #tpu.memory_space<hbm>>, %arg4: memref<100000x128xf32, #tpu.memory_space<hbm>>, %arg5: memref<500000xf32, #tpu.memory_space<hbm>>, %arg6: memref<128xi32, #tpu.memory_space<vmem>>, %arg7: memref<128xi32, #tpu.memory_space<vmem>>, %arg8: memref<128xi32, #tpu.memory_space<vmem>>, %arg9: memref<128xi32, #tpu.memory_space<vmem>>, %arg10: memref<128x128xf32, #tpu.memory_space<vmem>>, %arg11: memref<128x128xf32, #tpu.memory_space<vmem>>, %arg12: memref<128x128xf32, #tpu.memory_space<vmem>>, %arg13: memref<128x128xf32, #tpu.memory_space<vmem>>, %arg14: memref<128xf32, #tpu.memory_space<vmem>>, %arg15: memref<!tpu.dma_semaphore, #tpu.memory_space<semaphore_mem>>, %arg16: memref<!tpu.dma_semaphore, #tpu.memory_space<semaphore_mem>>, %arg17: memref<!tpu.dma_semaphore, #tpu.memory_space<semaphore_mem>>, %arg18: memref<!tpu.dma_semaphore, #tpu.memory_space<semaphore_mem>>) attributes {dimension_semantics = [#tpu.dimension_semantics<core_parallel>, #tpu.dimension_semantics<subcore_parallel>], iteration_bounds = array<i64: 2, 16>, scalar_prefetch = 0 : i64, scratch_operands = 13 : i64, tpu.core_type = #tpu.core_type<sc_vector_subcore>, window_params = [{transform_indices = #map}, {transform_indices = #map}, {transform_indices = #map1}, {transform_indices = #map}]} {
    %mul3A = arith.constant 2 : i32
    %mul3A_0 = arith.muli %arg1, %mul3A : i32
    %add3A = arith.addi %mul3A_0, %arg0 : i32
    %mul3A_1 = arith.constant 128 : i32
    %mul3A_2 = arith.muli %add3A, %mul3A_1 : i32
    %min3A = arith.constant 499872 : i32
    %min3A_3 = arith.minsi %mul3A_2, %min3A : i32
    %multiple_of3A = tpu.assume_multiple %min3A_3, 8 : i32
    "tpu.region"() ({
      %run_scoped3A = tpu.sem_alloc : memref<!tpu.dma_semaphore, #tpu.memory_space<semaphore_mem>>
      %dma_start3A_14 = tpu.memref_slice %arg2[%multiple_of3A] : memref<500000xi32, #tpu.memory_space<hbm>> -> memref<128xi32, #tpu.memory_space<hbm>>
      %dma_start3A_15 = tpu.memref_slice %arg2[%multiple_of3A] : memref<500000xi32, #tpu.memory_space<hbm>> -> memref<128xi32, #tpu.memory_space<hbm>>
      tpu.enqueue_dma source(%dma_start3A_15 : memref<128xi32, #tpu.memory_space<hbm>>) target(%arg6 : memref<128xi32, #tpu.memory_space<vmem>>) target_semaphore(%run_scoped3A : memref<!tpu.dma_semaphore, #tpu.memory_space<semaphore_mem>>)
      %dma_wait3A = tpu.memref_slice %arg2[%multiple_of3A] : memref<500000xi32, #tpu.memory_space<hbm>> -> memref<128xi32, #tpu.memory_space<hbm>>
      %dma_wait3A_16 = tpu.memref_slice %arg2[%multiple_of3A] : memref<500000xi32, #tpu.memory_space<hbm>> -> memref<128xi32, #tpu.memory_space<hbm>>
      tpu.wait_dma2 semaphore(%run_scoped3A : memref<!tpu.dma_semaphore, #tpu.memory_space<semaphore_mem>>) src(%dma_wait3A_16 : memref<128xi32, #tpu.memory_space<hbm>>) dst(%arg6 : memref<128xi32, #tpu.memory_space<vmem>>)
      tpu.yield
    }) : () -> ()
    "tpu.region"() ({
      %run_scoped3A = tpu.sem_alloc : memref<!tpu.dma_semaphore, #tpu.memory_space<semaphore_mem>>
      %dma_start3A_14 = tpu.memref_slice %arg3[%multiple_of3A] : memref<500000xi32, #tpu.memory_space<hbm>> -> memref<128xi32, #tpu.memory_space<hbm>>
      %dma_start3A_15 = tpu.memref_slice %arg3[%multiple_of3A] : memref<500000xi32, #tpu.memory_space<hbm>> -> memref<128xi32, #tpu.memory_space<hbm>>
      tpu.enqueue_dma source(%dma_start3A_15 : memref<128xi32, #tpu.memory_space<hbm>>) target(%arg8 : memref<128xi32, #tpu.memory_space<vmem>>) target_semaphore(%run_scoped3A : memref<!tpu.dma_semaphore, #tpu.memory_space<semaphore_mem>>)
      %dma_wait3A = tpu.memref_slice %arg3[%multiple_of3A] : memref<500000xi32, #tpu.memory_space<hbm>> -> memref<128xi32, #tpu.memory_space<hbm>>
      %dma_wait3A_16 = tpu.memref_slice %arg3[%multiple_of3A] : memref<500000xi32, #tpu.memory_space<hbm>> -> memref<128xi32, #tpu.memory_space<hbm>>
      tpu.wait_dma2 semaphore(%run_scoped3A : memref<!tpu.dma_semaphore, #tpu.memory_space<semaphore_mem>>) src(%dma_wait3A_16 : memref<128xi32, #tpu.memory_space<hbm>>) dst(%arg8 : memref<128xi32, #tpu.memory_space<vmem>>)
      tpu.yield
    }) : () -> ()
    %dma_start3A = arith.constant 0 : i32
    %dma_start3A_4 = arith.constant 0 : i32
    %dma_start3A_5 = tpu.memref_slice %arg4[%dma_start3A, %dma_start3A_4] : memref<100000x128xf32, #tpu.memory_space<hbm>> -> memref<100000x128xf32, #tpu.memory_space<hbm>>
    tpu.enqueue_indirect_dma source(%dma_start3A_5 : memref<100000x128xf32, #tpu.memory_space<hbm>>) target(%arg10 : memref<128x128xf32, #tpu.memory_space<vmem>>) offsets(%arg6 : memref<128xi32, #tpu.memory_space<vmem>>) semaphore(%arg15 : memref<!tpu.dma_semaphore, #tpu.memory_space<semaphore_mem>>)
    %dma_start3A_6 = arith.constant 0 : i32
    %dma_start3A_7 = arith.constant 0 : i32
    %dma_start3A_8 = tpu.memref_slice %arg4[%dma_start3A_6, %dma_start3A_7] : memref<100000x128xf32, #tpu.memory_space<hbm>> -> memref<100000x128xf32, #tpu.memory_space<hbm>>
    tpu.enqueue_indirect_dma source(%dma_start3A_8 : memref<100000x128xf32, #tpu.memory_space<hbm>>) target(%arg12 : memref<128x128xf32, #tpu.memory_space<vmem>>) offsets(%arg8 : memref<128xi32, #tpu.memory_space<vmem>>) semaphore(%arg17 : memref<!tpu.dma_semaphore, #tpu.memory_space<semaphore_mem>>)
    %iota3A = tpu.iota {dimensions = array<i32: 0>} : vector<16xi32>
    %scan3A = arith.constant 0 : i32
    %scan3A_9 = arith.constant 0 : i32
    %scan3A_10 = arith.constant 62 : i32
    %scan3A_11 = arith.addi %scan3A_9, %scan3A_10 : i32
    %scan3A_12 = arith.constant 1 : i32
    scf.for %scan3A_14 = %scan3A_9 to %scan3A_11 step %scan3A_12  : i32 {
      %mul3A_15 = arith.constant 2 : i32
      %mul3A_16 = arith.muli %scan3A_14, %mul3A_15 : i32
      %mul3A_17 = arith.constant 32 : i32
      %mul3A_18 = arith.muli %mul3A_16, %mul3A_17 : i32
      %add3A_19 = arith.addi %add3A, %mul3A_18 : i32
      %add3A_20 = arith.constant 32 : i32
      %add3A_21 = arith.addi %add3A_19, %add3A_20 : i32
      %lt3A = arith.constant 3907 : i32
      %lt3A_22 = arith.cmpi slt, %add3A_21, %lt3A : i32
      %convert_element_type3A = arith.extui %lt3A_22 : i1 to i32
      %cond3A = arith.constant 0 : i32
      %cond3A_23 = arith.cmpi ne, %convert_element_type3A, %cond3A : i32
      scf.if %cond3A_23 {
        %mul3A_48 = arith.constant 128 : i32
        %mul3A_49 = arith.muli %add3A_21, %mul3A_48 : i32
        %min3A_50 = arith.constant 499872 : i32
        %min3A_51 = arith.minsi %mul3A_49, %min3A_50 : i32
        %multiple_of3A_52 = tpu.assume_multiple %min3A_51, 8 : i32
        "tpu.region"() ({
          %run_scoped3A = tpu.sem_alloc : memref<!tpu.dma_semaphore, #tpu.memory_space<semaphore_mem>>
          %dma_start3A_59 = tpu.memref_slice %arg2[%multiple_of3A_52] : memref<500000xi32, #tpu.memory_space<hbm>> -> memref<128xi32, #tpu.memory_space<hbm>>
          %dma_start3A_60 = tpu.memref_slice %arg2[%multiple_of3A_52] : memref<500000xi32, #tpu.memory_space<hbm>> -> memref<128xi32, #tpu.memory_space<hbm>>
          tpu.enqueue_dma source(%dma_start3A_60 : memref<128xi32, #tpu.memory_space<hbm>>) target(%arg7 : memref<128xi32, #tpu.memory_space<vmem>>) target_semaphore(%run_scoped3A : memref<!tpu.dma_semaphore, #tpu.memory_space<semaphore_mem>>)
          %dma_wait3A = tpu.memref_slice %arg2[%multiple_of3A_52] : memref<500000xi32, #tpu.memory_space<hbm>> -> memref<128xi32, #tpu.memory_space<hbm>>
          %dma_wait3A_61 = tpu.memref_slice %arg2[%multiple_of3A_52] : memref<500000xi32, #tpu.memory_space<hbm>> -> memref<128xi32, #tpu.memory_space<hbm>>
          tpu.wait_dma2 semaphore(%run_scoped3A : memref<!tpu.dma_semaphore, #tpu.memory_space<semaphore_mem>>) src(%dma_wait3A_61 : memref<128xi32, #tpu.memory_space<hbm>>) dst(%arg7 : memref<128xi32, #tpu.memory_space<vmem>>)
          tpu.yield
        }) : () -> ()
        "tpu.region"() ({
          %run_scoped3A = tpu.sem_alloc : memref<!tpu.dma_semaphore, #tpu.memory_space<semaphore_mem>>
          %dma_start3A_59 = tpu.memref_slice %arg3[%multiple_of3A_52] : memref<500000xi32, #tpu.memory_space<hbm>> -> memref<128xi32, #tpu.memory_space<hbm>>
          %dma_start3A_60 = tpu.memref_slice %arg3[%multiple_of3A_52] : memref<500000xi32, #tpu.memory_space<hbm>> -> memref<128xi32, #tpu.memory_space<hbm>>
          tpu.enqueue_dma source(%dma_start3A_60 : memref<128xi32, #tpu.memory_space<hbm>>) target(%arg9 : memref<128xi32, #tpu.memory_space<vmem>>) target_semaphore(%run_scoped3A : memref<!tpu.dma_semaphore, #tpu.memory_space<semaphore_mem>>)
          %dma_wait3A = tpu.memref_slice %arg3[%multiple_of3A_52] : memref<500000xi32, #tpu.memory_space<hbm>> -> memref<128xi32, #tpu.memory_space<hbm>>
          %dma_wait3A_61 = tpu.memref_slice %arg3[%multiple_of3A_52] : memref<500000xi32, #tpu.memory_space<hbm>> -> memref<128xi32, #tpu.memory_space<hbm>>
          tpu.wait_dma2 semaphore(%run_scoped3A : memref<!tpu.dma_semaphore, #tpu.memory_space<semaphore_mem>>) src(%dma_wait3A_61 : memref<128xi32, #tpu.memory_space<hbm>>) dst(%arg9 : memref<128xi32, #tpu.memory_space<vmem>>)
          tpu.yield
        }) : () -> ()
        %dma_start3A_53 = arith.constant 0 : i32
        %dma_start3A_54 = arith.constant 0 : i32
        %dma_start3A_55 = tpu.memref_slice %arg4[%dma_start3A_53, %dma_start3A_54] : memref<100000x128xf32, #tpu.memory_space<hbm>> -> memref<100000x128xf32, #tpu.memory_space<hbm>>
        tpu.enqueue_indirect_dma source(%dma_start3A_55 : memref<100000x128xf32, #tpu.memory_space<hbm>>) target(%arg11 : memref<128x128xf32, #tpu.memory_space<vmem>>) offsets(%arg7 : memref<128xi32, #tpu.memory_space<vmem>>) semaphore(%arg16 : memref<!tpu.dma_semaphore, #tpu.memory_space<semaphore_mem>>)
        %dma_start3A_56 = arith.constant 0 : i32
        %dma_start3A_57 = arith.constant 0 : i32
        %dma_start3A_58 = tpu.memref_slice %arg4[%dma_start3A_56, %dma_start3A_57] : memref<100000x128xf32, #tpu.memory_space<hbm>> -> memref<100000x128xf32, #tpu.memory_space<hbm>>
        tpu.enqueue_indirect_dma source(%dma_start3A_58 : memref<100000x128xf32, #tpu.memory_space<hbm>>) target(%arg13 : memref<128x128xf32, #tpu.memory_space<vmem>>) offsets(%arg9 : memref<128xi32, #tpu.memory_space<vmem>>) semaphore(%arg18 : memref<!tpu.dma_semaphore, #tpu.memory_space<semaphore_mem>>)
      } else {
      }
      %lt3A_24 = arith.constant 3907 : i32
      %lt3A_25 = arith.cmpi slt, %add3A_19, %lt3A_24 : i32
      %convert_element_type3A_26 = arith.extui %lt3A_25 : i1 to i32
      %cond3A_27 = arith.constant 0 : i32
      %cond3A_28 = arith.cmpi ne, %convert_element_type3A_26, %cond3A_27 : i32
      scf.if %cond3A_28 {
        %dma_wait3A = arith.constant 0 : i32
        %dma_wait3A_48 = arith.constant 0 : i32
        %dma_wait3A_49 = tpu.memref_slice %arg4[%dma_wait3A, %dma_wait3A_48] : memref<100000x128xf32, #tpu.memory_space<hbm>> -> memref<100000x128xf32, #tpu.memory_space<hbm>>
        tpu.wait_indirect_dma semaphore(%arg15 : memref<!tpu.dma_semaphore, #tpu.memory_space<semaphore_mem>>) src(%dma_wait3A_49 : memref<100000x128xf32, #tpu.memory_space<hbm>>) dst(%arg10 : memref<128x128xf32, #tpu.memory_space<vmem>>)
        %dma_wait3A_50 = arith.constant 0 : i32
        %dma_wait3A_51 = arith.constant 0 : i32
        %dma_wait3A_52 = tpu.memref_slice %arg4[%dma_wait3A_50, %dma_wait3A_51] : memref<100000x128xf32, #tpu.memory_space<hbm>> -> memref<100000x128xf32, #tpu.memory_space<hbm>>
        tpu.wait_indirect_dma semaphore(%arg17 : memref<!tpu.dma_semaphore, #tpu.memory_space<semaphore_mem>>) src(%dma_wait3A_52 : memref<100000x128xf32, #tpu.memory_space<hbm>>) dst(%arg12 : memref<128x128xf32, #tpu.memory_space<vmem>>)
        %scan3A_53 = arith.constant 0 : i32
        %scan3A_54 = arith.constant 0 : i32
        %scan3A_55 = arith.constant 8 : i32
        %scan3A_56 = arith.addi %scan3A_54, %scan3A_55 : i32
        %scan3A_57 = arith.constant 1 : i32
        scf.for %scan3A_64 = %scan3A_54 to %scan3A_56 step %scan3A_57  : i32 {
          %mul3A_65 = arith.constant 16 : i32
          %mul3A_66 = arith.muli %scan3A_64, %mul3A_65 : i32
          %broadcast_in_dim3A = arith.constant 0.000000e+00 : f32
          %broadcast_in_dim3A_67 = vector.broadcast %broadcast_in_dim3A : f32 to vector<16xf32>
          %add3A_68 = arith.constant 0 : i32
          %add3A_69 = arith.addi %mul3A_66, %add3A_68 : i32
          %get3A = arith.index_cast %add3A_69 : i32 to index
          %get3A_70 = arith.constant 0 : index
          %get3A_71 = tpu.vector_load %arg10[%get3A, %get3A_70] {strides = array<i32>} : memref<128x128xf32, #tpu.memory_space<vmem>>, vector<16xf32>,
          %get3A_72 = arith.index_cast %add3A_69 : i32 to index
          %get3A_73 = arith.constant 0 : index
          %get3A_74 = tpu.vector_load %arg12[%get3A_72, %get3A_73] {strides = array<i32>} : memref<128x128xf32, #tpu.memory_space<vmem>>, vector<16xf32>,
          %mul3A_75 = arith.mulf %get3A_71, %get3A_74 : vector<16xf32>
          %get3A_76 = arith.index_cast %add3A_69 : i32 to index
          %get3A_77 = arith.constant 16 : index
          %get3A_78 = tpu.vector_load %arg10[%get3A_76, %get3A_77] {strides = array<i32>} : memref<128x128xf32, #tpu.memory_space<vmem>>, vector<16xf32>,
          %get3A_79 = arith.index_cast %add3A_69 : i32 to index
          %get3A_80 = arith.constant 16 : index
          %get3A_81 = tpu.vector_load %arg12[%get3A_79, %get3A_80] {strides = array<i32>} : memref<128x128xf32, #tpu.memory_space<vmem>>, vector<16xf32>,
          %mul3A_82 = arith.mulf %get3A_78, %get3A_81 : vector<16xf32>
          %add3A_83 = arith.addf %mul3A_75, %mul3A_82 : vector<16xf32>
          %get3A_84 = arith.index_cast %add3A_69 : i32 to index
          %get3A_85 = arith.constant 32 : index
          %get3A_86 = tpu.vector_load %arg10[%get3A_84, %get3A_85] {strides = array<i32>} : memref<128x128xf32, #tpu.memory_space<vmem>>, vector<16xf32>,
          %get3A_87 = arith.index_cast %add3A_69 : i32 to index
          %get3A_88 = arith.constant 32 : index
          %get3A_89 = tpu.vector_load %arg12[%get3A_87, %get3A_88] {strides = array<i32>} : memref<128x128xf32, #tpu.memory_space<vmem>>, vector<16xf32>,
          %mul3A_90 = arith.mulf %get3A_86, %get3A_89 : vector<16xf32>
          %add3A_91 = arith.addf %add3A_83, %mul3A_90 : vector<16xf32>
          %get3A_92 = arith.index_cast %add3A_69 : i32 to index
          %get3A_93 = arith.constant 48 : index
          %get3A_94 = tpu.vector_load %arg10[%get3A_92, %get3A_93] {strides = array<i32>} : memref<128x128xf32, #tpu.memory_space<vmem>>, vector<16xf32>,
          %get3A_95 = arith.index_cast %add3A_69 : i32 to index
          %get3A_96 = arith.constant 48 : index
          %get3A_97 = tpu.vector_load %arg12[%get3A_95, %get3A_96] {strides = array<i32>} : memref<128x128xf32, #tpu.memory_space<vmem>>, vector<16xf32>,
          %mul3A_98 = arith.mulf %get3A_94, %get3A_97 : vector<16xf32>
          %add3A_99 = arith.addf %add3A_91, %mul3A_98 : vector<16xf32>
          %get3A_100 = arith.index_cast %add3A_69 : i32 to index
          %get3A_101 = arith.constant 64 : index
          %get3A_102 = tpu.vector_load %arg10[%get3A_100, %get3A_101] {strides = array<i32>} : memref<128x128xf32, #tpu.memory_space<vmem>>, vector<16xf32>,
          %get3A_103 = arith.index_cast %add3A_69 : i32 to index
          %get3A_104 = arith.constant 64 : index
          %get3A_105 = tpu.vector_load %arg12[%get3A_103, %get3A_104] {strides = array<i32>} : memref<128x128xf32, #tpu.memory_space<vmem>>, vector<16xf32>,
          %mul3A_106 = arith.mulf %get3A_102, %get3A_105 : vector<16xf32>
          %add3A_107 = arith.addf %add3A_99, %mul3A_106 : vector<16xf32>
          %get3A_108 = arith.index_cast %add3A_69 : i32 to index
          %get3A_109 = arith.constant 80 : index
          %get3A_110 = tpu.vector_load %arg10[%get3A_108, %get3A_109] {strides = array<i32>} : memref<128x128xf32, #tpu.memory_space<vmem>>, vector<16xf32>,
          %get3A_111 = arith.index_cast %add3A_69 : i32 to index
          %get3A_112 = arith.constant 80 : index
          %get3A_113 = tpu.vector_load %arg12[%get3A_111, %get3A_112] {strides = array<i32>} : memref<128x128xf32, #tpu.memory_space<vmem>>, vector<16xf32>,
          %mul3A_114 = arith.mulf %get3A_110, %get3A_113 : vector<16xf32>
          %add3A_115 = arith.addf %add3A_107, %mul3A_114 : vector<16xf32>
          %get3A_116 = arith.index_cast %add3A_69 : i32 to index
          %get3A_117 = arith.constant 96 : index
          %get3A_118 = tpu.vector_load %arg10[%get3A_116, %get3A_117] {strides = array<i32>} : memref<128x128xf32, #tpu.memory_space<vmem>>, vector<16xf32>,
          %get3A_119 = arith.index_cast %add3A_69 : i32 to index
          %get3A_120 = arith.constant 96 : index
          %get3A_121 = tpu.vector_load %arg12[%get3A_119, %get3A_120] {strides = array<i32>} : memref<128x128xf32, #tpu.memory_space<vmem>>, vector<16xf32>,
          %mul3A_122 = arith.mulf %get3A_118, %get3A_121 : vector<16xf32>
          %add3A_123 = arith.addf %add3A_115, %mul3A_122 : vector<16xf32>
          %get3A_124 = arith.index_cast %add3A_69 : i32 to index
          %get3A_125 = arith.constant 112 : index
          %get3A_126 = tpu.vector_load %arg10[%get3A_124, %get3A_125] {strides = array<i32>} : memref<128x128xf32, #tpu.memory_space<vmem>>, vector<16xf32>,
          %get3A_127 = arith.index_cast %add3A_69 : i32 to index
          %get3A_128 = arith.constant 112 : index
          %get3A_129 = tpu.vector_load %arg12[%get3A_127, %get3A_128] {strides = array<i32>} : memref<128x128xf32, #tpu.memory_space<vmem>>, vector<16xf32>,
          %mul3A_130 = arith.mulf %get3A_126, %get3A_129 : vector<16xf32>
          %add3A_131 = arith.addf %add3A_123, %mul3A_130 : vector<16xf32>
          %reduce_sum3A = arith.constant true
          %reduce_sum3A_132 = vector.broadcast %reduce_sum3A : i1 to vector<16xi1>
          %reduce_sum3A_133 = tpu.scan <sum>, %add3A_131 masked %reduce_sum3A_132 : vector<16xf32>, vector<16xi1> -> vector<16xf32>
          %reduce_sum3A_134 = vector.extract %reduce_sum3A_133[15] : f32 from vector<16xf32>
          %eq3A = arith.constant 0 : i32
          %eq3A_135 = vector.broadcast %eq3A : i32 to vector<16xi32>
          %eq3A_136 = arith.cmpi eq, %iota3A, %eq3A_135 : vector<16xi32>
          %broadcast_in_dim3A_137 = vector.broadcast %reduce_sum3A_134 : f32 to vector<16xf32>
          %select_n3A = arith.select %eq3A_136, %broadcast_in_dim3A_137, %broadcast_in_dim3A_67 : vector<16xi1>, vector<16xf32>
          %add3A_138 = arith.constant 1 : i32
          %add3A_139 = arith.addi %mul3A_66, %add3A_138 : i32
          %get3A_140 = arith.index_cast %add3A_139 : i32 to index
          %get3A_141 = arith.constant 0 : index
          %get3A_142 = tpu.vector_load %arg10[%get3A_140, %get3A_141] {strides = array<i32>} : memref<128x128xf32, #tpu.memory_space<vmem>>, vector<16xf32>,
          %get3A_143 = arith.index_cast %add3A_139 : i32 to index
          %get3A_144 = arith.constant 0 : index
          %get3A_145 = tpu.vector_load %arg12[%get3A_143, %get3A_144] {strides = array<i32>} : memref<128x128xf32, #tpu.memory_space<vmem>>, vector<16xf32>,
          %mul3A_146 = arith.mulf %get3A_142, %get3A_145 : vector<16xf32>
          %get3A_147 = arith.index_cast %add3A_139 : i32 to index
          %get3A_148 = arith.constant 16 : index
          %get3A_149 = tpu.vector_load %arg10[%get3A_147, %get3A_148] {strides = array<i32>} : memref<128x128xf32, #tpu.memory_space<vmem>>, vector<16xf32>,
          %get3A_150 = arith.index_cast %add3A_139 : i32 to index
          %get3A_151 = arith.constant 16 : index
          %get3A_152 = tpu.vector_load %arg12[%get3A_150, %get3A_151] {strides = array<i32>} : memref<128x128xf32, #tpu.memory_space<vmem>>, vector<16xf32>,
          %mul3A_153 = arith.mulf %get3A_149, %get3A_152 : vector<16xf32>
          %add3A_154 = arith.addf %mul3A_146, %mul3A_153 : vector<16xf32>
          %get3A_155 = arith.index_cast %add3A_139 : i32 to index
          %get3A_156 = arith.constant 32 : index
          %get3A_157 = tpu.vector_load %arg10[%get3A_155, %get3A_156] {strides = array<i32>} : memref<128x128xf32, #tpu.memory_space<vmem>>, vector<16xf32>,
          %get3A_158 = arith.index_cast %add3A_139 : i32 to index
          %get3A_159 = arith.constant 32 : index
          %get3A_160 = tpu.vector_load %arg12[%get3A_158, %get3A_159] {strides = array<i32>} : memref<128x128xf32, #tpu.memory_space<vmem>>, vector<16xf32>,
          %mul3A_161 = arith.mulf %get3A_157, %get3A_160 : vector<16xf32>
          %add3A_162 = arith.addf %add3A_154, %mul3A_161 : vector<16xf32>
          %get3A_163 = arith.index_cast %add3A_139 : i32 to index
          %get3A_164 = arith.constant 48 : index
          %get3A_165 = tpu.vector_load %arg10[%get3A_163, %get3A_164] {strides = array<i32>} : memref<128x128xf32, #tpu.memory_space<vmem>>, vector<16xf32>,
          %get3A_166 = arith.index_cast %add3A_139 : i32 to index
          %get3A_167 = arith.constant 48 : index
          %get3A_168 = tpu.vector_load %arg12[%get3A_166, %get3A_167] {strides = array<i32>} : memref<128x128xf32, #tpu.memory_space<vmem>>, vector<16xf32>,
          %mul3A_169 = arith.mulf %get3A_165, %get3A_168 : vector<16xf32>
          %add3A_170 = arith.addf %add3A_162, %mul3A_169 : vector<16xf32>
          %get3A_171 = arith.index_cast %add3A_139 : i32 to index
          %get3A_172 = arith.constant 64 : index
          %get3A_173 = tpu.vector_load %arg10[%get3A_171, %get3A_172] {strides = array<i32>} : memref<128x128xf32, #tpu.memory_space<vmem>>, vector<16xf32>,
          %get3A_174 = arith.index_cast %add3A_139 : i32 to index
          %get3A_175 = arith.constant 64 : index
          %get3A_176 = tpu.vector_load %arg12[%get3A_174, %get3A_175] {strides = array<i32>} : memref<128x128xf32, #tpu.memory_space<vmem>>, vector<16xf32>,
          %mul3A_177 = arith.mulf %get3A_173, %get3A_176 : vector<16xf32>
          %add3A_178 = arith.addf %add3A_170, %mul3A_177 : vector<16xf32>
          %get3A_179 = arith.index_cast %add3A_139 : i32 to index
          %get3A_180 = arith.constant 80 : index
          %get3A_181 = tpu.vector_load %arg10[%get3A_179, %get3A_180] {strides = array<i32>} : memref<128x128xf32, #tpu.memory_space<vmem>>, vector<16xf32>,
          %get3A_182 = arith.index_cast %add3A_139 : i32 to index
          %get3A_183 = arith.constant 80 : index
          %get3A_184 = tpu.vector_load %arg12[%get3A_182, %get3A_183] {strides = array<i32>} : memref<128x128xf32, #tpu.memory_space<vmem>>, vector<16xf32>,
          %mul3A_185 = arith.mulf %get3A_181, %get3A_184 : vector<16xf32>
          %add3A_186 = arith.addf %add3A_178, %mul3A_185 : vector<16xf32>
          %get3A_187 = arith.index_cast %add3A_139 : i32 to index
          %get3A_188 = arith.constant 96 : index
          %get3A_189 = tpu.vector_load %arg10[%get3A_187, %get3A_188] {strides = array<i32>} : memref<128x128xf32, #tpu.memory_space<vmem>>, vector<16xf32>,
          %get3A_190 = arith.index_cast %add3A_139 : i32 to index
          %get3A_191 = arith.constant 96 : index
          %get3A_192 = tpu.vector_load %arg12[%get3A_190, %get3A_191] {strides = array<i32>} : memref<128x128xf32, #tpu.memory_space<vmem>>, vector<16xf32>,
          %mul3A_193 = arith.mulf %get3A_189, %get3A_192 : vector<16xf32>
          %add3A_194 = arith.addf %add3A_186, %mul3A_193 : vector<16xf32>
          %get3A_195 = arith.index_cast %add3A_139 : i32 to index
          %get3A_196 = arith.constant 112 : index
          %get3A_197 = tpu.vector_load %arg10[%get3A_195, %get3A_196] {strides = array<i32>} : memref<128x128xf32, #tpu.memory_space<vmem>>, vector<16xf32>,
          %get3A_198 = arith.index_cast %add3A_139 : i32 to index
          %get3A_199 = arith.constant 112 : index
          %get3A_200 = tpu.vector_load %arg12[%get3A_198, %get3A_199] {strides = array<i32>} : memref<128x128xf32, #tpu.memory_space<vmem>>, vector<16xf32>,
          %mul3A_201 = arith.mulf %get3A_197, %get3A_200 : vector<16xf32>
          %add3A_202 = arith.addf %add3A_194, %mul3A_201 : vector<16xf32>
          %reduce_sum3A_203 = arith.constant true
          %reduce_sum3A_204 = vector.broadcast %reduce_sum3A_203 : i1 to vector<16xi1>
          %reduce_sum3A_205 = tpu.scan <sum>, %add3A_202 masked %reduce_sum3A_204 : vector<16xf32>, vector<16xi1> -> vector<16xf32>
          %reduce_sum3A_206 = vector.extract %reduce_sum3A_205[15] : f32 from vector<16xf32>
          %eq3A_207 = arith.constant 1 : i32
          %eq3A_208 = vector.broadcast %eq3A_207 : i32 to vector<16xi32>
          %eq3A_209 = arith.cmpi eq, %iota3A, %eq3A_208 : vector<16xi32>
          %broadcast_in_dim3A_210 = vector.broadcast %reduce_sum3A_206 : f32 to vector<16xf32>
          %select_n3A_211 = arith.select %eq3A_209, %broadcast_in_dim3A_210, %select_n3A : vector<16xi1>, vector<16xf32>
          %add3A_212 = arith.constant 2 : i32
          %add3A_213 = arith.addi %mul3A_66, %add3A_212 : i32
          %get3A_214 = arith.index_cast %add3A_213 : i32 to index
          %get3A_215 = arith.constant 0 : index
          %get3A_216 = tpu.vector_load %arg10[%get3A_214, %get3A_215] {strides = array<i32>} : memref<128x128xf32, #tpu.memory_space<vmem>>, vector<16xf32>,
          %get3A_217 = arith.index_cast %add3A_213 : i32 to index
          %get3A_218 = arith.constant 0 : index
          %get3A_219 = tpu.vector_load %arg12[%get3A_217, %get3A_218] {strides = array<i32>} : memref<128x128xf32, #tpu.memory_space<vmem>>, vector<16xf32>,
          %mul3A_220 = arith.mulf %get3A_216, %get3A_219 : vector<16xf32>
          %get3A_221 = arith.index_cast %add3A_213 : i32 to index
          %get3A_222 = arith.constant 16 : index
          %get3A_223 = tpu.vector_load %arg10[%get3A_221, %get3A_222] {strides = array<i32>} : memref<128x128xf32, #tpu.memory_space<vmem>>, vector<16xf32>,
          %get3A_224 = arith.index_cast %add3A_213 : i32 to index
          %get3A_225 = arith.constant 16 : index
          %get3A_226 = tpu.vector_load %arg12[%get3A_224, %get3A_225] {strides = array<i32>} : memref<128x128xf32, #tpu.memory_space<vmem>>, vector<16xf32>,
          %mul3A_227 = arith.mulf %get3A_223, %get3A_226 : vector<16xf32>
          %add3A_228 = arith.addf %mul3A_220, %mul3A_227 : vector<16xf32>
          %get3A_229 = arith.index_cast %add3A_213 : i32 to index
          %get3A_230 = arith.constant 32 : index
          %get3A_231 = tpu.vector_load %arg10[%get3A_229, %get3A_230] {strides = array<i32>} : memref<128x128xf32, #tpu.memory_space<vmem>>, vector<16xf32>,
          %get3A_232 = arith.index_cast %add3A_213 : i32 to index
          %get3A_233 = arith.constant 32 : index
          %get3A_234 = tpu.vector_load %arg12[%get3A_232, %get3A_233] {strides = array<i32>} : memref<128x128xf32, #tpu.memory_space<vmem>>, vector<16xf32>,
          %mul3A_235 = arith.mulf %get3A_231, %get3A_234 : vector<16xf32>
          %add3A_236 = arith.addf %add3A_228, %mul3A_235 : vector<16xf32>
          %get3A_237 = arith.index_cast %add3A_213 : i32 to index
          %get3A_238 = arith.constant 48 : index
          %get3A_239 = tpu.vector_load %arg10[%get3A_237, %get3A_238] {strides = array<i32>} : memref<128x128xf32, #tpu.memory_space<vmem>>, vector<16xf32>,
          %get3A_240 = arith.index_cast %add3A_213 : i32 to index
          %get3A_241 = arith.constant 48 : index
          %get3A_242 = tpu.vector_load %arg12[%get3A_240, %get3A_241] {strides = array<i32>} : memref<128x128xf32, #tpu.memory_space<vmem>>, vector<16xf32>,
          %mul3A_243 = arith.mulf %get3A_239, %get3A_242 : vector<16xf32>
          %add3A_244 = arith.addf %add3A_236, %mul3A_243 : vector<16xf32>
          %get3A_245 = arith.index_cast %add3A_213 : i32 to index
          %get3A_246 = arith.constant 64 : index
          %get3A_247 = tpu.vector_load %arg10[%get3A_245, %get3A_246] {strides = array<i32>} : memref<128x128xf32, #tpu.memory_space<vmem>>, vector<16xf32>,
          %get3A_248 = arith.index_cast %add3A_213 : i32 to index
          %get3A_249 = arith.constant 64 : index
          %get3A_250 = tpu.vector_load %arg12[%get3A_248, %get3A_249] {strides = array<i32>} : memref<128x128xf32, #tpu.memory_space<vmem>>, vector<16xf32>,
          %mul3A_251 = arith.mulf %get3A_247, %get3A_250 : vector<16xf32>
          %add3A_252 = arith.addf %add3A_244, %mul3A_251 : vector<16xf32>
          %get3A_253 = arith.index_cast %add3A_213 : i32 to index
          %get3A_254 = arith.constant 80 : index
          %get3A_255 = tpu.vector_load %arg10[%get3A_253, %get3A_254] {strides = array<i32>} : memref<128x128xf32, #tpu.memory_space<vmem>>, vector<16xf32>,
          %get3A_256 = arith.index_cast %add3A_213 : i32 to index
          %get3A_257 = arith.constant 80 : index
          %get3A_258 = tpu.vector_load %arg12[%get3A_256, %get3A_257] {strides = array<i32>} : memref<128x128xf32, #tpu.memory_space<vmem>>, vector<16xf32>,
          %mul3A_259 = arith.mulf %get3A_255, %get3A_258 : vector<16xf32>
          %add3A_260 = arith.addf %add3A_252, %mul3A_259 : vector<16xf32>
          %get3A_261 = arith.index_cast %add3A_213 : i32 to index
          %get3A_262 = arith.constant 96 : index
          %get3A_263 = tpu.vector_load %arg10[%get3A_261, %get3A_262] {strides = array<i32>} : memref<128x128xf32, #tpu.memory_space<vmem>>, vector<16xf32>,
          %get3A_264 = arith.index_cast %add3A_213 : i32 to index
          %get3A_265 = arith.constant 96 : index
          %get3A_266 = tpu.vector_load %arg12[%get3A_264, %get3A_265] {strides = array<i32>} : memref<128x128xf32, #tpu.memory_space<vmem>>, vector<16xf32>,
          %mul3A_267 = arith.mulf %get3A_263, %get3A_266 : vector<16xf32>
          %add3A_268 = arith.addf %add3A_260, %mul3A_267 : vector<16xf32>
          %get3A_269 = arith.index_cast %add3A_213 : i32 to index
          %get3A_270 = arith.constant 112 : index
          %get3A_271 = tpu.vector_load %arg10[%get3A_269, %get3A_270] {strides = array<i32>} : memref<128x128xf32, #tpu.memory_space<vmem>>, vector<16xf32>,
          %get3A_272 = arith.index_cast %add3A_213 : i32 to index
          %get3A_273 = arith.constant 112 : index
          %get3A_274 = tpu.vector_load %arg12[%get3A_272, %get3A_273] {strides = array<i32>} : memref<128x128xf32, #tpu.memory_space<vmem>>, vector<16xf32>,
          %mul3A_275 = arith.mulf %get3A_271, %get3A_274 : vector<16xf32>
          %add3A_276 = arith.addf %add3A_268, %mul3A_275 : vector<16xf32>
          %reduce_sum3A_277 = arith.constant true
          %reduce_sum3A_278 = vector.broadcast %reduce_sum3A_277 : i1 to vector<16xi1>
          %reduce_sum3A_279 = tpu.scan <sum>, %add3A_276 masked %reduce_sum3A_278 : vector<16xf32>, vector<16xi1> -> vector<16xf32>
          %reduce_sum3A_280 = vector.extract %reduce_sum3A_279[15] : f32 from vector<16xf32>
          %eq3A_281 = arith.constant 2 : i32
          %eq3A_282 = vector.broadcast %eq3A_281 : i32 to vector<16xi32>
          %eq3A_283 = arith.cmpi eq, %iota3A, %eq3A_282 : vector<16xi32>
          %broadcast_in_dim3A_284 = vector.broadcast %reduce_sum3A_280 : f32 to vector<16xf32>
          %select_n3A_285 = arith.select %eq3A_283, %broadcast_in_dim3A_284, %select_n3A_211 : vector<16xi1>, vector<16xf32>
          %add3A_286 = arith.constant 3 : i32
          %add3A_287 = arith.addi %mul3A_66, %add3A_286 : i32
          %get3A_288 = arith.index_cast %add3A_287 : i32 to index
          %get3A_289 = arith.constant 0 : index
          %get3A_290 = tpu.vector_load %arg10[%get3A_288, %get3A_289] {strides = array<i32>} : memref<128x128xf32, #tpu.memory_space<vmem>>, vector<16xf32>,
          %get3A_291 = arith.index_cast %add3A_287 : i32 to index
          %get3A_292 = arith.constant 0 : index
          %get3A_293 = tpu.vector_load %arg12[%get3A_291, %get3A_292] {strides = array<i32>} : memref<128x128xf32, #tpu.memory_space<vmem>>, vector<16xf32>,
          %mul3A_294 = arith.mulf %get3A_290, %get3A_293 : vector<16xf32>
          %get3A_295 = arith.index_cast %add3A_287 : i32 to index
          %get3A_296 = arith.constant 16 : index
          %get3A_297 = tpu.vector_load %arg10[%get3A_295, %get3A_296] {strides = array<i32>} : memref<128x128xf32, #tpu.memory_space<vmem>>, vector<16xf32>,
          %get3A_298 = arith.index_cast %add3A_287 : i32 to index
          %get3A_299 = arith.constant 16 : index
          %get3A_300 = tpu.vector_load %arg12[%get3A_298, %get3A_299] {strides = array<i32>} : memref<128x128xf32, #tpu.memory_space<vmem>>, vector<16xf32>,
          %mul3A_301 = arith.mulf %get3A_297, %get3A_300 : vector<16xf32>
          %add3A_302 = arith.addf %mul3A_294, %mul3A_301 : vector<16xf32>
          %get3A_303 = arith.index_cast %add3A_287 : i32 to index
          %get3A_304 = arith.constant 32 : index
          %get3A_305 = tpu.vector_load %arg10[%get3A_303, %get3A_304] {strides = array<i32>} : memref<128x128xf32, #tpu.memory_space<vmem>>, vector<16xf32>,
          %get3A_306 = arith.index_cast %add3A_287 : i32 to index
          %get3A_307 = arith.constant 32 : index
          %get3A_308 = tpu.vector_load %arg12[%get3A_306, %get3A_307] {strides = array<i32>} : memref<128x128xf32, #tpu.memory_space<vmem>>, vector<16xf32>,
          %mul3A_309 = arith.mulf %get3A_305, %get3A_308 : vector<16xf32>
          %add3A_310 = arith.addf %add3A_302, %mul3A_309 : vector<16xf32>
          %get3A_311 = arith.index_cast %add3A_287 : i32 to index
          %get3A_312 = arith.constant 48 : index
          %get3A_313 = tpu.vector_load %arg10[%get3A_311, %get3A_312] {strides = array<i32>} : memref<128x128xf32, #tpu.memory_space<vmem>>, vector<16xf32>,
          %get3A_314 = arith.index_cast %add3A_287 : i32 to index
          %get3A_315 = arith.constant 48 : index
          %get3A_316 = tpu.vector_load %arg12[%get3A_314, %get3A_315] {strides = array<i32>} : memref<128x128xf32, #tpu.memory_space<vmem>>, vector<16xf32>,
          %mul3A_317 = arith.mulf %get3A_313, %get3A_316 : vector<16xf32>
          %add3A_318 = arith.addf %add3A_310, %mul3A_317 : vector<16xf32>
          %get3A_319 = arith.index_cast %add3A_287 : i32 to index
          %get3A_320 = arith.constant 64 : index
          %get3A_321 = tpu.vector_load %arg10[%get3A_319, %get3A_320] {strides = array<i32>} : memref<128x128xf32, #tpu.memory_space<vmem>>, vector<16xf32>,
          %get3A_322 = arith.index_cast %add3A_287 : i32 to index
          %get3A_323 = arith.constant 64 : index
          %get3A_324 = tpu.vector_load %arg12[%get3A_322, %get3A_323] {strides = array<i32>} : memref<128x128xf32, #tpu.memory_space<vmem>>, vector<16xf32>,
          %mul3A_325 = arith.mulf %get3A_321, %get3A_324 : vector<16xf32>
          %add3A_326 = arith.addf %add3A_318, %mul3A_325 : vector<16xf32>
          %get3A_327 = arith.index_cast %add3A_287 : i32 to index
          %get3A_328 = arith.constant 80 : index
          %get3A_329 = tpu.vector_load %arg10[%get3A_327, %get3A_328] {strides = array<i32>} : memref<128x128xf32, #tpu.memory_space<vmem>>, vector<16xf32>,
          %get3A_330 = arith.index_cast %add3A_287 : i32 to index
          %get3A_331 = arith.constant 80 : index
          %get3A_332 = tpu.vector_load %arg12[%get3A_330, %get3A_331] {strides = array<i32>} : memref<128x128xf32, #tpu.memory_space<vmem>>, vector<16xf32>,
          %mul3A_333 = arith.mulf %get3A_329, %get3A_332 : vector<16xf32>
          %add3A_334 = arith.addf %add3A_326, %mul3A_333 : vector<16xf32>
          %get3A_335 = arith.index_cast %add3A_287 : i32 to index
          %get3A_336 = arith.constant 96 : index
          %get3A_337 = tpu.vector_load %arg10[%get3A_335, %get3A_336] {strides = array<i32>} : memref<128x128xf32, #tpu.memory_space<vmem>>, vector<16xf32>,
          %get3A_338 = arith.index_cast %add3A_287 : i32 to index
          %get3A_339 = arith.constant 96 : index
          %get3A_340 = tpu.vector_load %arg12[%get3A_338, %get3A_339] {strides = array<i32>} : memref<128x128xf32, #tpu.memory_space<vmem>>, vector<16xf32>,
          %mul3A_341 = arith.mulf %get3A_337, %get3A_340 : vector<16xf32>
          %add3A_342 = arith.addf %add3A_334, %mul3A_341 : vector<16xf32>
          %get3A_343 = arith.index_cast %add3A_287 : i32 to index
          %get3A_344 = arith.constant 112 : index
          %get3A_345 = tpu.vector_load %arg10[%get3A_343, %get3A_344] {strides = array<i32>} : memref<128x128xf32, #tpu.memory_space<vmem>>, vector<16xf32>,
          %get3A_346 = arith.index_cast %add3A_287 : i32 to index
          %get3A_347 = arith.constant 112 : index
          %get3A_348 = tpu.vector_load %arg12[%get3A_346, %get3A_347] {strides = array<i32>} : memref<128x128xf32, #tpu.memory_space<vmem>>, vector<16xf32>,
          %mul3A_349 = arith.mulf %get3A_345, %get3A_348 : vector<16xf32>
          %add3A_350 = arith.addf %add3A_342, %mul3A_349 : vector<16xf32>
          %reduce_sum3A_351 = arith.constant true
          %reduce_sum3A_352 = vector.broadcast %reduce_sum3A_351 : i1 to vector<16xi1>
          %reduce_sum3A_353 = tpu.scan <sum>, %add3A_350 masked %reduce_sum3A_352 : vector<16xf32>, vector<16xi1> -> vector<16xf32>
          %reduce_sum3A_354 = vector.extract %reduce_sum3A_353[15] : f32 from vector<16xf32>
          %eq3A_355 = arith.constant 3 : i32
          %eq3A_356 = vector.broadcast %eq3A_355 : i32 to vector<16xi32>
          %eq3A_357 = arith.cmpi eq, %iota3A, %eq3A_356 : vector<16xi32>
          %broadcast_in_dim3A_358 = vector.broadcast %reduce_sum3A_354 : f32 to vector<16xf32>
          %select_n3A_359 = arith.select %eq3A_357, %broadcast_in_dim3A_358, %select_n3A_285 : vector<16xi1>, vector<16xf32>
          %add3A_360 = arith.constant 4 : i32
          %add3A_361 = arith.addi %mul3A_66, %add3A_360 : i32
          %get3A_362 = arith.index_cast %add3A_361 : i32 to index
          %get3A_363 = arith.constant 0 : index
          %get3A_364 = tpu.vector_load %arg10[%get3A_362, %get3A_363] {strides = array<i32>} : memref<128x128xf32, #tpu.memory_space<vmem>>, vector<16xf32>,
          %get3A_365 = arith.index_cast %add3A_361 : i32 to index
          %get3A_366 = arith.constant 0 : index
          %get3A_367 = tpu.vector_load %arg12[%get3A_365, %get3A_366] {strides = array<i32>} : memref<128x128xf32, #tpu.memory_space<vmem>>, vector<16xf32>,
          %mul3A_368 = arith.mulf %get3A_364, %get3A_367 : vector<16xf32>
          %get3A_369 = arith.index_cast %add3A_361 : i32 to index
          %get3A_370 = arith.constant 16 : index
          %get3A_371 = tpu.vector_load %arg10[%get3A_369, %get3A_370] {strides = array<i32>} : memref<128x128xf32, #tpu.memory_space<vmem>>, vector<16xf32>,
          %get3A_372 = arith.index_cast %add3A_361 : i32 to index
          %get3A_373 = arith.constant 16 : index
          %get3A_374 = tpu.vector_load %arg12[%get3A_372, %get3A_373] {strides = array<i32>} : memref<128x128xf32, #tpu.memory_space<vmem>>, vector<16xf32>,
          %mul3A_375 = arith.mulf %get3A_371, %get3A_374 : vector<16xf32>
          %add3A_376 = arith.addf %mul3A_368, %mul3A_375 : vector<16xf32>
          %get3A_377 = arith.index_cast %add3A_361 : i32 to index
          %get3A_378 = arith.constant 32 : index
          %get3A_379 = tpu.vector_load %arg10[%get3A_377, %get3A_378] {strides = array<i32>} : memref<128x128xf32, #tpu.memory_space<vmem>>, vector<16xf32>,
          %get3A_380 = arith.index_cast %add3A_361 : i32 to index
          %get3A_381 = arith.constant 32 : index
          %get3A_382 = tpu.vector_load %arg12[%get3A_380, %get3A_381] {strides = array<i32>} : memref<128x128xf32, #tpu.memory_space<vmem>>, vector<16xf32>,
          %mul3A_383 = arith.mulf %get3A_379, %get3A_382 : vector<16xf32>
          %add3A_384 = arith.addf %add3A_376, %mul3A_383 : vector<16xf32>
          %get3A_385 = arith.index_cast %add3A_361 : i32 to index
          %get3A_386 = arith.constant 48 : index
          %get3A_387 = tpu.vector_load %arg10[%get3A_385, %get3A_386] {strides = array<i32>} : memref<128x128xf32, #tpu.memory_space<vmem>>, vector<16xf32>,
          %get3A_388 = arith.index_cast %add3A_361 : i32 to index
          %get3A_389 = arith.constant 48 : index
          %get3A_390 = tpu.vector_load %arg12[%get3A_388, %get3A_389] {strides = array<i32>} : memref<128x128xf32, #tpu.memory_space<vmem>>, vector<16xf32>,
          %mul3A_391 = arith.mulf %get3A_387, %get3A_390 : vector<16xf32>
          %add3A_392 = arith.addf %add3A_384, %mul3A_391 : vector<16xf32>
          %get3A_393 = arith.index_cast %add3A_361 : i32 to index
          %get3A_394 = arith.constant 64 : index
          %get3A_395 = tpu.vector_load %arg10[%get3A_393, %get3A_394] {strides = array<i32>} : memref<128x128xf32, #tpu.memory_space<vmem>>, vector<16xf32>,
          %get3A_396 = arith.index_cast %add3A_361 : i32 to index
          %get3A_397 = arith.constant 64 : index
          %get3A_398 = tpu.vector_load %arg12[%get3A_396, %get3A_397] {strides = array<i32>} : memref<128x128xf32, #tpu.memory_space<vmem>>, vector<16xf32>,
          %mul3A_399 = arith.mulf %get3A_395, %get3A_398 : vector<16xf32>
          %add3A_400 = arith.addf %add3A_392, %mul3A_399 : vector<16xf32>
          %get3A_401 = arith.index_cast %add3A_361 : i32 to index
          %get3A_402 = arith.constant 80 : index
          %get3A_403 = tpu.vector_load %arg10[%get3A_401, %get3A_402] {strides = array<i32>} : memref<128x128xf32, #tpu.memory_space<vmem>>, vector<16xf32>,
          %get3A_404 = arith.index_cast %add3A_361 : i32 to index
          %get3A_405 = arith.constant 80 : index
          %get3A_406 = tpu.vector_load %arg12[%get3A_404, %get3A_405] {strides = array<i32>} : memref<128x128xf32, #tpu.memory_space<vmem>>, vector<16xf32>,
          %mul3A_407 = arith.mulf %get3A_403, %get3A_406 : vector<16xf32>
          %add3A_408 = arith.addf %add3A_400, %mul3A_407 : vector<16xf32>
          %get3A_409 = arith.index_cast %add3A_361 : i32 to index
          %get3A_410 = arith.constant 96 : index
          %get3A_411 = tpu.vector_load %arg10[%get3A_409, %get3A_410] {strides = array<i32>} : memref<128x128xf32, #tpu.memory_space<vmem>>, vector<16xf32>,
          %get3A_412 = arith.index_cast %add3A_361 : i32 to index
          %get3A_413 = arith.constant 96 : index
          %get3A_414 = tpu.vector_load %arg12[%get3A_412, %get3A_413] {strides = array<i32>} : memref<128x128xf32, #tpu.memory_space<vmem>>, vector<16xf32>,
          %mul3A_415 = arith.mulf %get3A_411, %get3A_414 : vector<16xf32>
          %add3A_416 = arith.addf %add3A_408, %mul3A_415 : vector<16xf32>
          %get3A_417 = arith.index_cast %add3A_361 : i32 to index
          %get3A_418 = arith.constant 112 : index
          %get3A_419 = tpu.vector_load %arg10[%get3A_417, %get3A_418] {strides = array<i32>} : memref<128x128xf32, #tpu.memory_space<vmem>>, vector<16xf32>,
          %get3A_420 = arith.index_cast %add3A_361 : i32 to index
          %get3A_421 = arith.constant 112 : index
          %get3A_422 = tpu.vector_load %arg12[%get3A_420, %get3A_421] {strides = array<i32>} : memref<128x128xf32, #tpu.memory_space<vmem>>, vector<16xf32>,
          %mul3A_423 = arith.mulf %get3A_419, %get3A_422 : vector<16xf32>
          %add3A_424 = arith.addf %add3A_416, %mul3A_423 : vector<16xf32>
          %reduce_sum3A_425 = arith.constant true
          %reduce_sum3A_426 = vector.broadcast %reduce_sum3A_425 : i1 to vector<16xi1>
          %reduce_sum3A_427 = tpu.scan <sum>, %add3A_424 masked %reduce_sum3A_426 : vector<16xf32>, vector<16xi1> -> vector<16xf32>
          %reduce_sum3A_428 = vector.extract %reduce_sum3A_427[15] : f32 from vector<16xf32>
          %eq3A_429 = arith.constant 4 : i32
          %eq3A_430 = vector.broadcast %eq3A_429 : i32 to vector<16xi32>
          %eq3A_431 = arith.cmpi eq, %iota3A, %eq3A_430 : vector<16xi32>
          %broadcast_in_dim3A_432 = vector.broadcast %reduce_sum3A_428 : f32 to vector<16xf32>
          %select_n3A_433 = arith.select %eq3A_431, %broadcast_in_dim3A_432, %select_n3A_359 : vector<16xi1>, vector<16xf32>
          %add3A_434 = arith.constant 5 : i32
          %add3A_435 = arith.addi %mul3A_66, %add3A_434 : i32
          %get3A_436 = arith.index_cast %add3A_435 : i32 to index
          %get3A_437 = arith.constant 0 : index
          %get3A_438 = tpu.vector_load %arg10[%get3A_436, %get3A_437] {strides = array<i32>} : memref<128x128xf32, #tpu.memory_space<vmem>>, vector<16xf32>,
          %get3A_439 = arith.index_cast %add3A_435 : i32 to index
          %get3A_440 = arith.constant 0 : index
          %get3A_441 = tpu.vector_load %arg12[%get3A_439, %get3A_440] {strides = array<i32>} : memref<128x128xf32, #tpu.memory_space<vmem>>, vector<16xf32>,
          %mul3A_442 = arith.mulf %get3A_438, %get3A_441 : vector<16xf32>
          %get3A_443 = arith.index_cast %add3A_435 : i32 to index
          %get3A_444 = arith.constant 16 : index
          %get3A_445 = tpu.vector_load %arg10[%get3A_443, %get3A_444] {strides = array<i32>} : memref<128x128xf32, #tpu.memory_space<vmem>>, vector<16xf32>,
          %get3A_446 = arith.index_cast %add3A_435 : i32 to index
          %get3A_447 = arith.constant 16 : index
          %get3A_448 = tpu.vector_load %arg12[%get3A_446, %get3A_447] {strides = array<i32>} : memref<128x128xf32, #tpu.memory_space<vmem>>, vector<16xf32>,
          %mul3A_449 = arith.mulf %get3A_445, %get3A_448 : vector<16xf32>
          %add3A_450 = arith.addf %mul3A_442, %mul3A_449 : vector<16xf32>
          %get3A_451 = arith.index_cast %add3A_435 : i32 to index
          %get3A_452 = arith.constant 32 : index
          %get3A_453 = tpu.vector_load %arg10[%get3A_451, %get3A_452] {strides = array<i32>} : memref<128x128xf32, #tpu.memory_space<vmem>>, vector<16xf32>,
          %get3A_454 = arith.index_cast %add3A_435 : i32 to index
          %get3A_455 = arith.constant 32 : index
          %get3A_456 = tpu.vector_load %arg12[%get3A_454, %get3A_455] {strides = array<i32>} : memref<128x128xf32, #tpu.memory_space<vmem>>, vector<16xf32>,
          %mul3A_457 = arith.mulf %get3A_453, %get3A_456 : vector<16xf32>
          %add3A_458 = arith.addf %add3A_450, %mul3A_457 : vector<16xf32>
          %get3A_459 = arith.index_cast %add3A_435 : i32 to index
          %get3A_460 = arith.constant 48 : index
          %get3A_461 = tpu.vector_load %arg10[%get3A_459, %get3A_460] {strides = array<i32>} : memref<128x128xf32, #tpu.memory_space<vmem>>, vector<16xf32>,
          %get3A_462 = arith.index_cast %add3A_435 : i32 to index
          %get3A_463 = arith.constant 48 : index
          %get3A_464 = tpu.vector_load %arg12[%get3A_462, %get3A_463] {strides = array<i32>} : memref<128x128xf32, #tpu.memory_space<vmem>>, vector<16xf32>,
          %mul3A_465 = arith.mulf %get3A_461, %get3A_464 : vector<16xf32>
          %add3A_466 = arith.addf %add3A_458, %mul3A_465 : vector<16xf32>
          %get3A_467 = arith.index_cast %add3A_435 : i32 to index
          %get3A_468 = arith.constant 64 : index
          %get3A_469 = tpu.vector_load %arg10[%get3A_467, %get3A_468] {strides = array<i32>} : memref<128x128xf32, #tpu.memory_space<vmem>>, vector<16xf32>,
          %get3A_470 = arith.index_cast %add3A_435 : i32 to index
          %get3A_471 = arith.constant 64 : index
          %get3A_472 = tpu.vector_load %arg12[%get3A_470, %get3A_471] {strides = array<i32>} : memref<128x128xf32, #tpu.memory_space<vmem>>, vector<16xf32>,
          %mul3A_473 = arith.mulf %get3A_469, %get3A_472 : vector<16xf32>
          %add3A_474 = arith.addf %add3A_466, %mul3A_473 : vector<16xf32>
          %get3A_475 = arith.index_cast %add3A_435 : i32 to index
          %get3A_476 = arith.constant 80 : index
          %get3A_477 = tpu.vector_load %arg10[%get3A_475, %get3A_476] {strides = array<i32>} : memref<128x128xf32, #tpu.memory_space<vmem>>, vector<16xf32>,
          %get3A_478 = arith.index_cast %add3A_435 : i32 to index
          %get3A_479 = arith.constant 80 : index
          %get3A_480 = tpu.vector_load %arg12[%get3A_478, %get3A_479] {strides = array<i32>} : memref<128x128xf32, #tpu.memory_space<vmem>>, vector<16xf32>,
          %mul3A_481 = arith.mulf %get3A_477, %get3A_480 : vector<16xf32>
          %add3A_482 = arith.addf %add3A_474, %mul3A_481 : vector<16xf32>
          %get3A_483 = arith.index_cast %add3A_435 : i32 to index
          %get3A_484 = arith.constant 96 : index
          %get3A_485 = tpu.vector_load %arg10[%get3A_483, %get3A_484] {strides = array<i32>} : memref<128x128xf32, #tpu.memory_space<vmem>>, vector<16xf32>,
          %get3A_486 = arith.index_cast %add3A_435 : i32 to index
          %get3A_487 = arith.constant 96 : index
          %get3A_488 = tpu.vector_load %arg12[%get3A_486, %get3A_487] {strides = array<i32>} : memref<128x128xf32, #tpu.memory_space<vmem>>, vector<16xf32>,
          %mul3A_489 = arith.mulf %get3A_485, %get3A_488 : vector<16xf32>
          %add3A_490 = arith.addf %add3A_482, %mul3A_489 : vector<16xf32>
          %get3A_491 = arith.index_cast %add3A_435 : i32 to index
          %get3A_492 = arith.constant 112 : index
          %get3A_493 = tpu.vector_load %arg10[%get3A_491, %get3A_492] {strides = array<i32>} : memref<128x128xf32, #tpu.memory_space<vmem>>, vector<16xf32>,
          %get3A_494 = arith.index_cast %add3A_435 : i32 to index
          %get3A_495 = arith.constant 112 : index
          %get3A_496 = tpu.vector_load %arg12[%get3A_494, %get3A_495] {strides = array<i32>} : memref<128x128xf32, #tpu.memory_space<vmem>>, vector<16xf32>,
          %mul3A_497 = arith.mulf %get3A_493, %get3A_496 : vector<16xf32>
          %add3A_498 = arith.addf %add3A_490, %mul3A_497 : vector<16xf32>
          %reduce_sum3A_499 = arith.constant true
          %reduce_sum3A_500 = vector.broadcast %reduce_sum3A_499 : i1 to vector<16xi1>
          %reduce_sum3A_501 = tpu.scan <sum>, %add3A_498 masked %reduce_sum3A_500 : vector<16xf32>, vector<16xi1> -> vector<16xf32>
          %reduce_sum3A_502 = vector.extract %reduce_sum3A_501[15] : f32 from vector<16xf32>
          %eq3A_503 = arith.constant 5 : i32
          %eq3A_504 = vector.broadcast %eq3A_503 : i32 to vector<16xi32>
          %eq3A_505 = arith.cmpi eq, %iota3A, %eq3A_504 : vector<16xi32>
          %broadcast_in_dim3A_506 = vector.broadcast %reduce_sum3A_502 : f32 to vector<16xf32>
          %select_n3A_507 = arith.select %eq3A_505, %broadcast_in_dim3A_506, %select_n3A_433 : vector<16xi1>, vector<16xf32>
          %add3A_508 = arith.constant 6 : i32
          %add3A_509 = arith.addi %mul3A_66, %add3A_508 : i32
          %get3A_510 = arith.index_cast %add3A_509 : i32 to index
          %get3A_511 = arith.constant 0 : index
          %get3A_512 = tpu.vector_load %arg10[%get3A_510, %get3A_511] {strides = array<i32>} : memref<128x128xf32, #tpu.memory_space<vmem>>, vector<16xf32>,
          %get3A_513 = arith.index_cast %add3A_509 : i32 to index
          %get3A_514 = arith.constant 0 : index
          %get3A_515 = tpu.vector_load %arg12[%get3A_513, %get3A_514] {strides = array<i32>} : memref<128x128xf32, #tpu.memory_space<vmem>>, vector<16xf32>,
          %mul3A_516 = arith.mulf %get3A_512, %get3A_515 : vector<16xf32>
          %get3A_517 = arith.index_cast %add3A_509 : i32 to index
          %get3A_518 = arith.constant 16 : index
          %get3A_519 = tpu.vector_load %arg10[%get3A_517, %get3A_518] {strides = array<i32>} : memref<128x128xf32, #tpu.memory_space<vmem>>, vector<16xf32>,
          %get3A_520 = arith.index_cast %add3A_509 : i32 to index
          %get3A_521 = arith.constant 16 : index
          %get3A_522 = tpu.vector_load %arg12[%get3A_520, %get3A_521] {strides = array<i32>} : memref<128x128xf32, #tpu.memory_space<vmem>>, vector<16xf32>,
          %mul3A_523 = arith.mulf %get3A_519, %get3A_522 : vector<16xf32>
          %add3A_524 = arith.addf %mul3A_516, %mul3A_523 : vector<16xf32>
          %get3A_525 = arith.index_cast %add3A_509 : i32 to index
          %get3A_526 = arith.constant 32 : index
          %get3A_527 = tpu.vector_load %arg10[%get3A_525, %get3A_526] {strides = array<i32>} : memref<128x128xf32, #tpu.memory_space<vmem>>, vector<16xf32>,
          %get3A_528 = arith.index_cast %add3A_509 : i32 to index
          %get3A_529 = arith.constant 32 : index
          %get3A_530 = tpu.vector_load %arg12[%get3A_528, %get3A_529] {strides = array<i32>} : memref<128x128xf32, #tpu.memory_space<vmem>>, vector<16xf32>,
          %mul3A_531 = arith.mulf %get3A_527, %get3A_530 : vector<16xf32>
          %add3A_532 = arith.addf %add3A_524, %mul3A_531 : vector<16xf32>
          %get3A_533 = arith.index_cast %add3A_509 : i32 to index
          %get3A_534 = arith.constant 48 : index
          %get3A_535 = tpu.vector_load %arg10[%get3A_533, %get3A_534] {strides = array<i32>} : memref<128x128xf32, #tpu.memory_space<vmem>>, vector<16xf32>,
          %get3A_536 = arith.index_cast %add3A_509 : i32 to index
          %get3A_537 = arith.constant 48 : index
          %get3A_538 = tpu.vector_load %arg12[%get3A_536, %get3A_537] {strides = array<i32>} : memref<128x128xf32, #tpu.memory_space<vmem>>, vector<16xf32>,
          %mul3A_539 = arith.mulf %get3A_535, %get3A_538 : vector<16xf32>
          %add3A_540 = arith.addf %add3A_532, %mul3A_539 : vector<16xf32>
          %get3A_541 = arith.index_cast %add3A_509 : i32 to index
          %get3A_542 = arith.constant 64 : index
          %get3A_543 = tpu.vector_load %arg10[%get3A_541, %get3A_542] {strides = array<i32>} : memref<128x128xf32, #tpu.memory_space<vmem>>, vector<16xf32>,
          %get3A_544 = arith.index_cast %add3A_509 : i32 to index
          %get3A_545 = arith.constant 64 : index
          %get3A_546 = tpu.vector_load %arg12[%get3A_544, %get3A_545] {strides = array<i32>} : memref<128x128xf32, #tpu.memory_space<vmem>>, vector<16xf32>,
          %mul3A_547 = arith.mulf %get3A_543, %get3A_546 : vector<16xf32>
          %add3A_548 = arith.addf %add3A_540, %mul3A_547 : vector<16xf32>
          %get3A_549 = arith.index_cast %add3A_509 : i32 to index
          %get3A_550 = arith.constant 80 : index
          %get3A_551 = tpu.vector_load %arg10[%get3A_549, %get3A_550] {strides = array<i32>} : memref<128x128xf32, #tpu.memory_space<vmem>>, vector<16xf32>,
          %get3A_552 = arith.index_cast %add3A_509 : i32 to index
          %get3A_553 = arith.constant 80 : index
          %get3A_554 = tpu.vector_load %arg12[%get3A_552, %get3A_553] {strides = array<i32>} : memref<128x128xf32, #tpu.memory_space<vmem>>, vector<16xf32>,
          %mul3A_555 = arith.mulf %get3A_551, %get3A_554 : vector<16xf32>
          %add3A_556 = arith.addf %add3A_548, %mul3A_555 : vector<16xf32>
          %get3A_557 = arith.index_cast %add3A_509 : i32 to index
          %get3A_558 = arith.constant 96 : index
          %get3A_559 = tpu.vector_load %arg10[%get3A_557, %get3A_558] {strides = array<i32>} : memref<128x128xf32, #tpu.memory_space<vmem>>, vector<16xf32>,
          %get3A_560 = arith.index_cast %add3A_509 : i32 to index
          %get3A_561 = arith.constant 96 : index
          %get3A_562 = tpu.vector_load %arg12[%get3A_560, %get3A_561] {strides = array<i32>} : memref<128x128xf32, #tpu.memory_space<vmem>>, vector<16xf32>,
          %mul3A_563 = arith.mulf %get3A_559, %get3A_562 : vector<16xf32>
          %add3A_564 = arith.addf %add3A_556, %mul3A_563 : vector<16xf32>
          %get3A_565 = arith.index_cast %add3A_509 : i32 to index
          %get3A_566 = arith.constant 112 : index
          %get3A_567 = tpu.vector_load %arg10[%get3A_565, %get3A_566] {strides = array<i32>} : memref<128x128xf32, #tpu.memory_space<vmem>>, vector<16xf32>,
          %get3A_568 = arith.index_cast %add3A_509 : i32 to index
          %get3A_569 = arith.constant 112 : index
          %get3A_570 = tpu.vector_load %arg12[%get3A_568, %get3A_569] {strides = array<i32>} : memref<128x128xf32, #tpu.memory_space<vmem>>, vector<16xf32>,
          %mul3A_571 = arith.mulf %get3A_567, %get3A_570 : vector<16xf32>
          %add3A_572 = arith.addf %add3A_564, %mul3A_571 : vector<16xf32>
          %reduce_sum3A_573 = arith.constant true
          %reduce_sum3A_574 = vector.broadcast %reduce_sum3A_573 : i1 to vector<16xi1>
          %reduce_sum3A_575 = tpu.scan <sum>, %add3A_572 masked %reduce_sum3A_574 : vector<16xf32>, vector<16xi1> -> vector<16xf32>
          %reduce_sum3A_576 = vector.extract %reduce_sum3A_575[15] : f32 from vector<16xf32>
          %eq3A_577 = arith.constant 6 : i32
          %eq3A_578 = vector.broadcast %eq3A_577 : i32 to vector<16xi32>
          %eq3A_579 = arith.cmpi eq, %iota3A, %eq3A_578 : vector<16xi32>
          %broadcast_in_dim3A_580 = vector.broadcast %reduce_sum3A_576 : f32 to vector<16xf32>
          %select_n3A_581 = arith.select %eq3A_579, %broadcast_in_dim3A_580, %select_n3A_507 : vector<16xi1>, vector<16xf32>
          %add3A_582 = arith.constant 7 : i32
          %add3A_583 = arith.addi %mul3A_66, %add3A_582 : i32
          %get3A_584 = arith.index_cast %add3A_583 : i32 to index
          %get3A_585 = arith.constant 0 : index
          %get3A_586 = tpu.vector_load %arg10[%get3A_584, %get3A_585] {strides = array<i32>} : memref<128x128xf32, #tpu.memory_space<vmem>>, vector<16xf32>,
          %get3A_587 = arith.index_cast %add3A_583 : i32 to index
          %get3A_588 = arith.constant 0 : index
          %get3A_589 = tpu.vector_load %arg12[%get3A_587, %get3A_588] {strides = array<i32>} : memref<128x128xf32, #tpu.memory_space<vmem>>, vector<16xf32>,
          %mul3A_590 = arith.mulf %get3A_586, %get3A_589 : vector<16xf32>
          %get3A_591 = arith.index_cast %add3A_583 : i32 to index
          %get3A_592 = arith.constant 16 : index
          %get3A_593 = tpu.vector_load %arg10[%get3A_591, %get3A_592] {strides = array<i32>} : memref<128x128xf32, #tpu.memory_space<vmem>>, vector<16xf32>,
          %get3A_594 = arith.index_cast %add3A_583 : i32 to index
          %get3A_595 = arith.constant 16 : index
          %get3A_596 = tpu.vector_load %arg12[%get3A_594, %get3A_595] {strides = array<i32>} : memref<128x128xf32, #tpu.memory_space<vmem>>, vector<16xf32>,
          %mul3A_597 = arith.mulf %get3A_593, %get3A_596 : vector<16xf32>
          %add3A_598 = arith.addf %mul3A_590, %mul3A_597 : vector<16xf32>
          %get3A_599 = arith.index_cast %add3A_583 : i32 to index
          %get3A_600 = arith.constant 32 : index
          %get3A_601 = tpu.vector_load %arg10[%get3A_599, %get3A_600] {strides = array<i32>} : memref<128x128xf32, #tpu.memory_space<vmem>>, vector<16xf32>,
          %get3A_602 = arith.index_cast %add3A_583 : i32 to index
          %get3A_603 = arith.constant 32 : index
          %get3A_604 = tpu.vector_load %arg12[%get3A_602, %get3A_603] {strides = array<i32>} : memref<128x128xf32, #tpu.memory_space<vmem>>, vector<16xf32>,
          %mul3A_605 = arith.mulf %get3A_601, %get3A_604 : vector<16xf32>
          %add3A_606 = arith.addf %add3A_598, %mul3A_605 : vector<16xf32>
          %get3A_607 = arith.index_cast %add3A_583 : i32 to index
          %get3A_608 = arith.constant 48 : index
          %get3A_609 = tpu.vector_load %arg10[%get3A_607, %get3A_608] {strides = array<i32>} : memref<128x128xf32, #tpu.memory_space<vmem>>, vector<16xf32>,
          %get3A_610 = arith.index_cast %add3A_583 : i32 to index
          %get3A_611 = arith.constant 48 : index
          %get3A_612 = tpu.vector_load %arg12[%get3A_610, %get3A_611] {strides = array<i32>} : memref<128x128xf32, #tpu.memory_space<vmem>>, vector<16xf32>,
          %mul3A_613 = arith.mulf %get3A_609, %get3A_612 : vector<16xf32>
          %add3A_614 = arith.addf %add3A_606, %mul3A_613 : vector<16xf32>
          %get3A_615 = arith.index_cast %add3A_583 : i32 to index
          %get3A_616 = arith.constant 64 : index
          %get3A_617 = tpu.vector_load %arg10[%get3A_615, %get3A_616] {strides = array<i32>} : memref<128x128xf32, #tpu.memory_space<vmem>>, vector<16xf32>,
          %get3A_618 = arith.index_cast %add3A_583 : i32 to index
          %get3A_619 = arith.constant 64 : index
          %get3A_620 = tpu.vector_load %arg12[%get3A_618, %get3A_619] {strides = array<i32>} : memref<128x128xf32, #tpu.memory_space<vmem>>, vector<16xf32>,
          %mul3A_621 = arith.mulf %get3A_617, %get3A_620 : vector<16xf32>
          %add3A_622 = arith.addf %add3A_614, %mul3A_621 : vector<16xf32>
          %get3A_623 = arith.index_cast %add3A_583 : i32 to index
          %get3A_624 = arith.constant 80 : index
          %get3A_625 = tpu.vector_load %arg10[%get3A_623, %get3A_624] {strides = array<i32>} : memref<128x128xf32, #tpu.memory_space<vmem>>, vector<16xf32>,
          %get3A_626 = arith.index_cast %add3A_583 : i32 to index
          %get3A_627 = arith.constant 80 : index
          %get3A_628 = tpu.vector_load %arg12[%get3A_626, %get3A_627] {strides = array<i32>} : memref<128x128xf32, #tpu.memory_space<vmem>>, vector<16xf32>,
          %mul3A_629 = arith.mulf %get3A_625, %get3A_628 : vector<16xf32>
          %add3A_630 = arith.addf %add3A_622, %mul3A_629 : vector<16xf32>
          %get3A_631 = arith.index_cast %add3A_583 : i32 to index
          %get3A_632 = arith.constant 96 : index
          %get3A_633 = tpu.vector_load %arg10[%get3A_631, %get3A_632] {strides = array<i32>} : memref<128x128xf32, #tpu.memory_space<vmem>>, vector<16xf32>,
          %get3A_634 = arith.index_cast %add3A_583 : i32 to index
          %get3A_635 = arith.constant 96 : index
          %get3A_636 = tpu.vector_load %arg12[%get3A_634, %get3A_635] {strides = array<i32>} : memref<128x128xf32, #tpu.memory_space<vmem>>, vector<16xf32>,
          %mul3A_637 = arith.mulf %get3A_633, %get3A_636 : vector<16xf32>
          %add3A_638 = arith.addf %add3A_630, %mul3A_637 : vector<16xf32>
          %get3A_639 = arith.index_cast %add3A_583 : i32 to index
          %get3A_640 = arith.constant 112 : index
          %get3A_641 = tpu.vector_load %arg10[%get3A_639, %get3A_640] {strides = array<i32>} : memref<128x128xf32, #tpu.memory_space<vmem>>, vector<16xf32>,
          %get3A_642 = arith.index_cast %add3A_583 : i32 to index
          %get3A_643 = arith.constant 112 : index
          %get3A_644 = tpu.vector_load %arg12[%get3A_642, %get3A_643] {strides = array<i32>} : memref<128x128xf32, #tpu.memory_space<vmem>>, vector<16xf32>,
          %mul3A_645 = arith.mulf %get3A_641, %get3A_644 : vector<16xf32>
          %add3A_646 = arith.addf %add3A_638, %mul3A_645 : vector<16xf32>
          %reduce_sum3A_647 = arith.constant true
          %reduce_sum3A_648 = vector.broadcast %reduce_sum3A_647 : i1 to vector<16xi1>
          %reduce_sum3A_649 = tpu.scan <sum>, %add3A_646 masked %reduce_sum3A_648 : vector<16xf32>, vector<16xi1> -> vector<16xf32>
          %reduce_sum3A_650 = vector.extract %reduce_sum3A_649[15] : f32 from vector<16xf32>
          %eq3A_651 = arith.constant 7 : i32
          %eq3A_652 = vector.broadcast %eq3A_651 : i32 to vector<16xi32>
          %eq3A_653 = arith.cmpi eq, %iota3A, %eq3A_652 : vector<16xi32>
          %broadcast_in_dim3A_654 = vector.broadcast %reduce_sum3A_650 : f32 to vector<16xf32>
          %select_n3A_655 = arith.select %eq3A_653, %broadcast_in_dim3A_654, %select_n3A_581 : vector<16xi1>, vector<16xf32>
          %add3A_656 = arith.constant 8 : i32
          %add3A_657 = arith.addi %mul3A_66, %add3A_656 : i32
          %get3A_658 = arith.index_cast %add3A_657 : i32 to index
          %get3A_659 = arith.constant 0 : index
          %get3A_660 = tpu.vector_load %arg10[%get3A_658, %get3A_659] {strides = array<i32>} : memref<128x128xf32, #tpu.memory_space<vmem>>, vector<16xf32>,
          %get3A_661 = arith.index_cast %add3A_657 : i32 to index
          %get3A_662 = arith.constant 0 : index
          %get3A_663 = tpu.vector_load %arg12[%get3A_661, %get3A_662] {strides = array<i32>} : memref<128x128xf32, #tpu.memory_space<vmem>>, vector<16xf32>,
          %mul3A_664 = arith.mulf %get3A_660, %get3A_663 : vector<16xf32>
          %get3A_665 = arith.index_cast %add3A_657 : i32 to index
          %get3A_666 = arith.constant 16 : index
          %get3A_667 = tpu.vector_load %arg10[%get3A_665, %get3A_666] {strides = array<i32>} : memref<128x128xf32, #tpu.memory_space<vmem>>, vector<16xf32>,
          %get3A_668 = arith.index_cast %add3A_657 : i32 to index
          %get3A_669 = arith.constant 16 : index
          %get3A_670 = tpu.vector_load %arg12[%get3A_668, %get3A_669] {strides = array<i32>} : memref<128x128xf32, #tpu.memory_space<vmem>>, vector<16xf32>,
          %mul3A_671 = arith.mulf %get3A_667, %get3A_670 : vector<16xf32>
          %add3A_672 = arith.addf %mul3A_664, %mul3A_671 : vector<16xf32>
          %get3A_673 = arith.index_cast %add3A_657 : i32 to index
          %get3A_674 = arith.constant 32 : index
          %get3A_675 = tpu.vector_load %arg10[%get3A_673, %get3A_674] {strides = array<i32>} : memref<128x128xf32, #tpu.memory_space<vmem>>, vector<16xf32>,
          %get3A_676 = arith.index_cast %add3A_657 : i32 to index
          %get3A_677 = arith.constant 32 : index
          %get3A_678 = tpu.vector_load %arg12[%get3A_676, %get3A_677] {strides = array<i32>} : memref<128x128xf32, #tpu.memory_space<vmem>>, vector<16xf32>,
          %mul3A_679 = arith.mulf %get3A_675, %get3A_678 : vector<16xf32>
          %add3A_680 = arith.addf %add3A_672, %mul3A_679 : vector<16xf32>
          %get3A_681 = arith.index_cast %add3A_657 : i32 to index
          %get3A_682 = arith.constant 48 : index
          %get3A_683 = tpu.vector_load %arg10[%get3A_681, %get3A_682] {strides = array<i32>} : memref<128x128xf32, #tpu.memory_space<vmem>>, vector<16xf32>,
          %get3A_684 = arith.index_cast %add3A_657 : i32 to index
          %get3A_685 = arith.constant 48 : index
          %get3A_686 = tpu.vector_load %arg12[%get3A_684, %get3A_685] {strides = array<i32>} : memref<128x128xf32, #tpu.memory_space<vmem>>, vector<16xf32>,
          %mul3A_687 = arith.mulf %get3A_683, %get3A_686 : vector<16xf32>
          %add3A_688 = arith.addf %add3A_680, %mul3A_687 : vector<16xf32>
          %get3A_689 = arith.index_cast %add3A_657 : i32 to index
          %get3A_690 = arith.constant 64 : index
          %get3A_691 = tpu.vector_load %arg10[%get3A_689, %get3A_690] {strides = array<i32>} : memref<128x128xf32, #tpu.memory_space<vmem>>, vector<16xf32>,
          %get3A_692 = arith.index_cast %add3A_657 : i32 to index
          %get3A_693 = arith.constant 64 : index
          %get3A_694 = tpu.vector_load %arg12[%get3A_692, %get3A_693] {strides = array<i32>} : memref<128x128xf32, #tpu.memory_space<vmem>>, vector<16xf32>,
          %mul3A_695 = arith.mulf %get3A_691, %get3A_694 : vector<16xf32>
          %add3A_696 = arith.addf %add3A_688, %mul3A_695 : vector<16xf32>
          %get3A_697 = arith.index_cast %add3A_657 : i32 to index
          %get3A_698 = arith.constant 80 : index
          %get3A_699 = tpu.vector_load %arg10[%get3A_697, %get3A_698] {strides = array<i32>} : memref<128x128xf32, #tpu.memory_space<vmem>>, vector<16xf32>,
          %get3A_700 = arith.index_cast %add3A_657 : i32 to index
          %get3A_701 = arith.constant 80 : index
          %get3A_702 = tpu.vector_load %arg12[%get3A_700, %get3A_701] {strides = array<i32>} : memref<128x128xf32, #tpu.memory_space<vmem>>, vector<16xf32>,
          %mul3A_703 = arith.mulf %get3A_699, %get3A_702 : vector<16xf32>
          %add3A_704 = arith.addf %add3A_696, %mul3A_703 : vector<16xf32>
          %get3A_705 = arith.index_cast %add3A_657 : i32 to index
          %get3A_706 = arith.constant 96 : index
          %get3A_707 = tpu.vector_load %arg10[%get3A_705, %get3A_706] {strides = array<i32>} : memref<128x128xf32, #tpu.memory_space<vmem>>, vector<16xf32>,
          %get3A_708 = arith.index_cast %add3A_657 : i32 to index
          %get3A_709 = arith.constant 96 : index
          %get3A_710 = tpu.vector_load %arg12[%get3A_708, %get3A_709] {strides = array<i32>} : memref<128x128xf32, #tpu.memory_space<vmem>>, vector<16xf32>,
          %mul3A_711 = arith.mulf %get3A_707, %get3A_710 : vector<16xf32>
          %add3A_712 = arith.addf %add3A_704, %mul3A_711 : vector<16xf32>
          %get3A_713 = arith.index_cast %add3A_657 : i32 to index
          %get3A_714 = arith.constant 112 : index
          %get3A_715 = tpu.vector_load %arg10[%get3A_713, %get3A_714] {strides = array<i32>} : memref<128x128xf32, #tpu.memory_space<vmem>>, vector<16xf32>,
          %get3A_716 = arith.index_cast %add3A_657 : i32 to index
          %get3A_717 = arith.constant 112 : index
          %get3A_718 = tpu.vector_load %arg12[%get3A_716, %get3A_717] {strides = array<i32>} : memref<128x128xf32, #tpu.memory_space<vmem>>, vector<16xf32>,
          %mul3A_719 = arith.mulf %get3A_715, %get3A_718 : vector<16xf32>
          %add3A_720 = arith.addf %add3A_712, %mul3A_719 : vector<16xf32>
          %reduce_sum3A_721 = arith.constant true
          %reduce_sum3A_722 = vector.broadcast %reduce_sum3A_721 : i1 to vector<16xi1>
          %reduce_sum3A_723 = tpu.scan <sum>, %add3A_720 masked %reduce_sum3A_722 : vector<16xf32>, vector<16xi1> -> vector<16xf32>
          %reduce_sum3A_724 = vector.extract %reduce_sum3A_723[15] : f32 from vector<16xf32>
          %eq3A_725 = arith.constant 8 : i32
          %eq3A_726 = vector.broadcast %eq3A_725 : i32 to vector<16xi32>
          %eq3A_727 = arith.cmpi eq, %iota3A, %eq3A_726 : vector<16xi32>
          %broadcast_in_dim3A_728 = vector.broadcast %reduce_sum3A_724 : f32 to vector<16xf32>
          %select_n3A_729 = arith.select %eq3A_727, %broadcast_in_dim3A_728, %select_n3A_655 : vector<16xi1>, vector<16xf32>
          %add3A_730 = arith.constant 9 : i32
          %add3A_731 = arith.addi %mul3A_66, %add3A_730 : i32
          %get3A_732 = arith.index_cast %add3A_731 : i32 to index
          %get3A_733 = arith.constant 0 : index
          %get3A_734 = tpu.vector_load %arg10[%get3A_732, %get3A_733] {strides = array<i32>} : memref<128x128xf32, #tpu.memory_space<vmem>>, vector<16xf32>,
          %get3A_735 = arith.index_cast %add3A_731 : i32 to index
          %get3A_736 = arith.constant 0 : index
          %get3A_737 = tpu.vector_load %arg12[%get3A_735, %get3A_736] {strides = array<i32>} : memref<128x128xf32, #tpu.memory_space<vmem>>, vector<16xf32>,
          %mul3A_738 = arith.mulf %get3A_734, %get3A_737 : vector<16xf32>
          %get3A_739 = arith.index_cast %add3A_731 : i32 to index
          %get3A_740 = arith.constant 16 : index
          %get3A_741 = tpu.vector_load %arg10[%get3A_739, %get3A_740] {strides = array<i32>} : memref<128x128xf32, #tpu.memory_space<vmem>>, vector<16xf32>,
          %get3A_742 = arith.index_cast %add3A_731 : i32 to index
          %get3A_743 = arith.constant 16 : index
          %get3A_744 = tpu.vector_load %arg12[%get3A_742, %get3A_743] {strides = array<i32>} : memref<128x128xf32, #tpu.memory_space<vmem>>, vector<16xf32>,
          %mul3A_745 = arith.mulf %get3A_741, %get3A_744 : vector<16xf32>
          %add3A_746 = arith.addf %mul3A_738, %mul3A_745 : vector<16xf32>
          %get3A_747 = arith.index_cast %add3A_731 : i32 to index
          %get3A_748 = arith.constant 32 : index
          %get3A_749 = tpu.vector_load %arg10[%get3A_747, %get3A_748] {strides = array<i32>} : memref<128x128xf32, #tpu.memory_space<vmem>>, vector<16xf32>,
          %get3A_750 = arith.index_cast %add3A_731 : i32 to index
          %get3A_751 = arith.constant 32 : index
          %get3A_752 = tpu.vector_load %arg12[%get3A_750, %get3A_751] {strides = array<i32>} : memref<128x128xf32, #tpu.memory_space<vmem>>, vector<16xf32>,
          %mul3A_753 = arith.mulf %get3A_749, %get3A_752 : vector<16xf32>
          %add3A_754 = arith.addf %add3A_746, %mul3A_753 : vector<16xf32>
          %get3A_755 = arith.index_cast %add3A_731 : i32 to index
          %get3A_756 = arith.constant 48 : index
          %get3A_757 = tpu.vector_load %arg10[%get3A_755, %get3A_756] {strides = array<i32>} : memref<128x128xf32, #tpu.memory_space<vmem>>, vector<16xf32>,
          %get3A_758 = arith.index_cast %add3A_731 : i32 to index
          %get3A_759 = arith.constant 48 : index
          %get3A_760 = tpu.vector_load %arg12[%get3A_758, %get3A_759] {strides = array<i32>} : memref<128x128xf32, #tpu.memory_space<vmem>>, vector<16xf32>,
          %mul3A_761 = arith.mulf %get3A_757, %get3A_760 : vector<16xf32>
          %add3A_762 = arith.addf %add3A_754, %mul3A_761 : vector<16xf32>
          %get3A_763 = arith.index_cast %add3A_731 : i32 to index
          %get3A_764 = arith.constant 64 : index
          %get3A_765 = tpu.vector_load %arg10[%get3A_763, %get3A_764] {strides = array<i32>} : memref<128x128xf32, #tpu.memory_space<vmem>>, vector<16xf32>,
          %get3A_766 = arith.index_cast %add3A_731 : i32 to index
          %get3A_767 = arith.constant 64 : index
          %get3A_768 = tpu.vector_load %arg12[%get3A_766, %get3A_767] {strides = array<i32>} : memref<128x128xf32, #tpu.memory_space<vmem>>, vector<16xf32>,
          %mul3A_769 = arith.mulf %get3A_765, %get3A_768 : vector<16xf32>
          %add3A_770 = arith.addf %add3A_762, %mul3A_769 : vector<16xf32>
          %get3A_771 = arith.index_cast %add3A_731 : i32 to index
          %get3A_772 = arith.constant 80 : index
          %get3A_773 = tpu.vector_load %arg10[%get3A_771, %get3A_772] {strides = array<i32>} : memref<128x128xf32, #tpu.memory_space<vmem>>, vector<16xf32>,
          %get3A_774 = arith.index_cast %add3A_731 : i32 to index
          %get3A_775 = arith.constant 80 : index
          %get3A_776 = tpu.vector_load %arg12[%get3A_774, %get3A_775] {strides = array<i32>} : memref<128x128xf32, #tpu.memory_space<vmem>>, vector<16xf32>,
          %mul3A_777 = arith.mulf %get3A_773, %get3A_776 : vector<16xf32>
          %add3A_778 = arith.addf %add3A_770, %mul3A_777 : vector<16xf32>
          %get3A_779 = arith.index_cast %add3A_731 : i32 to index
          %get3A_780 = arith.constant 96 : index
          %get3A_781 = tpu.vector_load %arg10[%get3A_779, %get3A_780] {strides = array<i32>} : memref<128x128xf32, #tpu.memory_space<vmem>>, vector<16xf32>,
          %get3A_782 = arith.index_cast %add3A_731 : i32 to index
          %get3A_783 = arith.constant 96 : index
          %get3A_784 = tpu.vector_load %arg12[%get3A_782, %get3A_783] {strides = array<i32>} : memref<128x128xf32, #tpu.memory_space<vmem>>, vector<16xf32>,
          %mul3A_785 = arith.mulf %get3A_781, %get3A_784 : vector<16xf32>
          %add3A_786 = arith.addf %add3A_778, %mul3A_785 : vector<16xf32>
          %get3A_787 = arith.index_cast %add3A_731 : i32 to index
          %get3A_788 = arith.constant 112 : index
          %get3A_789 = tpu.vector_load %arg10[%get3A_787, %get3A_788] {strides = array<i32>} : memref<128x128xf32, #tpu.memory_space<vmem>>, vector<16xf32>,
          %get3A_790 = arith.index_cast %add3A_731 : i32 to index
          %get3A_791 = arith.constant 112 : index
          %get3A_792 = tpu.vector_load %arg12[%get3A_790, %get3A_791] {strides = array<i32>} : memref<128x128xf32, #tpu.memory_space<vmem>>, vector<16xf32>,
          %mul3A_793 = arith.mulf %get3A_789, %get3A_792 : vector<16xf32>
          %add3A_794 = arith.addf %add3A_786, %mul3A_793 : vector<16xf32>
          %reduce_sum3A_795 = arith.constant true
          %reduce_sum3A_796 = vector.broadcast %reduce_sum3A_795 : i1 to vector<16xi1>
          %reduce_sum3A_797 = tpu.scan <sum>, %add3A_794 masked %reduce_sum3A_796 : vector<16xf32>, vector<16xi1> -> vector<16xf32>
          %reduce_sum3A_798 = vector.extract %reduce_sum3A_797[15] : f32 from vector<16xf32>
          %eq3A_799 = arith.constant 9 : i32
          %eq3A_800 = vector.broadcast %eq3A_799 : i32 to vector<16xi32>
          %eq3A_801 = arith.cmpi eq, %iota3A, %eq3A_800 : vector<16xi32>
          %broadcast_in_dim3A_802 = vector.broadcast %reduce_sum3A_798 : f32 to vector<16xf32>
          %select_n3A_803 = arith.select %eq3A_801, %broadcast_in_dim3A_802, %select_n3A_729 : vector<16xi1>, vector<16xf32>
          %add3A_804 = arith.constant 10 : i32
          %add3A_805 = arith.addi %mul3A_66, %add3A_804 : i32
          %get3A_806 = arith.index_cast %add3A_805 : i32 to index
          %get3A_807 = arith.constant 0 : index
          %get3A_808 = tpu.vector_load %arg10[%get3A_806, %get3A_807] {strides = array<i32>} : memref<128x128xf32, #tpu.memory_space<vmem>>, vector<16xf32>,
          %get3A_809 = arith.index_cast %add3A_805 : i32 to index
          %get3A_810 = arith.constant 0 : index
          %get3A_811 = tpu.vector_load %arg12[%get3A_809, %get3A_810] {strides = array<i32>} : memref<128x128xf32, #tpu.memory_space<vmem>>, vector<16xf32>,
          %mul3A_812 = arith.mulf %get3A_808, %get3A_811 : vector<16xf32>
          %get3A_813 = arith.index_cast %add3A_805 : i32 to index
          %get3A_814 = arith.constant 16 : index
          %get3A_815 = tpu.vector_load %arg10[%get3A_813, %get3A_814] {strides = array<i32>} : memref<128x128xf32, #tpu.memory_space<vmem>>, vector<16xf32>,
          %get3A_816 = arith.index_cast %add3A_805 : i32 to index
          %get3A_817 = arith.constant 16 : index
          %get3A_818 = tpu.vector_load %arg12[%get3A_816, %get3A_817] {strides = array<i32>} : memref<128x128xf32, #tpu.memory_space<vmem>>, vector<16xf32>,
          %mul3A_819 = arith.mulf %get3A_815, %get3A_818 : vector<16xf32>
          %add3A_820 = arith.addf %mul3A_812, %mul3A_819 : vector<16xf32>
          %get3A_821 = arith.index_cast %add3A_805 : i32 to index
          %get3A_822 = arith.constant 32 : index
          %get3A_823 = tpu.vector_load %arg10[%get3A_821, %get3A_822] {strides = array<i32>} : memref<128x128xf32, #tpu.memory_space<vmem>>, vector<16xf32>,
          %get3A_824 = arith.index_cast %add3A_805 : i32 to index
          %get3A_825 = arith.constant 32 : index
          %get3A_826 = tpu.vector_load %arg12[%get3A_824, %get3A_825] {strides = array<i32>} : memref<128x128xf32, #tpu.memory_space<vmem>>, vector<16xf32>,
          %mul3A_827 = arith.mulf %get3A_823, %get3A_826 : vector<16xf32>
          %add3A_828 = arith.addf %add3A_820, %mul3A_827 : vector<16xf32>
          %get3A_829 = arith.index_cast %add3A_805 : i32 to index
          %get3A_830 = arith.constant 48 : index
          %get3A_831 = tpu.vector_load %arg10[%get3A_829, %get3A_830] {strides = array<i32>} : memref<128x128xf32, #tpu.memory_space<vmem>>, vector<16xf32>,
          %get3A_832 = arith.index_cast %add3A_805 : i32 to index
          %get3A_833 = arith.constant 48 : index
          %get3A_834 = tpu.vector_load %arg12[%get3A_832, %get3A_833] {strides = array<i32>} : memref<128x128xf32, #tpu.memory_space<vmem>>, vector<16xf32>,
          %mul3A_835 = arith.mulf %get3A_831, %get3A_834 : vector<16xf32>
          %add3A_836 = arith.addf %add3A_828, %mul3A_835 : vector<16xf32>
          %get3A_837 = arith.index_cast %add3A_805 : i32 to index
          %get3A_838 = arith.constant 64 : index
          %get3A_839 = tpu.vector_load %arg10[%get3A_837, %get3A_838] {strides = array<i32>} : memref<128x128xf32, #tpu.memory_space<vmem>>, vector<16xf32>,
          %get3A_840 = arith.index_cast %add3A_805 : i32 to index
          %get3A_841 = arith.constant 64 : index
          %get3A_842 = tpu.vector_load %arg12[%get3A_840, %get3A_841] {strides = array<i32>} : memref<128x128xf32, #tpu.memory_space<vmem>>, vector<16xf32>,
          %mul3A_843 = arith.mulf %get3A_839, %get3A_842 : vector<16xf32>
          %add3A_844 = arith.addf %add3A_836, %mul3A_843 : vector<16xf32>
          %get3A_845 = arith.index_cast %add3A_805 : i32 to index
          %get3A_846 = arith.constant 80 : index
          %get3A_847 = tpu.vector_load %arg10[%get3A_845, %get3A_846] {strides = array<i32>} : memref<128x128xf32, #tpu.memory_space<vmem>>, vector<16xf32>,
          %get3A_848 = arith.index_cast %add3A_805 : i32 to index
          %get3A_849 = arith.constant 80 : index
          %get3A_850 = tpu.vector_load %arg12[%get3A_848, %get3A_849] {strides = array<i32>} : memref<128x128xf32, #tpu.memory_space<vmem>>, vector<16xf32>,
          %mul3A_851 = arith.mulf %get3A_847, %get3A_850 : vector<16xf32>
          %add3A_852 = arith.addf %add3A_844, %mul3A_851 : vector<16xf32>
          %get3A_853 = arith.index_cast %add3A_805 : i32 to index
          %get3A_854 = arith.constant 96 : index
          %get3A_855 = tpu.vector_load %arg10[%get3A_853, %get3A_854] {strides = array<i32>} : memref<128x128xf32, #tpu.memory_space<vmem>>, vector<16xf32>,
          %get3A_856 = arith.index_cast %add3A_805 : i32 to index
          %get3A_857 = arith.constant 96 : index
          %get3A_858 = tpu.vector_load %arg12[%get3A_856, %get3A_857] {strides = array<i32>} : memref<128x128xf32, #tpu.memory_space<vmem>>, vector<16xf32>,
          %mul3A_859 = arith.mulf %get3A_855, %get3A_858 : vector<16xf32>
          %add3A_860 = arith.addf %add3A_852, %mul3A_859 : vector<16xf32>
          %get3A_861 = arith.index_cast %add3A_805 : i32 to index
          %get3A_862 = arith.constant 112 : index
          %get3A_863 = tpu.vector_load %arg10[%get3A_861, %get3A_862] {strides = array<i32>} : memref<128x128xf32, #tpu.memory_space<vmem>>, vector<16xf32>,
          %get3A_864 = arith.index_cast %add3A_805 : i32 to index
          %get3A_865 = arith.constant 112 : index
          %get3A_866 = tpu.vector_load %arg12[%get3A_864, %get3A_865] {strides = array<i32>} : memref<128x128xf32, #tpu.memory_space<vmem>>, vector<16xf32>,
          %mul3A_867 = arith.mulf %get3A_863, %get3A_866 : vector<16xf32>
          %add3A_868 = arith.addf %add3A_860, %mul3A_867 : vector<16xf32>
          %reduce_sum3A_869 = arith.constant true
          %reduce_sum3A_870 = vector.broadcast %reduce_sum3A_869 : i1 to vector<16xi1>
          %reduce_sum3A_871 = tpu.scan <sum>, %add3A_868 masked %reduce_sum3A_870 : vector<16xf32>, vector<16xi1> -> vector<16xf32>
          %reduce_sum3A_872 = vector.extract %reduce_sum3A_871[15] : f32 from vector<16xf32>
          %eq3A_873 = arith.constant 10 : i32
          %eq3A_874 = vector.broadcast %eq3A_873 : i32 to vector<16xi32>
          %eq3A_875 = arith.cmpi eq, %iota3A, %eq3A_874 : vector<16xi32>
          %broadcast_in_dim3A_876 = vector.broadcast %reduce_sum3A_872 : f32 to vector<16xf32>
          %select_n3A_877 = arith.select %eq3A_875, %broadcast_in_dim3A_876, %select_n3A_803 : vector<16xi1>, vector<16xf32>
          %add3A_878 = arith.constant 11 : i32
          %add3A_879 = arith.addi %mul3A_66, %add3A_878 : i32
          %get3A_880 = arith.index_cast %add3A_879 : i32 to index
          %get3A_881 = arith.constant 0 : index
          %get3A_882 = tpu.vector_load %arg10[%get3A_880, %get3A_881] {strides = array<i32>} : memref<128x128xf32, #tpu.memory_space<vmem>>, vector<16xf32>,
          %get3A_883 = arith.index_cast %add3A_879 : i32 to index
          %get3A_884 = arith.constant 0 : index
          %get3A_885 = tpu.vector_load %arg12[%get3A_883, %get3A_884] {strides = array<i32>} : memref<128x128xf32, #tpu.memory_space<vmem>>, vector<16xf32>,
          %mul3A_886 = arith.mulf %get3A_882, %get3A_885 : vector<16xf32>
          %get3A_887 = arith.index_cast %add3A_879 : i32 to index
          %get3A_888 = arith.constant 16 : index
          %get3A_889 = tpu.vector_load %arg10[%get3A_887, %get3A_888] {strides = array<i32>} : memref<128x128xf32, #tpu.memory_space<vmem>>, vector<16xf32>,
          %get3A_890 = arith.index_cast %add3A_879 : i32 to index
          %get3A_891 = arith.constant 16 : index
          %get3A_892 = tpu.vector_load %arg12[%get3A_890, %get3A_891] {strides = array<i32>} : memref<128x128xf32, #tpu.memory_space<vmem>>, vector<16xf32>,
          %mul3A_893 = arith.mulf %get3A_889, %get3A_892 : vector<16xf32>
          %add3A_894 = arith.addf %mul3A_886, %mul3A_893 : vector<16xf32>
          %get3A_895 = arith.index_cast %add3A_879 : i32 to index
          %get3A_896 = arith.constant 32 : index
          %get3A_897 = tpu.vector_load %arg10[%get3A_895, %get3A_896] {strides = array<i32>} : memref<128x128xf32, #tpu.memory_space<vmem>>, vector<16xf32>,
          %get3A_898 = arith.index_cast %add3A_879 : i32 to index
          %get3A_899 = arith.constant 32 : index
          %get3A_900 = tpu.vector_load %arg12[%get3A_898, %get3A_899] {strides = array<i32>} : memref<128x128xf32, #tpu.memory_space<vmem>>, vector<16xf32>,
          %mul3A_901 = arith.mulf %get3A_897, %get3A_900 : vector<16xf32>
          %add3A_902 = arith.addf %add3A_894, %mul3A_901 : vector<16xf32>
          %get3A_903 = arith.index_cast %add3A_879 : i32 to index
          %get3A_904 = arith.constant 48 : index
          %get3A_905 = tpu.vector_load %arg10[%get3A_903, %get3A_904] {strides = array<i32>} : memref<128x128xf32, #tpu.memory_space<vmem>>, vector<16xf32>,
          %get3A_906 = arith.index_cast %add3A_879 : i32 to index
          %get3A_907 = arith.constant 48 : index
          %get3A_908 = tpu.vector_load %arg12[%get3A_906, %get3A_907] {strides = array<i32>} : memref<128x128xf32, #tpu.memory_space<vmem>>, vector<16xf32>,
          %mul3A_909 = arith.mulf %get3A_905, %get3A_908 : vector<16xf32>
          %add3A_910 = arith.addf %add3A_902, %mul3A_909 : vector<16xf32>
          %get3A_911 = arith.index_cast %add3A_879 : i32 to index
          %get3A_912 = arith.constant 64 : index
          %get3A_913 = tpu.vector_load %arg10[%get3A_911, %get3A_912] {strides = array<i32>} : memref<128x128xf32, #tpu.memory_space<vmem>>, vector<16xf32>,
          %get3A_914 = arith.index_cast %add3A_879 : i32 to index
          %get3A_915 = arith.constant 64 : index
          %get3A_916 = tpu.vector_load %arg12[%get3A_914, %get3A_915] {strides = array<i32>} : memref<128x128xf32, #tpu.memory_space<vmem>>, vector<16xf32>,
          %mul3A_917 = arith.mulf %get3A_913, %get3A_916 : vector<16xf32>
          %add3A_918 = arith.addf %add3A_910, %mul3A_917 : vector<16xf32>
          %get3A_919 = arith.index_cast %add3A_879 : i32 to index
          %get3A_920 = arith.constant 80 : index
          %get3A_921 = tpu.vector_load %arg10[%get3A_919, %get3A_920] {strides = array<i32>} : memref<128x128xf32, #tpu.memory_space<vmem>>, vector<16xf32>,
          %get3A_922 = arith.index_cast %add3A_879 : i32 to index
          %get3A_923 = arith.constant 80 : index
          %get3A_924 = tpu.vector_load %arg12[%get3A_922, %get3A_923] {strides = array<i32>} : memref<128x128xf32, #tpu.memory_space<vmem>>, vector<16xf32>,
          %mul3A_925 = arith.mulf %get3A_921, %get3A_924 : vector<16xf32>
          %add3A_926 = arith.addf %add3A_918, %mul3A_925 : vector<16xf32>
          %get3A_927 = arith.index_cast %add3A_879 : i32 to index
          %get3A_928 = arith.constant 96 : index
          %get3A_929 = tpu.vector_load %arg10[%get3A_927, %get3A_928] {strides = array<i32>} : memref<128x128xf32, #tpu.memory_space<vmem>>, vector<16xf32>,
          %get3A_930 = arith.index_cast %add3A_879 : i32 to index
          %get3A_931 = arith.constant 96 : index
          %get3A_932 = tpu.vector_load %arg12[%get3A_930, %get3A_931] {strides = array<i32>} : memref<128x128xf32, #tpu.memory_space<vmem>>, vector<16xf32>,
          %mul3A_933 = arith.mulf %get3A_929, %get3A_932 : vector<16xf32>
          %add3A_934 = arith.addf %add3A_926, %mul3A_933 : vector<16xf32>
          %get3A_935 = arith.index_cast %add3A_879 : i32 to index
          %get3A_936 = arith.constant 112 : index
          %get3A_937 = tpu.vector_load %arg10[%get3A_935, %get3A_936] {strides = array<i32>} : memref<128x128xf32, #tpu.memory_space<vmem>>, vector<16xf32>,
          %get3A_938 = arith.index_cast %add3A_879 : i32 to index
          %get3A_939 = arith.constant 112 : index
          %get3A_940 = tpu.vector_load %arg12[%get3A_938, %get3A_939] {strides = array<i32>} : memref<128x128xf32, #tpu.memory_space<vmem>>, vector<16xf32>,
          %mul3A_941 = arith.mulf %get3A_937, %get3A_940 : vector<16xf32>
          %add3A_942 = arith.addf %add3A_934, %mul3A_941 : vector<16xf32>
          %reduce_sum3A_943 = arith.constant true
          %reduce_sum3A_944 = vector.broadcast %reduce_sum3A_943 : i1 to vector<16xi1>
          %reduce_sum3A_945 = tpu.scan <sum>, %add3A_942 masked %reduce_sum3A_944 : vector<16xf32>, vector<16xi1> -> vector<16xf32>
          %reduce_sum3A_946 = vector.extract %reduce_sum3A_945[15] : f32 from vector<16xf32>
          %eq3A_947 = arith.constant 11 : i32
          %eq3A_948 = vector.broadcast %eq3A_947 : i32 to vector<16xi32>
          %eq3A_949 = arith.cmpi eq, %iota3A, %eq3A_948 : vector<16xi32>
          %broadcast_in_dim3A_950 = vector.broadcast %reduce_sum3A_946 : f32 to vector<16xf32>
          %select_n3A_951 = arith.select %eq3A_949, %broadcast_in_dim3A_950, %select_n3A_877 : vector<16xi1>, vector<16xf32>
          %add3A_952 = arith.constant 12 : i32
          %add3A_953 = arith.addi %mul3A_66, %add3A_952 : i32
          %get3A_954 = arith.index_cast %add3A_953 : i32 to index
          %get3A_955 = arith.constant 0 : index
          %get3A_956 = tpu.vector_load %arg10[%get3A_954, %get3A_955] {strides = array<i32>} : memref<128x128xf32, #tpu.memory_space<vmem>>, vector<16xf32>,
          %get3A_957 = arith.index_cast %add3A_953 : i32 to index
          %get3A_958 = arith.constant 0 : index
          %get3A_959 = tpu.vector_load %arg12[%get3A_957, %get3A_958] {strides = array<i32>} : memref<128x128xf32, #tpu.memory_space<vmem>>, vector<16xf32>,
          %mul3A_960 = arith.mulf %get3A_956, %get3A_959 : vector<16xf32>
          %get3A_961 = arith.index_cast %add3A_953 : i32 to index
          %get3A_962 = arith.constant 16 : index
          %get3A_963 = tpu.vector_load %arg10[%get3A_961, %get3A_962] {strides = array<i32>} : memref<128x128xf32, #tpu.memory_space<vmem>>, vector<16xf32>,
          %get3A_964 = arith.index_cast %add3A_953 : i32 to index
          %get3A_965 = arith.constant 16 : index
          %get3A_966 = tpu.vector_load %arg12[%get3A_964, %get3A_965] {strides = array<i32>} : memref<128x128xf32, #tpu.memory_space<vmem>>, vector<16xf32>,
          %mul3A_967 = arith.mulf %get3A_963, %get3A_966 : vector<16xf32>
          %add3A_968 = arith.addf %mul3A_960, %mul3A_967 : vector<16xf32>
          %get3A_969 = arith.index_cast %add3A_953 : i32 to index
          %get3A_970 = arith.constant 32 : index
          %get3A_971 = tpu.vector_load %arg10[%get3A_969, %get3A_970] {strides = array<i32>} : memref<128x128xf32, #tpu.memory_space<vmem>>, vector<16xf32>,
          %get3A_972 = arith.index_cast %add3A_953 : i32 to index
          %get3A_973 = arith.constant 32 : index
          %get3A_974 = tpu.vector_load %arg12[%get3A_972, %get3A_973] {strides = array<i32>} : memref<128x128xf32, #tpu.memory_space<vmem>>, vector<16xf32>,
          %mul3A_975 = arith.mulf %get3A_971, %get3A_974 : vector<16xf32>
          %add3A_976 = arith.addf %add3A_968, %mul3A_975 : vector<16xf32>
          %get3A_977 = arith.index_cast %add3A_953 : i32 to index
          %get3A_978 = arith.constant 48 : index
          %get3A_979 = tpu.vector_load %arg10[%get3A_977, %get3A_978] {strides = array<i32>} : memref<128x128xf32, #tpu.memory_space<vmem>>, vector<16xf32>,
          %get3A_980 = arith.index_cast %add3A_953 : i32 to index
          %get3A_981 = arith.constant 48 : index
          %get3A_982 = tpu.vector_load %arg12[%get3A_980, %get3A_981] {strides = array<i32>} : memref<128x128xf32, #tpu.memory_space<vmem>>, vector<16xf32>,
          %mul3A_983 = arith.mulf %get3A_979, %get3A_982 : vector<16xf32>
          %add3A_984 = arith.addf %add3A_976, %mul3A_983 : vector<16xf32>
          %get3A_985 = arith.index_cast %add3A_953 : i32 to index
          %get3A_986 = arith.constant 64 : index
          %get3A_987 = tpu.vector_load %arg10[%get3A_985, %get3A_986] {strides = array<i32>} : memref<128x128xf32, #tpu.memory_space<vmem>>, vector<16xf32>,
          %get3A_988 = arith.index_cast %add3A_953 : i32 to index
          %get3A_989 = arith.constant 64 : index
          %get3A_990 = tpu.vector_load %arg12[%get3A_988, %get3A_989] {strides = array<i32>} : memref<128x128xf32, #tpu.memory_space<vmem>>, vector<16xf32>,
          %mul3A_991 = arith.mulf %get3A_987, %get3A_990 : vector<16xf32>
          %add3A_992 = arith.addf %add3A_984, %mul3A_991 : vector<16xf32>
          %get3A_993 = arith.index_cast %add3A_953 : i32 to index
          %get3A_994 = arith.constant 80 : index
          %get3A_995 = tpu.vector_load %arg10[%get3A_993, %get3A_994] {strides = array<i32>} : memref<128x128xf32, #tpu.memory_space<vmem>>, vector<16xf32>,
          %get3A_996 = arith.index_cast %add3A_953 : i32 to index
          %get3A_997 = arith.constant 80 : index
          %get3A_998 = tpu.vector_load %arg12[%get3A_996, %get3A_997] {strides = array<i32>} : memref<128x128xf32, #tpu.memory_space<vmem>>, vector<16xf32>,
          %mul3A_999 = arith.mulf %get3A_995, %get3A_998 : vector<16xf32>
          %add3A_1000 = arith.addf %add3A_992, %mul3A_999 : vector<16xf32>
          %get3A_1001 = arith.index_cast %add3A_953 : i32 to index
          %get3A_1002 = arith.constant 96 : index
          %get3A_1003 = tpu.vector_load %arg10[%get3A_1001, %get3A_1002] {strides = array<i32>} : memref<128x128xf32, #tpu.memory_space<vmem>>, vector<16xf32>,
          %get3A_1004 = arith.index_cast %add3A_953 : i32 to index
          %get3A_1005 = arith.constant 96 : index
          %get3A_1006 = tpu.vector_load %arg12[%get3A_1004, %get3A_1005] {strides = array<i32>} : memref<128x128xf32, #tpu.memory_space<vmem>>, vector<16xf32>,
          %mul3A_1007 = arith.mulf %get3A_1003, %get3A_1006 : vector<16xf32>
          %add3A_1008 = arith.addf %add3A_1000, %mul3A_1007 : vector<16xf32>
          %get3A_1009 = arith.index_cast %add3A_953 : i32 to index
          %get3A_1010 = arith.constant 112 : index
          %get3A_1011 = tpu.vector_load %arg10[%get3A_1009, %get3A_1010] {strides = array<i32>} : memref<128x128xf32, #tpu.memory_space<vmem>>, vector<16xf32>,
          %get3A_1012 = arith.index_cast %add3A_953 : i32 to index
          %get3A_1013 = arith.constant 112 : index
          %get3A_1014 = tpu.vector_load %arg12[%get3A_1012, %get3A_1013] {strides = array<i32>} : memref<128x128xf32, #tpu.memory_space<vmem>>, vector<16xf32>,
          %mul3A_1015 = arith.mulf %get3A_1011, %get3A_1014 : vector<16xf32>
          %add3A_1016 = arith.addf %add3A_1008, %mul3A_1015 : vector<16xf32>
          %reduce_sum3A_1017 = arith.constant true
          %reduce_sum3A_1018 = vector.broadcast %reduce_sum3A_1017 : i1 to vector<16xi1>
          %reduce_sum3A_1019 = tpu.scan <sum>, %add3A_1016 masked %reduce_sum3A_1018 : vector<16xf32>, vector<16xi1> -> vector<16xf32>
          %reduce_sum3A_1020 = vector.extract %reduce_sum3A_1019[15] : f32 from vector<16xf32>
          %eq3A_1021 = arith.constant 12 : i32
          %eq3A_1022 = vector.broadcast %eq3A_1021 : i32 to vector<16xi32>
          %eq3A_1023 = arith.cmpi eq, %iota3A, %eq3A_1022 : vector<16xi32>
          %broadcast_in_dim3A_1024 = vector.broadcast %reduce_sum3A_1020 : f32 to vector<16xf32>
          %select_n3A_1025 = arith.select %eq3A_1023, %broadcast_in_dim3A_1024, %select_n3A_951 : vector<16xi1>, vector<16xf32>
          %add3A_1026 = arith.constant 13 : i32
          %add3A_1027 = arith.addi %mul3A_66, %add3A_1026 : i32
          %get3A_1028 = arith.index_cast %add3A_1027 : i32 to index
          %get3A_1029 = arith.constant 0 : index
          %get3A_1030 = tpu.vector_load %arg10[%get3A_1028, %get3A_1029] {strides = array<i32>} : memref<128x128xf32, #tpu.memory_space<vmem>>, vector<16xf32>,
          %get3A_1031 = arith.index_cast %add3A_1027 : i32 to index
          %get3A_1032 = arith.constant 0 : index
          %get3A_1033 = tpu.vector_load %arg12[%get3A_1031, %get3A_1032] {strides = array<i32>} : memref<128x128xf32, #tpu.memory_space<vmem>>, vector<16xf32>,
          %mul3A_1034 = arith.mulf %get3A_1030, %get3A_1033 : vector<16xf32>
          %get3A_1035 = arith.index_cast %add3A_1027 : i32 to index
          %get3A_1036 = arith.constant 16 : index
          %get3A_1037 = tpu.vector_load %arg10[%get3A_1035, %get3A_1036] {strides = array<i32>} : memref<128x128xf32, #tpu.memory_space<vmem>>, vector<16xf32>,
          %get3A_1038 = arith.index_cast %add3A_1027 : i32 to index
          %get3A_1039 = arith.constant 16 : index
          %get3A_1040 = tpu.vector_load %arg12[%get3A_1038, %get3A_1039] {strides = array<i32>} : memref<128x128xf32, #tpu.memory_space<vmem>>, vector<16xf32>,
          %mul3A_1041 = arith.mulf %get3A_1037, %get3A_1040 : vector<16xf32>
          %add3A_1042 = arith.addf %mul3A_1034, %mul3A_1041 : vector<16xf32>
          %get3A_1043 = arith.index_cast %add3A_1027 : i32 to index
          %get3A_1044 = arith.constant 32 : index
          %get3A_1045 = tpu.vector_load %arg10[%get3A_1043, %get3A_1044] {strides = array<i32>} : memref<128x128xf32, #tpu.memory_space<vmem>>, vector<16xf32>,
          %get3A_1046 = arith.index_cast %add3A_1027 : i32 to index
          %get3A_1047 = arith.constant 32 : index
          %get3A_1048 = tpu.vector_load %arg12[%get3A_1046, %get3A_1047] {strides = array<i32>} : memref<128x128xf32, #tpu.memory_space<vmem>>, vector<16xf32>,
          %mul3A_1049 = arith.mulf %get3A_1045, %get3A_1048 : vector<16xf32>
          %add3A_1050 = arith.addf %add3A_1042, %mul3A_1049 : vector<16xf32>
          %get3A_1051 = arith.index_cast %add3A_1027 : i32 to index
          %get3A_1052 = arith.constant 48 : index
          %get3A_1053 = tpu.vector_load %arg10[%get3A_1051, %get3A_1052] {strides = array<i32>} : memref<128x128xf32, #tpu.memory_space<vmem>>, vector<16xf32>,
          %get3A_1054 = arith.index_cast %add3A_1027 : i32 to index
          %get3A_1055 = arith.constant 48 : index
          %get3A_1056 = tpu.vector_load %arg12[%get3A_1054, %get3A_1055] {strides = array<i32>} : memref<128x128xf32, #tpu.memory_space<vmem>>, vector<16xf32>,
          %mul3A_1057 = arith.mulf %get3A_1053, %get3A_1056 : vector<16xf32>
          %add3A_1058 = arith.addf %add3A_1050, %mul3A_1057 : vector<16xf32>
          %get3A_1059 = arith.index_cast %add3A_1027 : i32 to index
          %get3A_1060 = arith.constant 64 : index
          %get3A_1061 = tpu.vector_load %arg10[%get3A_1059, %get3A_1060] {strides = array<i32>} : memref<128x128xf32, #tpu.memory_space<vmem>>, vector<16xf32>,
          %get3A_1062 = arith.index_cast %add3A_1027 : i32 to index
          %get3A_1063 = arith.constant 64 : index
          %get3A_1064 = tpu.vector_load %arg12[%get3A_1062, %get3A_1063] {strides = array<i32>} : memref<128x128xf32, #tpu.memory_space<vmem>>, vector<16xf32>,
          %mul3A_1065 = arith.mulf %get3A_1061, %get3A_1064 : vector<16xf32>
          %add3A_1066 = arith.addf %add3A_1058, %mul3A_1065 : vector<16xf32>
          %get3A_1067 = arith.index_cast %add3A_1027 : i32 to index
          %get3A_1068 = arith.constant 80 : index
          %get3A_1069 = tpu.vector_load %arg10[%get3A_1067, %get3A_1068] {strides = array<i32>} : memref<128x128xf32, #tpu.memory_space<vmem>>, vector<16xf32>,
          %get3A_1070 = arith.index_cast %add3A_1027 : i32 to index
          %get3A_1071 = arith.constant 80 : index
          %get3A_1072 = tpu.vector_load %arg12[%get3A_1070, %get3A_1071] {strides = array<i32>} : memref<128x128xf32, #tpu.memory_space<vmem>>, vector<16xf32>,
          %mul3A_1073 = arith.mulf %get3A_1069, %get3A_1072 : vector<16xf32>
          %add3A_1074 = arith.addf %add3A_1066, %mul3A_1073 : vector<16xf32>
          %get3A_1075 = arith.index_cast %add3A_1027 : i32 to index
          %get3A_1076 = arith.constant 96 : index
          %get3A_1077 = tpu.vector_load %arg10[%get3A_1075, %get3A_1076] {strides = array<i32>} : memref<128x128xf32, #tpu.memory_space<vmem>>, vector<16xf32>,
          %get3A_1078 = arith.index_cast %add3A_1027 : i32 to index
          %get3A_1079 = arith.constant 96 : index
          %get3A_1080 = tpu.vector_load %arg12[%get3A_1078, %get3A_1079] {strides = array<i32>} : memref<128x128xf32, #tpu.memory_space<vmem>>, vector<16xf32>,
          %mul3A_1081 = arith.mulf %get3A_1077, %get3A_1080 : vector<16xf32>
          %add3A_1082 = arith.addf %add3A_1074, %mul3A_1081 : vector<16xf32>
          %get3A_1083 = arith.index_cast %add3A_1027 : i32 to index
          %get3A_1084 = arith.constant 112 : index
          %get3A_1085 = tpu.vector_load %arg10[%get3A_1083, %get3A_1084] {strides = array<i32>} : memref<128x128xf32, #tpu.memory_space<vmem>>, vector<16xf32>,
          %get3A_1086 = arith.index_cast %add3A_1027 : i32 to index
          %get3A_1087 = arith.constant 112 : index
          %get3A_1088 = tpu.vector_load %arg12[%get3A_1086, %get3A_1087] {strides = array<i32>} : memref<128x128xf32, #tpu.memory_space<vmem>>, vector<16xf32>,
          %mul3A_1089 = arith.mulf %get3A_1085, %get3A_1088 : vector<16xf32>
          %add3A_1090 = arith.addf %add3A_1082, %mul3A_1089 : vector<16xf32>
          %reduce_sum3A_1091 = arith.constant true
          %reduce_sum3A_1092 = vector.broadcast %reduce_sum3A_1091 : i1 to vector<16xi1>
          %reduce_sum3A_1093 = tpu.scan <sum>, %add3A_1090 masked %reduce_sum3A_1092 : vector<16xf32>, vector<16xi1> -> vector<16xf32>
          %reduce_sum3A_1094 = vector.extract %reduce_sum3A_1093[15] : f32 from vector<16xf32>
          %eq3A_1095 = arith.constant 13 : i32
          %eq3A_1096 = vector.broadcast %eq3A_1095 : i32 to vector<16xi32>
          %eq3A_1097 = arith.cmpi eq, %iota3A, %eq3A_1096 : vector<16xi32>
          %broadcast_in_dim3A_1098 = vector.broadcast %reduce_sum3A_1094 : f32 to vector<16xf32>
          %select_n3A_1099 = arith.select %eq3A_1097, %broadcast_in_dim3A_1098, %select_n3A_1025 : vector<16xi1>, vector<16xf32>
          %add3A_1100 = arith.constant 14 : i32
          %add3A_1101 = arith.addi %mul3A_66, %add3A_1100 : i32
          %get3A_1102 = arith.index_cast %add3A_1101 : i32 to index
          %get3A_1103 = arith.constant 0 : index
          %get3A_1104 = tpu.vector_load %arg10[%get3A_1102, %get3A_1103] {strides = array<i32>} : memref<128x128xf32, #tpu.memory_space<vmem>>, vector<16xf32>,
          %get3A_1105 = arith.index_cast %add3A_1101 : i32 to index
          %get3A_1106 = arith.constant 0 : index
          %get3A_1107 = tpu.vector_load %arg12[%get3A_1105, %get3A_1106] {strides = array<i32>} : memref<128x128xf32, #tpu.memory_space<vmem>>, vector<16xf32>,
          %mul3A_1108 = arith.mulf %get3A_1104, %get3A_1107 : vector<16xf32>
          %get3A_1109 = arith.index_cast %add3A_1101 : i32 to index
          %get3A_1110 = arith.constant 16 : index
          %get3A_1111 = tpu.vector_load %arg10[%get3A_1109, %get3A_1110] {strides = array<i32>} : memref<128x128xf32, #tpu.memory_space<vmem>>, vector<16xf32>,
          %get3A_1112 = arith.index_cast %add3A_1101 : i32 to index
          %get3A_1113 = arith.constant 16 : index
          %get3A_1114 = tpu.vector_load %arg12[%get3A_1112, %get3A_1113] {strides = array<i32>} : memref<128x128xf32, #tpu.memory_space<vmem>>, vector<16xf32>,
          %mul3A_1115 = arith.mulf %get3A_1111, %get3A_1114 : vector<16xf32>
          %add3A_1116 = arith.addf %mul3A_1108, %mul3A_1115 : vector<16xf32>
          %get3A_1117 = arith.index_cast %add3A_1101 : i32 to index
          %get3A_1118 = arith.constant 32 : index
          %get3A_1119 = tpu.vector_load %arg10[%get3A_1117, %get3A_1118] {strides = array<i32>} : memref<128x128xf32, #tpu.memory_space<vmem>>, vector<16xf32>,
          %get3A_1120 = arith.index_cast %add3A_1101 : i32 to index
          %get3A_1121 = arith.constant 32 : index
          %get3A_1122 = tpu.vector_load %arg12[%get3A_1120, %get3A_1121] {strides = array<i32>} : memref<128x128xf32, #tpu.memory_space<vmem>>, vector<16xf32>,
          %mul3A_1123 = arith.mulf %get3A_1119, %get3A_1122 : vector<16xf32>
          %add3A_1124 = arith.addf %add3A_1116, %mul3A_1123 : vector<16xf32>
          %get3A_1125 = arith.index_cast %add3A_1101 : i32 to index
          %get3A_1126 = arith.constant 48 : index
          %get3A_1127 = tpu.vector_load %arg10[%get3A_1125, %get3A_1126] {strides = array<i32>} : memref<128x128xf32, #tpu.memory_space<vmem>>, vector<16xf32>,
          %get3A_1128 = arith.index_cast %add3A_1101 : i32 to index
          %get3A_1129 = arith.constant 48 : index
          %get3A_1130 = tpu.vector_load %arg12[%get3A_1128, %get3A_1129] {strides = array<i32>} : memref<128x128xf32, #tpu.memory_space<vmem>>, vector<16xf32>,
          %mul3A_1131 = arith.mulf %get3A_1127, %get3A_1130 : vector<16xf32>
          %add3A_1132 = arith.addf %add3A_1124, %mul3A_1131 : vector<16xf32>
          %get3A_1133 = arith.index_cast %add3A_1101 : i32 to index
          %get3A_1134 = arith.constant 64 : index
          %get3A_1135 = tpu.vector_load %arg10[%get3A_1133, %get3A_1134] {strides = array<i32>} : memref<128x128xf32, #tpu.memory_space<vmem>>, vector<16xf32>,
          %get3A_1136 = arith.index_cast %add3A_1101 : i32 to index
          %get3A_1137 = arith.constant 64 : index
          %get3A_1138 = tpu.vector_load %arg12[%get3A_1136, %get3A_1137] {strides = array<i32>} : memref<128x128xf32, #tpu.memory_space<vmem>>, vector<16xf32>,
          %mul3A_1139 = arith.mulf %get3A_1135, %get3A_1138 : vector<16xf32>
          %add3A_1140 = arith.addf %add3A_1132, %mul3A_1139 : vector<16xf32>
          %get3A_1141 = arith.index_cast %add3A_1101 : i32 to index
          %get3A_1142 = arith.constant 80 : index
          %get3A_1143 = tpu.vector_load %arg10[%get3A_1141, %get3A_1142] {strides = array<i32>} : memref<128x128xf32, #tpu.memory_space<vmem>>, vector<16xf32>,
          %get3A_1144 = arith.index_cast %add3A_1101 : i32 to index
          %get3A_1145 = arith.constant 80 : index
          %get3A_1146 = tpu.vector_load %arg12[%get3A_1144, %get3A_1145] {strides = array<i32>} : memref<128x128xf32, #tpu.memory_space<vmem>>, vector<16xf32>,
          %mul3A_1147 = arith.mulf %get3A_1143, %get3A_1146 : vector<16xf32>
          %add3A_1148 = arith.addf %add3A_1140, %mul3A_1147 : vector<16xf32>
          %get3A_1149 = arith.index_cast %add3A_1101 : i32 to index
          %get3A_1150 = arith.constant 96 : index
          %get3A_1151 = tpu.vector_load %arg10[%get3A_1149, %get3A_1150] {strides = array<i32>} : memref<128x128xf32, #tpu.memory_space<vmem>>, vector<16xf32>,
          %get3A_1152 = arith.index_cast %add3A_1101 : i32 to index
          %get3A_1153 = arith.constant 96 : index
          %get3A_1154 = tpu.vector_load %arg12[%get3A_1152, %get3A_1153] {strides = array<i32>} : memref<128x128xf32, #tpu.memory_space<vmem>>, vector<16xf32>,
          %mul3A_1155 = arith.mulf %get3A_1151, %get3A_1154 : vector<16xf32>
          %add3A_1156 = arith.addf %add3A_1148, %mul3A_1155 : vector<16xf32>
          %get3A_1157 = arith.index_cast %add3A_1101 : i32 to index
          %get3A_1158 = arith.constant 112 : index
          %get3A_1159 = tpu.vector_load %arg10[%get3A_1157, %get3A_1158] {strides = array<i32>} : memref<128x128xf32, #tpu.memory_space<vmem>>, vector<16xf32>,
          %get3A_1160 = arith.index_cast %add3A_1101 : i32 to index
          %get3A_1161 = arith.constant 112 : index
          %get3A_1162 = tpu.vector_load %arg12[%get3A_1160, %get3A_1161] {strides = array<i32>} : memref<128x128xf32, #tpu.memory_space<vmem>>, vector<16xf32>,
          %mul3A_1163 = arith.mulf %get3A_1159, %get3A_1162 : vector<16xf32>
          %add3A_1164 = arith.addf %add3A_1156, %mul3A_1163 : vector<16xf32>
          %reduce_sum3A_1165 = arith.constant true
          %reduce_sum3A_1166 = vector.broadcast %reduce_sum3A_1165 : i1 to vector<16xi1>
          %reduce_sum3A_1167 = tpu.scan <sum>, %add3A_1164 masked %reduce_sum3A_1166 : vector<16xf32>, vector<16xi1> -> vector<16xf32>
          %reduce_sum3A_1168 = vector.extract %reduce_sum3A_1167[15] : f32 from vector<16xf32>
          %eq3A_1169 = arith.constant 14 : i32
          %eq3A_1170 = vector.broadcast %eq3A_1169 : i32 to vector<16xi32>
          %eq3A_1171 = arith.cmpi eq, %iota3A, %eq3A_1170 : vector<16xi32>
          %broadcast_in_dim3A_1172 = vector.broadcast %reduce_sum3A_1168 : f32 to vector<16xf32>
          %select_n3A_1173 = arith.select %eq3A_1171, %broadcast_in_dim3A_1172, %select_n3A_1099 : vector<16xi1>, vector<16xf32>
          %add3A_1174 = arith.constant 15 : i32
          %add3A_1175 = arith.addi %mul3A_66, %add3A_1174 : i32
          %get3A_1176 = arith.index_cast %add3A_1175 : i32 to index
          %get3A_1177 = arith.constant 0 : index
          %get3A_1178 = tpu.vector_load %arg10[%get3A_1176, %get3A_1177] {strides = array<i32>} : memref<128x128xf32, #tpu.memory_space<vmem>>, vector<16xf32>,
          %get3A_1179 = arith.index_cast %add3A_1175 : i32 to index
          %get3A_1180 = arith.constant 0 : index
          %get3A_1181 = tpu.vector_load %arg12[%get3A_1179, %get3A_1180] {strides = array<i32>} : memref<128x128xf32, #tpu.memory_space<vmem>>, vector<16xf32>,
          %mul3A_1182 = arith.mulf %get3A_1178, %get3A_1181 : vector<16xf32>
          %get3A_1183 = arith.index_cast %add3A_1175 : i32 to index
          %get3A_1184 = arith.constant 16 : index
          %get3A_1185 = tpu.vector_load %arg10[%get3A_1183, %get3A_1184] {strides = array<i32>} : memref<128x128xf32, #tpu.memory_space<vmem>>, vector<16xf32>,
          %get3A_1186 = arith.index_cast %add3A_1175 : i32 to index
          %get3A_1187 = arith.constant 16 : index
          %get3A_1188 = tpu.vector_load %arg12[%get3A_1186, %get3A_1187] {strides = array<i32>} : memref<128x128xf32, #tpu.memory_space<vmem>>, vector<16xf32>,
          %mul3A_1189 = arith.mulf %get3A_1185, %get3A_1188 : vector<16xf32>
          %add3A_1190 = arith.addf %mul3A_1182, %mul3A_1189 : vector<16xf32>
          %get3A_1191 = arith.index_cast %add3A_1175 : i32 to index
          %get3A_1192 = arith.constant 32 : index
          %get3A_1193 = tpu.vector_load %arg10[%get3A_1191, %get3A_1192] {strides = array<i32>} : memref<128x128xf32, #tpu.memory_space<vmem>>, vector<16xf32>,
          %get3A_1194 = arith.index_cast %add3A_1175 : i32 to index
          %get3A_1195 = arith.constant 32 : index
          %get3A_1196 = tpu.vector_load %arg12[%get3A_1194, %get3A_1195] {strides = array<i32>} : memref<128x128xf32, #tpu.memory_space<vmem>>, vector<16xf32>,
          %mul3A_1197 = arith.mulf %get3A_1193, %get3A_1196 : vector<16xf32>
          %add3A_1198 = arith.addf %add3A_1190, %mul3A_1197 : vector<16xf32>
          %get3A_1199 = arith.index_cast %add3A_1175 : i32 to index
          %get3A_1200 = arith.constant 48 : index
          %get3A_1201 = tpu.vector_load %arg10[%get3A_1199, %get3A_1200] {strides = array<i32>} : memref<128x128xf32, #tpu.memory_space<vmem>>, vector<16xf32>,
          %get3A_1202 = arith.index_cast %add3A_1175 : i32 to index
          %get3A_1203 = arith.constant 48 : index
          %get3A_1204 = tpu.vector_load %arg12[%get3A_1202, %get3A_1203] {strides = array<i32>} : memref<128x128xf32, #tpu.memory_space<vmem>>, vector<16xf32>,
          %mul3A_1205 = arith.mulf %get3A_1201, %get3A_1204 : vector<16xf32>
          %add3A_1206 = arith.addf %add3A_1198, %mul3A_1205 : vector<16xf32>
          %get3A_1207 = arith.index_cast %add3A_1175 : i32 to index
          %get3A_1208 = arith.constant 64 : index
          %get3A_1209 = tpu.vector_load %arg10[%get3A_1207, %get3A_1208] {strides = array<i32>} : memref<128x128xf32, #tpu.memory_space<vmem>>, vector<16xf32>,
          %get3A_1210 = arith.index_cast %add3A_1175 : i32 to index
          %get3A_1211 = arith.constant 64 : index
          %get3A_1212 = tpu.vector_load %arg12[%get3A_1210, %get3A_1211] {strides = array<i32>} : memref<128x128xf32, #tpu.memory_space<vmem>>, vector<16xf32>,
          %mul3A_1213 = arith.mulf %get3A_1209, %get3A_1212 : vector<16xf32>
          %add3A_1214 = arith.addf %add3A_1206, %mul3A_1213 : vector<16xf32>
          %get3A_1215 = arith.index_cast %add3A_1175 : i32 to index
          %get3A_1216 = arith.constant 80 : index
          %get3A_1217 = tpu.vector_load %arg10[%get3A_1215, %get3A_1216] {strides = array<i32>} : memref<128x128xf32, #tpu.memory_space<vmem>>, vector<16xf32>,
          %get3A_1218 = arith.index_cast %add3A_1175 : i32 to index
          %get3A_1219 = arith.constant 80 : index
          %get3A_1220 = tpu.vector_load %arg12[%get3A_1218, %get3A_1219] {strides = array<i32>} : memref<128x128xf32, #tpu.memory_space<vmem>>, vector<16xf32>,
          %mul3A_1221 = arith.mulf %get3A_1217, %get3A_1220 : vector<16xf32>
          %add3A_1222 = arith.addf %add3A_1214, %mul3A_1221 : vector<16xf32>
          %get3A_1223 = arith.index_cast %add3A_1175 : i32 to index
          %get3A_1224 = arith.constant 96 : index
          %get3A_1225 = tpu.vector_load %arg10[%get3A_1223, %get3A_1224] {strides = array<i32>} : memref<128x128xf32, #tpu.memory_space<vmem>>, vector<16xf32>,
          %get3A_1226 = arith.index_cast %add3A_1175 : i32 to index
          %get3A_1227 = arith.constant 96 : index
          %get3A_1228 = tpu.vector_load %arg12[%get3A_1226, %get3A_1227] {strides = array<i32>} : memref<128x128xf32, #tpu.memory_space<vmem>>, vector<16xf32>,
          %mul3A_1229 = arith.mulf %get3A_1225, %get3A_1228 : vector<16xf32>
          %add3A_1230 = arith.addf %add3A_1222, %mul3A_1229 : vector<16xf32>
          %get3A_1231 = arith.index_cast %add3A_1175 : i32 to index
          %get3A_1232 = arith.constant 112 : index
          %get3A_1233 = tpu.vector_load %arg10[%get3A_1231, %get3A_1232] {strides = array<i32>} : memref<128x128xf32, #tpu.memory_space<vmem>>, vector<16xf32>,
          %get3A_1234 = arith.index_cast %add3A_1175 : i32 to index
          %get3A_1235 = arith.constant 112 : index
          %get3A_1236 = tpu.vector_load %arg12[%get3A_1234, %get3A_1235] {strides = array<i32>} : memref<128x128xf32, #tpu.memory_space<vmem>>, vector<16xf32>,
          %mul3A_1237 = arith.mulf %get3A_1233, %get3A_1236 : vector<16xf32>
          %add3A_1238 = arith.addf %add3A_1230, %mul3A_1237 : vector<16xf32>
          %reduce_sum3A_1239 = arith.constant true
          %reduce_sum3A_1240 = vector.broadcast %reduce_sum3A_1239 : i1 to vector<16xi1>
          %reduce_sum3A_1241 = tpu.scan <sum>, %add3A_1238 masked %reduce_sum3A_1240 : vector<16xf32>, vector<16xi1> -> vector<16xf32>
          %reduce_sum3A_1242 = vector.extract %reduce_sum3A_1241[15] : f32 from vector<16xf32>
          %eq3A_1243 = arith.constant 15 : i32
          %eq3A_1244 = vector.broadcast %eq3A_1243 : i32 to vector<16xi32>
          %eq3A_1245 = arith.cmpi eq, %iota3A, %eq3A_1244 : vector<16xi32>
          %broadcast_in_dim3A_1246 = vector.broadcast %reduce_sum3A_1242 : f32 to vector<16xf32>
          %select_n3A_1247 = arith.select %eq3A_1245, %broadcast_in_dim3A_1246, %select_n3A_1173 : vector<16xi1>, vector<16xf32>
          %swap3A = arith.index_cast %mul3A_66 : i32 to index
          %swap3A_1248 = tpu.vector_load %arg14[%swap3A] {strides = array<i32>} : memref<128xf32, #tpu.memory_space<vmem>>, vector<16xf32>,
          tpu.vector_store %arg14[%swap3A], %select_n3A_1247 {strides = array<i32>} : memref<128xf32, #tpu.memory_space<vmem>>, vector<16xf32>,
        }
        %scan3A_58 = arith.constant 8 : i32
        %mul3A_59 = arith.constant 128 : i32
        %mul3A_60 = arith.muli %add3A_19, %mul3A_59 : i32
        %min3A_61 = arith.constant 499872 : i32
        %min3A_62 = arith.minsi %mul3A_60, %min3A_61 : i32
        %multiple_of3A_63 = tpu.assume_multiple %min3A_62, 8 : i32
        "tpu.region"() ({
          %run_scoped3A = tpu.sem_alloc : memref<!tpu.dma_semaphore, #tpu.memory_space<semaphore_mem>>
          %dma_start3A_64 = tpu.memref_slice %arg5[%multiple_of3A_63] : memref<500000xf32, #tpu.memory_space<hbm>> -> memref<128xf32, #tpu.memory_space<hbm>>
          %dma_start3A_65 = tpu.memref_slice %arg5[%multiple_of3A_63] : memref<500000xf32, #tpu.memory_space<hbm>> -> memref<128xf32, #tpu.memory_space<hbm>>
          tpu.enqueue_dma source(%arg14 : memref<128xf32, #tpu.memory_space<vmem>>) target(%dma_start3A_65 : memref<128xf32, #tpu.memory_space<hbm>>) target_semaphore(%run_scoped3A : memref<!tpu.dma_semaphore, #tpu.memory_space<semaphore_mem>>)
          %dma_wait3A_66 = tpu.memref_slice %arg5[%multiple_of3A_63] : memref<500000xf32, #tpu.memory_space<hbm>> -> memref<128xf32, #tpu.memory_space<hbm>>
          %dma_wait3A_67 = tpu.memref_slice %arg5[%multiple_of3A_63] : memref<500000xf32, #tpu.memory_space<hbm>> -> memref<128xf32, #tpu.memory_space<hbm>>
          tpu.wait_dma2 semaphore(%run_scoped3A : memref<!tpu.dma_semaphore, #tpu.memory_space<semaphore_mem>>) src(%arg14 : memref<128xf32, #tpu.memory_space<vmem>>) dst(%dma_wait3A_67 : memref<128xf32, #tpu.memory_space<hbm>>)
          tpu.yield
        }) : () -> ()
      } else {
      }
      %mul3A_29 = arith.constant 2 : i32
      %mul3A_30 = arith.muli %scan3A_14, %mul3A_29 : i32
      %add3A_31 = arith.constant 1 : i32
      %add3A_32 = arith.addi %mul3A_30, %add3A_31 : i32
      %mul3A_33 = arith.constant 32 : i32
      %mul3A_34 = arith.muli %add3A_32, %mul3A_33 : i32
      %add3A_35 = arith.addi %add3A, %mul3A_34 : i32
      %add3A_36 = arith.constant 32 : i32
      %add3A_37 = arith.addi %add3A_35, %add3A_36 : i32
      %lt3A_38 = arith.constant 3907 : i32
      %lt3A_39 = arith.cmpi slt, %add3A_37, %lt3A_38 : i32
      %convert_element_type3A_40 = arith.extui %lt3A_39 : i1 to i32
      %cond3A_41 = arith.constant 0 : i32
      %cond3A_42 = arith.cmpi ne, %convert_element_type3A_40, %cond3A_41 : i32
      scf.if %cond3A_42 {
        %mul3A_48 = arith.constant 128 : i32
        %mul3A_49 = arith.muli %add3A_37, %mul3A_48 : i32
        %min3A_50 = arith.constant 499872 : i32
        %min3A_51 = arith.minsi %mul3A_49, %min3A_50 : i32
        %multiple_of3A_52 = tpu.assume_multiple %min3A_51, 8 : i32
        "tpu.region"() ({
          %run_scoped3A = tpu.sem_alloc : memref<!tpu.dma_semaphore, #tpu.memory_space<semaphore_mem>>
          %dma_start3A_59 = tpu.memref_slice %arg2[%multiple_of3A_52] : memref<500000xi32, #tpu.memory_space<hbm>> -> memref<128xi32, #tpu.memory_space<hbm>>
          %dma_start3A_60 = tpu.memref_slice %arg2[%multiple_of3A_52] : memref<500000xi32, #tpu.memory_space<hbm>> -> memref<128xi32, #tpu.memory_space<hbm>>
          tpu.enqueue_dma source(%dma_start3A_60 : memref<128xi32, #tpu.memory_space<hbm>>) target(%arg6 : memref<128xi32, #tpu.memory_space<vmem>>) target_semaphore(%run_scoped3A : memref<!tpu.dma_semaphore, #tpu.memory_space<semaphore_mem>>)
          %dma_wait3A = tpu.memref_slice %arg2[%multiple_of3A_52] : memref<500000xi32, #tpu.memory_space<hbm>> -> memref<128xi32, #tpu.memory_space<hbm>>
          %dma_wait3A_61 = tpu.memref_slice %arg2[%multiple_of3A_52] : memref<500000xi32, #tpu.memory_space<hbm>> -> memref<128xi32, #tpu.memory_space<hbm>>
          tpu.wait_dma2 semaphore(%run_scoped3A : memref<!tpu.dma_semaphore, #tpu.memory_space<semaphore_mem>>) src(%dma_wait3A_61 : memref<128xi32, #tpu.memory_space<hbm>>) dst(%arg6 : memref<128xi32, #tpu.memory_space<vmem>>)
          tpu.yield
        }) : () -> ()
        "tpu.region"() ({
          %run_scoped3A = tpu.sem_alloc : memref<!tpu.dma_semaphore, #tpu.memory_space<semaphore_mem>>
          %dma_start3A_59 = tpu.memref_slice %arg3[%multiple_of3A_52] : memref<500000xi32, #tpu.memory_space<hbm>> -> memref<128xi32, #tpu.memory_space<hbm>>
          %dma_start3A_60 = tpu.memref_slice %arg3[%multiple_of3A_52] : memref<500000xi32, #tpu.memory_space<hbm>> -> memref<128xi32, #tpu.memory_space<hbm>>
          tpu.enqueue_dma source(%dma_start3A_60 : memref<128xi32, #tpu.memory_space<hbm>>) target(%arg8 : memref<128xi32, #tpu.memory_space<vmem>>) target_semaphore(%run_scoped3A : memref<!tpu.dma_semaphore, #tpu.memory_space<semaphore_mem>>)
          %dma_wait3A = tpu.memref_slice %arg3[%multiple_of3A_52] : memref<500000xi32, #tpu.memory_space<hbm>> -> memref<128xi32, #tpu.memory_space<hbm>>
          %dma_wait3A_61 = tpu.memref_slice %arg3[%multiple_of3A_52] : memref<500000xi32, #tpu.memory_space<hbm>> -> memref<128xi32, #tpu.memory_space<hbm>>
          tpu.wait_dma2 semaphore(%run_scoped3A : memref<!tpu.dma_semaphore, #tpu.memory_space<semaphore_mem>>) src(%dma_wait3A_61 : memref<128xi32, #tpu.memory_space<hbm>>) dst(%arg8 : memref<128xi32, #tpu.memory_space<vmem>>)
          tpu.yield
        }) : () -> ()
        %dma_start3A_53 = arith.constant 0 : i32
        %dma_start3A_54 = arith.constant 0 : i32
        %dma_start3A_55 = tpu.memref_slice %arg4[%dma_start3A_53, %dma_start3A_54] : memref<100000x128xf32, #tpu.memory_space<hbm>> -> memref<100000x128xf32, #tpu.memory_space<hbm>>
        tpu.enqueue_indirect_dma source(%dma_start3A_55 : memref<100000x128xf32, #tpu.memory_space<hbm>>) target(%arg10 : memref<128x128xf32, #tpu.memory_space<vmem>>) offsets(%arg6 : memref<128xi32, #tpu.memory_space<vmem>>) semaphore(%arg15 : memref<!tpu.dma_semaphore, #tpu.memory_space<semaphore_mem>>)
        %dma_start3A_56 = arith.constant 0 : i32
        %dma_start3A_57 = arith.constant 0 : i32
        %dma_start3A_58 = tpu.memref_slice %arg4[%dma_start3A_56, %dma_start3A_57] : memref<100000x128xf32, #tpu.memory_space<hbm>> -> memref<100000x128xf32, #tpu.memory_space<hbm>>
        tpu.enqueue_indirect_dma source(%dma_start3A_58 : memref<100000x128xf32, #tpu.memory_space<hbm>>) target(%arg12 : memref<128x128xf32, #tpu.memory_space<vmem>>) offsets(%arg8 : memref<128xi32, #tpu.memory_space<vmem>>) semaphore(%arg17 : memref<!tpu.dma_semaphore, #tpu.memory_space<semaphore_mem>>)
      } else {
      }
      %lt3A_43 = arith.constant 3907 : i32
      %lt3A_44 = arith.cmpi slt, %add3A_35, %lt3A_43 : i32
      %convert_element_type3A_45 = arith.extui %lt3A_44 : i1 to i32
      %cond3A_46 = arith.constant 0 : i32
      %cond3A_47 = arith.cmpi ne, %convert_element_type3A_45, %cond3A_46 : i32
      scf.if %cond3A_47 {
        %dma_wait3A = arith.constant 0 : i32
        %dma_wait3A_48 = arith.constant 0 : i32
        %dma_wait3A_49 = tpu.memref_slice %arg4[%dma_wait3A, %dma_wait3A_48] : memref<100000x128xf32, #tpu.memory_space<hbm>> -> memref<100000x128xf32, #tpu.memory_space<hbm>>
        tpu.wait_indirect_dma semaphore(%arg16 : memref<!tpu.dma_semaphore, #tpu.memory_space<semaphore_mem>>) src(%dma_wait3A_49 : memref<100000x128xf32, #tpu.memory_space<hbm>>) dst(%arg11 : memref<128x128xf32, #tpu.memory_space<vmem>>)
        %dma_wait3A_50 = arith.constant 0 : i32
        %dma_wait3A_51 = arith.constant 0 : i32
        %dma_wait3A_52 = tpu.memref_slice %arg4[%dma_wait3A_50, %dma_wait3A_51] : memref<100000x128xf32, #tpu.memory_space<hbm>> -> memref<100000x128xf32, #tpu.memory_space<hbm>>
        tpu.wait_indirect_dma semaphore(%arg18 : memref<!tpu.dma_semaphore, #tpu.memory_space<semaphore_mem>>) src(%dma_wait3A_52 : memref<100000x128xf32, #tpu.memory_space<hbm>>) dst(%arg13 : memref<128x128xf32, #tpu.memory_space<vmem>>)
        %scan3A_53 = arith.constant 0 : i32
        %scan3A_54 = arith.constant 0 : i32
        %scan3A_55 = arith.constant 8 : i32
        %scan3A_56 = arith.addi %scan3A_54, %scan3A_55 : i32
        %scan3A_57 = arith.constant 1 : i32
        scf.for %scan3A_64 = %scan3A_54 to %scan3A_56 step %scan3A_57  : i32 {
          %mul3A_65 = arith.constant 16 : i32
          %mul3A_66 = arith.muli %scan3A_64, %mul3A_65 : i32
          %broadcast_in_dim3A = arith.constant 0.000000e+00 : f32
          %broadcast_in_dim3A_67 = vector.broadcast %broadcast_in_dim3A : f32 to vector<16xf32>
          %add3A_68 = arith.constant 0 : i32
          %add3A_69 = arith.addi %mul3A_66, %add3A_68 : i32
          %get3A = arith.index_cast %add3A_69 : i32 to index
          %get3A_70 = arith.constant 0 : index
          %get3A_71 = tpu.vector_load %arg11[%get3A, %get3A_70] {strides = array<i32>} : memref<128x128xf32, #tpu.memory_space<vmem>>, vector<16xf32>,
          %get3A_72 = arith.index_cast %add3A_69 : i32 to index
          %get3A_73 = arith.constant 0 : index
          %get3A_74 = tpu.vector_load %arg13[%get3A_72, %get3A_73] {strides = array<i32>} : memref<128x128xf32, #tpu.memory_space<vmem>>, vector<16xf32>,
          %mul3A_75 = arith.mulf %get3A_71, %get3A_74 : vector<16xf32>
          %get3A_76 = arith.index_cast %add3A_69 : i32 to index
          %get3A_77 = arith.constant 16 : index
          %get3A_78 = tpu.vector_load %arg11[%get3A_76, %get3A_77] {strides = array<i32>} : memref<128x128xf32, #tpu.memory_space<vmem>>, vector<16xf32>,
          %get3A_79 = arith.index_cast %add3A_69 : i32 to index
          %get3A_80 = arith.constant 16 : index
          %get3A_81 = tpu.vector_load %arg13[%get3A_79, %get3A_80] {strides = array<i32>} : memref<128x128xf32, #tpu.memory_space<vmem>>, vector<16xf32>,
          %mul3A_82 = arith.mulf %get3A_78, %get3A_81 : vector<16xf32>
          %add3A_83 = arith.addf %mul3A_75, %mul3A_82 : vector<16xf32>
          %get3A_84 = arith.index_cast %add3A_69 : i32 to index
          %get3A_85 = arith.constant 32 : index
          %get3A_86 = tpu.vector_load %arg11[%get3A_84, %get3A_85] {strides = array<i32>} : memref<128x128xf32, #tpu.memory_space<vmem>>, vector<16xf32>,
          %get3A_87 = arith.index_cast %add3A_69 : i32 to index
          %get3A_88 = arith.constant 32 : index
          %get3A_89 = tpu.vector_load %arg13[%get3A_87, %get3A_88] {strides = array<i32>} : memref<128x128xf32, #tpu.memory_space<vmem>>, vector<16xf32>,
          %mul3A_90 = arith.mulf %get3A_86, %get3A_89 : vector<16xf32>
          %add3A_91 = arith.addf %add3A_83, %mul3A_90 : vector<16xf32>
          %get3A_92 = arith.index_cast %add3A_69 : i32 to index
          %get3A_93 = arith.constant 48 : index
          %get3A_94 = tpu.vector_load %arg11[%get3A_92, %get3A_93] {strides = array<i32>} : memref<128x128xf32, #tpu.memory_space<vmem>>, vector<16xf32>,
          %get3A_95 = arith.index_cast %add3A_69 : i32 to index
          %get3A_96 = arith.constant 48 : index
          %get3A_97 = tpu.vector_load %arg13[%get3A_95, %get3A_96] {strides = array<i32>} : memref<128x128xf32, #tpu.memory_space<vmem>>, vector<16xf32>,
          %mul3A_98 = arith.mulf %get3A_94, %get3A_97 : vector<16xf32>
          %add3A_99 = arith.addf %add3A_91, %mul3A_98 : vector<16xf32>
          %get3A_100 = arith.index_cast %add3A_69 : i32 to index
          %get3A_101 = arith.constant 64 : index
          %get3A_102 = tpu.vector_load %arg11[%get3A_100, %get3A_101] {strides = array<i32>} : memref<128x128xf32, #tpu.memory_space<vmem>>, vector<16xf32>,
          %get3A_103 = arith.index_cast %add3A_69 : i32 to index
          %get3A_104 = arith.constant 64 : index
          %get3A_105 = tpu.vector_load %arg13[%get3A_103, %get3A_104] {strides = array<i32>} : memref<128x128xf32, #tpu.memory_space<vmem>>, vector<16xf32>,
          %mul3A_106 = arith.mulf %get3A_102, %get3A_105 : vector<16xf32>
          %add3A_107 = arith.addf %add3A_99, %mul3A_106 : vector<16xf32>
          %get3A_108 = arith.index_cast %add3A_69 : i32 to index
          %get3A_109 = arith.constant 80 : index
          %get3A_110 = tpu.vector_load %arg11[%get3A_108, %get3A_109] {strides = array<i32>} : memref<128x128xf32, #tpu.memory_space<vmem>>, vector<16xf32>,
          %get3A_111 = arith.index_cast %add3A_69 : i32 to index
          %get3A_112 = arith.constant 80 : index
          %get3A_113 = tpu.vector_load %arg13[%get3A_111, %get3A_112] {strides = array<i32>} : memref<128x128xf32, #tpu.memory_space<vmem>>, vector<16xf32>,
          %mul3A_114 = arith.mulf %get3A_110, %get3A_113 : vector<16xf32>
          %add3A_115 = arith.addf %add3A_107, %mul3A_114 : vector<16xf32>
          %get3A_116 = arith.index_cast %add3A_69 : i32 to index
          %get3A_117 = arith.constant 96 : index
          %get3A_118 = tpu.vector_load %arg11[%get3A_116, %get3A_117] {strides = array<i32>} : memref<128x128xf32, #tpu.memory_space<vmem>>, vector<16xf32>,
          %get3A_119 = arith.index_cast %add3A_69 : i32 to index
          %get3A_120 = arith.constant 96 : index
          %get3A_121 = tpu.vector_load %arg13[%get3A_119, %get3A_120] {strides = array<i32>} : memref<128x128xf32, #tpu.memory_space<vmem>>, vector<16xf32>,
          %mul3A_122 = arith.mulf %get3A_118, %get3A_121 : vector<16xf32>
          %add3A_123 = arith.addf %add3A_115, %mul3A_122 : vector<16xf32>
          %get3A_124 = arith.index_cast %add3A_69 : i32 to index
          %get3A_125 = arith.constant 112 : index
          %get3A_126 = tpu.vector_load %arg11[%get3A_124, %get3A_125] {strides = array<i32>} : memref<128x128xf32, #tpu.memory_space<vmem>>, vector<16xf32>,
          %get3A_127 = arith.index_cast %add3A_69 : i32 to index
          %get3A_128 = arith.constant 112 : index
          %get3A_129 = tpu.vector_load %arg13[%get3A_127, %get3A_128] {strides = array<i32>} : memref<128x128xf32, #tpu.memory_space<vmem>>, vector<16xf32>,
          %mul3A_130 = arith.mulf %get3A_126, %get3A_129 : vector<16xf32>
          %add3A_131 = arith.addf %add3A_123, %mul3A_130 : vector<16xf32>
          %reduce_sum3A = arith.constant true
          %reduce_sum3A_132 = vector.broadcast %reduce_sum3A : i1 to vector<16xi1>
          %reduce_sum3A_133 = tpu.scan <sum>, %add3A_131 masked %reduce_sum3A_132 : vector<16xf32>, vector<16xi1> -> vector<16xf32>
          %reduce_sum3A_134 = vector.extract %reduce_sum3A_133[15] : f32 from vector<16xf32>
          %eq3A = arith.constant 0 : i32
          %eq3A_135 = vector.broadcast %eq3A : i32 to vector<16xi32>
          %eq3A_136 = arith.cmpi eq, %iota3A, %eq3A_135 : vector<16xi32>
          %broadcast_in_dim3A_137 = vector.broadcast %reduce_sum3A_134 : f32 to vector<16xf32>
          %select_n3A = arith.select %eq3A_136, %broadcast_in_dim3A_137, %broadcast_in_dim3A_67 : vector<16xi1>, vector<16xf32>
          %add3A_138 = arith.constant 1 : i32
          %add3A_139 = arith.addi %mul3A_66, %add3A_138 : i32
          %get3A_140 = arith.index_cast %add3A_139 : i32 to index
          %get3A_141 = arith.constant 0 : index
          %get3A_142 = tpu.vector_load %arg11[%get3A_140, %get3A_141] {strides = array<i32>} : memref<128x128xf32, #tpu.memory_space<vmem>>, vector<16xf32>,
          %get3A_143 = arith.index_cast %add3A_139 : i32 to index
          %get3A_144 = arith.constant 0 : index
          %get3A_145 = tpu.vector_load %arg13[%get3A_143, %get3A_144] {strides = array<i32>} : memref<128x128xf32, #tpu.memory_space<vmem>>, vector<16xf32>,
          %mul3A_146 = arith.mulf %get3A_142, %get3A_145 : vector<16xf32>
          %get3A_147 = arith.index_cast %add3A_139 : i32 to index
          %get3A_148 = arith.constant 16 : index
          %get3A_149 = tpu.vector_load %arg11[%get3A_147, %get3A_148] {strides = array<i32>} : memref<128x128xf32, #tpu.memory_space<vmem>>, vector<16xf32>,
          %get3A_150 = arith.index_cast %add3A_139 : i32 to index
          %get3A_151 = arith.constant 16 : index
          %get3A_152 = tpu.vector_load %arg13[%get3A_150, %get3A_151] {strides = array<i32>} : memref<128x128xf32, #tpu.memory_space<vmem>>, vector<16xf32>,
          %mul3A_153 = arith.mulf %get3A_149, %get3A_152 : vector<16xf32>
          %add3A_154 = arith.addf %mul3A_146, %mul3A_153 : vector<16xf32>
          %get3A_155 = arith.index_cast %add3A_139 : i32 to index
          %get3A_156 = arith.constant 32 : index
          %get3A_157 = tpu.vector_load %arg11[%get3A_155, %get3A_156] {strides = array<i32>} : memref<128x128xf32, #tpu.memory_space<vmem>>, vector<16xf32>,
          %get3A_158 = arith.index_cast %add3A_139 : i32 to index
          %get3A_159 = arith.constant 32 : index
          %get3A_160 = tpu.vector_load %arg13[%get3A_158, %get3A_159] {strides = array<i32>} : memref<128x128xf32, #tpu.memory_space<vmem>>, vector<16xf32>,
          %mul3A_161 = arith.mulf %get3A_157, %get3A_160 : vector<16xf32>
          %add3A_162 = arith.addf %add3A_154, %mul3A_161 : vector<16xf32>
          %get3A_163 = arith.index_cast %add3A_139 : i32 to index
          %get3A_164 = arith.constant 48 : index
          %get3A_165 = tpu.vector_load %arg11[%get3A_163, %get3A_164] {strides = array<i32>} : memref<128x128xf32, #tpu.memory_space<vmem>>, vector<16xf32>,
          %get3A_166 = arith.index_cast %add3A_139 : i32 to index
          %get3A_167 = arith.constant 48 : index
          %get3A_168 = tpu.vector_load %arg13[%get3A_166, %get3A_167] {strides = array<i32>} : memref<128x128xf32, #tpu.memory_space<vmem>>, vector<16xf32>,
          %mul3A_169 = arith.mulf %get3A_165, %get3A_168 : vector<16xf32>
          %add3A_170 = arith.addf %add3A_162, %mul3A_169 : vector<16xf32>
          %get3A_171 = arith.index_cast %add3A_139 : i32 to index
          %get3A_172 = arith.constant 64 : index
          %get3A_173 = tpu.vector_load %arg11[%get3A_171, %get3A_172] {strides = array<i32>} : memref<128x128xf32, #tpu.memory_space<vmem>>, vector<16xf32>,
          %get3A_174 = arith.index_cast %add3A_139 : i32 to index
          %get3A_175 = arith.constant 64 : index
          %get3A_176 = tpu.vector_load %arg13[%get3A_174, %get3A_175] {strides = array<i32>} : memref<128x128xf32, #tpu.memory_space<vmem>>, vector<16xf32>,
          %mul3A_177 = arith.mulf %get3A_173, %get3A_176 : vector<16xf32>
          %add3A_178 = arith.addf %add3A_170, %mul3A_177 : vector<16xf32>
          %get3A_179 = arith.index_cast %add3A_139 : i32 to index
          %get3A_180 = arith.constant 80 : index
          %get3A_181 = tpu.vector_load %arg11[%get3A_179, %get3A_180] {strides = array<i32>} : memref<128x128xf32, #tpu.memory_space<vmem>>, vector<16xf32>,
          %get3A_182 = arith.index_cast %add3A_139 : i32 to index
          %get3A_183 = arith.constant 80 : index
          %get3A_184 = tpu.vector_load %arg13[%get3A_182, %get3A_183] {strides = array<i32>} : memref<128x128xf32, #tpu.memory_space<vmem>>, vector<16xf32>,
          %mul3A_185 = arith.mulf %get3A_181, %get3A_184 : vector<16xf32>
          %add3A_186 = arith.addf %add3A_178, %mul3A_185 : vector<16xf32>
          %get3A_187 = arith.index_cast %add3A_139 : i32 to index
          %get3A_188 = arith.constant 96 : index
          %get3A_189 = tpu.vector_load %arg11[%get3A_187, %get3A_188] {strides = array<i32>} : memref<128x128xf32, #tpu.memory_space<vmem>>, vector<16xf32>,
          %get3A_190 = arith.index_cast %add3A_139 : i32 to index
          %get3A_191 = arith.constant 96 : index
          %get3A_192 = tpu.vector_load %arg13[%get3A_190, %get3A_191] {strides = array<i32>} : memref<128x128xf32, #tpu.memory_space<vmem>>, vector<16xf32>,
          %mul3A_193 = arith.mulf %get3A_189, %get3A_192 : vector<16xf32>
          %add3A_194 = arith.addf %add3A_186, %mul3A_193 : vector<16xf32>
          %get3A_195 = arith.index_cast %add3A_139 : i32 to index
          %get3A_196 = arith.constant 112 : index
          %get3A_197 = tpu.vector_load %arg11[%get3A_195, %get3A_196] {strides = array<i32>} : memref<128x128xf32, #tpu.memory_space<vmem>>, vector<16xf32>,
          %get3A_198 = arith.index_cast %add3A_139 : i32 to index
          %get3A_199 = arith.constant 112 : index
          %get3A_200 = tpu.vector_load %arg13[%get3A_198, %get3A_199] {strides = array<i32>} : memref<128x128xf32, #tpu.memory_space<vmem>>, vector<16xf32>,
          %mul3A_201 = arith.mulf %get3A_197, %get3A_200 : vector<16xf32>
          %add3A_202 = arith.addf %add3A_194, %mul3A_201 : vector<16xf32>
          %reduce_sum3A_203 = arith.constant true
          %reduce_sum3A_204 = vector.broadcast %reduce_sum3A_203 : i1 to vector<16xi1>
          %reduce_sum3A_205 = tpu.scan <sum>, %add3A_202 masked %reduce_sum3A_204 : vector<16xf32>, vector<16xi1> -> vector<16xf32>
          %reduce_sum3A_206 = vector.extract %reduce_sum3A_205[15] : f32 from vector<16xf32>
          %eq3A_207 = arith.constant 1 : i32
          %eq3A_208 = vector.broadcast %eq3A_207 : i32 to vector<16xi32>
          %eq3A_209 = arith.cmpi eq, %iota3A, %eq3A_208 : vector<16xi32>
          %broadcast_in_dim3A_210 = vector.broadcast %reduce_sum3A_206 : f32 to vector<16xf32>
          %select_n3A_211 = arith.select %eq3A_209, %broadcast_in_dim3A_210, %select_n3A : vector<16xi1>, vector<16xf32>
          %add3A_212 = arith.constant 2 : i32
          %add3A_213 = arith.addi %mul3A_66, %add3A_212 : i32
          %get3A_214 = arith.index_cast %add3A_213 : i32 to index
          %get3A_215 = arith.constant 0 : index
          %get3A_216 = tpu.vector_load %arg11[%get3A_214, %get3A_215] {strides = array<i32>} : memref<128x128xf32, #tpu.memory_space<vmem>>, vector<16xf32>,
          %get3A_217 = arith.index_cast %add3A_213 : i32 to index
          %get3A_218 = arith.constant 0 : index
          %get3A_219 = tpu.vector_load %arg13[%get3A_217, %get3A_218] {strides = array<i32>} : memref<128x128xf32, #tpu.memory_space<vmem>>, vector<16xf32>,
          %mul3A_220 = arith.mulf %get3A_216, %get3A_219 : vector<16xf32>
          %get3A_221 = arith.index_cast %add3A_213 : i32 to index
          %get3A_222 = arith.constant 16 : index
          %get3A_223 = tpu.vector_load %arg11[%get3A_221, %get3A_222] {strides = array<i32>} : memref<128x128xf32, #tpu.memory_space<vmem>>, vector<16xf32>,
          %get3A_224 = arith.index_cast %add3A_213 : i32 to index
          %get3A_225 = arith.constant 16 : index
          %get3A_226 = tpu.vector_load %arg13[%get3A_224, %get3A_225] {strides = array<i32>} : memref<128x128xf32, #tpu.memory_space<vmem>>, vector<16xf32>,
          %mul3A_227 = arith.mulf %get3A_223, %get3A_226 : vector<16xf32>
          %add3A_228 = arith.addf %mul3A_220, %mul3A_227 : vector<16xf32>
          %get3A_229 = arith.index_cast %add3A_213 : i32 to index
          %get3A_230 = arith.constant 32 : index
          %get3A_231 = tpu.vector_load %arg11[%get3A_229, %get3A_230] {strides = array<i32>} : memref<128x128xf32, #tpu.memory_space<vmem>>, vector<16xf32>,
          %get3A_232 = arith.index_cast %add3A_213 : i32 to index
          %get3A_233 = arith.constant 32 : index
          %get3A_234 = tpu.vector_load %arg13[%get3A_232, %get3A_233] {strides = array<i32>} : memref<128x128xf32, #tpu.memory_space<vmem>>, vector<16xf32>,
          %mul3A_235 = arith.mulf %get3A_231, %get3A_234 : vector<16xf32>
          %add3A_236 = arith.addf %add3A_228, %mul3A_235 : vector<16xf32>
          %get3A_237 = arith.index_cast %add3A_213 : i32 to index
          %get3A_238 = arith.constant 48 : index
          %get3A_239 = tpu.vector_load %arg11[%get3A_237, %get3A_238] {strides = array<i32>} : memref<128x128xf32, #tpu.memory_space<vmem>>, vector<16xf32>,
          %get3A_240 = arith.index_cast %add3A_213 : i32 to index
          %get3A_241 = arith.constant 48 : index
          %get3A_242 = tpu.vector_load %arg13[%get3A_240, %get3A_241] {strides = array<i32>} : memref<128x128xf32, #tpu.memory_space<vmem>>, vector<16xf32>,
          %mul3A_243 = arith.mulf %get3A_239, %get3A_242 : vector<16xf32>
          %add3A_244 = arith.addf %add3A_236, %mul3A_243 : vector<16xf32>
          %get3A_245 = arith.index_cast %add3A_213 : i32 to index
          %get3A_246 = arith.constant 64 : index
          %get3A_247 = tpu.vector_load %arg11[%get3A_245, %get3A_246] {strides = array<i32>} : memref<128x128xf32, #tpu.memory_space<vmem>>, vector<16xf32>,
          %get3A_248 = arith.index_cast %add3A_213 : i32 to index
          %get3A_249 = arith.constant 64 : index
          %get3A_250 = tpu.vector_load %arg13[%get3A_248, %get3A_249] {strides = array<i32>} : memref<128x128xf32, #tpu.memory_space<vmem>>, vector<16xf32>,
          %mul3A_251 = arith.mulf %get3A_247, %get3A_250 : vector<16xf32>
          %add3A_252 = arith.addf %add3A_244, %mul3A_251 : vector<16xf32>
          %get3A_253 = arith.index_cast %add3A_213 : i32 to index
          %get3A_254 = arith.constant 80 : index
          %get3A_255 = tpu.vector_load %arg11[%get3A_253, %get3A_254] {strides = array<i32>} : memref<128x128xf32, #tpu.memory_space<vmem>>, vector<16xf32>,
          %get3A_256 = arith.index_cast %add3A_213 : i32 to index
          %get3A_257 = arith.constant 80 : index
          %get3A_258 = tpu.vector_load %arg13[%get3A_256, %get3A_257] {strides = array<i32>} : memref<128x128xf32, #tpu.memory_space<vmem>>, vector<16xf32>,
          %mul3A_259 = arith.mulf %get3A_255, %get3A_258 : vector<16xf32>
          %add3A_260 = arith.addf %add3A_252, %mul3A_259 : vector<16xf32>
          %get3A_261 = arith.index_cast %add3A_213 : i32 to index
          %get3A_262 = arith.constant 96 : index
          %get3A_263 = tpu.vector_load %arg11[%get3A_261, %get3A_262] {strides = array<i32>} : memref<128x128xf32, #tpu.memory_space<vmem>>, vector<16xf32>,
          %get3A_264 = arith.index_cast %add3A_213 : i32 to index
          %get3A_265 = arith.constant 96 : index
          %get3A_266 = tpu.vector_load %arg13[%get3A_264, %get3A_265] {strides = array<i32>} : memref<128x128xf32, #tpu.memory_space<vmem>>, vector<16xf32>,
          %mul3A_267 = arith.mulf %get3A_263, %get3A_266 : vector<16xf32>
          %add3A_268 = arith.addf %add3A_260, %mul3A_267 : vector<16xf32>
          %get3A_269 = arith.index_cast %add3A_213 : i32 to index
          %get3A_270 = arith.constant 112 : index
          %get3A_271 = tpu.vector_load %arg11[%get3A_269, %get3A_270] {strides = array<i32>} : memref<128x128xf32, #tpu.memory_space<vmem>>, vector<16xf32>,
          %get3A_272 = arith.index_cast %add3A_213 : i32 to index
          %get3A_273 = arith.constant 112 : index
          %get3A_274 = tpu.vector_load %arg13[%get3A_272, %get3A_273] {strides = array<i32>} : memref<128x128xf32, #tpu.memory_space<vmem>>, vector<16xf32>,
          %mul3A_275 = arith.mulf %get3A_271, %get3A_274 : vector<16xf32>
          %add3A_276 = arith.addf %add3A_268, %mul3A_275 : vector<16xf32>
          %reduce_sum3A_277 = arith.constant true
          %reduce_sum3A_278 = vector.broadcast %reduce_sum3A_277 : i1 to vector<16xi1>
          %reduce_sum3A_279 = tpu.scan <sum>, %add3A_276 masked %reduce_sum3A_278 : vector<16xf32>, vector<16xi1> -> vector<16xf32>
          %reduce_sum3A_280 = vector.extract %reduce_sum3A_279[15] : f32 from vector<16xf32>
          %eq3A_281 = arith.constant 2 : i32
          %eq3A_282 = vector.broadcast %eq3A_281 : i32 to vector<16xi32>
          %eq3A_283 = arith.cmpi eq, %iota3A, %eq3A_282 : vector<16xi32>
          %broadcast_in_dim3A_284 = vector.broadcast %reduce_sum3A_280 : f32 to vector<16xf32>
          %select_n3A_285 = arith.select %eq3A_283, %broadcast_in_dim3A_284, %select_n3A_211 : vector<16xi1>, vector<16xf32>
          %add3A_286 = arith.constant 3 : i32
          %add3A_287 = arith.addi %mul3A_66, %add3A_286 : i32
          %get3A_288 = arith.index_cast %add3A_287 : i32 to index
          %get3A_289 = arith.constant 0 : index
          %get3A_290 = tpu.vector_load %arg11[%get3A_288, %get3A_289] {strides = array<i32>} : memref<128x128xf32, #tpu.memory_space<vmem>>, vector<16xf32>,
          %get3A_291 = arith.index_cast %add3A_287 : i32 to index
          %get3A_292 = arith.constant 0 : index
          %get3A_293 = tpu.vector_load %arg13[%get3A_291, %get3A_292] {strides = array<i32>} : memref<128x128xf32, #tpu.memory_space<vmem>>, vector<16xf32>,
          %mul3A_294 = arith.mulf %get3A_290, %get3A_293 : vector<16xf32>
          %get3A_295 = arith.index_cast %add3A_287 : i32 to index
          %get3A_296 = arith.constant 16 : index
          %get3A_297 = tpu.vector_load %arg11[%get3A_295, %get3A_296] {strides = array<i32>} : memref<128x128xf32, #tpu.memory_space<vmem>>, vector<16xf32>,
          %get3A_298 = arith.index_cast %add3A_287 : i32 to index
          %get3A_299 = arith.constant 16 : index
          %get3A_300 = tpu.vector_load %arg13[%get3A_298, %get3A_299] {strides = array<i32>} : memref<128x128xf32, #tpu.memory_space<vmem>>, vector<16xf32>,
          %mul3A_301 = arith.mulf %get3A_297, %get3A_300 : vector<16xf32>
          %add3A_302 = arith.addf %mul3A_294, %mul3A_301 : vector<16xf32>
          %get3A_303 = arith.index_cast %add3A_287 : i32 to index
          %get3A_304 = arith.constant 32 : index
          %get3A_305 = tpu.vector_load %arg11[%get3A_303, %get3A_304] {strides = array<i32>} : memref<128x128xf32, #tpu.memory_space<vmem>>, vector<16xf32>,
          %get3A_306 = arith.index_cast %add3A_287 : i32 to index
          %get3A_307 = arith.constant 32 : index
          %get3A_308 = tpu.vector_load %arg13[%get3A_306, %get3A_307] {strides = array<i32>} : memref<128x128xf32, #tpu.memory_space<vmem>>, vector<16xf32>,
          %mul3A_309 = arith.mulf %get3A_305, %get3A_308 : vector<16xf32>
          %add3A_310 = arith.addf %add3A_302, %mul3A_309 : vector<16xf32>
          %get3A_311 = arith.index_cast %add3A_287 : i32 to index
          %get3A_312 = arith.constant 48 : index
          %get3A_313 = tpu.vector_load %arg11[%get3A_311, %get3A_312] {strides = array<i32>} : memref<128x128xf32, #tpu.memory_space<vmem>>, vector<16xf32>,
          %get3A_314 = arith.index_cast %add3A_287 : i32 to index
          %get3A_315 = arith.constant 48 : index
          %get3A_316 = tpu.vector_load %arg13[%get3A_314, %get3A_315] {strides = array<i32>} : memref<128x128xf32, #tpu.memory_space<vmem>>, vector<16xf32>,
          %mul3A_317 = arith.mulf %get3A_313, %get3A_316 : vector<16xf32>
          %add3A_318 = arith.addf %add3A_310, %mul3A_317 : vector<16xf32>
          %get3A_319 = arith.index_cast %add3A_287 : i32 to index
          %get3A_320 = arith.constant 64 : index
          %get3A_321 = tpu.vector_load %arg11[%get3A_319, %get3A_320] {strides = array<i32>} : memref<128x128xf32, #tpu.memory_space<vmem>>, vector<16xf32>,
          %get3A_322 = arith.index_cast %add3A_287 : i32 to index
          %get3A_323 = arith.constant 64 : index
          %get3A_324 = tpu.vector_load %arg13[%get3A_322, %get3A_323] {strides = array<i32>} : memref<128x128xf32, #tpu.memory_space<vmem>>, vector<16xf32>,
          %mul3A_325 = arith.mulf %get3A_321, %get3A_324 : vector<16xf32>
          %add3A_326 = arith.addf %add3A_318, %mul3A_325 : vector<16xf32>
          %get3A_327 = arith.index_cast %add3A_287 : i32 to index
          %get3A_328 = arith.constant 80 : index
          %get3A_329 = tpu.vector_load %arg11[%get3A_327, %get3A_328] {strides = array<i32>} : memref<128x128xf32, #tpu.memory_space<vmem>>, vector<16xf32>,
          %get3A_330 = arith.index_cast %add3A_287 : i32 to index
          %get3A_331 = arith.constant 80 : index
          %get3A_332 = tpu.vector_load %arg13[%get3A_330, %get3A_331] {strides = array<i32>} : memref<128x128xf32, #tpu.memory_space<vmem>>, vector<16xf32>,
          %mul3A_333 = arith.mulf %get3A_329, %get3A_332 : vector<16xf32>
          %add3A_334 = arith.addf %add3A_326, %mul3A_333 : vector<16xf32>
          %get3A_335 = arith.index_cast %add3A_287 : i32 to index
          %get3A_336 = arith.constant 96 : index
          %get3A_337 = tpu.vector_load %arg11[%get3A_335, %get3A_336] {strides = array<i32>} : memref<128x128xf32, #tpu.memory_space<vmem>>, vector<16xf32>,
          %get3A_338 = arith.index_cast %add3A_287 : i32 to index
          %get3A_339 = arith.constant 96 : index
          %get3A_340 = tpu.vector_load %arg13[%get3A_338, %get3A_339] {strides = array<i32>} : memref<128x128xf32, #tpu.memory_space<vmem>>, vector<16xf32>,
          %mul3A_341 = arith.mulf %get3A_337, %get3A_340 : vector<16xf32>
          %add3A_342 = arith.addf %add3A_334, %mul3A_341 : vector<16xf32>
          %get3A_343 = arith.index_cast %add3A_287 : i32 to index
          %get3A_344 = arith.constant 112 : index
          %get3A_345 = tpu.vector_load %arg11[%get3A_343, %get3A_344] {strides = array<i32>} : memref<128x128xf32, #tpu.memory_space<vmem>>, vector<16xf32>,
          %get3A_346 = arith.index_cast %add3A_287 : i32 to index
          %get3A_347 = arith.constant 112 : index
          %get3A_348 = tpu.vector_load %arg13[%get3A_346, %get3A_347] {strides = array<i32>} : memref<128x128xf32, #tpu.memory_space<vmem>>, vector<16xf32>,
          %mul3A_349 = arith.mulf %get3A_345, %get3A_348 : vector<16xf32>
          %add3A_350 = arith.addf %add3A_342, %mul3A_349 : vector<16xf32>
          %reduce_sum3A_351 = arith.constant true
          %reduce_sum3A_352 = vector.broadcast %reduce_sum3A_351 : i1 to vector<16xi1>
          %reduce_sum3A_353 = tpu.scan <sum>, %add3A_350 masked %reduce_sum3A_352 : vector<16xf32>, vector<16xi1> -> vector<16xf32>
          %reduce_sum3A_354 = vector.extract %reduce_sum3A_353[15] : f32 from vector<16xf32>
          %eq3A_355 = arith.constant 3 : i32
          %eq3A_356 = vector.broadcast %eq3A_355 : i32 to vector<16xi32>
          %eq3A_357 = arith.cmpi eq, %iota3A, %eq3A_356 : vector<16xi32>
          %broadcast_in_dim3A_358 = vector.broadcast %reduce_sum3A_354 : f32 to vector<16xf32>
          %select_n3A_359 = arith.select %eq3A_357, %broadcast_in_dim3A_358, %select_n3A_285 : vector<16xi1>, vector<16xf32>
          %add3A_360 = arith.constant 4 : i32
          %add3A_361 = arith.addi %mul3A_66, %add3A_360 : i32
          %get3A_362 = arith.index_cast %add3A_361 : i32 to index
          %get3A_363 = arith.constant 0 : index
          %get3A_364 = tpu.vector_load %arg11[%get3A_362, %get3A_363] {strides = array<i32>} : memref<128x128xf32, #tpu.memory_space<vmem>>, vector<16xf32>,
          %get3A_365 = arith.index_cast %add3A_361 : i32 to index
          %get3A_366 = arith.constant 0 : index
          %get3A_367 = tpu.vector_load %arg13[%get3A_365, %get3A_366] {strides = array<i32>} : memref<128x128xf32, #tpu.memory_space<vmem>>, vector<16xf32>,
          %mul3A_368 = arith.mulf %get3A_364, %get3A_367 : vector<16xf32>
          %get3A_369 = arith.index_cast %add3A_361 : i32 to index
          %get3A_370 = arith.constant 16 : index
          %get3A_371 = tpu.vector_load %arg11[%get3A_369, %get3A_370] {strides = array<i32>} : memref<128x128xf32, #tpu.memory_space<vmem>>, vector<16xf32>,
          %get3A_372 = arith.index_cast %add3A_361 : i32 to index
          %get3A_373 = arith.constant 16 : index
          %get3A_374 = tpu.vector_load %arg13[%get3A_372, %get3A_373] {strides = array<i32>} : memref<128x128xf32, #tpu.memory_space<vmem>>, vector<16xf32>,
          %mul3A_375 = arith.mulf %get3A_371, %get3A_374 : vector<16xf32>
          %add3A_376 = arith.addf %mul3A_368, %mul3A_375 : vector<16xf32>
          %get3A_377 = arith.index_cast %add3A_361 : i32 to index
          %get3A_378 = arith.constant 32 : index
          %get3A_379 = tpu.vector_load %arg11[%get3A_377, %get3A_378] {strides = array<i32>} : memref<128x128xf32, #tpu.memory_space<vmem>>, vector<16xf32>,
          %get3A_380 = arith.index_cast %add3A_361 : i32 to index
          %get3A_381 = arith.constant 32 : index
          %get3A_382 = tpu.vector_load %arg13[%get3A_380, %get3A_381] {strides = array<i32>} : memref<128x128xf32, #tpu.memory_space<vmem>>, vector<16xf32>,
          %mul3A_383 = arith.mulf %get3A_379, %get3A_382 : vector<16xf32>
          %add3A_384 = arith.addf %add3A_376, %mul3A_383 : vector<16xf32>
          %get3A_385 = arith.index_cast %add3A_361 : i32 to index
          %get3A_386 = arith.constant 48 : index
          %get3A_387 = tpu.vector_load %arg11[%get3A_385, %get3A_386] {strides = array<i32>} : memref<128x128xf32, #tpu.memory_space<vmem>>, vector<16xf32>,
          %get3A_388 = arith.index_cast %add3A_361 : i32 to index
          %get3A_389 = arith.constant 48 : index
          %get3A_390 = tpu.vector_load %arg13[%get3A_388, %get3A_389] {strides = array<i32>} : memref<128x128xf32, #tpu.memory_space<vmem>>, vector<16xf32>,
          %mul3A_391 = arith.mulf %get3A_387, %get3A_390 : vector<16xf32>
          %add3A_392 = arith.addf %add3A_384, %mul3A_391 : vector<16xf32>
          %get3A_393 = arith.index_cast %add3A_361 : i32 to index
          %get3A_394 = arith.constant 64 : index
          %get3A_395 = tpu.vector_load %arg11[%get3A_393, %get3A_394] {strides = array<i32>} : memref<128x128xf32, #tpu.memory_space<vmem>>, vector<16xf32>,
          %get3A_396 = arith.index_cast %add3A_361 : i32 to index
          %get3A_397 = arith.constant 64 : index
          %get3A_398 = tpu.vector_load %arg13[%get3A_396, %get3A_397] {strides = array<i32>} : memref<128x128xf32, #tpu.memory_space<vmem>>, vector<16xf32>,
          %mul3A_399 = arith.mulf %get3A_395, %get3A_398 : vector<16xf32>
          %add3A_400 = arith.addf %add3A_392, %mul3A_399 : vector<16xf32>
          %get3A_401 = arith.index_cast %add3A_361 : i32 to index
          %get3A_402 = arith.constant 80 : index
          %get3A_403 = tpu.vector_load %arg11[%get3A_401, %get3A_402] {strides = array<i32>} : memref<128x128xf32, #tpu.memory_space<vmem>>, vector<16xf32>,
          %get3A_404 = arith.index_cast %add3A_361 : i32 to index
          %get3A_405 = arith.constant 80 : index
          %get3A_406 = tpu.vector_load %arg13[%get3A_404, %get3A_405] {strides = array<i32>} : memref<128x128xf32, #tpu.memory_space<vmem>>, vector<16xf32>,
          %mul3A_407 = arith.mulf %get3A_403, %get3A_406 : vector<16xf32>
          %add3A_408 = arith.addf %add3A_400, %mul3A_407 : vector<16xf32>
          %get3A_409 = arith.index_cast %add3A_361 : i32 to index
          %get3A_410 = arith.constant 96 : index
          %get3A_411 = tpu.vector_load %arg11[%get3A_409, %get3A_410] {strides = array<i32>} : memref<128x128xf32, #tpu.memory_space<vmem>>, vector<16xf32>,
          %get3A_412 = arith.index_cast %add3A_361 : i32 to index
          %get3A_413 = arith.constant 96 : index
          %get3A_414 = tpu.vector_load %arg13[%get3A_412, %get3A_413] {strides = array<i32>} : memref<128x128xf32, #tpu.memory_space<vmem>>, vector<16xf32>,
          %mul3A_415 = arith.mulf %get3A_411, %get3A_414 : vector<16xf32>
          %add3A_416 = arith.addf %add3A_408, %mul3A_415 : vector<16xf32>
          %get3A_417 = arith.index_cast %add3A_361 : i32 to index
          %get3A_418 = arith.constant 112 : index
          %get3A_419 = tpu.vector_load %arg11[%get3A_417, %get3A_418] {strides = array<i32>} : memref<128x128xf32, #tpu.memory_space<vmem>>, vector<16xf32>,
          %get3A_420 = arith.index_cast %add3A_361 : i32 to index
          %get3A_421 = arith.constant 112 : index
          %get3A_422 = tpu.vector_load %arg13[%get3A_420, %get3A_421] {strides = array<i32>} : memref<128x128xf32, #tpu.memory_space<vmem>>, vector<16xf32>,
          %mul3A_423 = arith.mulf %get3A_419, %get3A_422 : vector<16xf32>
          %add3A_424 = arith.addf %add3A_416, %mul3A_423 : vector<16xf32>
          %reduce_sum3A_425 = arith.constant true
          %reduce_sum3A_426 = vector.broadcast %reduce_sum3A_425 : i1 to vector<16xi1>
          %reduce_sum3A_427 = tpu.scan <sum>, %add3A_424 masked %reduce_sum3A_426 : vector<16xf32>, vector<16xi1> -> vector<16xf32>
          %reduce_sum3A_428 = vector.extract %reduce_sum3A_427[15] : f32 from vector<16xf32>
          %eq3A_429 = arith.constant 4 : i32
          %eq3A_430 = vector.broadcast %eq3A_429 : i32 to vector<16xi32>
          %eq3A_431 = arith.cmpi eq, %iota3A, %eq3A_430 : vector<16xi32>
          %broadcast_in_dim3A_432 = vector.broadcast %reduce_sum3A_428 : f32 to vector<16xf32>
          %select_n3A_433 = arith.select %eq3A_431, %broadcast_in_dim3A_432, %select_n3A_359 : vector<16xi1>, vector<16xf32>
          %add3A_434 = arith.constant 5 : i32
          %add3A_435 = arith.addi %mul3A_66, %add3A_434 : i32
          %get3A_436 = arith.index_cast %add3A_435 : i32 to index
          %get3A_437 = arith.constant 0 : index
          %get3A_438 = tpu.vector_load %arg11[%get3A_436, %get3A_437] {strides = array<i32>} : memref<128x128xf32, #tpu.memory_space<vmem>>, vector<16xf32>,
          %get3A_439 = arith.index_cast %add3A_435 : i32 to index
          %get3A_440 = arith.constant 0 : index
          %get3A_441 = tpu.vector_load %arg13[%get3A_439, %get3A_440] {strides = array<i32>} : memref<128x128xf32, #tpu.memory_space<vmem>>, vector<16xf32>,
          %mul3A_442 = arith.mulf %get3A_438, %get3A_441 : vector<16xf32>
          %get3A_443 = arith.index_cast %add3A_435 : i32 to index
          %get3A_444 = arith.constant 16 : index
          %get3A_445 = tpu.vector_load %arg11[%get3A_443, %get3A_444] {strides = array<i32>} : memref<128x128xf32, #tpu.memory_space<vmem>>, vector<16xf32>,
          %get3A_446 = arith.index_cast %add3A_435 : i32 to index
          %get3A_447 = arith.constant 16 : index
          %get3A_448 = tpu.vector_load %arg13[%get3A_446, %get3A_447] {strides = array<i32>} : memref<128x128xf32, #tpu.memory_space<vmem>>, vector<16xf32>,
          %mul3A_449 = arith.mulf %get3A_445, %get3A_448 : vector<16xf32>
          %add3A_450 = arith.addf %mul3A_442, %mul3A_449 : vector<16xf32>
          %get3A_451 = arith.index_cast %add3A_435 : i32 to index
          %get3A_452 = arith.constant 32 : index
          %get3A_453 = tpu.vector_load %arg11[%get3A_451, %get3A_452] {strides = array<i32>} : memref<128x128xf32, #tpu.memory_space<vmem>>, vector<16xf32>,
          %get3A_454 = arith.index_cast %add3A_435 : i32 to index
          %get3A_455 = arith.constant 32 : index
          %get3A_456 = tpu.vector_load %arg13[%get3A_454, %get3A_455] {strides = array<i32>} : memref<128x128xf32, #tpu.memory_space<vmem>>, vector<16xf32>,
          %mul3A_457 = arith.mulf %get3A_453, %get3A_456 : vector<16xf32>
          %add3A_458 = arith.addf %add3A_450, %mul3A_457 : vector<16xf32>
          %get3A_459 = arith.index_cast %add3A_435 : i32 to index
          %get3A_460 = arith.constant 48 : index
          %get3A_461 = tpu.vector_load %arg11[%get3A_459, %get3A_460] {strides = array<i32>} : memref<128x128xf32, #tpu.memory_space<vmem>>, vector<16xf32>,
          %get3A_462 = arith.index_cast %add3A_435 : i32 to index
          %get3A_463 = arith.constant 48 : index
          %get3A_464 = tpu.vector_load %arg13[%get3A_462, %get3A_463] {strides = array<i32>} : memref<128x128xf32, #tpu.memory_space<vmem>>, vector<16xf32>,
          %mul3A_465 = arith.mulf %get3A_461, %get3A_464 : vector<16xf32>
          %add3A_466 = arith.addf %add3A_458, %mul3A_465 : vector<16xf32>
          %get3A_467 = arith.index_cast %add3A_435 : i32 to index
          %get3A_468 = arith.constant 64 : index
          %get3A_469 = tpu.vector_load %arg11[%get3A_467, %get3A_468] {strides = array<i32>} : memref<128x128xf32, #tpu.memory_space<vmem>>, vector<16xf32>,
          %get3A_470 = arith.index_cast %add3A_435 : i32 to index
          %get3A_471 = arith.constant 64 : index
          %get3A_472 = tpu.vector_load %arg13[%get3A_470, %get3A_471] {strides = array<i32>} : memref<128x128xf32, #tpu.memory_space<vmem>>, vector<16xf32>,
          %mul3A_473 = arith.mulf %get3A_469, %get3A_472 : vector<16xf32>
          %add3A_474 = arith.addf %add3A_466, %mul3A_473 : vector<16xf32>
          %get3A_475 = arith.index_cast %add3A_435 : i32 to index
          %get3A_476 = arith.constant 80 : index
          %get3A_477 = tpu.vector_load %arg11[%get3A_475, %get3A_476] {strides = array<i32>} : memref<128x128xf32, #tpu.memory_space<vmem>>, vector<16xf32>,
          %get3A_478 = arith.index_cast %add3A_435 : i32 to index
          %get3A_479 = arith.constant 80 : index
          %get3A_480 = tpu.vector_load %arg13[%get3A_478, %get3A_479] {strides = array<i32>} : memref<128x128xf32, #tpu.memory_space<vmem>>, vector<16xf32>,
          %mul3A_481 = arith.mulf %get3A_477, %get3A_480 : vector<16xf32>
          %add3A_482 = arith.addf %add3A_474, %mul3A_481 : vector<16xf32>
          %get3A_483 = arith.index_cast %add3A_435 : i32 to index
          %get3A_484 = arith.constant 96 : index
          %get3A_485 = tpu.vector_load %arg11[%get3A_483, %get3A_484] {strides = array<i32>} : memref<128x128xf32, #tpu.memory_space<vmem>>, vector<16xf32>,
          %get3A_486 = arith.index_cast %add3A_435 : i32 to index
          %get3A_487 = arith.constant 96 : index
          %get3A_488 = tpu.vector_load %arg13[%get3A_486, %get3A_487] {strides = array<i32>} : memref<128x128xf32, #tpu.memory_space<vmem>>, vector<16xf32>,
          %mul3A_489 = arith.mulf %get3A_485, %get3A_488 : vector<16xf32>
          %add3A_490 = arith.addf %add3A_482, %mul3A_489 : vector<16xf32>
          %get3A_491 = arith.index_cast %add3A_435 : i32 to index
          %get3A_492 = arith.constant 112 : index
          %get3A_493 = tpu.vector_load %arg11[%get3A_491, %get3A_492] {strides = array<i32>} : memref<128x128xf32, #tpu.memory_space<vmem>>, vector<16xf32>,
          %get3A_494 = arith.index_cast %add3A_435 : i32 to index
          %get3A_495 = arith.constant 112 : index
          %get3A_496 = tpu.vector_load %arg13[%get3A_494, %get3A_495] {strides = array<i32>} : memref<128x128xf32, #tpu.memory_space<vmem>>, vector<16xf32>,
          %mul3A_497 = arith.mulf %get3A_493, %get3A_496 : vector<16xf32>
          %add3A_498 = arith.addf %add3A_490, %mul3A_497 : vector<16xf32>
          %reduce_sum3A_499 = arith.constant true
          %reduce_sum3A_500 = vector.broadcast %reduce_sum3A_499 : i1 to vector<16xi1>
          %reduce_sum3A_501 = tpu.scan <sum>, %add3A_498 masked %reduce_sum3A_500 : vector<16xf32>, vector<16xi1> -> vector<16xf32>
          %reduce_sum3A_502 = vector.extract %reduce_sum3A_501[15] : f32 from vector<16xf32>
          %eq3A_503 = arith.constant 5 : i32
          %eq3A_504 = vector.broadcast %eq3A_503 : i32 to vector<16xi32>
          %eq3A_505 = arith.cmpi eq, %iota3A, %eq3A_504 : vector<16xi32>
          %broadcast_in_dim3A_506 = vector.broadcast %reduce_sum3A_502 : f32 to vector<16xf32>
          %select_n3A_507 = arith.select %eq3A_505, %broadcast_in_dim3A_506, %select_n3A_433 : vector<16xi1>, vector<16xf32>
          %add3A_508 = arith.constant 6 : i32
          %add3A_509 = arith.addi %mul3A_66, %add3A_508 : i32
          %get3A_510 = arith.index_cast %add3A_509 : i32 to index
          %get3A_511 = arith.constant 0 : index
          %get3A_512 = tpu.vector_load %arg11[%get3A_510, %get3A_511] {strides = array<i32>} : memref<128x128xf32, #tpu.memory_space<vmem>>, vector<16xf32>,
          %get3A_513 = arith.index_cast %add3A_509 : i32 to index
          %get3A_514 = arith.constant 0 : index
          %get3A_515 = tpu.vector_load %arg13[%get3A_513, %get3A_514] {strides = array<i32>} : memref<128x128xf32, #tpu.memory_space<vmem>>, vector<16xf32>,
          %mul3A_516 = arith.mulf %get3A_512, %get3A_515 : vector<16xf32>
          %get3A_517 = arith.index_cast %add3A_509 : i32 to index
          %get3A_518 = arith.constant 16 : index
          %get3A_519 = tpu.vector_load %arg11[%get3A_517, %get3A_518] {strides = array<i32>} : memref<128x128xf32, #tpu.memory_space<vmem>>, vector<16xf32>,
          %get3A_520 = arith.index_cast %add3A_509 : i32 to index
          %get3A_521 = arith.constant 16 : index
          %get3A_522 = tpu.vector_load %arg13[%get3A_520, %get3A_521] {strides = array<i32>} : memref<128x128xf32, #tpu.memory_space<vmem>>, vector<16xf32>,
          %mul3A_523 = arith.mulf %get3A_519, %get3A_522 : vector<16xf32>
          %add3A_524 = arith.addf %mul3A_516, %mul3A_523 : vector<16xf32>
          %get3A_525 = arith.index_cast %add3A_509 : i32 to index
          %get3A_526 = arith.constant 32 : index
          %get3A_527 = tpu.vector_load %arg11[%get3A_525, %get3A_526] {strides = array<i32>} : memref<128x128xf32, #tpu.memory_space<vmem>>, vector<16xf32>,
          %get3A_528 = arith.index_cast %add3A_509 : i32 to index
          %get3A_529 = arith.constant 32 : index
          %get3A_530 = tpu.vector_load %arg13[%get3A_528, %get3A_529] {strides = array<i32>} : memref<128x128xf32, #tpu.memory_space<vmem>>, vector<16xf32>,
          %mul3A_531 = arith.mulf %get3A_527, %get3A_530 : vector<16xf32>
          %add3A_532 = arith.addf %add3A_524, %mul3A_531 : vector<16xf32>
          %get3A_533 = arith.index_cast %add3A_509 : i32 to index
          %get3A_534 = arith.constant 48 : index
          %get3A_535 = tpu.vector_load %arg11[%get3A_533, %get3A_534] {strides = array<i32>} : memref<128x128xf32, #tpu.memory_space<vmem>>, vector<16xf32>,
          %get3A_536 = arith.index_cast %add3A_509 : i32 to index
          %get3A_537 = arith.constant 48 : index
          %get3A_538 = tpu.vector_load %arg13[%get3A_536, %get3A_537] {strides = array<i32>} : memref<128x128xf32, #tpu.memory_space<vmem>>, vector<16xf32>,
          %mul3A_539 = arith.mulf %get3A_535, %get3A_538 : vector<16xf32>
          %add3A_540 = arith.addf %add3A_532, %mul3A_539 : vector<16xf32>
          %get3A_541 = arith.index_cast %add3A_509 : i32 to index
          %get3A_542 = arith.constant 64 : index
          %get3A_543 = tpu.vector_load %arg11[%get3A_541, %get3A_542] {strides = array<i32>} : memref<128x128xf32, #tpu.memory_space<vmem>>, vector<16xf32>,
          %get3A_544 = arith.index_cast %add3A_509 : i32 to index
          %get3A_545 = arith.constant 64 : index
          %get3A_546 = tpu.vector_load %arg13[%get3A_544, %get3A_545] {strides = array<i32>} : memref<128x128xf32, #tpu.memory_space<vmem>>, vector<16xf32>,
          %mul3A_547 = arith.mulf %get3A_543, %get3A_546 : vector<16xf32>
          %add3A_548 = arith.addf %add3A_540, %mul3A_547 : vector<16xf32>
          %get3A_549 = arith.index_cast %add3A_509 : i32 to index
          %get3A_550 = arith.constant 80 : index
          %get3A_551 = tpu.vector_load %arg11[%get3A_549, %get3A_550] {strides = array<i32>} : memref<128x128xf32, #tpu.memory_space<vmem>>, vector<16xf32>,
          %get3A_552 = arith.index_cast %add3A_509 : i32 to index
          %get3A_553 = arith.constant 80 : index
          %get3A_554 = tpu.vector_load %arg13[%get3A_552, %get3A_553] {strides = array<i32>} : memref<128x128xf32, #tpu.memory_space<vmem>>, vector<16xf32>,
          %mul3A_555 = arith.mulf %get3A_551, %get3A_554 : vector<16xf32>
          %add3A_556 = arith.addf %add3A_548, %mul3A_555 : vector<16xf32>
          %get3A_557 = arith.index_cast %add3A_509 : i32 to index
          %get3A_558 = arith.constant 96 : index
          %get3A_559 = tpu.vector_load %arg11[%get3A_557, %get3A_558] {strides = array<i32>} : memref<128x128xf32, #tpu.memory_space<vmem>>, vector<16xf32>,
          %get3A_560 = arith.index_cast %add3A_509 : i32 to index
          %get3A_561 = arith.constant 96 : index
          %get3A_562 = tpu.vector_load %arg13[%get3A_560, %get3A_561] {strides = array<i32>} : memref<128x128xf32, #tpu.memory_space<vmem>>, vector<16xf32>,
          %mul3A_563 = arith.mulf %get3A_559, %get3A_562 : vector<16xf32>
          %add3A_564 = arith.addf %add3A_556, %mul3A_563 : vector<16xf32>
          %get3A_565 = arith.index_cast %add3A_509 : i32 to index
          %get3A_566 = arith.constant 112 : index
          %get3A_567 = tpu.vector_load %arg11[%get3A_565, %get3A_566] {strides = array<i32>} : memref<128x128xf32, #tpu.memory_space<vmem>>, vector<16xf32>,
          %get3A_568 = arith.index_cast %add3A_509 : i32 to index
          %get3A_569 = arith.constant 112 : index
          %get3A_570 = tpu.vector_load %arg13[%get3A_568, %get3A_569] {strides = array<i32>} : memref<128x128xf32, #tpu.memory_space<vmem>>, vector<16xf32>,
          %mul3A_571 = arith.mulf %get3A_567, %get3A_570 : vector<16xf32>
          %add3A_572 = arith.addf %add3A_564, %mul3A_571 : vector<16xf32>
          %reduce_sum3A_573 = arith.constant true
          %reduce_sum3A_574 = vector.broadcast %reduce_sum3A_573 : i1 to vector<16xi1>
          %reduce_sum3A_575 = tpu.scan <sum>, %add3A_572 masked %reduce_sum3A_574 : vector<16xf32>, vector<16xi1> -> vector<16xf32>
          %reduce_sum3A_576 = vector.extract %reduce_sum3A_575[15] : f32 from vector<16xf32>
          %eq3A_577 = arith.constant 6 : i32
          %eq3A_578 = vector.broadcast %eq3A_577 : i32 to vector<16xi32>
          %eq3A_579 = arith.cmpi eq, %iota3A, %eq3A_578 : vector<16xi32>
          %broadcast_in_dim3A_580 = vector.broadcast %reduce_sum3A_576 : f32 to vector<16xf32>
          %select_n3A_581 = arith.select %eq3A_579, %broadcast_in_dim3A_580, %select_n3A_507 : vector<16xi1>, vector<16xf32>
          %add3A_582 = arith.constant 7 : i32
          %add3A_583 = arith.addi %mul3A_66, %add3A_582 : i32
          %get3A_584 = arith.index_cast %add3A_583 : i32 to index
          %get3A_585 = arith.constant 0 : index
          %get3A_586 = tpu.vector_load %arg11[%get3A_584, %get3A_585] {strides = array<i32>} : memref<128x128xf32, #tpu.memory_space<vmem>>, vector<16xf32>,
          %get3A_587 = arith.index_cast %add3A_583 : i32 to index
          %get3A_588 = arith.constant 0 : index
          %get3A_589 = tpu.vector_load %arg13[%get3A_587, %get3A_588] {strides = array<i32>} : memref<128x128xf32, #tpu.memory_space<vmem>>, vector<16xf32>,
          %mul3A_590 = arith.mulf %get3A_586, %get3A_589 : vector<16xf32>
          %get3A_591 = arith.index_cast %add3A_583 : i32 to index
          %get3A_592 = arith.constant 16 : index
          %get3A_593 = tpu.vector_load %arg11[%get3A_591, %get3A_592] {strides = array<i32>} : memref<128x128xf32, #tpu.memory_space<vmem>>, vector<16xf32>,
          %get3A_594 = arith.index_cast %add3A_583 : i32 to index
          %get3A_595 = arith.constant 16 : index
          %get3A_596 = tpu.vector_load %arg13[%get3A_594, %get3A_595] {strides = array<i32>} : memref<128x128xf32, #tpu.memory_space<vmem>>, vector<16xf32>,
          %mul3A_597 = arith.mulf %get3A_593, %get3A_596 : vector<16xf32>
          %add3A_598 = arith.addf %mul3A_590, %mul3A_597 : vector<16xf32>
          %get3A_599 = arith.index_cast %add3A_583 : i32 to index
          %get3A_600 = arith.constant 32 : index
          %get3A_601 = tpu.vector_load %arg11[%get3A_599, %get3A_600] {strides = array<i32>} : memref<128x128xf32, #tpu.memory_space<vmem>>, vector<16xf32>,
          %get3A_602 = arith.index_cast %add3A_583 : i32 to index
          %get3A_603 = arith.constant 32 : index
          %get3A_604 = tpu.vector_load %arg13[%get3A_602, %get3A_603] {strides = array<i32>} : memref<128x128xf32, #tpu.memory_space<vmem>>, vector<16xf32>,
          %mul3A_605 = arith.mulf %get3A_601, %get3A_604 : vector<16xf32>
          %add3A_606 = arith.addf %add3A_598, %mul3A_605 : vector<16xf32>
          %get3A_607 = arith.index_cast %add3A_583 : i32 to index
          %get3A_608 = arith.constant 48 : index
          %get3A_609 = tpu.vector_load %arg11[%get3A_607, %get3A_608] {strides = array<i32>} : memref<128x128xf32, #tpu.memory_space<vmem>>, vector<16xf32>,
          %get3A_610 = arith.index_cast %add3A_583 : i32 to index
          %get3A_611 = arith.constant 48 : index
          %get3A_612 = tpu.vector_load %arg13[%get3A_610, %get3A_611] {strides = array<i32>} : memref<128x128xf32, #tpu.memory_space<vmem>>, vector<16xf32>,
          %mul3A_613 = arith.mulf %get3A_609, %get3A_612 : vector<16xf32>
          %add3A_614 = arith.addf %add3A_606, %mul3A_613 : vector<16xf32>
          %get3A_615 = arith.index_cast %add3A_583 : i32 to index
          %get3A_616 = arith.constant 64 : index
          %get3A_617 = tpu.vector_load %arg11[%get3A_615, %get3A_616] {strides = array<i32>} : memref<128x128xf32, #tpu.memory_space<vmem>>, vector<16xf32>,
          %get3A_618 = arith.index_cast %add3A_583 : i32 to index
          %get3A_619 = arith.constant 64 : index
          %get3A_620 = tpu.vector_load %arg13[%get3A_618, %get3A_619] {strides = array<i32>} : memref<128x128xf32, #tpu.memory_space<vmem>>, vector<16xf32>,
          %mul3A_621 = arith.mulf %get3A_617, %get3A_620 : vector<16xf32>
          %add3A_622 = arith.addf %add3A_614, %mul3A_621 : vector<16xf32>
          %get3A_623 = arith.index_cast %add3A_583 : i32 to index
          %get3A_624 = arith.constant 80 : index
          %get3A_625 = tpu.vector_load %arg11[%get3A_623, %get3A_624] {strides = array<i32>} : memref<128x128xf32, #tpu.memory_space<vmem>>, vector<16xf32>,
          %get3A_626 = arith.index_cast %add3A_583 : i32 to index
          %get3A_627 = arith.constant 80 : index
          %get3A_628 = tpu.vector_load %arg13[%get3A_626, %get3A_627] {strides = array<i32>} : memref<128x128xf32, #tpu.memory_space<vmem>>, vector<16xf32>,
          %mul3A_629 = arith.mulf %get3A_625, %get3A_628 : vector<16xf32>
          %add3A_630 = arith.addf %add3A_622, %mul3A_629 : vector<16xf32>
          %get3A_631 = arith.index_cast %add3A_583 : i32 to index
          %get3A_632 = arith.constant 96 : index
          %get3A_633 = tpu.vector_load %arg11[%get3A_631, %get3A_632] {strides = array<i32>} : memref<128x128xf32, #tpu.memory_space<vmem>>, vector<16xf32>,
          %get3A_634 = arith.index_cast %add3A_583 : i32 to index
          %get3A_635 = arith.constant 96 : index
          %get3A_636 = tpu.vector_load %arg13[%get3A_634, %get3A_635] {strides = array<i32>} : memref<128x128xf32, #tpu.memory_space<vmem>>, vector<16xf32>,
          %mul3A_637 = arith.mulf %get3A_633, %get3A_636 : vector<16xf32>
          %add3A_638 = arith.addf %add3A_630, %mul3A_637 : vector<16xf32>
          %get3A_639 = arith.index_cast %add3A_583 : i32 to index
          %get3A_640 = arith.constant 112 : index
          %get3A_641 = tpu.vector_load %arg11[%get3A_639, %get3A_640] {strides = array<i32>} : memref<128x128xf32, #tpu.memory_space<vmem>>, vector<16xf32>,
          %get3A_642 = arith.index_cast %add3A_583 : i32 to index
          %get3A_643 = arith.constant 112 : index
          %get3A_644 = tpu.vector_load %arg13[%get3A_642, %get3A_643] {strides = array<i32>} : memref<128x128xf32, #tpu.memory_space<vmem>>, vector<16xf32>,
          %mul3A_645 = arith.mulf %get3A_641, %get3A_644 : vector<16xf32>
          %add3A_646 = arith.addf %add3A_638, %mul3A_645 : vector<16xf32>
          %reduce_sum3A_647 = arith.constant true
          %reduce_sum3A_648 = vector.broadcast %reduce_sum3A_647 : i1 to vector<16xi1>
          %reduce_sum3A_649 = tpu.scan <sum>, %add3A_646 masked %reduce_sum3A_648 : vector<16xf32>, vector<16xi1> -> vector<16xf32>
          %reduce_sum3A_650 = vector.extract %reduce_sum3A_649[15] : f32 from vector<16xf32>
          %eq3A_651 = arith.constant 7 : i32
          %eq3A_652 = vector.broadcast %eq3A_651 : i32 to vector<16xi32>
          %eq3A_653 = arith.cmpi eq, %iota3A, %eq3A_652 : vector<16xi32>
          %broadcast_in_dim3A_654 = vector.broadcast %reduce_sum3A_650 : f32 to vector<16xf32>
          %select_n3A_655 = arith.select %eq3A_653, %broadcast_in_dim3A_654, %select_n3A_581 : vector<16xi1>, vector<16xf32>
          %add3A_656 = arith.constant 8 : i32
          %add3A_657 = arith.addi %mul3A_66, %add3A_656 : i32
          %get3A_658 = arith.index_cast %add3A_657 : i32 to index
          %get3A_659 = arith.constant 0 : index
          %get3A_660 = tpu.vector_load %arg11[%get3A_658, %get3A_659] {strides = array<i32>} : memref<128x128xf32, #tpu.memory_space<vmem>>, vector<16xf32>,
          %get3A_661 = arith.index_cast %add3A_657 : i32 to index
          %get3A_662 = arith.constant 0 : index
          %get3A_663 = tpu.vector_load %arg13[%get3A_661, %get3A_662] {strides = array<i32>} : memref<128x128xf32, #tpu.memory_space<vmem>>, vector<16xf32>,
          %mul3A_664 = arith.mulf %get3A_660, %get3A_663 : vector<16xf32>
          %get3A_665 = arith.index_cast %add3A_657 : i32 to index
          %get3A_666 = arith.constant 16 : index
          %get3A_667 = tpu.vector_load %arg11[%get3A_665, %get3A_666] {strides = array<i32>} : memref<128x128xf32, #tpu.memory_space<vmem>>, vector<16xf32>,
          %get3A_668 = arith.index_cast %add3A_657 : i32 to index
          %get3A_669 = arith.constant 16 : index
          %get3A_670 = tpu.vector_load %arg13[%get3A_668, %get3A_669] {strides = array<i32>} : memref<128x128xf32, #tpu.memory_space<vmem>>, vector<16xf32>,
          %mul3A_671 = arith.mulf %get3A_667, %get3A_670 : vector<16xf32>
          %add3A_672 = arith.addf %mul3A_664, %mul3A_671 : vector<16xf32>
          %get3A_673 = arith.index_cast %add3A_657 : i32 to index
          %get3A_674 = arith.constant 32 : index
          %get3A_675 = tpu.vector_load %arg11[%get3A_673, %get3A_674] {strides = array<i32>} : memref<128x128xf32, #tpu.memory_space<vmem>>, vector<16xf32>,
          %get3A_676 = arith.index_cast %add3A_657 : i32 to index
          %get3A_677 = arith.constant 32 : index
          %get3A_678 = tpu.vector_load %arg13[%get3A_676, %get3A_677] {strides = array<i32>} : memref<128x128xf32, #tpu.memory_space<vmem>>, vector<16xf32>,
          %mul3A_679 = arith.mulf %get3A_675, %get3A_678 : vector<16xf32>
          %add3A_680 = arith.addf %add3A_672, %mul3A_679 : vector<16xf32>
          %get3A_681 = arith.index_cast %add3A_657 : i32 to index
          %get3A_682 = arith.constant 48 : index
          %get3A_683 = tpu.vector_load %arg11[%get3A_681, %get3A_682] {strides = array<i32>} : memref<128x128xf32, #tpu.memory_space<vmem>>, vector<16xf32>,
          %get3A_684 = arith.index_cast %add3A_657 : i32 to index
          %get3A_685 = arith.constant 48 : index
          %get3A_686 = tpu.vector_load %arg13[%get3A_684, %get3A_685] {strides = array<i32>} : memref<128x128xf32, #tpu.memory_space<vmem>>, vector<16xf32>,
          %mul3A_687 = arith.mulf %get3A_683, %get3A_686 : vector<16xf32>
          %add3A_688 = arith.addf %add3A_680, %mul3A_687 : vector<16xf32>
          %get3A_689 = arith.index_cast %add3A_657 : i32 to index
          %get3A_690 = arith.constant 64 : index
          %get3A_691 = tpu.vector_load %arg11[%get3A_689, %get3A_690] {strides = array<i32>} : memref<128x128xf32, #tpu.memory_space<vmem>>, vector<16xf32>,
          %get3A_692 = arith.index_cast %add3A_657 : i32 to index
          %get3A_693 = arith.constant 64 : index
          %get3A_694 = tpu.vector_load %arg13[%get3A_692, %get3A_693] {strides = array<i32>} : memref<128x128xf32, #tpu.memory_space<vmem>>, vector<16xf32>,
          %mul3A_695 = arith.mulf %get3A_691, %get3A_694 : vector<16xf32>
          %add3A_696 = arith.addf %add3A_688, %mul3A_695 : vector<16xf32>
          %get3A_697 = arith.index_cast %add3A_657 : i32 to index
          %get3A_698 = arith.constant 80 : index
          %get3A_699 = tpu.vector_load %arg11[%get3A_697, %get3A_698] {strides = array<i32>} : memref<128x128xf32, #tpu.memory_space<vmem>>, vector<16xf32>,
          %get3A_700 = arith.index_cast %add3A_657 : i32 to index
          %get3A_701 = arith.constant 80 : index
          %get3A_702 = tpu.vector_load %arg13[%get3A_700, %get3A_701] {strides = array<i32>} : memref<128x128xf32, #tpu.memory_space<vmem>>, vector<16xf32>,
          %mul3A_703 = arith.mulf %get3A_699, %get3A_702 : vector<16xf32>
          %add3A_704 = arith.addf %add3A_696, %mul3A_703 : vector<16xf32>
          %get3A_705 = arith.index_cast %add3A_657 : i32 to index
          %get3A_706 = arith.constant 96 : index
          %get3A_707 = tpu.vector_load %arg11[%get3A_705, %get3A_706] {strides = array<i32>} : memref<128x128xf32, #tpu.memory_space<vmem>>, vector<16xf32>,
          %get3A_708 = arith.index_cast %add3A_657 : i32 to index
          %get3A_709 = arith.constant 96 : index
          %get3A_710 = tpu.vector_load %arg13[%get3A_708, %get3A_709] {strides = array<i32>} : memref<128x128xf32, #tpu.memory_space<vmem>>, vector<16xf32>,
          %mul3A_711 = arith.mulf %get3A_707, %get3A_710 : vector<16xf32>
          %add3A_712 = arith.addf %add3A_704, %mul3A_711 : vector<16xf32>
          %get3A_713 = arith.index_cast %add3A_657 : i32 to index
          %get3A_714 = arith.constant 112 : index
          %get3A_715 = tpu.vector_load %arg11[%get3A_713, %get3A_714] {strides = array<i32>} : memref<128x128xf32, #tpu.memory_space<vmem>>, vector<16xf32>,
          %get3A_716 = arith.index_cast %add3A_657 : i32 to index
          %get3A_717 = arith.constant 112 : index
          %get3A_718 = tpu.vector_load %arg13[%get3A_716, %get3A_717] {strides = array<i32>} : memref<128x128xf32, #tpu.memory_space<vmem>>, vector<16xf32>,
          %mul3A_719 = arith.mulf %get3A_715, %get3A_718 : vector<16xf32>
          %add3A_720 = arith.addf %add3A_712, %mul3A_719 : vector<16xf32>
          %reduce_sum3A_721 = arith.constant true
          %reduce_sum3A_722 = vector.broadcast %reduce_sum3A_721 : i1 to vector<16xi1>
          %reduce_sum3A_723 = tpu.scan <sum>, %add3A_720 masked %reduce_sum3A_722 : vector<16xf32>, vector<16xi1> -> vector<16xf32>
          %reduce_sum3A_724 = vector.extract %reduce_sum3A_723[15] : f32 from vector<16xf32>
          %eq3A_725 = arith.constant 8 : i32
          %eq3A_726 = vector.broadcast %eq3A_725 : i32 to vector<16xi32>
          %eq3A_727 = arith.cmpi eq, %iota3A, %eq3A_726 : vector<16xi32>
          %broadcast_in_dim3A_728 = vector.broadcast %reduce_sum3A_724 : f32 to vector<16xf32>
          %select_n3A_729 = arith.select %eq3A_727, %broadcast_in_dim3A_728, %select_n3A_655 : vector<16xi1>, vector<16xf32>
          %add3A_730 = arith.constant 9 : i32
          %add3A_731 = arith.addi %mul3A_66, %add3A_730 : i32
          %get3A_732 = arith.index_cast %add3A_731 : i32 to index
          %get3A_733 = arith.constant 0 : index
          %get3A_734 = tpu.vector_load %arg11[%get3A_732, %get3A_733] {strides = array<i32>} : memref<128x128xf32, #tpu.memory_space<vmem>>, vector<16xf32>,
          %get3A_735 = arith.index_cast %add3A_731 : i32 to index
          %get3A_736 = arith.constant 0 : index
          %get3A_737 = tpu.vector_load %arg13[%get3A_735, %get3A_736] {strides = array<i32>} : memref<128x128xf32, #tpu.memory_space<vmem>>, vector<16xf32>,
          %mul3A_738 = arith.mulf %get3A_734, %get3A_737 : vector<16xf32>
          %get3A_739 = arith.index_cast %add3A_731 : i32 to index
          %get3A_740 = arith.constant 16 : index
          %get3A_741 = tpu.vector_load %arg11[%get3A_739, %get3A_740] {strides = array<i32>} : memref<128x128xf32, #tpu.memory_space<vmem>>, vector<16xf32>,
          %get3A_742 = arith.index_cast %add3A_731 : i32 to index
          %get3A_743 = arith.constant 16 : index
          %get3A_744 = tpu.vector_load %arg13[%get3A_742, %get3A_743] {strides = array<i32>} : memref<128x128xf32, #tpu.memory_space<vmem>>, vector<16xf32>,
          %mul3A_745 = arith.mulf %get3A_741, %get3A_744 : vector<16xf32>
          %add3A_746 = arith.addf %mul3A_738, %mul3A_745 : vector<16xf32>
          %get3A_747 = arith.index_cast %add3A_731 : i32 to index
          %get3A_748 = arith.constant 32 : index
          %get3A_749 = tpu.vector_load %arg11[%get3A_747, %get3A_748] {strides = array<i32>} : memref<128x128xf32, #tpu.memory_space<vmem>>, vector<16xf32>,
          %get3A_750 = arith.index_cast %add3A_731 : i32 to index
          %get3A_751 = arith.constant 32 : index
          %get3A_752 = tpu.vector_load %arg13[%get3A_750, %get3A_751] {strides = array<i32>} : memref<128x128xf32, #tpu.memory_space<vmem>>, vector<16xf32>,
          %mul3A_753 = arith.mulf %get3A_749, %get3A_752 : vector<16xf32>
          %add3A_754 = arith.addf %add3A_746, %mul3A_753 : vector<16xf32>
          %get3A_755 = arith.index_cast %add3A_731 : i32 to index
          %get3A_756 = arith.constant 48 : index
          %get3A_757 = tpu.vector_load %arg11[%get3A_755, %get3A_756] {strides = array<i32>} : memref<128x128xf32, #tpu.memory_space<vmem>>, vector<16xf32>,
          %get3A_758 = arith.index_cast %add3A_731 : i32 to index
          %get3A_759 = arith.constant 48 : index
          %get3A_760 = tpu.vector_load %arg13[%get3A_758, %get3A_759] {strides = array<i32>} : memref<128x128xf32, #tpu.memory_space<vmem>>, vector<16xf32>,
          %mul3A_761 = arith.mulf %get3A_757, %get3A_760 : vector<16xf32>
          %add3A_762 = arith.addf %add3A_754, %mul3A_761 : vector<16xf32>
          %get3A_763 = arith.index_cast %add3A_731 : i32 to index
          %get3A_764 = arith.constant 64 : index
          %get3A_765 = tpu.vector_load %arg11[%get3A_763, %get3A_764] {strides = array<i32>} : memref<128x128xf32, #tpu.memory_space<vmem>>, vector<16xf32>,
          %get3A_766 = arith.index_cast %add3A_731 : i32 to index
          %get3A_767 = arith.constant 64 : index
          %get3A_768 = tpu.vector_load %arg13[%get3A_766, %get3A_767] {strides = array<i32>} : memref<128x128xf32, #tpu.memory_space<vmem>>, vector<16xf32>,
          %mul3A_769 = arith.mulf %get3A_765, %get3A_768 : vector<16xf32>
          %add3A_770 = arith.addf %add3A_762, %mul3A_769 : vector<16xf32>
          %get3A_771 = arith.index_cast %add3A_731 : i32 to index
          %get3A_772 = arith.constant 80 : index
          %get3A_773 = tpu.vector_load %arg11[%get3A_771, %get3A_772] {strides = array<i32>} : memref<128x128xf32, #tpu.memory_space<vmem>>, vector<16xf32>,
          %get3A_774 = arith.index_cast %add3A_731 : i32 to index
          %get3A_775 = arith.constant 80 : index
          %get3A_776 = tpu.vector_load %arg13[%get3A_774, %get3A_775] {strides = array<i32>} : memref<128x128xf32, #tpu.memory_space<vmem>>, vector<16xf32>,
          %mul3A_777 = arith.mulf %get3A_773, %get3A_776 : vector<16xf32>
          %add3A_778 = arith.addf %add3A_770, %mul3A_777 : vector<16xf32>
          %get3A_779 = arith.index_cast %add3A_731 : i32 to index
          %get3A_780 = arith.constant 96 : index
          %get3A_781 = tpu.vector_load %arg11[%get3A_779, %get3A_780] {strides = array<i32>} : memref<128x128xf32, #tpu.memory_space<vmem>>, vector<16xf32>,
          %get3A_782 = arith.index_cast %add3A_731 : i32 to index
          %get3A_783 = arith.constant 96 : index
          %get3A_784 = tpu.vector_load %arg13[%get3A_782, %get3A_783] {strides = array<i32>} : memref<128x128xf32, #tpu.memory_space<vmem>>, vector<16xf32>,
          %mul3A_785 = arith.mulf %get3A_781, %get3A_784 : vector<16xf32>
          %add3A_786 = arith.addf %add3A_778, %mul3A_785 : vector<16xf32>
          %get3A_787 = arith.index_cast %add3A_731 : i32 to index
          %get3A_788 = arith.constant 112 : index
          %get3A_789 = tpu.vector_load %arg11[%get3A_787, %get3A_788] {strides = array<i32>} : memref<128x128xf32, #tpu.memory_space<vmem>>, vector<16xf32>,
          %get3A_790 = arith.index_cast %add3A_731 : i32 to index
          %get3A_791 = arith.constant 112 : index
          %get3A_792 = tpu.vector_load %arg13[%get3A_790, %get3A_791] {strides = array<i32>} : memref<128x128xf32, #tpu.memory_space<vmem>>, vector<16xf32>,
          %mul3A_793 = arith.mulf %get3A_789, %get3A_792 : vector<16xf32>
          %add3A_794 = arith.addf %add3A_786, %mul3A_793 : vector<16xf32>
          %reduce_sum3A_795 = arith.constant true
          %reduce_sum3A_796 = vector.broadcast %reduce_sum3A_795 : i1 to vector<16xi1>
          %reduce_sum3A_797 = tpu.scan <sum>, %add3A_794 masked %reduce_sum3A_796 : vector<16xf32>, vector<16xi1> -> vector<16xf32>
          %reduce_sum3A_798 = vector.extract %reduce_sum3A_797[15] : f32 from vector<16xf32>
          %eq3A_799 = arith.constant 9 : i32
          %eq3A_800 = vector.broadcast %eq3A_799 : i32 to vector<16xi32>
          %eq3A_801 = arith.cmpi eq, %iota3A, %eq3A_800 : vector<16xi32>
          %broadcast_in_dim3A_802 = vector.broadcast %reduce_sum3A_798 : f32 to vector<16xf32>
          %select_n3A_803 = arith.select %eq3A_801, %broadcast_in_dim3A_802, %select_n3A_729 : vector<16xi1>, vector<16xf32>
          %add3A_804 = arith.constant 10 : i32
          %add3A_805 = arith.addi %mul3A_66, %add3A_804 : i32
          %get3A_806 = arith.index_cast %add3A_805 : i32 to index
          %get3A_807 = arith.constant 0 : index
          %get3A_808 = tpu.vector_load %arg11[%get3A_806, %get3A_807] {strides = array<i32>} : memref<128x128xf32, #tpu.memory_space<vmem>>, vector<16xf32>,
          %get3A_809 = arith.index_cast %add3A_805 : i32 to index
          %get3A_810 = arith.constant 0 : index
          %get3A_811 = tpu.vector_load %arg13[%get3A_809, %get3A_810] {strides = array<i32>} : memref<128x128xf32, #tpu.memory_space<vmem>>, vector<16xf32>,
          %mul3A_812 = arith.mulf %get3A_808, %get3A_811 : vector<16xf32>
          %get3A_813 = arith.index_cast %add3A_805 : i32 to index
          %get3A_814 = arith.constant 16 : index
          %get3A_815 = tpu.vector_load %arg11[%get3A_813, %get3A_814] {strides = array<i32>} : memref<128x128xf32, #tpu.memory_space<vmem>>, vector<16xf32>,
          %get3A_816 = arith.index_cast %add3A_805 : i32 to index
          %get3A_817 = arith.constant 16 : index
          %get3A_818 = tpu.vector_load %arg13[%get3A_816, %get3A_817] {strides = array<i32>} : memref<128x128xf32, #tpu.memory_space<vmem>>, vector<16xf32>,
          %mul3A_819 = arith.mulf %get3A_815, %get3A_818 : vector<16xf32>
          %add3A_820 = arith.addf %mul3A_812, %mul3A_819 : vector<16xf32>
          %get3A_821 = arith.index_cast %add3A_805 : i32 to index
          %get3A_822 = arith.constant 32 : index
          %get3A_823 = tpu.vector_load %arg11[%get3A_821, %get3A_822] {strides = array<i32>} : memref<128x128xf32, #tpu.memory_space<vmem>>, vector<16xf32>,
          %get3A_824 = arith.index_cast %add3A_805 : i32 to index
          %get3A_825 = arith.constant 32 : index
          %get3A_826 = tpu.vector_load %arg13[%get3A_824, %get3A_825] {strides = array<i32>} : memref<128x128xf32, #tpu.memory_space<vmem>>, vector<16xf32>,
          %mul3A_827 = arith.mulf %get3A_823, %get3A_826 : vector<16xf32>
          %add3A_828 = arith.addf %add3A_820, %mul3A_827 : vector<16xf32>
          %get3A_829 = arith.index_cast %add3A_805 : i32 to index
          %get3A_830 = arith.constant 48 : index
          %get3A_831 = tpu.vector_load %arg11[%get3A_829, %get3A_830] {strides = array<i32>} : memref<128x128xf32, #tpu.memory_space<vmem>>, vector<16xf32>,
          %get3A_832 = arith.index_cast %add3A_805 : i32 to index
          %get3A_833 = arith.constant 48 : index
          %get3A_834 = tpu.vector_load %arg13[%get3A_832, %get3A_833] {strides = array<i32>} : memref<128x128xf32, #tpu.memory_space<vmem>>, vector<16xf32>,
          %mul3A_835 = arith.mulf %get3A_831, %get3A_834 : vector<16xf32>
          %add3A_836 = arith.addf %add3A_828, %mul3A_835 : vector<16xf32>
          %get3A_837 = arith.index_cast %add3A_805 : i32 to index
          %get3A_838 = arith.constant 64 : index
          %get3A_839 = tpu.vector_load %arg11[%get3A_837, %get3A_838] {strides = array<i32>} : memref<128x128xf32, #tpu.memory_space<vmem>>, vector<16xf32>,
          %get3A_840 = arith.index_cast %add3A_805 : i32 to index
          %get3A_841 = arith.constant 64 : index
          %get3A_842 = tpu.vector_load %arg13[%get3A_840, %get3A_841] {strides = array<i32>} : memref<128x128xf32, #tpu.memory_space<vmem>>, vector<16xf32>,
          %mul3A_843 = arith.mulf %get3A_839, %get3A_842 : vector<16xf32>
          %add3A_844 = arith.addf %add3A_836, %mul3A_843 : vector<16xf32>
          %get3A_845 = arith.index_cast %add3A_805 : i32 to index
          %get3A_846 = arith.constant 80 : index
          %get3A_847 = tpu.vector_load %arg11[%get3A_845, %get3A_846] {strides = array<i32>} : memref<128x128xf32, #tpu.memory_space<vmem>>, vector<16xf32>,
          %get3A_848 = arith.index_cast %add3A_805 : i32 to index
          %get3A_849 = arith.constant 80 : index
          %get3A_850 = tpu.vector_load %arg13[%get3A_848, %get3A_849] {strides = array<i32>} : memref<128x128xf32, #tpu.memory_space<vmem>>, vector<16xf32>,
          %mul3A_851 = arith.mulf %get3A_847, %get3A_850 : vector<16xf32>
          %add3A_852 = arith.addf %add3A_844, %mul3A_851 : vector<16xf32>
          %get3A_853 = arith.index_cast %add3A_805 : i32 to index
          %get3A_854 = arith.constant 96 : index
          %get3A_855 = tpu.vector_load %arg11[%get3A_853, %get3A_854] {strides = array<i32>} : memref<128x128xf32, #tpu.memory_space<vmem>>, vector<16xf32>,
          %get3A_856 = arith.index_cast %add3A_805 : i32 to index
          %get3A_857 = arith.constant 96 : index
          %get3A_858 = tpu.vector_load %arg13[%get3A_856, %get3A_857] {strides = array<i32>} : memref<128x128xf32, #tpu.memory_space<vmem>>, vector<16xf32>,
          %mul3A_859 = arith.mulf %get3A_855, %get3A_858 : vector<16xf32>
          %add3A_860 = arith.addf %add3A_852, %mul3A_859 : vector<16xf32>
          %get3A_861 = arith.index_cast %add3A_805 : i32 to index
          %get3A_862 = arith.constant 112 : index
          %get3A_863 = tpu.vector_load %arg11[%get3A_861, %get3A_862] {strides = array<i32>} : memref<128x128xf32, #tpu.memory_space<vmem>>, vector<16xf32>,
          %get3A_864 = arith.index_cast %add3A_805 : i32 to index
          %get3A_865 = arith.constant 112 : index
          %get3A_866 = tpu.vector_load %arg13[%get3A_864, %get3A_865] {strides = array<i32>} : memref<128x128xf32, #tpu.memory_space<vmem>>, vector<16xf32>,
          %mul3A_867 = arith.mulf %get3A_863, %get3A_866 : vector<16xf32>
          %add3A_868 = arith.addf %add3A_860, %mul3A_867 : vector<16xf32>
          %reduce_sum3A_869 = arith.constant true
          %reduce_sum3A_870 = vector.broadcast %reduce_sum3A_869 : i1 to vector<16xi1>
          %reduce_sum3A_871 = tpu.scan <sum>, %add3A_868 masked %reduce_sum3A_870 : vector<16xf32>, vector<16xi1> -> vector<16xf32>
          %reduce_sum3A_872 = vector.extract %reduce_sum3A_871[15] : f32 from vector<16xf32>
          %eq3A_873 = arith.constant 10 : i32
          %eq3A_874 = vector.broadcast %eq3A_873 : i32 to vector<16xi32>
          %eq3A_875 = arith.cmpi eq, %iota3A, %eq3A_874 : vector<16xi32>
          %broadcast_in_dim3A_876 = vector.broadcast %reduce_sum3A_872 : f32 to vector<16xf32>
          %select_n3A_877 = arith.select %eq3A_875, %broadcast_in_dim3A_876, %select_n3A_803 : vector<16xi1>, vector<16xf32>
          %add3A_878 = arith.constant 11 : i32
          %add3A_879 = arith.addi %mul3A_66, %add3A_878 : i32
          %get3A_880 = arith.index_cast %add3A_879 : i32 to index
          %get3A_881 = arith.constant 0 : index
          %get3A_882 = tpu.vector_load %arg11[%get3A_880, %get3A_881] {strides = array<i32>} : memref<128x128xf32, #tpu.memory_space<vmem>>, vector<16xf32>,
          %get3A_883 = arith.index_cast %add3A_879 : i32 to index
          %get3A_884 = arith.constant 0 : index
          %get3A_885 = tpu.vector_load %arg13[%get3A_883, %get3A_884] {strides = array<i32>} : memref<128x128xf32, #tpu.memory_space<vmem>>, vector<16xf32>,
          %mul3A_886 = arith.mulf %get3A_882, %get3A_885 : vector<16xf32>
          %get3A_887 = arith.index_cast %add3A_879 : i32 to index
          %get3A_888 = arith.constant 16 : index
          %get3A_889 = tpu.vector_load %arg11[%get3A_887, %get3A_888] {strides = array<i32>} : memref<128x128xf32, #tpu.memory_space<vmem>>, vector<16xf32>,
          %get3A_890 = arith.index_cast %add3A_879 : i32 to index
          %get3A_891 = arith.constant 16 : index
          %get3A_892 = tpu.vector_load %arg13[%get3A_890, %get3A_891] {strides = array<i32>} : memref<128x128xf32, #tpu.memory_space<vmem>>, vector<16xf32>,
          %mul3A_893 = arith.mulf %get3A_889, %get3A_892 : vector<16xf32>
          %add3A_894 = arith.addf %mul3A_886, %mul3A_893 : vector<16xf32>
          %get3A_895 = arith.index_cast %add3A_879 : i32 to index
          %get3A_896 = arith.constant 32 : index
          %get3A_897 = tpu.vector_load %arg11[%get3A_895, %get3A_896] {strides = array<i32>} : memref<128x128xf32, #tpu.memory_space<vmem>>, vector<16xf32>,
          %get3A_898 = arith.index_cast %add3A_879 : i32 to index
          %get3A_899 = arith.constant 32 : index
          %get3A_900 = tpu.vector_load %arg13[%get3A_898, %get3A_899] {strides = array<i32>} : memref<128x128xf32, #tpu.memory_space<vmem>>, vector<16xf32>,
          %mul3A_901 = arith.mulf %get3A_897, %get3A_900 : vector<16xf32>
          %add3A_902 = arith.addf %add3A_894, %mul3A_901 : vector<16xf32>
          %get3A_903 = arith.index_cast %add3A_879 : i32 to index
          %get3A_904 = arith.constant 48 : index
          %get3A_905 = tpu.vector_load %arg11[%get3A_903, %get3A_904] {strides = array<i32>} : memref<128x128xf32, #tpu.memory_space<vmem>>, vector<16xf32>,
          %get3A_906 = arith.index_cast %add3A_879 : i32 to index
          %get3A_907 = arith.constant 48 : index
          %get3A_908 = tpu.vector_load %arg13[%get3A_906, %get3A_907] {strides = array<i32>} : memref<128x128xf32, #tpu.memory_space<vmem>>, vector<16xf32>,
          %mul3A_909 = arith.mulf %get3A_905, %get3A_908 : vector<16xf32>
          %add3A_910 = arith.addf %add3A_902, %mul3A_909 : vector<16xf32>
          %get3A_911 = arith.index_cast %add3A_879 : i32 to index
          %get3A_912 = arith.constant 64 : index
          %get3A_913 = tpu.vector_load %arg11[%get3A_911, %get3A_912] {strides = array<i32>} : memref<128x128xf32, #tpu.memory_space<vmem>>, vector<16xf32>,
          %get3A_914 = arith.index_cast %add3A_879 : i32 to index
          %get3A_915 = arith.constant 64 : index
          %get3A_916 = tpu.vector_load %arg13[%get3A_914, %get3A_915] {strides = array<i32>} : memref<128x128xf32, #tpu.memory_space<vmem>>, vector<16xf32>,
          %mul3A_917 = arith.mulf %get3A_913, %get3A_916 : vector<16xf32>
          %add3A_918 = arith.addf %add3A_910, %mul3A_917 : vector<16xf32>
          %get3A_919 = arith.index_cast %add3A_879 : i32 to index
          %get3A_920 = arith.constant 80 : index
          %get3A_921 = tpu.vector_load %arg11[%get3A_919, %get3A_920] {strides = array<i32>} : memref<128x128xf32, #tpu.memory_space<vmem>>, vector<16xf32>,
          %get3A_922 = arith.index_cast %add3A_879 : i32 to index
          %get3A_923 = arith.constant 80 : index
          %get3A_924 = tpu.vector_load %arg13[%get3A_922, %get3A_923] {strides = array<i32>} : memref<128x128xf32, #tpu.memory_space<vmem>>, vector<16xf32>,
          %mul3A_925 = arith.mulf %get3A_921, %get3A_924 : vector<16xf32>
          %add3A_926 = arith.addf %add3A_918, %mul3A_925 : vector<16xf32>
          %get3A_927 = arith.index_cast %add3A_879 : i32 to index
          %get3A_928 = arith.constant 96 : index
          %get3A_929 = tpu.vector_load %arg11[%get3A_927, %get3A_928] {strides = array<i32>} : memref<128x128xf32, #tpu.memory_space<vmem>>, vector<16xf32>,
          %get3A_930 = arith.index_cast %add3A_879 : i32 to index
          %get3A_931 = arith.constant 96 : index
          %get3A_932 = tpu.vector_load %arg13[%get3A_930, %get3A_931] {strides = array<i32>} : memref<128x128xf32, #tpu.memory_space<vmem>>, vector<16xf32>,
          %mul3A_933 = arith.mulf %get3A_929, %get3A_932 : vector<16xf32>
          %add3A_934 = arith.addf %add3A_926, %mul3A_933 : vector<16xf32>
          %get3A_935 = arith.index_cast %add3A_879 : i32 to index
          %get3A_936 = arith.constant 112 : index
          %get3A_937 = tpu.vector_load %arg11[%get3A_935, %get3A_936] {strides = array<i32>} : memref<128x128xf32, #tpu.memory_space<vmem>>, vector<16xf32>,
          %get3A_938 = arith.index_cast %add3A_879 : i32 to index
          %get3A_939 = arith.constant 112 : index
          %get3A_940 = tpu.vector_load %arg13[%get3A_938, %get3A_939] {strides = array<i32>} : memref<128x128xf32, #tpu.memory_space<vmem>>, vector<16xf32>,
          %mul3A_941 = arith.mulf %get3A_937, %get3A_940 : vector<16xf32>
          %add3A_942 = arith.addf %add3A_934, %mul3A_941 : vector<16xf32>
          %reduce_sum3A_943 = arith.constant true
          %reduce_sum3A_944 = vector.broadcast %reduce_sum3A_943 : i1 to vector<16xi1>
          %reduce_sum3A_945 = tpu.scan <sum>, %add3A_942 masked %reduce_sum3A_944 : vector<16xf32>, vector<16xi1> -> vector<16xf32>
          %reduce_sum3A_946 = vector.extract %reduce_sum3A_945[15] : f32 from vector<16xf32>
          %eq3A_947 = arith.constant 11 : i32
          %eq3A_948 = vector.broadcast %eq3A_947 : i32 to vector<16xi32>
          %eq3A_949 = arith.cmpi eq, %iota3A, %eq3A_948 : vector<16xi32>
          %broadcast_in_dim3A_950 = vector.broadcast %reduce_sum3A_946 : f32 to vector<16xf32>
          %select_n3A_951 = arith.select %eq3A_949, %broadcast_in_dim3A_950, %select_n3A_877 : vector<16xi1>, vector<16xf32>
          %add3A_952 = arith.constant 12 : i32
          %add3A_953 = arith.addi %mul3A_66, %add3A_952 : i32
          %get3A_954 = arith.index_cast %add3A_953 : i32 to index
          %get3A_955 = arith.constant 0 : index
          %get3A_956 = tpu.vector_load %arg11[%get3A_954, %get3A_955] {strides = array<i32>} : memref<128x128xf32, #tpu.memory_space<vmem>>, vector<16xf32>,
          %get3A_957 = arith.index_cast %add3A_953 : i32 to index
          %get3A_958 = arith.constant 0 : index
          %get3A_959 = tpu.vector_load %arg13[%get3A_957, %get3A_958] {strides = array<i32>} : memref<128x128xf32, #tpu.memory_space<vmem>>, vector<16xf32>,
          %mul3A_960 = arith.mulf %get3A_956, %get3A_959 : vector<16xf32>
          %get3A_961 = arith.index_cast %add3A_953 : i32 to index
          %get3A_962 = arith.constant 16 : index
          %get3A_963 = tpu.vector_load %arg11[%get3A_961, %get3A_962] {strides = array<i32>} : memref<128x128xf32, #tpu.memory_space<vmem>>, vector<16xf32>,
          %get3A_964 = arith.index_cast %add3A_953 : i32 to index
          %get3A_965 = arith.constant 16 : index
          %get3A_966 = tpu.vector_load %arg13[%get3A_964, %get3A_965] {strides = array<i32>} : memref<128x128xf32, #tpu.memory_space<vmem>>, vector<16xf32>,
          %mul3A_967 = arith.mulf %get3A_963, %get3A_966 : vector<16xf32>
          %add3A_968 = arith.addf %mul3A_960, %mul3A_967 : vector<16xf32>
          %get3A_969 = arith.index_cast %add3A_953 : i32 to index
          %get3A_970 = arith.constant 32 : index
          %get3A_971 = tpu.vector_load %arg11[%get3A_969, %get3A_970] {strides = array<i32>} : memref<128x128xf32, #tpu.memory_space<vmem>>, vector<16xf32>,
          %get3A_972 = arith.index_cast %add3A_953 : i32 to index
          %get3A_973 = arith.constant 32 : index
          %get3A_974 = tpu.vector_load %arg13[%get3A_972, %get3A_973] {strides = array<i32>} : memref<128x128xf32, #tpu.memory_space<vmem>>, vector<16xf32>,
          %mul3A_975 = arith.mulf %get3A_971, %get3A_974 : vector<16xf32>
          %add3A_976 = arith.addf %add3A_968, %mul3A_975 : vector<16xf32>
          %get3A_977 = arith.index_cast %add3A_953 : i32 to index
          %get3A_978 = arith.constant 48 : index
          %get3A_979 = tpu.vector_load %arg11[%get3A_977, %get3A_978] {strides = array<i32>} : memref<128x128xf32, #tpu.memory_space<vmem>>, vector<16xf32>,
          %get3A_980 = arith.index_cast %add3A_953 : i32 to index
          %get3A_981 = arith.constant 48 : index
          %get3A_982 = tpu.vector_load %arg13[%get3A_980, %get3A_981] {strides = array<i32>} : memref<128x128xf32, #tpu.memory_space<vmem>>, vector<16xf32>,
          %mul3A_983 = arith.mulf %get3A_979, %get3A_982 : vector<16xf32>
          %add3A_984 = arith.addf %add3A_976, %mul3A_983 : vector<16xf32>
          %get3A_985 = arith.index_cast %add3A_953 : i32 to index
          %get3A_986 = arith.constant 64 : index
          %get3A_987 = tpu.vector_load %arg11[%get3A_985, %get3A_986] {strides = array<i32>} : memref<128x128xf32, #tpu.memory_space<vmem>>, vector<16xf32>,
          %get3A_988 = arith.index_cast %add3A_953 : i32 to index
          %get3A_989 = arith.constant 64 : index
          %get3A_990 = tpu.vector_load %arg13[%get3A_988, %get3A_989] {strides = array<i32>} : memref<128x128xf32, #tpu.memory_space<vmem>>, vector<16xf32>,
          %mul3A_991 = arith.mulf %get3A_987, %get3A_990 : vector<16xf32>
          %add3A_992 = arith.addf %add3A_984, %mul3A_991 : vector<16xf32>
          %get3A_993 = arith.index_cast %add3A_953 : i32 to index
          %get3A_994 = arith.constant 80 : index
          %get3A_995 = tpu.vector_load %arg11[%get3A_993, %get3A_994] {strides = array<i32>} : memref<128x128xf32, #tpu.memory_space<vmem>>, vector<16xf32>,
          %get3A_996 = arith.index_cast %add3A_953 : i32 to index
          %get3A_997 = arith.constant 80 : index
          %get3A_998 = tpu.vector_load %arg13[%get3A_996, %get3A_997] {strides = array<i32>} : memref<128x128xf32, #tpu.memory_space<vmem>>, vector<16xf32>,
          %mul3A_999 = arith.mulf %get3A_995, %get3A_998 : vector<16xf32>
          %add3A_1000 = arith.addf %add3A_992, %mul3A_999 : vector<16xf32>
          %get3A_1001 = arith.index_cast %add3A_953 : i32 to index
          %get3A_1002 = arith.constant 96 : index
          %get3A_1003 = tpu.vector_load %arg11[%get3A_1001, %get3A_1002] {strides = array<i32>} : memref<128x128xf32, #tpu.memory_space<vmem>>, vector<16xf32>,
          %get3A_1004 = arith.index_cast %add3A_953 : i32 to index
          %get3A_1005 = arith.constant 96 : index
          %get3A_1006 = tpu.vector_load %arg13[%get3A_1004, %get3A_1005] {strides = array<i32>} : memref<128x128xf32, #tpu.memory_space<vmem>>, vector<16xf32>,
          %mul3A_1007 = arith.mulf %get3A_1003, %get3A_1006 : vector<16xf32>
          %add3A_1008 = arith.addf %add3A_1000, %mul3A_1007 : vector<16xf32>
          %get3A_1009 = arith.index_cast %add3A_953 : i32 to index
          %get3A_1010 = arith.constant 112 : index
          %get3A_1011 = tpu.vector_load %arg11[%get3A_1009, %get3A_1010] {strides = array<i32>} : memref<128x128xf32, #tpu.memory_space<vmem>>, vector<16xf32>,
          %get3A_1012 = arith.index_cast %add3A_953 : i32 to index
          %get3A_1013 = arith.constant 112 : index
          %get3A_1014 = tpu.vector_load %arg13[%get3A_1012, %get3A_1013] {strides = array<i32>} : memref<128x128xf32, #tpu.memory_space<vmem>>, vector<16xf32>,
          %mul3A_1015 = arith.mulf %get3A_1011, %get3A_1014 : vector<16xf32>
          %add3A_1016 = arith.addf %add3A_1008, %mul3A_1015 : vector<16xf32>
          %reduce_sum3A_1017 = arith.constant true
          %reduce_sum3A_1018 = vector.broadcast %reduce_sum3A_1017 : i1 to vector<16xi1>
          %reduce_sum3A_1019 = tpu.scan <sum>, %add3A_1016 masked %reduce_sum3A_1018 : vector<16xf32>, vector<16xi1> -> vector<16xf32>
          %reduce_sum3A_1020 = vector.extract %reduce_sum3A_1019[15] : f32 from vector<16xf32>
          %eq3A_1021 = arith.constant 12 : i32
          %eq3A_1022 = vector.broadcast %eq3A_1021 : i32 to vector<16xi32>
          %eq3A_1023 = arith.cmpi eq, %iota3A, %eq3A_1022 : vector<16xi32>
          %broadcast_in_dim3A_1024 = vector.broadcast %reduce_sum3A_1020 : f32 to vector<16xf32>
          %select_n3A_1025 = arith.select %eq3A_1023, %broadcast_in_dim3A_1024, %select_n3A_951 : vector<16xi1>, vector<16xf32>
          %add3A_1026 = arith.constant 13 : i32
          %add3A_1027 = arith.addi %mul3A_66, %add3A_1026 : i32
          %get3A_1028 = arith.index_cast %add3A_1027 : i32 to index
          %get3A_1029 = arith.constant 0 : index
          %get3A_1030 = tpu.vector_load %arg11[%get3A_1028, %get3A_1029] {strides = array<i32>} : memref<128x128xf32, #tpu.memory_space<vmem>>, vector<16xf32>,
          %get3A_1031 = arith.index_cast %add3A_1027 : i32 to index
          %get3A_1032 = arith.constant 0 : index
          %get3A_1033 = tpu.vector_load %arg13[%get3A_1031, %get3A_1032] {strides = array<i32>} : memref<128x128xf32, #tpu.memory_space<vmem>>, vector<16xf32>,
          %mul3A_1034 = arith.mulf %get3A_1030, %get3A_1033 : vector<16xf32>
          %get3A_1035 = arith.index_cast %add3A_1027 : i32 to index
          %get3A_1036 = arith.constant 16 : index
          %get3A_1037 = tpu.vector_load %arg11[%get3A_1035, %get3A_1036] {strides = array<i32>} : memref<128x128xf32, #tpu.memory_space<vmem>>, vector<16xf32>,
          %get3A_1038 = arith.index_cast %add3A_1027 : i32 to index
          %get3A_1039 = arith.constant 16 : index
          %get3A_1040 = tpu.vector_load %arg13[%get3A_1038, %get3A_1039] {strides = array<i32>} : memref<128x128xf32, #tpu.memory_space<vmem>>, vector<16xf32>,
          %mul3A_1041 = arith.mulf %get3A_1037, %get3A_1040 : vector<16xf32>
          %add3A_1042 = arith.addf %mul3A_1034, %mul3A_1041 : vector<16xf32>
          %get3A_1043 = arith.index_cast %add3A_1027 : i32 to index
          %get3A_1044 = arith.constant 32 : index
          %get3A_1045 = tpu.vector_load %arg11[%get3A_1043, %get3A_1044] {strides = array<i32>} : memref<128x128xf32, #tpu.memory_space<vmem>>, vector<16xf32>,
          %get3A_1046 = arith.index_cast %add3A_1027 : i32 to index
          %get3A_1047 = arith.constant 32 : index
          %get3A_1048 = tpu.vector_load %arg13[%get3A_1046, %get3A_1047] {strides = array<i32>} : memref<128x128xf32, #tpu.memory_space<vmem>>, vector<16xf32>,
          %mul3A_1049 = arith.mulf %get3A_1045, %get3A_1048 : vector<16xf32>
          %add3A_1050 = arith.addf %add3A_1042, %mul3A_1049 : vector<16xf32>
          %get3A_1051 = arith.index_cast %add3A_1027 : i32 to index
          %get3A_1052 = arith.constant 48 : index
          %get3A_1053 = tpu.vector_load %arg11[%get3A_1051, %get3A_1052] {strides = array<i32>} : memref<128x128xf32, #tpu.memory_space<vmem>>, vector<16xf32>,
          %get3A_1054 = arith.index_cast %add3A_1027 : i32 to index
          %get3A_1055 = arith.constant 48 : index
          %get3A_1056 = tpu.vector_load %arg13[%get3A_1054, %get3A_1055] {strides = array<i32>} : memref<128x128xf32, #tpu.memory_space<vmem>>, vector<16xf32>,
          %mul3A_1057 = arith.mulf %get3A_1053, %get3A_1056 : vector<16xf32>
          %add3A_1058 = arith.addf %add3A_1050, %mul3A_1057 : vector<16xf32>
          %get3A_1059 = arith.index_cast %add3A_1027 : i32 to index
          %get3A_1060 = arith.constant 64 : index
          %get3A_1061 = tpu.vector_load %arg11[%get3A_1059, %get3A_1060] {strides = array<i32>} : memref<128x128xf32, #tpu.memory_space<vmem>>, vector<16xf32>,
          %get3A_1062 = arith.index_cast %add3A_1027 : i32 to index
          %get3A_1063 = arith.constant 64 : index
          %get3A_1064 = tpu.vector_load %arg13[%get3A_1062, %get3A_1063] {strides = array<i32>} : memref<128x128xf32, #tpu.memory_space<vmem>>, vector<16xf32>,
          %mul3A_1065 = arith.mulf %get3A_1061, %get3A_1064 : vector<16xf32>
          %add3A_1066 = arith.addf %add3A_1058, %mul3A_1065 : vector<16xf32>
          %get3A_1067 = arith.index_cast %add3A_1027 : i32 to index
          %get3A_1068 = arith.constant 80 : index
          %get3A_1069 = tpu.vector_load %arg11[%get3A_1067, %get3A_1068] {strides = array<i32>} : memref<128x128xf32, #tpu.memory_space<vmem>>, vector<16xf32>,
          %get3A_1070 = arith.index_cast %add3A_1027 : i32 to index
          %get3A_1071 = arith.constant 80 : index
          %get3A_1072 = tpu.vector_load %arg13[%get3A_1070, %get3A_1071] {strides = array<i32>} : memref<128x128xf32, #tpu.memory_space<vmem>>, vector<16xf32>,
          %mul3A_1073 = arith.mulf %get3A_1069, %get3A_1072 : vector<16xf32>
          %add3A_1074 = arith.addf %add3A_1066, %mul3A_1073 : vector<16xf32>
          %get3A_1075 = arith.index_cast %add3A_1027 : i32 to index
          %get3A_1076 = arith.constant 96 : index
          %get3A_1077 = tpu.vector_load %arg11[%get3A_1075, %get3A_1076] {strides = array<i32>} : memref<128x128xf32, #tpu.memory_space<vmem>>, vector<16xf32>,
          %get3A_1078 = arith.index_cast %add3A_1027 : i32 to index
          %get3A_1079 = arith.constant 96 : index
          %get3A_1080 = tpu.vector_load %arg13[%get3A_1078, %get3A_1079] {strides = array<i32>} : memref<128x128xf32, #tpu.memory_space<vmem>>, vector<16xf32>,
          %mul3A_1081 = arith.mulf %get3A_1077, %get3A_1080 : vector<16xf32>
          %add3A_1082 = arith.addf %add3A_1074, %mul3A_1081 : vector<16xf32>
          %get3A_1083 = arith.index_cast %add3A_1027 : i32 to index
          %get3A_1084 = arith.constant 112 : index
          %get3A_1085 = tpu.vector_load %arg11[%get3A_1083, %get3A_1084] {strides = array<i32>} : memref<128x128xf32, #tpu.memory_space<vmem>>, vector<16xf32>,
          %get3A_1086 = arith.index_cast %add3A_1027 : i32 to index
          %get3A_1087 = arith.constant 112 : index
          %get3A_1088 = tpu.vector_load %arg13[%get3A_1086, %get3A_1087] {strides = array<i32>} : memref<128x128xf32, #tpu.memory_space<vmem>>, vector<16xf32>,
          %mul3A_1089 = arith.mulf %get3A_1085, %get3A_1088 : vector<16xf32>
          %add3A_1090 = arith.addf %add3A_1082, %mul3A_1089 : vector<16xf32>
          %reduce_sum3A_1091 = arith.constant true
          %reduce_sum3A_1092 = vector.broadcast %reduce_sum3A_1091 : i1 to vector<16xi1>
          %reduce_sum3A_1093 = tpu.scan <sum>, %add3A_1090 masked %reduce_sum3A_1092 : vector<16xf32>, vector<16xi1> -> vector<16xf32>
          %reduce_sum3A_1094 = vector.extract %reduce_sum3A_1093[15] : f32 from vector<16xf32>
          %eq3A_1095 = arith.constant 13 : i32
          %eq3A_1096 = vector.broadcast %eq3A_1095 : i32 to vector<16xi32>
          %eq3A_1097 = arith.cmpi eq, %iota3A, %eq3A_1096 : vector<16xi32>
          %broadcast_in_dim3A_1098 = vector.broadcast %reduce_sum3A_1094 : f32 to vector<16xf32>
          %select_n3A_1099 = arith.select %eq3A_1097, %broadcast_in_dim3A_1098, %select_n3A_1025 : vector<16xi1>, vector<16xf32>
          %add3A_1100 = arith.constant 14 : i32
          %add3A_1101 = arith.addi %mul3A_66, %add3A_1100 : i32
          %get3A_1102 = arith.index_cast %add3A_1101 : i32 to index
          %get3A_1103 = arith.constant 0 : index
          %get3A_1104 = tpu.vector_load %arg11[%get3A_1102, %get3A_1103] {strides = array<i32>} : memref<128x128xf32, #tpu.memory_space<vmem>>, vector<16xf32>,
          %get3A_1105 = arith.index_cast %add3A_1101 : i32 to index
          %get3A_1106 = arith.constant 0 : index
          %get3A_1107 = tpu.vector_load %arg13[%get3A_1105, %get3A_1106] {strides = array<i32>} : memref<128x128xf32, #tpu.memory_space<vmem>>, vector<16xf32>,
          %mul3A_1108 = arith.mulf %get3A_1104, %get3A_1107 : vector<16xf32>
          %get3A_1109 = arith.index_cast %add3A_1101 : i32 to index
          %get3A_1110 = arith.constant 16 : index
          %get3A_1111 = tpu.vector_load %arg11[%get3A_1109, %get3A_1110] {strides = array<i32>} : memref<128x128xf32, #tpu.memory_space<vmem>>, vector<16xf32>,
          %get3A_1112 = arith.index_cast %add3A_1101 : i32 to index
          %get3A_1113 = arith.constant 16 : index
          %get3A_1114 = tpu.vector_load %arg13[%get3A_1112, %get3A_1113] {strides = array<i32>} : memref<128x128xf32, #tpu.memory_space<vmem>>, vector<16xf32>,
          %mul3A_1115 = arith.mulf %get3A_1111, %get3A_1114 : vector<16xf32>
          %add3A_1116 = arith.addf %mul3A_1108, %mul3A_1115 : vector<16xf32>
          %get3A_1117 = arith.index_cast %add3A_1101 : i32 to index
          %get3A_1118 = arith.constant 32 : index
          %get3A_1119 = tpu.vector_load %arg11[%get3A_1117, %get3A_1118] {strides = array<i32>} : memref<128x128xf32, #tpu.memory_space<vmem>>, vector<16xf32>,
          %get3A_1120 = arith.index_cast %add3A_1101 : i32 to index
          %get3A_1121 = arith.constant 32 : index
          %get3A_1122 = tpu.vector_load %arg13[%get3A_1120, %get3A_1121] {strides = array<i32>} : memref<128x128xf32, #tpu.memory_space<vmem>>, vector<16xf32>,
          %mul3A_1123 = arith.mulf %get3A_1119, %get3A_1122 : vector<16xf32>
          %add3A_1124 = arith.addf %add3A_1116, %mul3A_1123 : vector<16xf32>
          %get3A_1125 = arith.index_cast %add3A_1101 : i32 to index
          %get3A_1126 = arith.constant 48 : index
          %get3A_1127 = tpu.vector_load %arg11[%get3A_1125, %get3A_1126] {strides = array<i32>} : memref<128x128xf32, #tpu.memory_space<vmem>>, vector<16xf32>,
          %get3A_1128 = arith.index_cast %add3A_1101 : i32 to index
          %get3A_1129 = arith.constant 48 : index
          %get3A_1130 = tpu.vector_load %arg13[%get3A_1128, %get3A_1129] {strides = array<i32>} : memref<128x128xf32, #tpu.memory_space<vmem>>, vector<16xf32>,
          %mul3A_1131 = arith.mulf %get3A_1127, %get3A_1130 : vector<16xf32>
          %add3A_1132 = arith.addf %add3A_1124, %mul3A_1131 : vector<16xf32>
          %get3A_1133 = arith.index_cast %add3A_1101 : i32 to index
          %get3A_1134 = arith.constant 64 : index
          %get3A_1135 = tpu.vector_load %arg11[%get3A_1133, %get3A_1134] {strides = array<i32>} : memref<128x128xf32, #tpu.memory_space<vmem>>, vector<16xf32>,
          %get3A_1136 = arith.index_cast %add3A_1101 : i32 to index
          %get3A_1137 = arith.constant 64 : index
          %get3A_1138 = tpu.vector_load %arg13[%get3A_1136, %get3A_1137] {strides = array<i32>} : memref<128x128xf32, #tpu.memory_space<vmem>>, vector<16xf32>,
          %mul3A_1139 = arith.mulf %get3A_1135, %get3A_1138 : vector<16xf32>
          %add3A_1140 = arith.addf %add3A_1132, %mul3A_1139 : vector<16xf32>
          %get3A_1141 = arith.index_cast %add3A_1101 : i32 to index
          %get3A_1142 = arith.constant 80 : index
          %get3A_1143 = tpu.vector_load %arg11[%get3A_1141, %get3A_1142] {strides = array<i32>} : memref<128x128xf32, #tpu.memory_space<vmem>>, vector<16xf32>,
          %get3A_1144 = arith.index_cast %add3A_1101 : i32 to index
          %get3A_1145 = arith.constant 80 : index
          %get3A_1146 = tpu.vector_load %arg13[%get3A_1144, %get3A_1145] {strides = array<i32>} : memref<128x128xf32, #tpu.memory_space<vmem>>, vector<16xf32>,
          %mul3A_1147 = arith.mulf %get3A_1143, %get3A_1146 : vector<16xf32>
          %add3A_1148 = arith.addf %add3A_1140, %mul3A_1147 : vector<16xf32>
          %get3A_1149 = arith.index_cast %add3A_1101 : i32 to index
          %get3A_1150 = arith.constant 96 : index
          %get3A_1151 = tpu.vector_load %arg11[%get3A_1149, %get3A_1150] {strides = array<i32>} : memref<128x128xf32, #tpu.memory_space<vmem>>, vector<16xf32>,
          %get3A_1152 = arith.index_cast %add3A_1101 : i32 to index
          %get3A_1153 = arith.constant 96 : index
          %get3A_1154 = tpu.vector_load %arg13[%get3A_1152, %get3A_1153] {strides = array<i32>} : memref<128x128xf32, #tpu.memory_space<vmem>>, vector<16xf32>,
          %mul3A_1155 = arith.mulf %get3A_1151, %get3A_1154 : vector<16xf32>
          %add3A_1156 = arith.addf %add3A_1148, %mul3A_1155 : vector<16xf32>
          %get3A_1157 = arith.index_cast %add3A_1101 : i32 to index
          %get3A_1158 = arith.constant 112 : index
          %get3A_1159 = tpu.vector_load %arg11[%get3A_1157, %get3A_1158] {strides = array<i32>} : memref<128x128xf32, #tpu.memory_space<vmem>>, vector<16xf32>,
          %get3A_1160 = arith.index_cast %add3A_1101 : i32 to index
          %get3A_1161 = arith.constant 112 : index
          %get3A_1162 = tpu.vector_load %arg13[%get3A_1160, %get3A_1161] {strides = array<i32>} : memref<128x128xf32, #tpu.memory_space<vmem>>, vector<16xf32>,
          %mul3A_1163 = arith.mulf %get3A_1159, %get3A_1162 : vector<16xf32>
          %add3A_1164 = arith.addf %add3A_1156, %mul3A_1163 : vector<16xf32>
          %reduce_sum3A_1165 = arith.constant true
          %reduce_sum3A_1166 = vector.broadcast %reduce_sum3A_1165 : i1 to vector<16xi1>
          %reduce_sum3A_1167 = tpu.scan <sum>, %add3A_1164 masked %reduce_sum3A_1166 : vector<16xf32>, vector<16xi1> -> vector<16xf32>
          %reduce_sum3A_1168 = vector.extract %reduce_sum3A_1167[15] : f32 from vector<16xf32>
          %eq3A_1169 = arith.constant 14 : i32
          %eq3A_1170 = vector.broadcast %eq3A_1169 : i32 to vector<16xi32>
          %eq3A_1171 = arith.cmpi eq, %iota3A, %eq3A_1170 : vector<16xi32>
          %broadcast_in_dim3A_1172 = vector.broadcast %reduce_sum3A_1168 : f32 to vector<16xf32>
          %select_n3A_1173 = arith.select %eq3A_1171, %broadcast_in_dim3A_1172, %select_n3A_1099 : vector<16xi1>, vector<16xf32>
          %add3A_1174 = arith.constant 15 : i32
          %add3A_1175 = arith.addi %mul3A_66, %add3A_1174 : i32
          %get3A_1176 = arith.index_cast %add3A_1175 : i32 to index
          %get3A_1177 = arith.constant 0 : index
          %get3A_1178 = tpu.vector_load %arg11[%get3A_1176, %get3A_1177] {strides = array<i32>} : memref<128x128xf32, #tpu.memory_space<vmem>>, vector<16xf32>,
          %get3A_1179 = arith.index_cast %add3A_1175 : i32 to index
          %get3A_1180 = arith.constant 0 : index
          %get3A_1181 = tpu.vector_load %arg13[%get3A_1179, %get3A_1180] {strides = array<i32>} : memref<128x128xf32, #tpu.memory_space<vmem>>, vector<16xf32>,
          %mul3A_1182 = arith.mulf %get3A_1178, %get3A_1181 : vector<16xf32>
          %get3A_1183 = arith.index_cast %add3A_1175 : i32 to index
          %get3A_1184 = arith.constant 16 : index
          %get3A_1185 = tpu.vector_load %arg11[%get3A_1183, %get3A_1184] {strides = array<i32>} : memref<128x128xf32, #tpu.memory_space<vmem>>, vector<16xf32>,
          %get3A_1186 = arith.index_cast %add3A_1175 : i32 to index
          %get3A_1187 = arith.constant 16 : index
          %get3A_1188 = tpu.vector_load %arg13[%get3A_1186, %get3A_1187] {strides = array<i32>} : memref<128x128xf32, #tpu.memory_space<vmem>>, vector<16xf32>,
          %mul3A_1189 = arith.mulf %get3A_1185, %get3A_1188 : vector<16xf32>
          %add3A_1190 = arith.addf %mul3A_1182, %mul3A_1189 : vector<16xf32>
          %get3A_1191 = arith.index_cast %add3A_1175 : i32 to index
          %get3A_1192 = arith.constant 32 : index
          %get3A_1193 = tpu.vector_load %arg11[%get3A_1191, %get3A_1192] {strides = array<i32>} : memref<128x128xf32, #tpu.memory_space<vmem>>, vector<16xf32>,
          %get3A_1194 = arith.index_cast %add3A_1175 : i32 to index
          %get3A_1195 = arith.constant 32 : index
          %get3A_1196 = tpu.vector_load %arg13[%get3A_1194, %get3A_1195] {strides = array<i32>} : memref<128x128xf32, #tpu.memory_space<vmem>>, vector<16xf32>,
          %mul3A_1197 = arith.mulf %get3A_1193, %get3A_1196 : vector<16xf32>
          %add3A_1198 = arith.addf %add3A_1190, %mul3A_1197 : vector<16xf32>
          %get3A_1199 = arith.index_cast %add3A_1175 : i32 to index
          %get3A_1200 = arith.constant 48 : index
          %get3A_1201 = tpu.vector_load %arg11[%get3A_1199, %get3A_1200] {strides = array<i32>} : memref<128x128xf32, #tpu.memory_space<vmem>>, vector<16xf32>,
          %get3A_1202 = arith.index_cast %add3A_1175 : i32 to index
          %get3A_1203 = arith.constant 48 : index
          %get3A_1204 = tpu.vector_load %arg13[%get3A_1202, %get3A_1203] {strides = array<i32>} : memref<128x128xf32, #tpu.memory_space<vmem>>, vector<16xf32>,
          %mul3A_1205 = arith.mulf %get3A_1201, %get3A_1204 : vector<16xf32>
          %add3A_1206 = arith.addf %add3A_1198, %mul3A_1205 : vector<16xf32>
          %get3A_1207 = arith.index_cast %add3A_1175 : i32 to index
          %get3A_1208 = arith.constant 64 : index
          %get3A_1209 = tpu.vector_load %arg11[%get3A_1207, %get3A_1208] {strides = array<i32>} : memref<128x128xf32, #tpu.memory_space<vmem>>, vector<16xf32>,
          %get3A_1210 = arith.index_cast %add3A_1175 : i32 to index
          %get3A_1211 = arith.constant 64 : index
          %get3A_1212 = tpu.vector_load %arg13[%get3A_1210, %get3A_1211] {strides = array<i32>} : memref<128x128xf32, #tpu.memory_space<vmem>>, vector<16xf32>,
          %mul3A_1213 = arith.mulf %get3A_1209, %get3A_1212 : vector<16xf32>
          %add3A_1214 = arith.addf %add3A_1206, %mul3A_1213 : vector<16xf32>
          %get3A_1215 = arith.index_cast %add3A_1175 : i32 to index
          %get3A_1216 = arith.constant 80 : index
          %get3A_1217 = tpu.vector_load %arg11[%get3A_1215, %get3A_1216] {strides = array<i32>} : memref<128x128xf32, #tpu.memory_space<vmem>>, vector<16xf32>,
          %get3A_1218 = arith.index_cast %add3A_1175 : i32 to index
          %get3A_1219 = arith.constant 80 : index
          %get3A_1220 = tpu.vector_load %arg13[%get3A_1218, %get3A_1219] {strides = array<i32>} : memref<128x128xf32, #tpu.memory_space<vmem>>, vector<16xf32>,
          %mul3A_1221 = arith.mulf %get3A_1217, %get3A_1220 : vector<16xf32>
          %add3A_1222 = arith.addf %add3A_1214, %mul3A_1221 : vector<16xf32>
          %get3A_1223 = arith.index_cast %add3A_1175 : i32 to index
          %get3A_1224 = arith.constant 96 : index
          %get3A_1225 = tpu.vector_load %arg11[%get3A_1223, %get3A_1224] {strides = array<i32>} : memref<128x128xf32, #tpu.memory_space<vmem>>, vector<16xf32>,
          %get3A_1226 = arith.index_cast %add3A_1175 : i32 to index
          %get3A_1227 = arith.constant 96 : index
          %get3A_1228 = tpu.vector_load %arg13[%get3A_1226, %get3A_1227] {strides = array<i32>} : memref<128x128xf32, #tpu.memory_space<vmem>>, vector<16xf32>,
          %mul3A_1229 = arith.mulf %get3A_1225, %get3A_1228 : vector<16xf32>
          %add3A_1230 = arith.addf %add3A_1222, %mul3A_1229 : vector<16xf32>
          %get3A_1231 = arith.index_cast %add3A_1175 : i32 to index
          %get3A_1232 = arith.constant 112 : index
          %get3A_1233 = tpu.vector_load %arg11[%get3A_1231, %get3A_1232] {strides = array<i32>} : memref<128x128xf32, #tpu.memory_space<vmem>>, vector<16xf32>,
          %get3A_1234 = arith.index_cast %add3A_1175 : i32 to index
          %get3A_1235 = arith.constant 112 : index
          %get3A_1236 = tpu.vector_load %arg13[%get3A_1234, %get3A_1235] {strides = array<i32>} : memref<128x128xf32, #tpu.memory_space<vmem>>, vector<16xf32>,
          %mul3A_1237 = arith.mulf %get3A_1233, %get3A_1236 : vector<16xf32>
          %add3A_1238 = arith.addf %add3A_1230, %mul3A_1237 : vector<16xf32>
          %reduce_sum3A_1239 = arith.constant true
          %reduce_sum3A_1240 = vector.broadcast %reduce_sum3A_1239 : i1 to vector<16xi1>
          %reduce_sum3A_1241 = tpu.scan <sum>, %add3A_1238 masked %reduce_sum3A_1240 : vector<16xf32>, vector<16xi1> -> vector<16xf32>
          %reduce_sum3A_1242 = vector.extract %reduce_sum3A_1241[15] : f32 from vector<16xf32>
          %eq3A_1243 = arith.constant 15 : i32
          %eq3A_1244 = vector.broadcast %eq3A_1243 : i32 to vector<16xi32>
          %eq3A_1245 = arith.cmpi eq, %iota3A, %eq3A_1244 : vector<16xi32>
          %broadcast_in_dim3A_1246 = vector.broadcast %reduce_sum3A_1242 : f32 to vector<16xf32>
          %select_n3A_1247 = arith.select %eq3A_1245, %broadcast_in_dim3A_1246, %select_n3A_1173 : vector<16xi1>, vector<16xf32>
          %swap3A = arith.index_cast %mul3A_66 : i32 to index
          %swap3A_1248 = tpu.vector_load %arg14[%swap3A] {strides = array<i32>} : memref<128xf32, #tpu.memory_space<vmem>>, vector<16xf32>,
          tpu.vector_store %arg14[%swap3A], %select_n3A_1247 {strides = array<i32>} : memref<128xf32, #tpu.memory_space<vmem>>, vector<16xf32>,
        }
        %scan3A_58 = arith.constant 8 : i32
        %mul3A_59 = arith.constant 128 : i32
        %mul3A_60 = arith.muli %add3A_35, %mul3A_59 : i32
        %min3A_61 = arith.constant 499872 : i32
        %min3A_62 = arith.minsi %mul3A_60, %min3A_61 : i32
        %multiple_of3A_63 = tpu.assume_multiple %min3A_62, 8 : i32
        "tpu.region"() ({
          %run_scoped3A = tpu.sem_alloc : memref<!tpu.dma_semaphore, #tpu.memory_space<semaphore_mem>>
          %dma_start3A_64 = tpu.memref_slice %arg5[%multiple_of3A_63] : memref<500000xf32, #tpu.memory_space<hbm>> -> memref<128xf32, #tpu.memory_space<hbm>>
          %dma_start3A_65 = tpu.memref_slice %arg5[%multiple_of3A_63] : memref<500000xf32, #tpu.memory_space<hbm>> -> memref<128xf32, #tpu.memory_space<hbm>>
          tpu.enqueue_dma source(%arg14 : memref<128xf32, #tpu.memory_space<vmem>>) target(%dma_start3A_65 : memref<128xf32, #tpu.memory_space<hbm>>) target_semaphore(%run_scoped3A : memref<!tpu.dma_semaphore, #tpu.memory_space<semaphore_mem>>)
          %dma_wait3A_66 = tpu.memref_slice %arg5[%multiple_of3A_63] : memref<500000xf32, #tpu.memory_space<hbm>> -> memref<128xf32, #tpu.memory_space<hbm>>
          %dma_wait3A_67 = tpu.memref_slice %arg5[%multiple_of3A_63] : memref<500000xf32, #tpu.memory_space<hbm>> -> memref<128xf32, #tpu.memory_space<hbm>>
          tpu.wait_dma2 semaphore(%run_scoped3A : memref<!tpu.dma_semaphore, #tpu.memory_space<semaphore_mem>>) src(%arg14 : memref<128xf32, #tpu.memory_space<vmem>>) dst(%dma_wait3A_67 : memref<128xf32, #tpu.memory_space<hbm>>)
          tpu.yield
        }) : () -> ()
      } else {
      }
    }
    %scan3A_13 = arith.constant 62 : i32
    return
  }
}

</mosaic_0001>

<sc_bundles>
// kernel: _run.3.cloned.1.call-start
scs
__scs_entry_jumppad:
0x0: {  	(pc) =	sbr.rel $0x88, $3  }
0x1: {  	(tag) =	ssettag $0x0;
	lr =	simm.s32 $0x1  }
0x2: {  	[smem:$0x3F9E] =	sst lr;
	_ =	strace $0xD0000000  }
0x3: {  	_ = 	snop  }
0x4: {  	_ = 	snop  }
0x5: {  	_ = 	snop  }
0x6: {  	_ = 	snop  }
0x7: {  	_ = 	snop  }
__scs_overlays_trampoline_lowered:
0x8: {  	[smem:$0x3FAD] =	sst s0  }
0x9: {  	[smem:$0x3FAE] =	sst s1  }
0xa: {  	[smem:$0x3FAF] =	sst s2  }
0xb: {  	[smem:$0x3FB0] =	sst s3  }
0xc: {  	[smem:$0x3FB1] =	sst s4  }
0xd: {  	[smem:$0x3FB2] =	sst s5  }
0xe: {  	[smem:$0x3FB3] =	sst s6  }
0xf: {  	[smem:$0x3FB4] =	sst s7  }
0x10: {  	[smem:$0x3FB5] =	sst s8  }
0x11: {  	[smem:$0x3FB6] =	sst s9;
	s0 =	simm.s32 @!p0 $0x0  }
0x12: {  	s1 =	sld [smem:$0x3F9C];
	s0 =	simm.s32 @p0 $0x1  }
0x13: {  	[smem:$0x3FB7] =	sst s0;
	s0 =	simm.s32 @!p1 $0x0  }
0x14: {  	s2 =	sld [smem:$0x3F9B];
	s0 =	simm.s32 @p1 $0x1  }
0x15: {  	[smem:$0x3FB8] =	sst s0;
	s0 =	simm.s32 @!p2 $0x0  }
0x16: {  	s3 =	sld [smem:$0x3FDB];
	s0 =	simm.s32 @p2 $0x1  }
0x17: {  	s4 =	simm.s32 $0x1BF5;
	[smem:$0x3FBA] =	sst s0  }
0x18: {  	s0 =	sld [smem:$0x3F9D];
	_ =	swait.ge [sflag:s4], $0x0  }
0x19: {  	s7 =	sld [smem:$0x3F9E]  }
0x1a: {  	s8 =	sadd.s32 $0xFFFFE003, lr  }
0x1b: {  	s9 =	sadd.s32 $0xFFFFFEF7, lr;
	s5 =	simm.s32 $0xFFFFFFFF;
	p2 =	slt.u32 s8, $0xFFFFF086  }
0x1c: {  	p1 =	slt.u32 s9, $0xF7A;
	s5 =	simm.s32 @!p2 $0x0  }
0x1d: {  	s5 =	simm.s32 @p1 $0x1;
	p0 =	seq.s32 s7, s2  }
0x1e: {  	s7 =	smul.u32 @!p0 $0xF7A, s2;
	p2 =	seq.s32 @!p0 s5, $0x0  }
0x1f: {  	s9 =	smul.u32 $0xF7A, s1;
	s8 =	simm.s32 @!p0 $0x1BF5;
	p2 =	por !p2, p0  }
0x20: {  	[sflag:s8] =	ssyncset.s32 @!p0 $0xFFFFF086;
	s6 =	sadd.s32 @!p0 s3, s7;
	s7 =	simm.s32 @!p0 $0x108  }
0x21: {  	s3 =	sadd.s32 s3, s9;
	s6 =	sadd.s32 @!p0 $0x88, s6;
	s7 =	simm.s32 @p2 $0x1082  }
0x22: {  	[simem:s7], [sflag:s8] =	dma.local @!p0 [hbm:s6], $0xF7A  }
0x23: {  	s9 =	sor.u32 $0xD0000000, s2;
	s6 =	simm.s32 $0x108;
	_ =	swait.ge @!p0 [sflag:s8], $0x0  }
0x24: {  	s3 =	sadd.s32 $0x88, s3;
	s6 =	simm.s32 @!p1 $0x1082;
	[sflag:s4] =	ssyncset.s32 $0xFFFFF086  }
0x25: {  	[simem:s6], [sflag:s4] =	dma.local [hbm:s3], $0xF7A  }
0x26: {  	[smem:$0x3F9E] =	sst s1;
	(tag) =	ssettag s2;
	_ =	strace s9  }
0x27: {  	s1 =	sld [smem:$0x3FAE]  }
0x28: {  	s2 =	sld [smem:$0x3FAF]  }
0x29: {  	s4 =	sld [smem:$0x3FB1]  }
0x2a: {  	p0 =	seq.s32 s5, $0x0;
	s5 =	sld [smem:$0x3FB2]  }
0x2b: {  	s6 =	sld [smem:$0x3FB3]  }
0x2c: {  	s7 =	sld [smem:$0x3FB4]  }
0x2d: {  	s3 =	simm.s32 $0x108;
	s8 =	sld [smem:$0x3FB5]  }
0x2e: {  	s3 =	simm.s32 @!p0 $0x1082;
	s9 =	sld [smem:$0x3FB6]  }
0x2f: {  	lr =	sadd.s32 s0, s3;
	s0 =	sld [smem:$0x3FAD]  }
0x30: {  	s3 =	sld [smem:$0x3FB0]  }
0x31: {  	[smem:$0x3FB9] =	sst s10  }
0x32: {  	s10 =	sld [smem:$0x3FB7];
	_ =	sdelay $0x3  }
0x33: {  	p0 =	seq.s32 s10, $0x1;
	s10 =	sld [smem:$0x3FB9];
	_ =	sdelay $0x3  }
0x34: {  	[smem:$0x3FB9] =	sst s10  }
0x35: {  	s10 =	sld [smem:$0x3FB8];
	_ =	sdelay $0x3  }
0x36: {  	p1 =	seq.s32 s10, $0x1;
	s10 =	sld [smem:$0x3FB9];
	_ =	sdelay $0x3  }
0x37: {  	[smem:$0x3FB9] =	sst s10  }
0x38: {  	s10 =	sld [smem:$0x3FBA]  }
0x39: {  	_ = 	snop;
	(pc) =	sbr.ind lr, $3  }
0x3a: {  	_ = 	snop  }
0x3b: {  	_ = 	snop  }
0x3c: {  	p2 =	seq.s32 s10, $0x1;
	s10 =	sld [smem:$0x3FB9]  }
0x3d: {  	_ =	shalt  }
0x3e: {  	_ =	shalt  }
0x3f: {  	_ =	shalt  }
0x40: {  	_ =	shalt  }
0x41: {  	_ =	shalt  }
0x42: {  	_ =	shalt  }
0x43: {  	_ =	shalt  }
0x44: {  	_ =	shalt  }
0x45: {  	_ =	shalt  }
0x46: {  	_ =	shalt  }
0x47: {  	_ =	shalt  }
0x48: {  	_ =	shalt  }
0x49: {  	_ =	shalt  }
0x4a: {  	_ =	shalt  }
0x4b: {  	_ =	shalt  }
0x4c: {  	_ =	shalt  }
0x4d: {  	_ =	shalt  }
0x4e: {  	_ =	shalt  }
0x4f: {  	_ =	shalt  }
0x50: {  	_ =	shalt  }
0x51: {  	_ =	shalt  }
0x52: {  	_ =	shalt  }
0x53: {  	_ =	shalt  }
0x54: {  	_ =	shalt  }
0x55: {  	_ =	shalt  }
0x56: {  	_ =	shalt  }
0x57: {  	_ =	shalt  }
0x58: {  	_ =	shalt  }
0x59: {  	_ =	shalt  }
0x5a: {  	_ =	shalt  }
0x5b: {  	_ =	shalt  }
0x5c: {  	_ =	shalt  }
0x5d: {  	_ =	shalt  }
0x5e: {  	_ =	shalt  }
0x5f: {  	_ =	shalt  }
0x60: {  	_ =	shalt  }
0x61: {  	_ =	shalt  }
0x62: {  	_ =	shalt  }
0x63: {  	_ =	shalt  }
0x64: {  	_ =	shalt  }
0x65: {  	_ =	shalt  }
0x66: {  	_ =	shalt  }
0x67: {  	_ =	shalt  }
0x68: {  	_ =	shalt  }
0x69: {  	_ =	shalt  }
0x6a: {  	_ =	shalt  }
0x6b: {  	_ =	shalt  }
0x6c: {  	_ =	shalt  }
0x6d: {  	_ =	shalt  }
0x6e: {  	_ =	shalt  }
0x6f: {  	_ =	shalt  }
0x70: {  	_ =	shalt  }
0x71: {  	_ =	shalt  }
0x72: {  	_ =	shalt  }
0x73: {  	_ =	shalt  }
0x74: {  	_ =	shalt  }
0x75: {  	_ =	shalt  }
0x76: {  	_ =	shalt  }
0x77: {  	_ =	shalt  }
0x78: {  	_ =	shalt  }
0x79: {  	_ =	shalt  }
0x7a: {  	_ =	shalt  }
0x7b: {  	_ =	shalt  }
0x7c: {  	_ =	shalt  }
0x7d: {  	_ =	shalt  }
0x7e: {  	_ =	shalt  }
0x7f: {  	_ =	shalt  }
0x80: {  	_ =	shalt  }
0x81: {  	_ =	shalt  }
0x82: {  	_ =	shalt  }
0x83: {  	_ =	shalt  }
0x84: {  	_ =	shalt  }
0x85: {  	_ =	shalt  }
0x86: {  	_ =	shalt  }
0x87: {  	_ =	shalt  }
.Lfunc_end0:
.L_simem_size_0:
called_computation_lowered:
.L_overlay_start_0:
0x88: {  	s2 =	sld [smem:$0x3FD9]  }
0x89: {  	s3 =	sld [smem:$0x3FFE];
	_ =	sdelay $0x1  }
0x8a: {  	s1 =	srdreg.scid  }
0x8b: {  	s0 =	sand.u32 $0x1, s1  }
0x8c: {  	s18 =	sshll.u32 s0, $0xA;
	s2 =	sadd.s32 s3, s2  }
0x8d: {  	s2 =	sadd.s32 s2, s18  }
0x8e: {  	[smem:$0x3FC5] =	sst s2  }
0x8f: {  	_ = 	snop  }
0x90: {  	s2 =	sld [smem:$0x3FC9]  }
0x91: {  	s19 =	sld [smem:$0x3FC8]  }
0x92: {  	s4 =	sld [smem:$0x3FC7]  }
0x93: {  	s5 =	sld [smem:$0x3FD0];
	(tm) =	ssettm $0x1  }
0x94: {  	s6 =	sld [smem:$0x3FFB];
	_ =	sdelay $0x3  }
0x95: {  	_ =	strace s6  }
0x96: {  	s6 =	sld [smem:$0x3FFC];
	_ =	sdelay $0x3  }
0x97: {  	_ =	strace s6  }
0x98: {  	s6 =	sld [smem:$0x3FFD];
	_ =	sdelay $0x3  }
0x99: {  	_ =	strace s6  }
0x9a: {  	_ =	strace $0x8FFFFFFF  }
0x9b: {  	s20 =	sld [smem:$0x3FDB];
	_ =	sdelay $0x1  }
0x9c: {  	s7 =	simm.s32 $_scs_section_size  }
0x9d: {  	s8 =	simm.s32 $_size__tile_overlayer_lowered;
	s9 =	simm.s32 $_tile_overlayer_lowered  }
0x9e: {  	s23 =	simm.s32 $0x1BFF;
	s22 =	sshll.u32 s9, $0x1;
	s6 =	sadd.s32 s7, s20  }
0x9f: {  	s10 =	simm.s32 $0x0;
	s21 =	sshll.u32 s8, $0x1;
	s8 =	sadd.s32 s22, s6  }
0xa0: {  	[timem:s10], [sflag:s23] =	dma.local [hbm:s8], s21  }
0xa1: {  	_ =	swait.ge [sflag:s23], s21  }
0xa2: {  	s7 =	ssub.s32 $0x0, s21;
	[sflag:s23] =	ssyncset.done $0x0  }
0xa3: {  	[sflag:s23] =	ssyncadd.s32 s7;
	_ =	sdelay $0x1  }
0xa4: {  	s24 =	simm.s32 $0x1B8B  }
0xa5: {  	_ =	swait.ge [sflag:s24], $0x1  }
0xa6: {  	[sflag:s24] =	ssyncset.done $0x0  }
0xa7: {  	s25 =	simm.s32 $0x1B8E;
	[sflag:s24] =	ssyncadd.s32 $0xFFFFFFFF  }
0xa8: {  	s26 =	simm.s32 $execute0_lowered;
	[smem:$0x3FD2] =	sst s25  }
0xa9: {  	s7 =	sshll.u32 s26, $0x1;
	_ =	strace $0x80000046;
	[dreg:$0x1] =	wrdreg $0xFFFFFFFF  }
0xaa: {  	s28 =	simm.s32 $_size_execute0_lowered;
	s6 =	sadd.s32 s6, s7;
	[dreg:$0x0] =	wrdreg $0x0  }
0xab: {  	s7 =	sshll.u32 s28, $0x1;
	[dreg:$0x2] =	wrdreg s6  }
0xac: {  	[dreg:$0x3] =	wrdreg s7  }
0xad: {  	[dreg:$0x4] =	wrdreg $0xC0  }
0xae: {  	_ =	task [dreg:s10], $0x5FFFF  }
0xaf: {  	[dreg:$0x1] =	wrdreg $0xFFFFFFFF  }
0xb0: {  	[dreg:$0x0] =	wrdreg $0x60  }
0xb1: {  	[dreg:$0x2] =	wrdreg s2  }
0xb2: {  	[dreg:$0x3] =	wrdreg s19  }
0xb3: {  	[dreg:$0x4] =	wrdreg s4  }
0xb4: {  	[dreg:$0x5] =	wrdreg s5  }
0xb5: {  	[dreg:$0x6] =	wrdreg $0x9  }
0xb6: {  	_ =	task.clear_ibuf [dreg:s10], $0x7FFFF;
	_ =	strace $0x90000046  }
0xb7: {  	s29 =	simm.s32 $0x9;
	_ =	strace $0x80000048  }
0xb8: {  	_ =	swait.ge [sflag:s29], $0x1  }
0xb9: {  	[sflag:s29] =	ssyncadd.s32 $0xFFFFFFFF  }
0xba: {  	_ =	strace $0x90000048  }
0xbb: {  	_ =	sfence  }
0xbc: {  	s30 =	sld [smem:$0x0];
	_ =	sdelay $0x2  }
0xbd: {  	s31 =	sshll.u32 s1, $0xD;
	s1 =	sshrl.u32 s1, $0x2  }
0xbe: {  	s3 =	sand.u32 $0x4000, s31;
	s1 =	sadd.s32 s1, s30  }
0xbf: {  	s0 =	sor.u32 s3, s0;
	s1 =	sshll.u32 s1, $0x11  }
0xc0: {  	s0 =	sor.u32 s1, s0  }
0xc1: {  	s0 =	sadd.s32 $0x8F2B, s0  }
0xc2: {  	[sflag:s0] =	ssyncadd.remote.s32 $0x1  }
0xc3: {  	_ =	sfence.sel $0xFFFF  }
0xc4: {  	[dreg:$0x0] =	wrdreg $0xFFFFFFFF;
	(pc) =	sbr.abs _section_cstart, $3  }
0xc5: {  	[dreg:$0x1] =	wrdreg $0xFFFFFFFF  }
0xc6: {  	_ =	task.clear_ibuf [dreg:s10], $0x2FFFF;
	_ =	strace $0x9FFFFFFF  }
0xc7: {  	(tm) =	ssettm $0x7FFFFFFF  }
tec
execute0_lowered:
.L_overlay_start_1:
0x0: {  	(tag) =	ssettag $0x1  }
0x1: {  	s1 =	rddreg [dreg:$0x0]  }
0x2: {  	s2 =	rddreg [dreg:$0x1]  }
0x3: {  	s4 =	rddreg [dreg:$0x2]  }
0x4: {  	s5 =	rddreg [dreg:$0x3]  }
0x5: {  	s6 =	srdreg.scid;
	s0 =	rddreg [dreg:$0x4]  }
0x6: {  	s3 =	stileid.u32;
	s11 =	simm.s32 $0x5;
	s12 =	simm.s32 $0x100  }
0x7: {  	s13 =	simm.s32 $0x80;
	s14 =	simm.s32 $0x200;
	s15 =	simm.s32 $0x8200  }
0x8: {  	s16 =	simm.s32 $0x1;
	s17 =	simm.s32 $0x3;
	s18 =	simm.s32 $0x10200  }
0x9: {  	s19 =	simm.s32 $0x6;
	s20 =	simm.s32 $0x2;
	s21 =	simm.s32 $0x4  }
.Ltmp0:
0xa: {  	vm0 =	vmmov $0x1;
	vm1 =	vmmov $0x3;
	vm2 =	vmmov $0x7;
	s22 =	simm.s32 $0x0;
	s7 =	sand.u32 $0x1, s6;
	(pc) =	sbr.rel .LBB2_1-.Ltmp0, $4  }
0xb: {  	vm3 =	vmmov $0xf;
	vm4 =	vmmov $0x1f;
	vm5 =	vmmov $0x3f;
	s6 =	simm.s32 $0x0;
	s9 =	sshll.u32 s3, $0x1;
	s8 =	ssub.s32 $0x2, s7  }
0xc: {  	vm6 =	vmmov $0x7f;
	vm7 =	vmmov $0xff;
	vm8 =	vmmov $0x1ff;
	[smem:$0x7FF] =	sst s6;
	s7 =	sor.u32 s7, s9;
	s10 =	sshrl.u32 s8, $0x1  }
0xd: {  	vm9 =	vmmov $0x3ff;
	vm10 =	vmmov $0x7ff;
	vm11 =	vmmov $0xfff;
	_ =	strace $0x80000047;
	s9 =	sshll.u32 s7, $0x4;
	s10 =	ssub.s32 s8, s10  }
0xe: {  	vm12 =	vmmov $0x1fff;
	vm13 =	vmmov $0x3fff;
	vm14 =	vmmov $0x7fff;
	s8 =	sadd.s32 s1, s9;
	s9 =	sadd.s32 s2, s9;
	s10 =	smax.u32 s10, $0x1  }
.LBB2_12:
0xf: {  	s22 =	sadd.s32 $0x1, s22  }
0x10: {  	p0 =	sne.s32 s22, s10  }
.Ltmp1:
0x11: {  	_ = 	snop;
	(pc) =	sbr.rel @!p0 .LBB2_13-.Ltmp1, $1  }
0x12: {  	_ =	sdelay $0x3  }
.LBB2_1:
0x13: {  	[tilespmem:s6], [sflag:$0x5] =	stream.linear.gather [hbm4b:s8+s6], $0x80, $0x38;
	[tilespmem:$0x10280] =	vst v63  }
0x14: {  	_ =	swait.ge [sflag:s11], $0x80  }
0x15: {  	[sflag:s11] =	ssyncset.done $0x0  }
0x16: {  	[sflag:s11] =	ssyncadd.s32 $0xFFFFFF80  }
0x17: {  	[tilespmem:s12], [sflag:$0x5] =	stream.linear.gather [hbm4b:s9+s6], $0x80, $0x38;
	[tilespmem:$0x10280] =	vst v63  }
0x18: {  	_ =	swait.ge [sflag:s11], $0x80  }
.Ltmp2:
0x19: {  	[sflag:s11] =	ssyncset.done $0x0;
	(pc) =	sbr.rel .LBB2_2-.Ltmp2, $4  }
0x1a: {  	[sflag:s11] =	ssyncadd.s32 $0xFFFFFF80  }
0x1b: {  	[tilespmem:s14], [sflag:$0x1] =	stream.indirect.gather [hbm4b:s4+s13], $0x80, s6, s13, $0xb8;
	[tilespmem:$0x10280] =	vst v63  }
0x1c: {  	s23 =	simm.s32 $0x0  }
0x1d: {  	[tilespmem:s15], [sflag:$0x3] =	stream.indirect.gather [hbm4b:s4+s13], $0x80, s12, s13, $0xb8;
	[tilespmem:$0x10280] =	vst v63  }
.LBB2_11:
0x1e: {  	s23 =	sadd.s32 $0x1, s23  }
0x1f: {  	p0 =	sne.s32 s23, $0x3E  }
.Ltmp3:
0x20: {  	_ = 	snop;
	(pc) =	sbr.rel @!p0 .LBB2_12-.Ltmp3, $1  }
0x21: {  	_ =	sdelay $0x3  }
.LBB2_2:
0x22: {  	s24 =	sshll.u32 s23, $0x6  }
0x23: {  	s25 =	sor.u32 s7, s24  }
0x24: {  	s24 =	sor.u32 $0x20, s25  }
0x25: {  	p0 =	sgt.u32 s24, $0xF42  }
0x26: {  	s26 =	sshll.u32 @!p0 s24, $0x7  }
0x27: {  	s26 =	smin.u32 @!p0 s26, $0x7A0A0  }
0x28: {  	s26 =	sshrl.u32 @!p0 s26, $0x3  }
0x29: {  	s29 =	simm.s32 @!p0 $0x0;
	s30 =	simm.s32 @!p0 $0x80;
	s28 =	sadd.s32 @!p0 s1, s26  }
0x2a: {  	[tilespmem:s30], [sflag:$0x6] =	stream.linear.gather @!p0 [hbm4b:s28+s29], $0x80, $0x38;
	[tilespmem:$0x10280] =	vst v63  }
0x2b: {  	s28 =	simm.s32 @!p0 $0x6  }
0x2c: {  	_ =	swait.ge @!p0 [sflag:s28], $0x80  }
0x2d: {  	[sflag:s28] =	ssyncset.done @!p0 $0x0  }
0x2e: {  	s31 =	simm.s32 @!p0 $0x180;
	s26 =	sadd.s32 @!p0 s2, s26;
	[sflag:s28] =	ssyncadd.s32 @!p0 $0xFFFFFF80  }
0x2f: {  	[tilespmem:s31], [sflag:$0x6] =	stream.linear.gather @!p0 [hbm4b:s26+s29], $0x80, $0x38;
	[tilespmem:$0x10280] =	vst v63  }
0x30: {  	p1 =	sgt.u32 s25, $0xF42;
	_ =	swait.ge @!p0 [sflag:s28], $0x80  }
.Ltmp4:
0x31: {  	[sflag:s28] =	ssyncset.done @!p0 $0x0;
	(pc) =	sbr.rel @p1 .LBB2_11-.Ltmp4, $4  }
0x32: {  	s26 =	simm.s32 @!p0 $0x4200;
	[sflag:s28] =	ssyncadd.s32 @!p0 $0xFFFFFF80  }
0x33: {  	[tilespmem:s26], [sflag:$0x2] =	stream.indirect.gather @!p0 [hbm4b:s4+s30], $0x80, s30, s30, $0xb8;
	[tilespmem:$0x10280] =	vst v63  }
0x34: {  	s26 =	simm.s32 @!p0 $0xC200  }
0x35: {  	[tilespmem:s26], [sflag:$0x4] =	stream.indirect.gather @!p0 [hbm4b:s4+s30], $0x80, s31, s30, $0xb8;
	[tilespmem:$0x10280] =	vst v63  }
0x36: {  	_ =	swait.ge [sflag:s16], $0x4000  }
0x37: {  	[sflag:s16] =	ssyncset.done $0x0  }
0x38: {  	[sflag:s16] =	ssyncadd.s32 $0xFFFFC000  }
0x39: {  	_ =	swait.ge [sflag:s17], $0x4000  }
0x3a: {  	[sflag:s17] =	ssyncset.done $0x0  }
0x3b: {  	s26 =	simm.s32 $0x0;
	[sflag:s17] =	ssyncadd.s32 $0xFFFFC000  }
0x3c: {  	v3 =	vld [tilespmem:s26+$0x660];
	_ =	sdelay $0x4  }
0x3d: {  	[tilespmem:$0x1FB10] =	vst v3;
	v3 =	vld [tilespmem:s26+$0x8660];
	_ =	sdelay $0x4  }
0x3e: {  	[tilespmem:$0x1FB20] =	vst v3;
	v3 =	vld [tilespmem:s26+$0x6D0];
	_ =	sdelay $0x4  }
0x3f: {  	[tilespmem:$0x1FB50] =	vst v3;
	v3 =	vld [tilespmem:s26+$0x86D0];
	_ =	sdelay $0x4  }
0x40: {  	[tilespmem:$0x1FB60] =	vst v3;
	v3 =	vld [tilespmem:s26+$0x740];
	_ =	sdelay $0x4  }
0x41: {  	[tilespmem:$0x1FB70] =	vst v3;
	v3 =	vld [tilespmem:s26+$0x8740];
	_ =	sdelay $0x4  }
0x42: {  	[tilespmem:$0x1FB80] =	vst v3;
	v3 =	vld [tilespmem:s26+$0x7B0];
	_ =	sdelay $0x4  }
0x43: {  	[tilespmem:$0x1FB30] =	vst v3;
	v3 =	vld [tilespmem:s26+$0x880];
	_ =	sdelay $0x4  }
0x44: {  	[tilespmem:$0x1FB40] =	vst v3;
	v3 =	vld [tilespmem:s26+$0x570];
	_ =	sdelay $0x4  }
0x45: {  	[tilespmem:$0x1FB90] =	vst v3;
	v3 =	vld [tilespmem:s26+$0x8570];
	_ =	sdelay $0x4  }
0x46: {  	[tilespmem:$0x1FBA0] =	vst v3;
	v3 =	vld [tilespmem:s26+$0x5E0];
	_ =	sdelay $0x4  }
0x47: {  	[tilespmem:$0x1F8B0] =	vst v3;
	v3 =	vld [tilespmem:s26+$0x650];
	_ =	sdelay $0x4  }
0x48: {  	[tilespmem:$0x1FBB0] =	vst v3;
	v3 =	vld [tilespmem:s26+$0x8650];
	_ =	sdelay $0x4  }
0x49: {  	[tilespmem:$0x1FBC0] =	vst v3;
	v3 =	vld [tilespmem:s26+$0x6C0];
	_ =	sdelay $0x4  }
0x4a: {  	[tilespmem:$0x1FBD0] =	vst v3;
	v3 =	vld [tilespmem:s26+$0x86C0];
	_ =	sdelay $0x4  }
0x4b: {  	[tilespmem:$0x1FBE0] =	vst v3;
	v3 =	vld [tilespmem:s26+$0x730];
	_ =	sdelay $0x4  }
0x4c: {  	[tilespmem:$0x1FC10] =	vst v3;
	v3 =	vld [tilespmem:s26+$0x8730];
	_ =	sdelay $0x4  }
0x4d: {  	[tilespmem:$0x1FC20] =	vst v3;
	v3 =	vld [tilespmem:s26+$0x4F0];
	_ =	sdelay $0x4  }
0x4e: {  	[tilespmem:$0x1FC00] =	vst v3;
	v3 =	vld [tilespmem:s26+$0x560];
	_ =	sdelay $0x4  }
0x4f: {  	[tilespmem:$0x1FC30] =	vst v3;
	v3 =	vld [tilespmem:s26+$0x8560];
	_ =	sdelay $0x4  }
0x50: {  	[tilespmem:$0x1FC40] =	vst v3;
	v3 =	vld [tilespmem:s26+$0x5D0];
	_ =	sdelay $0x4  }
0x51: {  	[tilespmem:$0x1F8C0] =	vst v3;
	v3 =	vld [tilespmem:s26+$0x85D0];
	_ =	sdelay $0x4  }
0x52: {  	[tilespmem:$0x1F8D0] =	vst v3;
	v3 =	vld [tilespmem:s26+$0x640];
	_ =	sdelay $0x4  }
0x53: {  	[tilespmem:$0x1FC50] =	vst v3;
	v3 =	vld [tilespmem:s26+$0x8640];
	_ =	sdelay $0x4  }
0x54: {  	[tilespmem:$0x1FC60] =	vst v3;
	v3 =	vld [tilespmem:s26+$0x6B0];
	_ =	sdelay $0x4  }
0x55: {  	[tilespmem:$0x1FC70] =	vst v3;
	v3 =	vld [tilespmem:s26+$0x86B0];
	_ =	sdelay $0x4  }
0x56: {  	[tilespmem:$0x1FC80] =	vst v3;
	v3 =	vld [tilespmem:s26+$0x720];
	_ =	sdelay $0x4  }
0x57: {  	[tilespmem:$0x1FC90] =	vst v3;
	v3 =	vld [tilespmem:s26+$0x8720];
	_ =	sdelay $0x4  }
0x58: {  	[tilespmem:$0x1FCA0] =	vst v3;
	v3 =	vld [tilespmem:s26+$0x4E0];
	_ =	sdelay $0x4  }
0x59: {  	[tilespmem:$0x1FCB0] =	vst v3;
	v3 =	vld [tilespmem:s26+$0x84E0];
	_ =	sdelay $0x4  }
0x5a: {  	[tilespmem:$0x1FCC0] =	vst v3;
	v3 =	vld [tilespmem:s26+$0x550];
	_ =	sdelay $0x4  }
0x5b: {  	[tilespmem:$0x1FD10] =	vst v3;
	v3 =	vld [tilespmem:s26+$0x8550];
	_ =	sdelay $0x4  }
0x5c: {  	[tilespmem:$0x1FD20] =	vst v3;
	v3 =	vld [tilespmem:s26+$0x5C0];
	_ =	sdelay $0x4  }
0x5d: {  	[tilespmem:$0x1FD50] =	vst v3;
	v3 =	vld [tilespmem:s26+$0x85C0];
	_ =	sdelay $0x4  }
0x5e: {  	[tilespmem:$0x1FD60] =	vst v3;
	v3 =	vld [tilespmem:s26+$0x630];
	_ =	sdelay $0x4  }
0x5f: {  	[tilespmem:$0x1FD30] =	vst v3;
	v3 =	vld [tilespmem:s26+$0x8630];
	_ =	sdelay $0x4  }
0x60: {  	[tilespmem:$0x1FD40] =	vst v3;
	v3 =	vld [tilespmem:s26+$0x700];
	_ =	sdelay $0x4  }
0x61: {  	[tilespmem:$0x1FCD0] =	vst v3;
	v3 =	vld [tilespmem:s26+$0x8700];
	_ =	sdelay $0x4  }
0x62: {  	[tilespmem:$0x1FCE0] =	vst v3;
	v3 =	vld [tilespmem:s26+$0x710];
	_ =	sdelay $0x4  }
0x63: {  	[tilespmem:$0x1FCF0] =	vst v3;
	v3 =	vld [tilespmem:s26+$0x8710];
	_ =	sdelay $0x4  }
0x64: {  	[tilespmem:$0x1FD00] =	vst v3;
	v3 =	vld [tilespmem:s26+$0x3F0];
	_ =	sdelay $0x4  }
0x65: {  	[tilespmem:$0x1FD80] =	vst v3;
	v3 =	vld [tilespmem:s26+$0x83F0];
	_ =	sdelay $0x4  }
0x66: {  	[tilespmem:$0x1FD90] =	vst v3;
	v3 =	vld [tilespmem:s26+$0x460];
	_ =	sdelay $0x4  }
0x67: {  	[tilespmem:$0x1F8E0] =	vst v3;
	v3 =	vld [tilespmem:s26+$0x4D0];
	_ =	sdelay $0x4  }
0x68: {  	[tilespmem:$0x1FDA0] =	vst v3;
	v3 =	vld [tilespmem:s26+$0x84D0];
	_ =	sdelay $0x4  }
0x69: {  	[tilespmem:$0x1FDB0] =	vst v3;
	v3 =	vld [tilespmem:s26+$0x540];
	_ =	sdelay $0x1  }
0x6a: {  	v0 =	vld [tilespmem:s26+$0x9D0];
	_ =	sdelay $0x2  }
0x6b: {  	[tilespmem:$0x1FDC0] =	vst v3;
	v3 =	vld [tilespmem:s26+$0x8540];
	_ =	sdelay $0x1  }
0x6c: {  	[tilespmem:$0x1F810] =	vst v0;
	v0 =	vld [tilespmem:s26+$0x89D0];
	_ =	sdelay $0x2  }
0x6d: {  	[tilespmem:$0x1FDD0] =	vst v3;
	v3 =	vld [tilespmem:s26+$0x5B0];
	_ =	sdelay $0x1  }
0x6e: {  	[tilespmem:$0x1F820] =	vst v0;
	v0 =	vld [tilespmem:s26+$0x9C0];
	_ =	sdelay $0x2  }
0x6f: {  	[tilespmem:$0x1FDE0] =	vst v3;
	v3 =	vld [tilespmem:s26+$0x85B0];
	_ =	sdelay $0x1  }
0x70: {  	[tilespmem:$0x1F830] =	vst v0;
	v0 =	vld [tilespmem:s26+$0x89C0];
	_ =	sdelay $0x2  }
0x71: {  	[tilespmem:$0x1FDF0] =	vst v3;
	v3 =	vld [tilespmem:s26+$0x370];
	_ =	sdelay $0x1  }
0x72: {  	[tilespmem:$0x1F840] =	vst v0;
	v0 =	vld [tilespmem:s26+$0x8E0];
	_ =	sdelay $0x2  }
0x73: {  	[tilespmem:$0x1FE10] =	vst v3;
	v3 =	vld [tilespmem:s26+$0x8370];
	_ =	sdelay $0x1  }
0x74: {  	[tilespmem:$0x1F850] =	vst v0;
	v0 =	vld [tilespmem:s26+$0x7F0];
	_ =	sdelay $0x2  }
0x75: {  	[tilespmem:$0x1FE20] =	vst v3;
	v3 =	vld [tilespmem:s26+$0x3E0];
	_ =	sdelay $0x1  }
0x76: {  	[tilespmem:$0x1F950] =	vst v0;
	v0 =	vld [tilespmem:s26+$0x87F0];
	_ =	sdelay $0x2  }
0x77: {  	[tilespmem:$0x1FE30] =	vst v3;
	v3 =	vld [tilespmem:s26+$0x83E0];
	_ =	sdelay $0x1  }
0x78: {  	[tilespmem:$0x1F960] =	vst v0;
	v0 =	vld [tilespmem:s26+$0x860];
	_ =	sdelay $0x2  }
0x79: {  	[tilespmem:$0x1FE40] =	vst v3;
	v3 =	vld [tilespmem:s26+$0x450];
	_ =	sdelay $0x1  }
0x7a: {  	[tilespmem:$0x1F980] =	vst v0;
	v0 =	vld [tilespmem:s26+$0x8860];
	_ =	sdelay $0x2  }
0x7b: {  	[tilespmem:$0x1F8F0] =	vst v3;
	v3 =	vld [tilespmem:s26+$0x8450];
	_ =	sdelay $0x1  }
0x7c: {  	[tilespmem:$0x1F990] =	vst v0;
	v0 =	vld [tilespmem:s26+$0x8D0];
	_ =	sdelay $0x2  }
0x7d: {  	[tilespmem:$0x1F900] =	vst v3;
	v3 =	vld [tilespmem:s26+$0x4C0];
	_ =	sdelay $0x1  }
0x7e: {  	[tilespmem:$0x1F860] =	vst v0;
	v0 =	vld [tilespmem:s26+$0x88D0];
	_ =	sdelay $0x2  }
0x7f: {  	[tilespmem:$0x1FE50] =	vst v3;
	v3 =	vld [tilespmem:s26+$0x84C0];
	_ =	sdelay $0x1  }
0x80: {  	[tilespmem:$0x1F870] =	vst v0;
	v0 =	vld [tilespmem:s26+$0x940];
	_ =	sdelay $0x2  }
0x81: {  	[tilespmem:$0x1FE60] =	vst v3;
	v3 =	vld [tilespmem:s26+$0x530];
	_ =	sdelay $0x1  }
0x82: {  	[tilespmem:$0x1F9A0] =	vst v0;
	v0 =	vld [tilespmem:s26+$0x8940];
	_ =	sdelay $0x2  }
0x83: {  	[tilespmem:$0x1FE80] =	vst v3;
	v3 =	vld [tilespmem:s26+$0x8530];
	_ =	sdelay $0x1  }
0x84: {  	[tilespmem:$0x1F9B0] =	vst v0;
	v0 =	vld [tilespmem:s26+$0x9A0];
	_ =	sdelay $0x2  }
0x85: {  	[tilespmem:$0x1FE90] =	vst v3;
	v3 =	vld [tilespmem:s26+$0x5A0];
	_ =	sdelay $0x1  }
0x86: {  	[tilespmem:$0x1F9C0] =	vst v0;
	v0 =	vld [tilespmem:s26+$0x89A0];
	_ =	sdelay $0x2  }
0x87: {  	[tilespmem:$0x1FEA0] =	vst v3;
	v3 =	vld [tilespmem:s26+$0x85A0];
	_ =	sdelay $0x1  }
0x88: {  	[tilespmem:$0x1F9D0] =	vst v0;
	v0 =	vld [tilespmem:s26+$0x7E0];
	_ =	sdelay $0x2  }
0x89: {  	[tilespmem:$0x1FEB0] =	vst v3;
	v3 =	vld [tilespmem:s26+$0x270];
	_ =	sdelay $0x1  }
0x8a: {  	[tilespmem:$0x1F9F0] =	vst v0;
	v0 =	vld [tilespmem:s26+$0x87E0];
	_ =	sdelay $0x2  }
0x8b: {  	[tilespmem:$0x1FF20] =	vst v3;
	v3 =	vld [tilespmem:s26+$0x8270];
	_ =	sdelay $0x1  }
0x8c: {  	[tilespmem:$0x1FA00] =	vst v0;
	v0 =	vld [tilespmem:s26+$0x8850];
	_ =	sdelay $0x2  }
0x8d: {  	[tilespmem:$0x1FF30] =	vst v3;
	v3 =	vld [tilespmem:s26+$0x360];
	_ =	sdelay $0x1  }
0x8e: {  	[tilespmem:$0x1FA10] =	vst v0;
	v0 =	vld [tilespmem:s26+$0x8C0];
	_ =	sdelay $0x2  }
0x8f: {  	[tilespmem:$0x1FF40] =	vst v3;
	v3 =	vld [tilespmem:s26+$0x8360];
	_ =	sdelay $0x1  }
0x90: {  	[tilespmem:$0x1FA20] =	vst v0;
	v0 =	vld [tilespmem:s26+$0x88C0];
	_ =	sdelay $0x2  }
0x91: {  	[tilespmem:$0x1FF50] =	vst v3;
	v3 =	vld [tilespmem:s26+$0x3D0];
	_ =	sdelay $0x1  }
0x92: {  	[tilespmem:$0x1FA30] =	vst v0;
	v0 =	vld [tilespmem:s26+$0x980];
	_ =	sdelay $0x2  }
0x93: {  	[tilespmem:$0x1FF60] =	vst v3;
	v3 =	vld [tilespmem:s26+$0x83D0];
	_ =	sdelay $0x1  }
0x94: {  	[tilespmem:$0x1FA50] =	vst v0;
	v0 =	vld [tilespmem:s26+$0x8980];
	_ =	sdelay $0x2  }
0x95: {  	[tilespmem:$0x1FF70] =	vst v3;
	v3 =	vld [tilespmem:s26+$0x440];
	_ =	sdelay $0x1  }
0x96: {  	[tilespmem:$0x1FA60] =	vst v0;
	v0 =	vld [tilespmem:s26+$0x990];
	_ =	sdelay $0x2  }
0x97: {  	[tilespmem:$0x1F910] =	vst v3;
	v3 =	vld [tilespmem:s26+$0x8440];
	_ =	sdelay $0x1  }
0x98: {  	[tilespmem:$0x1FA70] =	vst v0;
	v0 =	vld [tilespmem:s26+$0x8990];
	_ =	sdelay $0x2  }
0x99: {  	[tilespmem:$0x1F920] =	vst v3;
	v3 =	vld [tilespmem:s26+$0x4B0];
	_ =	sdelay $0x1  }
0x9a: {  	[tilespmem:$0x1FA80] =	vst v0;
	v0 =	vld [tilespmem:s26+$0x6F0];
	_ =	sdelay $0x2  }
0x9b: {  	[tilespmem:$0x1FEC0] =	vst v3;
	v3 =	vld [tilespmem:s26+$0x84B0];
	_ =	sdelay $0x1  }
0x9c: {  	[tilespmem:$0x1FA90] =	vst v0;
	v0 =	vld [tilespmem:s26+$0x86F0];
	_ =	sdelay $0x2  }
0x9d: {  	[tilespmem:$0x1FED0] =	vst v3;
	v3 =	vld [tilespmem:s26+$0x520];
	_ =	sdelay $0x1  }
0x9e: {  	[tilespmem:$0x1FAA0] =	vst v0;
	v0 =	vld [tilespmem:s26+$0x760];
	_ =	sdelay $0x2  }
0x9f: {  	[tilespmem:$0x1FE70] =	vst v3;
	v3 =	vld [tilespmem:s26+$0x580];
	_ =	sdelay $0x1  }
0xa0: {  	[tilespmem:$0x1F880] =	vst v0;
	v0 =	vld [tilespmem:s26+$0x7D0];
	_ =	sdelay $0x2  }
0xa1: {  	[tilespmem:$0x1FEE0] =	vst v3;
	v3 =	vld [tilespmem:s26+$0x8580];
	_ =	sdelay $0x1  }
0xa2: {  	[tilespmem:$0x1FAB0] =	vst v0;
	v0 =	vld [tilespmem:s26+$0x840];
	_ =	sdelay $0x2  }
0xa3: {  	[tilespmem:$0x1FEF0] =	vst v3;
	v3 =	vld [tilespmem:s26+$0x590];
	_ =	sdelay $0x1  }
0xa4: {  	[tilespmem:$0x1FAC0] =	vst v0;
	v0 =	vld [tilespmem:s26+$0x750];
	_ =	sdelay $0x1  }
0xa5: {  	v6 =	vld [tilespmem:s26+$0x970]  }
0xa6: {  	[tilespmem:$0x1FF00] =	vst v3;
	v3 =	vld [tilespmem:s26+$0x8590]  }
0xa7: {  	v7 =	vld [tilespmem:s26+$0x8970]  }
0xa8: {  	[tilespmem:$0x1F890] =	vst v0;
	v0 =	vld [tilespmem:s26+$0x8750]  }
0xa9: {  	v9 =	vld [tilespmem:s26+$0x960]  }
0xaa: {  	v16 =	vld [tilespmem:s26+$0x8960]  }
0xab: {  	[tilespmem:$0x1FF10] =	vst v3;
	v3 =	vld [tilespmem:s26+$0x260]  }
0xac: {  	v23 =	vld [tilespmem:s26+$0x870]  }
0xad: {  	[tilespmem:$0x1F8A0] =	vst v0;
	v0 =	vld [tilespmem:s26+$0x8A0]  }
0xae: {  	v59 =	vld [tilespmem:s26+$0x950]  }
0xaf: {  	v5 =	vld [tilespmem:s26+$0x8950]  }
0xb0: {  	[tilespmem:$0x1FF80] =	vst v3;
	v3 =	vld [tilespmem:s26+$0x8260]  }
0xb1: {  	v11 =	vld [tilespmem:s26+$0x9B0]  }
0xb2: {  	[tilespmem:$0x1FAE0] =	vst v0;
	v0 =	vld [tilespmem:s26+$0x88A0]  }
0xb3: {  	v12 =	vld [tilespmem:s26+$0x89B0]  }
0xb4: {  	v8 =	vld [tilespmem:s26+$0x8910]  }
0xb5: {  	[tilespmem:$0x1FF90] =	vst v3;
	v3 =	vld [tilespmem:s26+$0x350]  }
0xb6: {  	v59 =	vmul.f32 v5, v59;
	v5 =	vld [tilespmem:s26+$0x8430]  }
0xb7: {  	[tilespmem:$0x1FAF0] =	vst v0;
	v0 =	vld [tilespmem:s26+$0x910]  }
0xb8: {  	v13 =	vld [tilespmem:s26+$0x900]  }
0xb9: {  	v10 =	vld [tilespmem:s26+$0x8900]  }
0xba: {  	[tilespmem:$0x1FFA0] =	vst v3;
	v3 =	vld [tilespmem:s26+$0x8350]  }
0xbb: {  	[tilespmem:$0x1F940] =	vst v5;
	v5 =	vld [tilespmem:$0x1F960]  }
0xbc: {  	v8 =	vmul.f32 v8, v0;
	v0 =	vld [tilespmem:$0x1F950]  }
0xbd: {  	v38 =	vld [tilespmem:s26+$0x8870]  }
0xbe: {  	v52 =	vld [tilespmem:s26+$0x850]  }
0xbf: {  	[tilespmem:$0x1FFB0] =	vst v3;
	v3 =	vld [tilespmem:s26+$0x3C0]  }
0xc0: {  	v56 =	vld [tilespmem:s26+$0x920];
	v10 =	vmul.f32 v10, v13  }
0xc1: {  	v1 =	vld [tilespmem:s26+$0x8920];
	v13 =	vmul.f32 v5, v0;
	v0 =	vmul.f32 v12, v11  }
0xc2: {  	v5 =	vld [tilespmem:$0x1F990]  }
0xc3: {  	[tilespmem:$0x1F970] =	vst v0;
	v0 =	vld [tilespmem:$0x1F980]  }
0xc4: {  	[tilespmem:$0x1FFD0] =	vst v3;
	v3 =	vld [tilespmem:s26+$0x83C0]  }
0xc5: {  	v49 =	vld [tilespmem:s26+$0x930]  }
0xc6: {  	v30 =	vld [tilespmem:s26+$0x8930]  }
0xc7: {  	v50 =	vld [tilespmem:s26+$0x87D0]  }
0xc8: {  	v8 =	vadd.f32 v8, v10;
	v10 =	vmul.f32 v1, v56;
	v1 =	vld [tilespmem:$0x1F9B0]  }
0xc9: {  	[tilespmem:$0x1FFE0] =	vst v3;
	v3 =	vmul.f32 v7, v6;
	v7 =	vmul.f32 v5, v0;
	v0 =	vld [tilespmem:$0x1F9A0]  }
0xca: {  	v2 =	vld [tilespmem:s26+$0x8840]  }
0xcb: {  	v62 =	vld [tilespmem:s26+$0x8B0]  }
0xcc: {  	v40 =	vld [tilespmem:s26+$0x88B0]  }
0xcd: {  	v5 =	vld [tilespmem:$0x1F9D0]  }
0xce: {  	v1 =	vmul.f32 v1, v0;
	v0 =	vld [tilespmem:$0x1F9C0]  }
0xcf: {  	v53 =	vld [tilespmem:s26+$0x670]  }
0xd0: {  	v48 =	vld [tilespmem:s26+$0x8670]  }
0xd1: {  	v46 =	vld [tilespmem:s26+$0x6E0]  }
0xd2: {  	v41 =	vld [tilespmem:s26+$0x86E0]  }
0xd3: {  	v6 =	vld [tilespmem:s26+$0x430];
	v0 =	vmul.f32 v5, v0  }
0xd4: {  	v5 =	vld [tilespmem:$0x1FA00]  }
0xd5: {  	[tilespmem:$0x1F9E0] =	vst v0;
	v0 =	vld [tilespmem:$0x1F9F0]  }
0xd6: {  	v47 =	vld [tilespmem:s26+$0x7C0]  }
0xd7: {  	v43 =	vld [tilespmem:s26+$0x87C0]  }
0xd8: {  	v45 =	vld [tilespmem:s26+$0x830]  }
0xd9: {  	v37 =	vld [tilespmem:s26+$0x8830]  }
0xda: {  	[tilespmem:$0x1F930] =	vst v6;
	v6 =	vmul.f32 v5, v0;
	v0 =	vld [tilespmem:$0x1FA10]  }
0xdb: {  	v63 =	vld [tilespmem:s26+$0x87B0]  }
0xdc: {  	v35 =	vld [tilespmem:s26+$0x820]  }
0xdd: {  	v33 =	vld [tilespmem:s26+$0x8820]  }
0xde: {  	v5 =	vld [tilespmem:$0x1FA30]  }
0xdf: {  	v8 =	vadd.f32 v10, v8;
	v10 =	vmul.f32 v30, v49;
	v49 =	vmul.f32 v0, v52;
	v0 =	vld [tilespmem:$0x1FA20]  }
0xe0: {  	v60 =	vld [tilespmem:s26+$0x8880]  }
0xe1: {  	v55 =	vld [tilespmem:s26+$0x890]  }
0xe2: {  	v51 =	vld [tilespmem:s26+$0x8890]  }
0xe3: {  	v32 =	vld [tilespmem:s26+$0x7A0]  }
0xe4: {  	v29 =	vld [tilespmem:s26+$0x800];
	v0 =	vmul.f32 v5, v0  }
0xe5: {  	v5 =	vld [tilespmem:$0x1FA60]  }
0xe6: {  	[tilespmem:$0x1FA40] =	vst v0;
	v0 =	vld [tilespmem:$0x1FA50]  }
0xe7: {  	v54 =	vld [tilespmem:s26+$0x8800]  }
0xe8: {  	v28 =	vld [tilespmem:s26+$0x810];
	v8 =	vadd.f32 v10, v8  }
0xe9: {  	v27 =	vld [tilespmem:s26+$0x8810]  }
0xea: {  	v17 =	vld [tilespmem:s26+$0x780];
	v1 =	vadd.f32 v1, v8  }
0xeb: {  	v10 =	vmul.f32 v5, v0;
	v0 =	vld [tilespmem:$0x1FA70]  }
0xec: {  	v61 =	vmul.f32 v16, v9;
	v1 =	vadd.f32 v59, v1;
	v5 =	vld [tilespmem:$0x1FA80]  }
0xed: {  	v15 =	vld [tilespmem:s26+$0x8780]  }
0xee: {  	v14 =	vld [tilespmem:s26+$0x790];
	v1 =	vadd.f32 v61, v1  }
0xef: {  	v56 =	vld [tilespmem:$0x1FAC0]  }
0xf0: {  	v41 =	vmul.f32 v41, v46;
	v46 =	vadd.f32 v3, v1;
	v1 =	vld [tilespmem:$0x1FB10]  }
0xf1: {  	v0 =	vmul.f32 v5, v0;
	v5 =	vld [tilespmem:s26+$0x250]  }
0xf2: {  	v3 =	vld [tilespmem:$0x1FB20]  }
0xf3: {  	v4 =	vld [tilespmem:s26+$0x8790]  }
0xf4: {  	v31 =	vld [tilespmem:s26+$0x87A0]  }
0xf5: {  	v29 =	vmul.f32 v54, v29;
	v27 =	vmul.f32 v27, v28;
	v11 =	vld [tilespmem:$0x1FAA0]  }
0xf6: {  	v2 =	vmul.f32 v2, v56;
	v56 =	vmul.f32 v48, v53;
	[tilespmem:$0x1FFC0] =	vst v5;
	v5 =	vld [tilespmem:$0x1FA90]  }
0xf7: {  	v53 =	vadd.f32 v0, v10;
	v10 =	vadd.f32 v27, v29;
	v27 =	vmul.f32 v3, v1;
	v1 =	vld [tilespmem:$0x1FB30]  }
0xf8: {  	v19 =	vld [tilespmem:s26+$0x690];
	v4 =	vmul.f32 v4, v14;
	v0 =	vmul.f32 v15, v17  }
0xf9: {  	v8 =	vld [tilespmem:s26+$0x340]  }
0xfa: {  	v18 =	vld [tilespmem:s26+$0x8690];
	v0 =	vadd.f32 v4, v0;
	v4 =	vmul.f32 v31, v32  }
0xfb: {  	v11 =	vmul.f32 v11, v5;
	v5 =	vld [tilespmem:$0x1FAB0]  }
0xfc: {  	v57 =	vld [tilespmem:s26+$0x84F0];
	v0 =	vadd.f32 v4, v0;
	v1 =	vmul.f32 v63, v1  }
0xfd: {  	v58 =	vld [tilespmem:s26+$0x6A0]  }
0xfe: {  	v34 =	vld [tilespmem:s26+$0x86A0];
	[tilespmem:$0x1FFF0] =	vst v8;
	v8 =	vmul.f32 v43, v47;
	v0 =	vadd.f32 v1, v0  }
0xff: {  	v36 =	vld [tilespmem:s26+$0x620]  }
0x100: {  	v18 =	vmul.f32 v18, v19;
	v19 =	vld [tilespmem:$0x1FC40];
	v8 =	vadd.f32 v8, v0;
	v5 =	vmul.f32 v50, v5  }
0x101: {  	v0 =	vld [tilespmem:$0x1FC00]  }
0x102: {  	v14 =	vmul.f32 v33, v35;
	v5 =	vadd.f32 v5, v8;
	v8 =	vld [tilespmem:$0x1FC30]  }
0x103: {  	v44 =	vld [tilespmem:s26+$0x8620]  }
0x104: {  	v22 =	vld [tilespmem:s26+$0x680];
	v37 =	vmul.f32 v37, v45;
	v3 =	vadd.f32 v14, v10  }
0x105: {  	v20 =	vld [tilespmem:s26+$0x8680]  }
0x106: {  	v26 =	vld [tilespmem:s26+$0x600];
	v3 =	vadd.f32 v37, v3  }
0x107: {  	v54 =	vmul.f32 v57, v0;
	v57 =	vmul.f32 v19, v8;
	v8 =	vld [tilespmem:$0x1FC50]  }
0x108: {  	v2 =	vadd.f32 v2, v3;
	v19 =	vld [tilespmem:$0x1FC60]  }
0x109: {  	v3 =	vld [tilespmem:s26+$0x8240]  }
0x10a: {  	v4 =	vld [tilespmem:$0x1FB40];
	v2 =	vadd.f32 v49, v2  }
0x10b: {  	v24 =	vld [tilespmem:s26+$0x8600]  }
0x10c: {  	v2 =	vadd.f32 v7, v2;
	v7 =	vld [tilespmem:$0x1FC70]  }
0x10d: {  	v14 =	vmul.f32 v51, v55;
	v55 =	vmul.f32 v19, v8;
	v8 =	vld [tilespmem:$0x1FC80]  }
0x10e: {  	v25 =	vld [tilespmem:s26+$0x610];
	[tilespmem:$0x1FBF0] =	vst v3;
	v3 =	vmul.f32 v20, v22  }
0x10f: {  	v21 =	vld [tilespmem:s26+$0x8610];
	v4 =	vmul.f32 v60, v4  }
0x110: {  	v1 =	vld [tilespmem:$0x1FBB0];
	v3 =	vadd.f32 v18, v3;
	v18 =	vmul.f32 v34, v58  }
0x111: {  	v9 =	vmul.f32 v38, v23;
	v35 =	vadd.f32 v14, v4;
	v4 =	vld [tilespmem:$0x1FBC0]  }
0x112: {  	v42 =	vld [tilespmem:s26+$0x8520];
	v40 =	vmul.f32 v40, v62;
	v3 =	vadd.f32 v18, v3;
	v7 =	vmul.f32 v8, v7  }
0x113: {  	v39 =	vld [tilespmem:s26+$0x4A0]  }
0x114: {  	[tilespmem:$0x1FAD0] =	vst v40;
	v40 =	vadd.f32 v9, v2;
	v2 =	vadd.f32 v7, v3;
	v3 =	vld [tilespmem:$0x1FC90]  }
0x115: {  	v7 =	vld [tilespmem:$0x1FCA0]  }
0x116: {  	v14 =	vmul.f32 v4, v1;
	v1 =	vld [tilespmem:$0x1FBD0]  }
0x117: {  	v4 =	vld [tilespmem:$0x1FBE0];
	v5 =	vadd.f32 v6, v5  }
0x118: {  	v38 =	vld [tilespmem:s26+$0x84A0]  }
0x119: {  	v37 =	vadd.f32 v13, v5;
	v5 =	vld [tilespmem:$0x1FCC0]  }
0x11a: {  	v34 =	vmul.f32 v7, v3;
	v3 =	vld [tilespmem:$0x1FCB0]  }
0x11b: {  	v28 =	vld [tilespmem:$0x1FB50]  }
0x11c: {  	v29 =	vld [tilespmem:$0x1FB60];
	v1 =	vmul.f32 v4, v1  }
0x11d: {  	v23 =	vld [tilespmem:s26+$0x500]  }
0x11e: {  	v1 =	vadd.f32 v1, v2;
	v2 =	vld [tilespmem:$0x1FCD0]  }
0x11f: {  	v63 =	vmul.f32 v5, v3;
	v3 =	vld [tilespmem:$0x1FCE0]  }
0x120: {  	v16 =	vld [tilespmem:s26+$0x8500]  }
0x121: {  	v43 =	vmul.f32 v29, v28;
	v28 =	vld [tilespmem:$0x1FB70]  }
0x122: {  	v29 =	vld [tilespmem:$0x1FB80]  }
0x123: {  	v6 =	vmul.f32 v24, v26;
	v7 =	vld [tilespmem:$0x1FD00]  }
0x124: {  	v8 =	vmul.f32 v21, v25;
	v2 =	vmul.f32 v3, v2;
	v3 =	vld [tilespmem:$0x1FCF0]  }
0x125: {  	v9 =	vld [tilespmem:$0x1FD20]  }
0x126: {  	v5 =	vadd.f32 v8, v6;
	v8 =	vld [tilespmem:$0x1FD10]  }
0x127: {  	v45 =	vld [tilespmem:s26+$0x8490]  }
0x128: {  	v62 =	vld [tilespmem:s26+$0x240]  }
0x129: {  	v32 =	vmul.f32 v29, v28;
	v28 =	vld [tilespmem:$0x1FB90];
	v7 =	vmul.f32 v7, v3  }
0x12a: {  	v13 =	vld [tilespmem:$0x1FD60]  }
0x12b: {  	v25 =	vmul.f32 v9, v8;
	v9 =	vld [tilespmem:$0x1FD50];
	v2 =	vadd.f32 v7, v2  }
0x12c: {  	v6 =	vmul.f32 v44, v36;
	v7 =	vld [tilespmem:$0x1FD90]  }
0x12d: {  	[tilespmem:$0x1FD70] =	vst v2;
	v2 =	vld [tilespmem:$0x1FD80]  }
0x12e: {  	v5 =	vadd.f32 v6, v5;
	v6 =	vld [tilespmem:$0x1FD30]  }
0x12f: {  	v8 =	vld [tilespmem:$0x1FD40]  }
0x130: {  	v29 =	vld [tilespmem:$0x1FBA0]  }
0x131: {  	v36 =	vmul.f32 v13, v9;
	v9 =	vld [tilespmem:$0x1FDB0]  }
0x132: {  	v2 =	vmul.f32 v7, v2;
	v7 =	vld [tilespmem:$0x1FDA0]  }
0x133: {  	v30 =	vld [tilespmem:s26+$0x510]  }
0x134: {  	v12 =	vld [tilespmem:s26+$0x8510];
	v6 =	vmul.f32 v8, v6  }
0x135: {  	v48 =	vld [tilespmem:s26+$0x83B0]  }
0x136: {  	v5 =	vadd.f32 v6, v5;
	v6 =	vld [tilespmem:$0x1FDC0]  }
0x137: {  	v28 =	vmul.f32 v29, v28;
	v29 =	vmul.f32 v9, v7;
	v7 =	vld [tilespmem:$0x1FDD0]  }
0x138: {  	v59 =	vld [tilespmem:s26+$0x83A0]  }
0x139: {  	v61 =	vld [tilespmem:s26+$0x420]  }
0x13a: {  	v15 =	vld [tilespmem:$0x1FAE0]  }
0x13b: {  	v17 =	vld [tilespmem:$0x1FAF0]  }
0x13c: {  	v9 =	vmul.f32 v7, v6;
	v6 =	vld [tilespmem:$0x1FDE0]  }
0x13d: {  	v7 =	vld [tilespmem:$0x1FDF0]  }
0x13e: {  	v47 =	vld [tilespmem:s26+$0x3B0]  }
0x13f: {  	v52 =	vld [tilespmem:s26+$0x8340]  }
0x140: {  	v10 =	vld [tilespmem:s26+$0x8480]  }
0x141: {  	v31 =	vld [tilespmem:s26+$0x380]  }
0x142: {  	v33 =	vmul.f32 v17, v15;
	v15 =	vld [tilespmem:s26+$0x8420];
	v1 =	vadd.f32 v43, v1;
	v6 =	vmul.f32 v7, v6  }
0x143: {  	v7 =	vld [tilespmem:$0x1FE20]  }
0x144: {  	[tilespmem:$0x1FE00] =	vst v6;
	v6 =	vadd.f32 v41, v1;
	v1 =	vld [tilespmem:$0x1FE10]  }
0x145: {  	v17 =	vld [tilespmem:s26+$0x480]  }
0x146: {  	v49 =	vld [tilespmem:s26+$0x8410]  }
0x147: {  	v60 =	vld [tilespmem:s26+$0x330]  }
0x148: {  	v13 =	vld [tilespmem:$0x1FE40];
	v5 =	vadd.f32 v55, v5  }
0x149: {  	v1 =	vmul.f32 v7, v1;
	v7 =	vld [tilespmem:$0x1FE30]  }
0x14a: {  	v5 =	vadd.f32 v14, v5;
	v14 =	vld [tilespmem:$0x1FE60]  }
0x14b: {  	v43 =	vadd.f32 v11, v6;
	v11 =	vld [tilespmem:$0x1FE50]  }
0x14c: {  	[tilespmem:$0x1FB00] =	vst v15;
	v15 =	vld [tilespmem:s26+$0x490]  }
0x14d: {  	v12 =	vmul.f32 v12, v30;
	v22 =	vld [tilespmem:s26+$0x400]  }
0x14e: {  	v20 =	vld [tilespmem:s26+$0x410];
	v7 =	vmul.f32 v13, v7;
	v13 =	vmul.f32 v16, v23  }
0x14f: {  	v50 =	vld [tilespmem:s26+$0x8250]  }
0x150: {  	v24 =	vmul.f32 v14, v11;
	v11 =	vadd.f32 v12, v13;
	v12 =	vld [tilespmem:$0x1FE70]  }
0x151: {  	v58 =	vld [tilespmem:s26+$0x8380]  }
0x152: {  	v0 =	vld [tilespmem:$0x1FC10]  }
0x153: {  	v18 =	vld [tilespmem:s26+$0x8400]  }
0x154: {  	v4 =	vld [tilespmem:$0x1FC20]  }
0x155: {  	v26 =	vld [tilespmem:s26+$0x310];
	v12 =	vmul.f32 v42, v12  }
0x156: {  	v14 =	vadd.f32 v27, v5;
	v5 =	vld [tilespmem:$0x1FE80]  }
0x157: {  	v11 =	vadd.f32 v12, v11;
	v12 =	vld [tilespmem:$0x1FE90]  }
0x158: {  	v19 =	vld [tilespmem:s26+$0x8320]  }
0x159: {  	v51 =	vmul.f32 v4, v0;
	v0 =	vld [tilespmem:s26+$0x8330]  }
0x15a: {  	v4 =	vld [tilespmem:s26+$0x3A0]  }
0x15b: {  	v6 =	vmul.f32 v10, v17;
	v10 =	vmul.f32 v45, v15;
	v15 =	vld [tilespmem:$0x1FEB0]  }
0x15c: {  	v12 =	vmul.f32 v12, v5;
	v5 =	vld [tilespmem:$0x1FEA0]  }
0x15d: {  	v21 =	vld [tilespmem:s26+$0x320]  }
0x15e: {  	v44 =	vld [tilespmem:s26+$0x220];
	v6 =	vadd.f32 v10, v6;
	v10 =	vmul.f32 v38, v39  }
0x15f: {  	v3 =	vld [tilespmem:s26+$0x230]  }
0x160: {  	v10 =	vadd.f32 v10, v6;
	v6 =	vld [tilespmem:$0x1FEC0]  }
0x161: {  	v5 =	vmul.f32 v15, v5;
	v15 =	vld [tilespmem:$0x1FED0]  }
0x162: {  	v8 =	vld [tilespmem:s26+$0x8230]  }
0x163: {  	v55 =	vld [tilespmem:s26+$0x8300]  }
0x164: {  	v41 =	vld [tilespmem:s26+$0x300]  }
0x165: {  	v12 =	vadd.f32 v12, v11;
	v11 =	vld [tilespmem:$0x1FEF0]  }
0x166: {  	v27 =	vmul.f32 v15, v6;
	v6 =	vld [tilespmem:$0x1FEE0]  }
0x167: {  	v17 =	vld [tilespmem:s26+$0x8390]  }
0x168: {  	v45 =	vld [tilespmem:$0x1FF70]  }
0x169: {  	v27 =	vadd.f32 v27, v10;
	v10 =	vld [tilespmem:$0x1FF60]  }
0x16a: {  	v39 =	vld [tilespmem:s26+$0x8210]  }
0x16b: {  	v16 =	vadd.f32 v56, v14;
	v14 =	vmul.f32 v11, v6;
	v6 =	vld [tilespmem:$0x1FF00]  }
0x16c: {  	v11 =	vld [tilespmem:$0x1FF10]  }
0x16d: {  	v56 =	vadd.f32 v9, v12;
	v12 =	vld [tilespmem:$0x1FF90]  }
0x16e: {  	v38 =	vmul.f32 v45, v10;
	v10 =	vld [tilespmem:$0x1FF80]  }
0x16f: {  	v23 =	vld [tilespmem:s26+$0x390]  }
0x170: {  	v13 =	vld [tilespmem:s26+$0x8220]  }
0x171: {  	v30 =	vmul.f32 v11, v6;
	v6 =	vld [tilespmem:$0x1FF20]  }
0x172: {  	v11 =	vld [tilespmem:$0x1FF30]  }
0x173: {  	v10 =	vmul.f32 v12, v10;
	v12 =	vld [tilespmem:$0x1FFA0]  }
0x174: {  	v9 =	vadd.f32 v30, v14;
	v14 =	vld [tilespmem:$0x1FFB0]  }
0x175: {  	v23 =	vmul.f32 v17, v23;
	v17 =	vld [tilespmem:$0x1FFF0]  }
0x176: {  	v15 =	vld [tilespmem:$0x1FF50]  }
0x177: {  	v6 =	vmul.f32 v11, v6;
	v11 =	vld [tilespmem:$0x1FF40]  }
0x178: {  	v30 =	vadd.f32 v24, v27;
	v24 =	vld [tilespmem:$0x1FFD0]  }
0x179: {  	v14 =	vmul.f32 v14, v12;
	v12 =	vld [tilespmem:$0x1FFC0]  }
0x17a: {  	v27 =	vld [tilespmem:$0x1FFE0]  }
0x17b: {  	v42 =	vld [tilespmem:s26+$0x8200];
	v25 =	vadd.f32 v25, v56  }
0x17c: {  	(xrf2) =	vadd.scan.msk.f32 $0xffff, v46;
	v11 =	vmul.f32 v15, v11;
	v15 =	vld [tilespmem:s26+$0x8310]  }
0x17d: {  	v46 =	vmul.f32 v59, v4;
	v57 =	vadd.f32 v57, v25;
	v25 =	vld [tilespmem:s26+$0x280]  }
0x17e: {  	v45 =	vld [tilespmem:s26+$0x200];
	v12 =	vmul.f32 v50, v12;
	v50 =	vmul.f32 v58, v31  }
0x17f: {  	v41 =	vmul.f32 v55, v41;
	v24 =	vmul.f32 v27, v24;
	v27 =	vld [tilespmem:s26+$0x210];
	v58 =	vadd.f32 v29, v30  }
0x180: {  	(xrf2) =	vadd.scan.msk.f32 $0xffff, v40;
	v17 =	vmul.f32 v52, v17;
	v29 =	vmul.f32 v48, v47;
	v30 =	vadd.f32 v23, v50;
	v23 =	vld [tilespmem:s26+$0x8280]  }
0x181: {  	s28 =	simm.s32 $0x0;
	s29 =	simm.s32 $0x1;
	(xrf2) =	vadd.scan.msk.f32 $0xffff, v37;
	v40 =	vadd.f32 v63, v58;
	v47 =	vmul.f32 v15, v26;
	v15 =	vadd.f32 v28, v57;
	v26 =	vld [tilespmem:s26+$0x290]  }
.LBB2_4:
0x182: {  	v30 =	vadd.f32 v46, v30  }
0x183: {  	v19 =	vmul.f32 v19, v21  }
0x184: {  	v29 =	vadd.f32 v29, v30;
	v21 =	vmul.f32 v42, v45;
	v27 =	vmul.f32 v39, v27  }
0x185: {  	(xrf2) =	vadd.scan.msk.f32 $0xffff, v43  }
0x186: {  	v4, _, _ =	vpop (xrf2);
	(xrf2) =	vadd.scan.msk.f32 $0xffff, v16;
	v16 =	vadd.f32 v27, v21;
	v21 =	vadd.f32 v24, v29;
	_ =	sdelay $0x1  }
0x187: {  	v21 =	vadd.f32 v38, v21  }
0x188: {  	v41 =	vadd.f32 v47, v41  }
0x189: {  	v48 =	vld [tilespmem:s26+$0x8290];
	v7 =	vadd.f32 v7, v21  }
0x18a: {  	v50 =	vld [tilespmem:s26+$0x82A0];
	v37 =	vmul.f32 v0, v60;
	v19 =	vadd.f32 v19, v41  }
0x18b: {  	v7 =	vadd.f32 v2, v7;
	v2 =	vld [tilespmem:$0x1FB00]  }
0x18c: {  	v46 =	vld [tilespmem:s26+$0x2A0];
	v18 =	vmul.f32 v18, v22;
	v13 =	vmul.f32 v13, v44;
	v19 =	vadd.f32 v37, v19  }
0x18d: {  	v30 =	vld [tilespmem:s26+$0x2B0];
	v20 =	vmul.f32 v49, v20;
	v23 =	vmul.f32 v23, v25  }
0x18e: {  	v25 =	vld [tilespmem:s26+$0x2C0];
	v8 =	vmul.f32 v8, v3;
	v13 =	vadd.f32 v13, v16;
	v17 =	vadd.f32 v17, v19  }
0x18f: {  	v18 =	vadd.f32 v20, v18;
	v20 =	vld [tilespmem:s26+$0x82B0]  }
0x190: {  	v8 =	vadd.f32 v8, v13;
	v13 =	vld [tilespmem:$0x1FBF0];
	v14 =	vadd.f32 v14, v17;
	v17 =	vmul.f32 v2, v61  }
0x191: {  	v24 =	vmul.f32 v48, v26;
	v16 =	vld [tilespmem:s26+$0x82C0]  }
0x192: {  	v11 =	vadd.f32 v11, v14;
	v14 =	vadd.f32 v17, v18;
	v17 =	vld [tilespmem:$0x1F930]  }
0x193: {  	v0, _, _ =	vpop (xrf2);
	(xrf2) =	vadd.scan.msk.f32 $0xffff, v15;
	v15 =	vadd.f32 v24, v23;
	v23 =	vmul.f32 v50, v46;
	v18 =	vld [tilespmem:$0x1F940]  }
0x194: {  	v24 =	vld [tilespmem:s26+$0x2D0]  }
0x195: {  	v19 =	vld [tilespmem:s26+$0x82D0];
	v15 =	vadd.f32 v23, v15;
	v20 =	vmul.f32 v20, v30;
	v13 =	vmul.f32 v13, v62  }
0x196: {  	v21 =	vld [tilespmem:s26+$0x2E0]  }
0x197: {  	v15 =	vadd.f32 v20, v15;
	v20 =	vld [tilespmem:s26+$0x2F0];
	v8 =	vadd.f32 v13, v8  }
0x198: {  	v22 =	vadd.f32 v54, v40;
	v13 =	vld [tilespmem:s26+$0x82E0];
	v17 =	vmul.f32 v18, v17  }
0x199: {  	v8 =	vadd.f32 v12, v8;
	v12 =	vld [tilespmem:s26+$0x82F0]  }
0x19a: {  	v3, _, _ =	vpop (xrf2);
	(xrf2) =	vadd.scan.msk.f32 $0xffff, v22;
	v22 =	vmul.f32 v16, v25;
	v18 =	vadd.f32 v17, v14;
	v14 =	vld [tilespmem:$0x1F910]  }
0x19b: {  	v1 =	vadd.f32 v1, v11;
	v8 =	vadd.f32 v10, v8;
	v17 =	vld [tilespmem:$0x1F920]  }
0x19c: {  	v5 =	vadd.f32 v5, v9;
	v9 =	vld [tilespmem:$0x1F900];
	v2, _, _ =	vpop (xrf2);
	(xrf2) =	vadd.scan.msk.f32 $0xffff, v7;
	v7 =	vadd.f32 v22, v15;
	v15 =	vmul.f32 v19, v24  }
0x19d: {  	v16, _, _ =	vpop (xrf2);
	(xrf2) =	vadd.scan.msk.f32 $0xffff, v1;
	v1 =	vadd.f32 v6, v8;
	v8 =	vld [tilespmem:$0x1F8F0]  }
0x19e: {  	v7 =	vadd.f32 v15, v7;
	v13 =	vmul.f32 v13, v21  }
0x19f: {  	v11 =	vld [tilespmem:s26+$0x8460]  }
0x1a0: {  	v15 =	vld [tilespmem:s26+$0x8470];
	v7 =	vadd.f32 v13, v7;
	v12 =	vmul.f32 v12, v20;
	v14 =	vmul.f32 v17, v14  }
0x1a1: {  	v13 =	vld [tilespmem:$0x1FE00]  }
0x1a2: {  	v10, _, _ =	vpop (xrf2);
	(xrf2) =	vadd.scan.msk.f32 $0xffff, v1;
	v1 =	vadd.f32 v12, v7;
	v7 =	vld [tilespmem:$0x1F8C0];
	v8 =	vmul.f32 v9, v8;
	v6 =	vadd.f32 v14, v18  }
0x1a3: {  	v12 =	vld [tilespmem:$0x1F8D0]  }
0x1a4: {  	v6 =	vadd.f32 v8, v6;
	v8 =	vld [tilespmem:$0x1F8E0]  }
0x1a5: {  	v14 =	vld [tilespmem:$0x1FD70]  }
0x1a6: {  	v17 =	vld [tilespmem:s26+$0x470];
	_ =	sdelay $0x1  }
0x1a7: {  	v5 =	vadd.f32 v13, v5  }
0x1a8: {  	v8 =	vmul.f32 v11, v8  }
0x1a9: {  	v9 =	vld [tilespmem:s26+$0x85E0];
	v5 =	vadd.f32 v36, v5;
	v7 =	vmul.f32 v12, v7;
	v14 =	vadd.f32 v34, v14  }
0x1aa: {  	v13 =	vld [tilespmem:s26+$0x5F0];
	v6 =	vadd.f32 v8, v6;
	v8 =	vmul.f32 v15, v17  }
0x1ab: {  	v5 =	vadd.f32 v7, v5;
	v7 =	vld [tilespmem:$0x1F8B0];
	v14 =	vadd.f32 v51, v14  }
0x1ac: {  	v18, _, _ =	vpop (xrf2);
	(xrf2) =	vadd.scan.msk.f32 $0xffff, v1;
	v1 =	vadd.f32 v8, v6;
	v8 =	vld [tilespmem:$0x1F890]  }
0x1ad: {  	v6 =	vadd.f32 v32, v14;
	v14 =	vld [tilespmem:$0x1F8A0]  }
0x1ae: {  	v11 =	vld [tilespmem:s26+$0x85F0]  }
0x1af: {  	v12 =	vld [tilespmem:s26+$0x8760]  }
0x1b0: {  	v7 =	vmul.f32 v9, v7;
	v9 =	vld [tilespmem:s26+$0x8770]  }
0x1b1: {  	v15 =	vld [tilespmem:s26+$0x770]  }
0x1b2: {  	v19, _, _ =	vpop (xrf2);
	v8 =	vmul.f32 v14, v8;
	v14 =	vld [tilespmem:s26+$0x88E0]  }
0x1b3: {  	v5 =	vadd.f32 v7, v5;
	v7 =	vmul.f32 v11, v13;
	v11 =	vld [tilespmem:$0x1FAD0];
	_ =	sdelay $0x1  }
0x1b4: {  	(xrf2) =	vadd.scan.msk.f32 $0xffff, v1;
	v1 =	vadd.f32 v7, v5;
	v5 =	vld [tilespmem:$0x1FA40]  }
0x1b5: {  	v17 =	vadd.f32 v33, v35;
	_ =	sdelay $0x1  }
0x1b6: {  	v11 =	vadd.f32 v11, v17  }
0x1b7: {  	v7 =	vld [tilespmem:$0x1F860]  }
0x1b8: {  	v5 =	vadd.f32 v5, v11;
	v11 =	vld [tilespmem:$0x1F870]  }
0x1b9: {  	v6 =	vadd.f32 v8, v6;
	v8 =	vld [tilespmem:$0x1F880];
	_ =	sdelay $0x3  }
0x1ba: {  	v7 =	vmul.f32 v11, v7  }
0x1bb: {  	v17 =	vld [tilespmem:$0x1F9E0];
	v8 =	vmul.f32 v12, v8  }
0x1bc: {  	v5 =	vadd.f32 v7, v5;
	v7 =	vld [tilespmem:$0x1F850]  }
0x1bd: {  	v6 =	vadd.f32 v8, v6;
	v8 =	vmul.f32 v9, v15;
	v9 =	vld [tilespmem:$0x1F830]  }
0x1be: {  	v15 =	vld [tilespmem:$0x1F840]  }
0x1bf: {  	v20, _, _ =	vpop (xrf2);
	(xrf2) =	vadd.scan.msk.f32 $0xffff, v1;
	v1 =	vadd.f32 v8, v6;
	v6 =	vld [tilespmem:$0x1F810]  }
0x1c0: {  	v8 =	vld [tilespmem:$0x1F820]  }
0x1c1: {  	v7 =	vmul.f32 v14, v7;
	v14 =	vld [tilespmem:$0x1F970]  }
0x1c2: {  	v13 =	vld [tilespmem:s26+$0x8F0]  }
0x1c3: {  	v12 =	vld [tilespmem:s26+$0x88F0]  }
0x1c4: {  	v17 =	vadd.f32 v17, v53;
	v11 =	vld [tilespmem:s26+$0x9E0]  }
0x1c5: {  	v9 =	vmul.f32 v15, v9;
	v15 =	vld [tilespmem:s26+$0x89E0]  }
0x1c6: {  	v6 =	vmul.f32 v8, v6;
	v8 =	vld [tilespmem:s26+$0x89F0];
	v14 =	vadd.f32 v14, v17  }
0x1c7: {  	v17 =	vld [tilespmem:s26+$0x9F0]  }
0x1c8: {  	v12 =	vmul.f32 v12, v13;
	v5 =	vadd.f32 v7, v5;
	v9 =	vadd.f32 v9, v14  }
0x1c9: {  	v21, _, _ =	vpop (xrf2);
	(xrf2) =	vadd.scan.msk.f32 $0xffff, v1  }
0x1ca: {  	v1 =	vadd.f32 v12, v5;
	v7, _, _ =	vpop (xrf2);
	v5 =	vadd.f32 v6, v9;
	v6 =	vmul.f32 v15, v11  }
0x1cb: {  	v7 =	vbroadcast v7, $0xF;
	v9 =	vbroadcast v21, $0xF  }
0x1cc: {  	(xrf2) =	vadd.scan.msk.f32 $0xffff, v1;
	v11 =	vbroadcast v20, $0xF;
	v5 =	vadd.f32 v6, v5;
	v6 =	vmul.f32 v8, v17  }
0x1cd: {  	v1 =	vsel vm0, v9, v7;
	v7 =	vbroadcast v19, $0xF;
	v8, _, _ =	vpop (xrf2)  }
0x1ce: {  	v1 =	vsel vm1, v1, v11;
	v9 =	vbroadcast v8, $0xF;
	v5 =	vadd.f32 v6, v5  }
0x1cf: {  	v1 =	vsel vm2, v1, v7;
	v6 =	vbroadcast v18, $0xF  }
0x1d0: {  	v8, _, _ =	vpop (xrf2);
	v7 =	vbroadcast v10, $0xF;
	v1 =	vsel vm3, v1, v9;
	(xrf2) =	vadd.scan.msk.f32 $0xffff, v5  }
0x1d1: {  	v8 =	vbroadcast v8, $0xF;
	v1 =	vsel vm4, v1, v6  }
0x1d2: {  	v6 =	vbroadcast v16, $0xF;
	v1 =	vsel vm5, v1, v7  }
0x1d3: {  	v2 =	vbroadcast v2, $0xF;
	v1 =	vsel vm6, v1, v8;
	v5, _, _ =	vpop (xrf2)  }
0x1d4: {  	v1 =	vsel vm7, v1, v6;
	v5 =	vbroadcast v5, $0xF  }
0x1d5: {  	v1 =	vsel vm8, v1, v2;
	v2 =	vbroadcast v3, $0xF  }
0x1d6: {  	v0 =	vbroadcast v0, $0xF;
	v3, _, _ =	vpop (xrf2);
	v1 =	vsel vm9, v1, v5  }
0x1d7: {  	v1 =	vsel vm10, v1, v2;
	v2 =	vbroadcast v3, $0xF  }
0x1d8: {  	v3 =	vbroadcast v4, $0xF;
	v0 =	vsel vm11, v1, v0  }
0x1d9: {  	v0 =	vsel vm12, v0, v2  }
0x1da: {  	s31 =	sshll.u32 s28, $0x4;
	v0 =	vsel vm13, v0, v3;
	v1, _, _ =	vpop (xrf2)  }
0x1db: {  	s30 =	sand.u32 $0x3FFFFFF0, s31;
	v0 =	vsel vm14, v0, v1  }
0x1dc: {  	s26 =	sshll.u32 s29, $0xB;
	[tilespmem:s30+$0x10200] =	vst v0  }
0x1dd: {  	v0 =	vld [tilespmem:s26+$0x9D0];
	_ =	sdelay $0x4  }
0x1de: {  	[tilespmem:$0x1F810] =	vst v0;
	v0 =	vld [tilespmem:s26+$0x89D0];
	_ =	sdelay $0x4  }
0x1df: {  	[tilespmem:$0x1F820] =	vst v0;
	v0 =	vld [tilespmem:s26+$0x9C0];
	_ =	sdelay $0x4  }
0x1e0: {  	[tilespmem:$0x1F830] =	vst v0;
	v0 =	vld [tilespmem:s26+$0x89C0];
	_ =	sdelay $0x4  }
0x1e1: {  	[tilespmem:$0x1F840] =	vst v0;
	v0 =	vld [tilespmem:s26+$0x8E0];
	_ =	sdelay $0x4  }
0x1e2: {  	[tilespmem:$0x1F850] =	vst v0;
	v0 =	vld [tilespmem:s26+$0x8D0];
	_ =	sdelay $0x4  }
0x1e3: {  	[tilespmem:$0x1F860] =	vst v0;
	v0 =	vld [tilespmem:s26+$0x88D0];
	_ =	sdelay $0x4  }
0x1e4: {  	[tilespmem:$0x1F870] =	vst v0;
	v0 =	vld [tilespmem:s26+$0x8C0];
	_ =	sdelay $0x4  }
0x1e5: {  	[tilespmem:$0x1F1A0] =	vst v0;
	v0 =	vld [tilespmem:s26+$0x88C0];
	_ =	sdelay $0x4  }
0x1e6: {  	[tilespmem:$0x1F1B0] =	vst v0;
	v0 =	vld [tilespmem:s26+$0x930];
	_ =	sdelay $0x4  }
0x1e7: {  	[tilespmem:$0x1F180] =	vst v0;
	v0 =	vld [tilespmem:s26+$0x8930];
	_ =	sdelay $0x4  }
0x1e8: {  	[tilespmem:$0x1F190] =	vst v0;
	v0 =	vld [tilespmem:s26+$0x980];
	_ =	sdelay $0x4  }
0x1e9: {  	[tilespmem:$0x1F1C0] =	vst v0;
	v0 =	vld [tilespmem:s26+$0x8980];
	_ =	sdelay $0x4  }
0x1ea: {  	[tilespmem:$0x1F1D0] =	vst v0;
	v0 =	vld [tilespmem:s26+$0x990];
	_ =	sdelay $0x4  }
0x1eb: {  	[tilespmem:$0x1F1E0] =	vst v0;
	v0 =	vld [tilespmem:s26+$0x8990];
	_ =	sdelay $0x4  }
0x1ec: {  	[tilespmem:$0x1F1F0] =	vst v0;
	v0 =	vld [tilespmem:s26+$0x6F0];
	_ =	sdelay $0x4  }
0x1ed: {  	[tilespmem:$0x1F200] =	vst v0;
	v0 =	vld [tilespmem:s26+$0x86F0];
	_ =	sdelay $0x4  }
0x1ee: {  	[tilespmem:$0x1F210] =	vst v0;
	v0 =	vld [tilespmem:s26+$0x760];
	_ =	sdelay $0x4  }
0x1ef: {  	[tilespmem:$0x1F880] =	vst v0;
	v0 =	vld [tilespmem:s26+$0x7D0];
	_ =	sdelay $0x4  }
0x1f0: {  	[tilespmem:$0x1F220] =	vst v0;
	v0 =	vld [tilespmem:s26+$0x87D0];
	_ =	sdelay $0x4  }
0x1f1: {  	[tilespmem:$0x1F230] =	vst v0;
	v0 =	vld [tilespmem:s26+$0x840];
	_ =	sdelay $0x4  }
0x1f2: {  	[tilespmem:$0x1F240] =	vst v0;
	v0 =	vld [tilespmem:s26+$0x8840];
	_ =	sdelay $0x4  }
0x1f3: {  	[tilespmem:$0x1F250] =	vst v0;
	v0 =	vld [tilespmem:s26+$0x8B0];
	_ =	sdelay $0x4  }
0x1f4: {  	[tilespmem:$0x1F260] =	vst v0;
	v0 =	vld [tilespmem:s26+$0x88B0];
	_ =	sdelay $0x4  }
0x1f5: {  	[tilespmem:$0x1F270] =	vst v0;
	v0 =	vld [tilespmem:s26+$0x670];
	_ =	sdelay $0x4  }
0x1f6: {  	[tilespmem:$0x1F280] =	vst v0;
	v0 =	vld [tilespmem:s26+$0x8670];
	_ =	sdelay $0x4  }
0x1f7: {  	[tilespmem:$0x1F290] =	vst v0;
	v0 =	vld [tilespmem:s26+$0x6E0];
	_ =	sdelay $0x4  }
0x1f8: {  	[tilespmem:$0x1F2A0] =	vst v0;
	v0 =	vld [tilespmem:s26+$0x86E0];
	_ =	sdelay $0x4  }
0x1f9: {  	[tilespmem:$0x1F2B0] =	vst v0;
	v0 =	vld [tilespmem:s26+$0x750];
	_ =	sdelay $0x4  }
0x1fa: {  	[tilespmem:$0x1F890] =	vst v0;
	v0 =	vld [tilespmem:s26+$0x8750];
	_ =	sdelay $0x4  }
0x1fb: {  	[tilespmem:$0x1F8A0] =	vst v0;
	v0 =	vld [tilespmem:s26+$0x7C0];
	_ =	sdelay $0x4  }
0x1fc: {  	[tilespmem:$0x1F2C0] =	vst v0;
	v0 =	vld [tilespmem:s26+$0x87C0];
	_ =	sdelay $0x4  }
0x1fd: {  	[tilespmem:$0x1F2D0] =	vst v0;
	v0 =	vld [tilespmem:s26+$0x830];
	_ =	sdelay $0x4  }
0x1fe: {  	[tilespmem:$0x1F2E0] =	vst v0;
	v0 =	vld [tilespmem:s26+$0x8830];
	_ =	sdelay $0x4  }
0x1ff: {  	[tilespmem:$0x1F2F0] =	vst v0;
	v0 =	vld [tilespmem:s26+$0x8A0];
	_ =	sdelay $0x4  }
0x200: {  	[tilespmem:$0x1F300] =	vst v0;
	v0 =	vld [tilespmem:s26+$0x88A0];
	_ =	sdelay $0x4  }
0x201: {  	[tilespmem:$0x1F310] =	vst v0;
	v0 =	vld [tilespmem:s26+$0x660];
	_ =	sdelay $0x4  }
0x202: {  	[tilespmem:$0x1F320] =	vst v0;
	v0 =	vld [tilespmem:s26+$0x8660];
	_ =	sdelay $0x4  }
0x203: {  	[tilespmem:$0x1F330] =	vst v0;
	v0 =	vld [tilespmem:s26+$0x6D0];
	_ =	sdelay $0x4  }
0x204: {  	[tilespmem:$0x1F3A0] =	vst v0;
	v0 =	vld [tilespmem:s26+$0x86D0];
	_ =	sdelay $0x4  }
0x205: {  	[tilespmem:$0x1F3B0] =	vst v0;
	v0 =	vld [tilespmem:s26+$0x740];
	_ =	sdelay $0x4  }
0x206: {  	[tilespmem:$0x1F3C0] =	vst v0;
	v0 =	vld [tilespmem:s26+$0x8740];
	_ =	sdelay $0x4  }
0x207: {  	[tilespmem:$0x1F3D0] =	vst v0;
	v0 =	vld [tilespmem:s26+$0x7B0];
	_ =	sdelay $0x4  }
0x208: {  	[tilespmem:$0x1F340] =	vst v0;
	v0 =	vld [tilespmem:s26+$0x87B0];
	_ =	sdelay $0x4  }
0x209: {  	[tilespmem:$0x1F350] =	vst v0;
	v0 =	vld [tilespmem:s26+$0x880];
	_ =	sdelay $0x4  }
0x20a: {  	[tilespmem:$0x1F360] =	vst v0;
	v0 =	vld [tilespmem:s26+$0x8880];
	_ =	sdelay $0x4  }
0x20b: {  	[tilespmem:$0x1F370] =	vst v0;
	v0 =	vld [tilespmem:s26+$0x890];
	_ =	sdelay $0x4  }
0x20c: {  	[tilespmem:$0x1F380] =	vst v0;
	v0 =	vld [tilespmem:s26+$0x8890];
	_ =	sdelay $0x4  }
0x20d: {  	[tilespmem:$0x1F390] =	vst v0;
	v0 =	vld [tilespmem:s26+$0x570];
	_ =	sdelay $0x4  }
0x20e: {  	[tilespmem:$0x1F3E0] =	vst v0;
	v0 =	vld [tilespmem:s26+$0x8570];
	_ =	sdelay $0x4  }
0x20f: {  	[tilespmem:$0x1F3F0] =	vst v0;
	v0 =	vld [tilespmem:s26+$0x5E0];
	_ =	sdelay $0x4  }
0x210: {  	[tilespmem:$0x1F8B0] =	vst v0;
	v0 =	vld [tilespmem:s26+$0x650];
	_ =	sdelay $0x4  }
0x211: {  	[tilespmem:$0x1F400] =	vst v0;
	v0 =	vld [tilespmem:s26+$0x8650];
	_ =	sdelay $0x4  }
0x212: {  	[tilespmem:$0x1F410] =	vst v0;
	v0 =	vld [tilespmem:s26+$0x6C0];
	_ =	sdelay $0x4  }
0x213: {  	[tilespmem:$0x1F420] =	vst v0;
	v0 =	vld [tilespmem:s26+$0x86C0];
	_ =	sdelay $0x4  }
0x214: {  	[tilespmem:$0x1F430] =	vst v0;
	v0 =	vld [tilespmem:s26+$0x730];
	_ =	sdelay $0x4  }
0x215: {  	[tilespmem:$0x1F460] =	vst v0;
	v0 =	vld [tilespmem:s26+$0x8730];
	_ =	sdelay $0x4  }
0x216: {  	[tilespmem:$0x1F470] =	vst v0;
	v0 =	vld [tilespmem:s26+$0x4F0];
	_ =	sdelay $0x4  }
0x217: {  	[tilespmem:$0x1F440] =	vst v0;
	v0 =	vld [tilespmem:s26+$0x84F0];
	_ =	sdelay $0x4  }
0x218: {  	[tilespmem:$0x1F450] =	vst v0;
	v0 =	vld [tilespmem:s26+$0x560];
	_ =	sdelay $0x4  }
0x219: {  	[tilespmem:$0x1F480] =	vst v0;
	v0 =	vld [tilespmem:s26+$0x8560];
	_ =	sdelay $0x4  }
0x21a: {  	[tilespmem:$0x1F490] =	vst v0;
	v0 =	vld [tilespmem:s26+$0x5D0];
	_ =	sdelay $0x4  }
0x21b: {  	[tilespmem:$0x1F8C0] =	vst v0;
	v0 =	vld [tilespmem:s26+$0x85D0];
	_ =	sdelay $0x4  }
0x21c: {  	[tilespmem:$0x1F8D0] =	vst v0;
	v0 =	vld [tilespmem:s26+$0x640];
	_ =	sdelay $0x4  }
0x21d: {  	[tilespmem:$0x1F4A0] =	vst v0;
	v0 =	vld [tilespmem:s26+$0x8640];
	_ =	sdelay $0x4  }
0x21e: {  	[tilespmem:$0x1F4B0] =	vst v0;
	v0 =	vld [tilespmem:s26+$0x6B0];
	_ =	sdelay $0x4  }
0x21f: {  	[tilespmem:$0x1F4C0] =	vst v0;
	v0 =	vld [tilespmem:s26+$0x86B0];
	_ =	sdelay $0x4  }
0x220: {  	[tilespmem:$0x1F4D0] =	vst v0;
	v0 =	vld [tilespmem:s26+$0x720];
	_ =	sdelay $0x4  }
0x221: {  	[tilespmem:$0x1F4E0] =	vst v0;
	v0 =	vld [tilespmem:s26+$0x8720];
	_ =	sdelay $0x4  }
0x222: {  	[tilespmem:$0x1F4F0] =	vst v0;
	v0 =	vld [tilespmem:s26+$0x4E0];
	_ =	sdelay $0x4  }
0x223: {  	[tilespmem:$0x1F500] =	vst v0;
	v0 =	vld [tilespmem:s26+$0x84E0];
	_ =	sdelay $0x4  }
0x224: {  	[tilespmem:$0x1F510] =	vst v0;
	v0 =	vld [tilespmem:s26+$0x550];
	_ =	sdelay $0x4  }
0x225: {  	[tilespmem:$0x1F560] =	vst v0;
	v0 =	vld [tilespmem:s26+$0x8550];
	_ =	sdelay $0x4  }
0x226: {  	[tilespmem:$0x1F570] =	vst v0;
	v0 =	vld [tilespmem:s26+$0x5C0];
	_ =	sdelay $0x4  }
0x227: {  	[tilespmem:$0x1F5A0] =	vst v0;
	v0 =	vld [tilespmem:s26+$0x85C0];
	_ =	sdelay $0x4  }
0x228: {  	[tilespmem:$0x1F5B0] =	vst v0;
	v0 =	vld [tilespmem:s26+$0x630];
	_ =	sdelay $0x4  }
0x229: {  	[tilespmem:$0x1F580] =	vst v0;
	v0 =	vld [tilespmem:s26+$0x8630];
	_ =	sdelay $0x4  }
0x22a: {  	[tilespmem:$0x1F590] =	vst v0;
	v0 =	vld [tilespmem:s26+$0x700];
	_ =	sdelay $0x4  }
0x22b: {  	[tilespmem:$0x1F520] =	vst v0;
	v0 =	vld [tilespmem:s26+$0x8700];
	_ =	sdelay $0x4  }
0x22c: {  	[tilespmem:$0x1F530] =	vst v0;
	v0 =	vld [tilespmem:s26+$0x710];
	_ =	sdelay $0x4  }
0x22d: {  	[tilespmem:$0x1F540] =	vst v0;
	v0 =	vld [tilespmem:s26+$0x8710];
	_ =	sdelay $0x4  }
0x22e: {  	[tilespmem:$0x1F550] =	vst v0;
	v0 =	vld [tilespmem:s26+$0x3F0];
	_ =	sdelay $0x4  }
0x22f: {  	[tilespmem:$0x1F5C0] =	vst v0;
	v0 =	vld [tilespmem:s26+$0x83F0];
	_ =	sdelay $0x4  }
0x230: {  	[tilespmem:$0x1F5D0] =	vst v0;
	v0 =	vld [tilespmem:s26+$0x460];
	_ =	sdelay $0x4  }
0x231: {  	[tilespmem:$0x1F8E0] =	vst v0;
	v0 =	vld [tilespmem:s26+$0x4D0];
	_ =	sdelay $0x4  }
0x232: {  	[tilespmem:$0x1F5E0] =	vst v0;
	v0 =	vld [tilespmem:s26+$0x84D0];
	_ =	sdelay $0x4  }
0x233: {  	[tilespmem:$0x1F5F0] =	vst v0;
	v0 =	vld [tilespmem:s26+$0x540];
	_ =	sdelay $0x4  }
0x234: {  	[tilespmem:$0x1F600] =	vst v0;
	v0 =	vld [tilespmem:s26+$0x8540];
	_ =	sdelay $0x4  }
0x235: {  	[tilespmem:$0x1F610] =	vst v0;
	v0 =	vld [tilespmem:s26+$0x5B0];
	_ =	sdelay $0x4  }
0x236: {  	[tilespmem:$0x1F620] =	vst v0;
	v0 =	vld [tilespmem:s26+$0x85B0];
	_ =	sdelay $0x4  }
0x237: {  	[tilespmem:$0x1F630] =	vst v0;
	v0 =	vld [tilespmem:s26+$0x370];
	_ =	sdelay $0x4  }
0x238: {  	[tilespmem:$0x1F640] =	vst v0;
	v0 =	vld [tilespmem:s26+$0x8370];
	_ =	sdelay $0x4  }
0x239: {  	[tilespmem:$0x1F650] =	vst v0;
	v0 =	vld [tilespmem:s26+$0x3E0];
	_ =	sdelay $0x4  }
0x23a: {  	[tilespmem:$0x1F660] =	vst v0;
	v0 =	vld [tilespmem:s26+$0x450];
	_ =	sdelay $0x4  }
0x23b: {  	[tilespmem:$0x1F8F0] =	vst v0;
	v0 =	vld [tilespmem:s26+$0x8450];
	_ =	sdelay $0x4  }
0x23c: {  	[tilespmem:$0x1F900] =	vst v0;
	v0 =	vld [tilespmem:s26+$0x4C0];
	_ =	sdelay $0x4  }
0x23d: {  	[tilespmem:$0x1F670] =	vst v0;
	v0 =	vld [tilespmem:s26+$0x84C0];
	_ =	sdelay $0x4  }
0x23e: {  	[tilespmem:$0x1F680] =	vst v0;
	v0 =	vld [tilespmem:s26+$0x530];
	_ =	sdelay $0x4  }
0x23f: {  	[tilespmem:$0x1F690] =	vst v0;
	v0 =	vld [tilespmem:s26+$0x8530];
	_ =	sdelay $0x4  }
0x240: {  	[tilespmem:$0x1F6A0] =	vst v0;
	v0 =	vld [tilespmem:s26+$0x5A0];
	_ =	sdelay $0x4  }
0x241: {  	[tilespmem:$0x1F6B0] =	vst v0;
	v0 =	vld [tilespmem:s26+$0x85A0];
	_ =	sdelay $0x4  }
0x242: {  	[tilespmem:$0x1F6C0] =	vst v0;
	v0 =	vld [tilespmem:s26+$0x270];
	_ =	sdelay $0x4  }
0x243: {  	[tilespmem:$0x1F710] =	vst v0;
	v0 =	vld [tilespmem:s26+$0x8270];
	_ =	sdelay $0x4  }
0x244: {  	[tilespmem:$0x1F720] =	vst v0;
	v0 =	vld [tilespmem:s26+$0x360];
	_ =	sdelay $0x4  }
0x245: {  	[tilespmem:$0x1F730] =	vst v0;
	v0 =	vld [tilespmem:s26+$0x8360];
	_ =	sdelay $0x4  }
0x246: {  	[tilespmem:$0x1F740] =	vst v0;
	v0 =	vld [tilespmem:s26+$0x3D0];
	_ =	sdelay $0x4  }
0x247: {  	[tilespmem:$0x1F750] =	vst v0;
	v0 =	vld [tilespmem:s26+$0x83D0];
	_ =	sdelay $0x4  }
0x248: {  	[tilespmem:$0x1F760] =	vst v0;
	v0 =	vld [tilespmem:s26+$0x440];
	_ =	sdelay $0x4  }
0x249: {  	[tilespmem:$0x1F910] =	vst v0;
	v0 =	vld [tilespmem:s26+$0x8440];
	_ =	sdelay $0x4  }
0x24a: {  	[tilespmem:$0x1F920] =	vst v0;
	v0 =	vld [tilespmem:s26+$0x4B0];
	_ =	sdelay $0x4  }
0x24b: {  	[tilespmem:$0x1F6D0] =	vst v0;
	v0 =	vld [tilespmem:s26+$0x84B0];
	_ =	sdelay $0x4  }
0x24c: {  	[tilespmem:$0x1F6E0] =	vst v0;
	v0 =	vld [tilespmem:s26+$0x580];
	_ =	sdelay $0x4  }
0x24d: {  	[tilespmem:$0x1F6F0] =	vst v0;
	v0 =	vld [tilespmem:s26+$0x8580];
	_ =	sdelay $0x4  }
0x24e: {  	[tilespmem:$0x1F700] =	vst v0;
	v0 =	vld [tilespmem:s26+$0x260];
	_ =	sdelay $0x4  }
0x24f: {  	[tilespmem:$0x1F770] =	vst v0;
	v0 =	vld [tilespmem:s26+$0x8260];
	_ =	sdelay $0x4  }
0x250: {  	[tilespmem:$0x1F780] =	vst v0;
	v0 =	vld [tilespmem:s26+$0x350];
	_ =	sdelay $0x4  }
0x251: {  	[tilespmem:$0x1F790] =	vst v0;
	v0 =	vld [tilespmem:s26+$0x8350];
	_ =	sdelay $0x4  }
0x252: {  	[tilespmem:$0x1F7A0] =	vst v0;
	v0 =	vld [tilespmem:s26+$0x3C0];
	_ =	sdelay $0x4  }
0x253: {  	[tilespmem:$0x1F7C0] =	vst v0;
	v0 =	vld [tilespmem:s26+$0x83C0];
	_ =	sdelay $0x3  }
0x254: {  	v1 =	vld [tilespmem:s26+$0x970]  }
0x255: {  	[tilespmem:$0x1F7D0] =	vst v0;
	v0 =	vld [tilespmem:s26+$0x430]  }
0x256: {  	v2 =	vld [tilespmem:s26+$0x8970]  }
0x257: {  	v7 =	vld [tilespmem:s26+$0x9B0]  }
0x258: {  	v9 =	vld [tilespmem:s26+$0x89B0]  }
0x259: {  	v52 =	vld [tilespmem:s26+$0x9A0]  }
0x25a: {  	[tilespmem:$0x1F930] =	vst v0;
	v0 =	vld [tilespmem:s26+$0x8430]  }
0x25b: {  	v58 =	vld [tilespmem:s26+$0x89A0]  }
0x25c: {  	v23 =	vld [tilespmem:s26+$0x900]  }
0x25d: {  	v47 =	vld [tilespmem:s26+$0x8900]  }
0x25e: {  	v48 =	vld [tilespmem:s26+$0x910]  }
0x25f: {  	v12 =	vld [tilespmem:s26+$0x8910];
	[tilespmem:$0x1F940] =	vst v0;
	v0 =	vmul.f32 v9, v7  }
0x260: {  	v56 =	vld [tilespmem:s26+$0x920]  }
0x261: {  	v29 =	vld [tilespmem:s26+$0x8920];
	[tilespmem:$0x1F970] =	vst v0;
	v0 =	vmul.f32 v58, v52  }
0x262: {  	v6 =	vmul.f32 v2, v1;
	v1 =	vld [tilespmem:$0x1F190]  }
0x263: {  	[tilespmem:$0x1F9E0] =	vst v0;
	v0 =	vld [tilespmem:$0x1F180]  }
0x264: {  	v23 =	vmul.f32 v47, v23;
	v12 =	vmul.f32 v12, v48;
	_ =	sdelay $0x1  }
0x265: {  	v12 =	vadd.f32 v12, v23;
	v23 =	vmul.f32 v29, v56;
	_ =	sdelay $0x1  }
0x266: {  	v12 =	vadd.f32 v23, v12;
	v23 =	vmul.f32 v1, v0;
	v0 =	vld [tilespmem:$0x1F1A0]  }
0x267: {  	v1 =	vld [tilespmem:$0x1F1B0];
	_ =	sdelay $0x4  }
0x268: {  	v0 =	vmul.f32 v1, v0;
	_ =	sdelay $0x1  }
0x269: {  	[tilespmem:$0x1FA40] =	vst v0;
	v0 =	vld [tilespmem:s26+$0x250];
	_ =	sdelay $0x3  }
0x26a: {  	v1 =	vld [tilespmem:$0x1F1D0]  }
0x26b: {  	[tilespmem:$0x1F7B0] =	vst v0;
	v0 =	vld [tilespmem:$0x1F1C0];
	_ =	sdelay $0x2  }
0x26c: {  	v3 =	vld [tilespmem:s26+$0x960]  }
0x26d: {  	v4 =	vld [tilespmem:s26+$0x8960]  }
0x26e: {  	v2 =	vmul.f32 v1, v0;
	v0 =	vld [tilespmem:$0x1F1E0]  }
0x26f: {  	v1 =	vld [tilespmem:$0x1F1F0];
	_ =	sdelay $0x3  }
0x270: {  	v54 =	vmul.f32 v4, v3;
	v3 =	vld [tilespmem:$0x1F210]  }
0x271: {  	v1 =	vmul.f32 v1, v0;
	v0 =	vld [tilespmem:$0x1F200];
	_ =	sdelay $0x4  }
0x272: {  	v56 =	vmul.f32 v3, v0;
	v0 =	vld [tilespmem:$0x1F220]  }
0x273: {  	v3 =	vld [tilespmem:$0x1F230];
	_ =	sdelay $0x4  }
0x274: {  	v7 =	vmul.f32 v3, v0;
	v0 =	vld [tilespmem:s26+$0x340];
	_ =	sdelay $0x1  }
0x275: {  	v5 =	vld [tilespmem:s26+$0x870]  }
0x276: {  	v8 =	vld [tilespmem:s26+$0x8870]  }
0x277: {  	v3 =	vld [tilespmem:$0x1F250]  }
0x278: {  	[tilespmem:$0x1F7E0] =	vst v0;
	v0 =	vld [tilespmem:$0x1F240];
	_ =	sdelay $0x4  }
0x279: {  	v14 =	vmul.f32 v8, v5;
	v5 =	vmul.f32 v3, v0;
	v0 =	vld [tilespmem:$0x1F260]  }
0x27a: {  	v3 =	vld [tilespmem:$0x1F270];
	_ =	sdelay $0x4  }
0x27b: {  	v0 =	vmul.f32 v3, v0;
	v3 =	vld [tilespmem:s26+$0x8340];
	_ =	sdelay $0x1  }
0x27c: {  	v57 =	vld [tilespmem:s26+$0x7E0]  }
0x27d: {  	v59 =	vld [tilespmem:s26+$0x87E0]  }
0x27e: {  	v4 =	vld [tilespmem:$0x1F290]  }
0x27f: {  	[tilespmem:$0x1F7F0] =	vst v3;
	v3 =	vld [tilespmem:$0x1F280]  }
0x280: {  	v10 =	vld [tilespmem:s26+$0x950]  }
0x281: {  	v13 =	vld [tilespmem:s26+$0x8950]  }
0x282: {  	v11 =	vld [tilespmem:s26+$0x7F0]  }
0x283: {  	v15 =	vld [tilespmem:s26+$0x87F0]  }
0x284: {  	v9 =	vmul.f32 v59, v57;
	v57 =	vmul.f32 v4, v3;
	v3 =	vld [tilespmem:$0x1F2A0]  }
0x285: {  	v4 =	vld [tilespmem:$0x1F2B0];
	_ =	sdelay $0x3  }
0x286: {  	v30 =	vmul.f32 v13, v10  }
0x287: {  	v13 =	vmul.f32 v15, v11;
	v11 =	vmul.f32 v4, v3;
	v3 =	vld [tilespmem:$0x1F2C0]  }
0x288: {  	v4 =	vld [tilespmem:$0x1F2D0];
	_ =	sdelay $0x3  }
0x289: {  	v52 =	vadd.f32 v23, v12;
	v23 =	vld [tilespmem:$0x1F2F0]  }
0x28a: {  	v4 =	vmul.f32 v4, v3;
	v3 =	vld [tilespmem:$0x1F2E0]  }
0x28b: {  	v41 =	vld [tilespmem:s26+$0x940]  }
0x28c: {  	v46 =	vld [tilespmem:s26+$0x8940]  }
0x28d: {  	v27 =	vld [tilespmem:s26+$0x790]  }
0x28e: {  	v25 =	vld [tilespmem:s26+$0x8790]  }
0x28f: {  	v3 =	vmul.f32 v23, v3;
	v23 =	vld [tilespmem:s26+$0x8420];
	_ =	sdelay $0x1  }
0x290: {  	v16 =	vld [tilespmem:s26+$0x860];
	v29 =	vmul.f32 v46, v41  }
0x291: {  	v40 =	vld [tilespmem:s26+$0x8860]  }
0x292: {  	v47 =	vadd.f32 v1, v2;
	v2 =	vmul.f32 v25, v27;
	v25 =	vld [tilespmem:$0x1F310];
	[tilespmem:$0x1FAD0] =	vst v0;
	v0 =	vadd.f32 v29, v52  }
0x293: {  	[tilespmem:$0x1FB00] =	vst v23;
	v23 =	vld [tilespmem:$0x1F300]  }
0x294: {  	v0 =	vadd.f32 v30, v0  }
0x295: {  	v50 =	vld [tilespmem:s26+$0x800]  }
0x296: {  	v33 =	vld [tilespmem:s26+$0x8800];
	v0 =	vadd.f32 v54, v0  }
0x297: {  	v31 =	vld [tilespmem:s26+$0x780]  }
0x298: {  	v10 =	vmul.f32 v40, v16;
	v40 =	vmul.f32 v25, v23;
	v25 =	vadd.f32 v6, v0;
	v0 =	vld [tilespmem:$0x1F320]  }
0x299: {  	v23 =	vld [tilespmem:$0x1F330]  }
0x29a: {  	v28 =	vld [tilespmem:s26+$0x8780]  }
0x29b: {  	v63 =	vld [tilespmem:s26+$0x7A0]  }
0x29c: {  	v62 =	vld [tilespmem:s26+$0x87A0];
	_ =	sdelay $0x1  }
0x29d: {  	v33 =	vmul.f32 v33, v50;
	v50 =	vmul.f32 v23, v0;
	v0 =	vld [tilespmem:$0x1F340]  }
0x29e: {  	v1 =	vmul.f32 v28, v31;
	v23 =	vld [tilespmem:$0x1F350];
	_ =	sdelay $0x1  }
0x29f: {  	v1 =	vadd.f32 v2, v1;
	v2 =	vmul.f32 v62, v63;
	_ =	sdelay $0x1  }
0x2a0: {  	v1 =	vadd.f32 v2, v1;
	v2 =	vld [tilespmem:$0x1F360]  }
0x2a1: {  	v0 =	vmul.f32 v23, v0;
	v23 =	vld [tilespmem:$0x1F370];
	_ =	sdelay $0x3  }
0x2a2: {  	v29 =	vld [tilespmem:$0x1F390]  }
0x2a3: {  	v2 =	vmul.f32 v23, v2;
	v23 =	vld [tilespmem:$0x1F380]  }
0x2a4: {  	v51 =	vld [tilespmem:s26+$0x850]  }
0x2a5: {  	v60 =	vld [tilespmem:s26+$0x8850]  }
0x2a6: {  	v61 =	vld [tilespmem:s26+$0x810]  }
0x2a7: {  	v55 =	vld [tilespmem:s26+$0x8810]  }
0x2a8: {  	v31 =	vmul.f32 v29, v23;
	v23 =	vld [tilespmem:$0x1F3A0]  }
0x2a9: {  	v29 =	vld [tilespmem:$0x1F3B0]  }
0x2aa: {  	v37 =	vld [tilespmem:s26+$0x820]  }
0x2ab: {  	v35 =	vld [tilespmem:s26+$0x8820];
	_ =	sdelay $0x1  }
0x2ac: {  	v8 =	vmul.f32 v60, v51  }
0x2ad: {  	v55 =	vmul.f32 v55, v61;
	v51 =	vmul.f32 v29, v23;
	v23 =	vld [tilespmem:$0x1F3C0]  }
0x2ae: {  	v29 =	vld [tilespmem:$0x1F3D0]  }
0x2af: {  	v27 =	vadd.f32 v55, v33;
	v28 =	vmul.f32 v35, v37;
	_ =	sdelay $0x1  }
0x2b0: {  	v27 =	vadd.f32 v28, v27;
	_ =	sdelay $0x1  }
0x2b1: {  	v3 =	vadd.f32 v3, v27;
	v27 =	vld [tilespmem:$0x1F3F0];
	v23 =	vmul.f32 v29, v23  }
0x2b2: {  	v0 =	vadd.f32 v0, v1;
	v1 =	vld [tilespmem:s26+$0x8240]  }
0x2b3: {  	[tilespmem:$0x1F800] =	vst v23;
	v23 =	vld [tilespmem:$0x1F3E0];
	_ =	sdelay $0x3  }
0x2b4: {  	[tilespmem:$0x1FBF0] =	vst v1;
	v1 =	vld [tilespmem:$0x1F400]  }
0x2b5: {  	v48 =	vmul.f32 v27, v23;
	v23 =	vadd.f32 v31, v2;
	v2 =	vld [tilespmem:$0x1F410];
	_ =	sdelay $0x4  }
0x2b6: {  	v27 =	vmul.f32 v2, v1;
	v1 =	vld [tilespmem:$0x1F420]  }
0x2b7: {  	v2 =	vld [tilespmem:$0x1F430];
	_ =	sdelay $0x2  }
0x2b8: {  	v22 =	vld [tilespmem:s26+$0x680]  }
0x2b9: {  	v49 =	vld [tilespmem:s26+$0x8680];
	v4 =	vadd.f32 v4, v0  }
0x2ba: {  	v21 =	vld [tilespmem:s26+$0x690];
	v1 =	vmul.f32 v2, v1;
	v2 =	vadd.f32 v5, v3  }
0x2bb: {  	v4 =	vadd.f32 v7, v4;
	v7 =	vld [tilespmem:$0x1F480]  }
0x2bc: {  	v2 =	vadd.f32 v8, v2;
	v8 =	vld [tilespmem:$0x1F490]  }
0x2bd: {  	v18 =	vld [tilespmem:s26+$0x8690]  }
0x2be: {  	v43 =	vld [tilespmem:s26+$0x6A0]  }
0x2bf: {  	v53 =	vld [tilespmem:s26+$0x86A0];
	_ =	sdelay $0x1  }
0x2c0: {  	v61 =	vmul.f32 v8, v7;
	v7 =	vld [tilespmem:$0x1F4A0]  }
0x2c1: {  	v3 =	vmul.f32 v49, v22;
	v5 =	vmul.f32 v18, v21;
	v8 =	vld [tilespmem:$0x1F4B0];
	_ =	sdelay $0x1  }
0x2c2: {  	v3 =	vadd.f32 v5, v3;
	v5 =	vmul.f32 v53, v43;
	_ =	sdelay $0x1  }
0x2c3: {  	v3 =	vadd.f32 v5, v3;
	v5 =	vld [tilespmem:$0x1F4C0]  }
0x2c4: {  	v43 =	vmul.f32 v8, v7;
	v7 =	vld [tilespmem:$0x1F4D0]  }
0x2c5: {  	v17 =	vld [tilespmem:s26+$0x610]  }
0x2c6: {  	v36 =	vld [tilespmem:s26+$0x8610];
	_ =	sdelay $0x2  }
0x2c7: {  	v2 =	vadd.f32 v10, v2;
	v5 =	vmul.f32 v7, v5;
	_ =	sdelay $0x1  }
0x2c8: {  	v8 =	vmul.f32 v36, v17;
	v17 =	vadd.f32 v14, v2;
	v2 =	vadd.f32 v5, v3;
	v3 =	vld [tilespmem:$0x1F4E0]  }
0x2c9: {  	v5 =	vld [tilespmem:$0x1F4F0];
	_ =	sdelay $0x2  }
0x2ca: {  	v19 =	vld [tilespmem:s26+$0x600]  }
0x2cb: {  	v20 =	vld [tilespmem:s26+$0x8600]  }
0x2cc: {  	v37 =	vmul.f32 v5, v3;
	v3 =	vld [tilespmem:$0x1F500]  }
0x2cd: {  	v5 =	vld [tilespmem:$0x1F510]  }
0x2ce: {  	v34 =	vld [tilespmem:s26+$0x620];
	v4 =	vadd.f32 v9, v4  }
0x2cf: {  	v32 =	vld [tilespmem:s26+$0x8620]  }
0x2d0: {  	v4 =	vadd.f32 v13, v4;
	v13 =	vld [tilespmem:$0x1F570];
	v7 =	vmul.f32 v20, v19  }
0x2d1: {  	v1 =	vadd.f32 v1, v2;
	v2 =	vld [tilespmem:$0x1F520]  }
0x2d2: {  	v31 =	vmul.f32 v5, v3;
	v5 =	vadd.f32 v8, v7;
	v8 =	vld [tilespmem:$0x1F530]  }
0x2d3: {  	v10 =	vld [tilespmem:$0x1F560];
	_ =	sdelay $0x1  }
0x2d4: {  	v44 =	vld [tilespmem:s26+$0x83E0]  }
0x2d5: {  	v9 =	vld [tilespmem:$0x1F550]  }
0x2d6: {  	v7 =	vmul.f32 v32, v34;
	v2 =	vmul.f32 v8, v2;
	v8 =	vld [tilespmem:$0x1F540]  }
0x2d7: {  	v32 =	vmul.f32 v13, v10;
	v10 =	vld [tilespmem:$0x1F590]  }
0x2d8: {  	v5 =	vadd.f32 v7, v5;
	v7 =	vld [tilespmem:$0x1F580]  }
0x2d9: {  	v39 =	vld [tilespmem:s26+$0x520]  }
0x2da: {  	v38 =	vld [tilespmem:s26+$0x8520]  }
0x2db: {  	v45 =	vld [tilespmem:s26+$0x590];
	v9 =	vmul.f32 v9, v8  }
0x2dc: {  	v13 =	vld [tilespmem:$0x1F5B0]  }
0x2dd: {  	v7 =	vmul.f32 v10, v7;
	v10 =	vld [tilespmem:$0x1F5A0];
	v2 =	vadd.f32 v9, v2  }
0x2de: {  	v9 =	vld [tilespmem:$0x1F5D0]  }
0x2df: {  	[tilespmem:$0x1FD70] =	vst v2;
	v2 =	vld [tilespmem:$0x1F5C0]  }
0x2e0: {  	v42 =	vld [tilespmem:s26+$0x8590]  }
0x2e1: {  	v26 =	vld [tilespmem:s26+$0x4A0]  }
0x2e2: {  	v24 =	vld [tilespmem:s26+$0x84A0]  }
0x2e3: {  	v36 =	vmul.f32 v13, v10;
	v10 =	vld [tilespmem:$0x1F5F0]  }
0x2e4: {  	v2 =	vmul.f32 v9, v2;
	v9 =	vld [tilespmem:$0x1F5E0]  }
0x2e5: {  	v15 =	vld [tilespmem:s26+$0x500]  }
0x2e6: {  	v16 =	vld [tilespmem:s26+$0x8500]  }
0x2e7: {  	v60 =	vld [tilespmem:s26+$0x330]  }
0x2e8: {  	v5 =	vadd.f32 v7, v5;
	v7 =	vld [tilespmem:$0x1F600]  }
0x2e9: {  	v1 =	vadd.f32 v51, v1;
	v51 =	vmul.f32 v10, v9;
	v9 =	vld [tilespmem:$0x1F610]  }
0x2ea: {  	v46 =	vld [tilespmem:s26+$0x3B0]  }
0x2eb: {  	v41 =	vld [tilespmem:s26+$0x83B0]  }
0x2ec: {  	v59 =	vld [tilespmem:s26+$0x8510]  }
0x2ed: {  	v10 =	vld [tilespmem:$0x1F630]  }
0x2ee: {  	v9 =	vmul.f32 v9, v7;
	v7 =	vld [tilespmem:$0x1F620]  }
0x2ef: {  	v58 =	vld [tilespmem:s26+$0x510]  }
0x2f0: {  	v12 =	vld [tilespmem:s26+$0x8250]  }
0x2f1: {  	v55 =	vld [tilespmem:s26+$0x480]  }
0x2f2: {  	v14 =	vld [tilespmem:$0x1F670]  }
0x2f3: {  	v7 =	vmul.f32 v10, v7;
	v10 =	vadd.f32 v11, v1;
	v11 =	vmul.f32 v16, v15;
	v16 =	vld [tilespmem:$0x1F680]  }
0x2f4: {  	v33 =	vld [tilespmem:s26+$0x380]  }
0x2f5: {  	v28 =	vld [tilespmem:s26+$0x490];
	v5 =	vadd.f32 v43, v5  }
0x2f6: {  	v52 =	vld [tilespmem:s26+$0x8490];
	v13 =	vmul.f32 v59, v58  }
0x2f7: {  	v6 =	vld [tilespmem:s26+$0x8480];
	v5 =	vadd.f32 v27, v5  }
0x2f8: {  	v35 =	vld [tilespmem:s26+$0x390];
	v11 =	vadd.f32 v13, v11;
	v27 =	vmul.f32 v16, v14;
	v14 =	vmul.f32 v38, v39  }
0x2f9: {  	v16 =	vadd.f32 v50, v5;
	v5 =	vld [tilespmem:$0x1F690]  }
0x2fa: {  	v11 =	vadd.f32 v14, v11;
	v14 =	vld [tilespmem:$0x1F6A0]  }
0x2fb: {  	v63 =	vld [tilespmem:s26+$0x3A0]  }
0x2fc: {  	v30 =	vld [tilespmem:s26+$0x420];
	v6 =	vmul.f32 v6, v55;
	v43 =	vadd.f32 v56, v10;
	v10 =	vmul.f32 v52, v28  }
0x2fd: {  	(xrf2) =	vadd.scan.msk.f32 $0xffff, v25;
	v25 =	vld [tilespmem:$0x1F740]  }
0x2fe: {  	v6 =	vadd.f32 v10, v6;
	v10 =	vmul.f32 v24, v26;
	v24 =	vld [tilespmem:$0x1F6C0]  }
0x2ff: {  	v14 =	vmul.f32 v14, v5;
	v5 =	vld [tilespmem:$0x1F6B0]  }
0x300: {  	v55 =	vld [tilespmem:s26+$0x8310]  }
0x301: {  	v0 =	vld [tilespmem:s26+$0x8330]  }
0x302: {  	v18 =	vld [tilespmem:$0x1F440]  }
0x303: {  	v10 =	vadd.f32 v10, v6;
	v6 =	vld [tilespmem:$0x1F6D0]  }
0x304: {  	v5 =	vmul.f32 v24, v5;
	v24 =	vld [tilespmem:$0x1F6E0]  }
0x305: {  	v21 =	vld [tilespmem:$0x1F450]  }
0x306: {  	v29 =	vld [tilespmem:s26+$0x240]  }
0x307: {  	v22 =	vld [tilespmem:s26+$0x400]  }
0x308: {  	v14 =	vadd.f32 v14, v11;
	v11 =	vld [tilespmem:$0x1F700]  }
0x309: {  	v24 =	vmul.f32 v24, v6;
	v6 =	vld [tilespmem:$0x1F6F0]  }
0x30a: {  	v54 =	vmul.f32 v21, v18;
	v18 =	vld [tilespmem:$0x1F460]  }
0x30b: {  	v21 =	vld [tilespmem:$0x1F470]  }
0x30c: {  	v49 =	vld [tilespmem:s26+$0x8410]  }
0x30d: {  	v53 =	vld [tilespmem:s26+$0x83A0]  }
0x30e: {  	v26 =	vmul.f32 v11, v6;
	v6 =	vld [tilespmem:$0x1F710]  }
0x30f: {  	v11 =	vld [tilespmem:$0x1F720]  }
0x310: {  	v62 =	vmul.f32 v21, v18;
	v18 =	vld [tilespmem:s26+$0x8400]  }
0x311: {  	(xrf2) =	vadd.scan.msk.f32 $0xffff, v17;
	v17 =	vld [tilespmem:$0x1F7B0]  }
0x312: {  	v21 =	vld [tilespmem:s26+$0x320]  }
0x313: {  	v20 =	vld [tilespmem:s26+$0x410]  }
0x314: {  	v6 =	vmul.f32 v11, v6;
	v11 =	vld [tilespmem:$0x1F730]  }
0x315: {  	v19 =	vld [tilespmem:s26+$0x8320]  }
0x316: {  	v12 =	vmul.f32 v12, v17;
	v17 =	vld [tilespmem:$0x1F7C0]  }
0x317: {  	v3 =	vld [tilespmem:s26+$0x230]  }
0x318: {  	v24 =	vadd.f32 v24, v10;
	v10 =	vld [tilespmem:$0x1F750]  }
0x319: {  	v11 =	vmul.f32 v25, v11;
	v25 =	vld [tilespmem:$0x1F760]  }
0x31a: {  	v34 =	vld [tilespmem:s26+$0x8380]  }
0x31b: {  	v8 =	vld [tilespmem:s26+$0x8230]  }
0x31c: {  	v59 =	vmul.f32 v42, v45;
	v42 =	vld [tilespmem:s26+$0x8200]  }
0x31d: {  	v45 =	vld [tilespmem:s26+$0x200]  }
0x31e: {  	v38 =	vmul.f32 v25, v10;
	v10 =	vld [tilespmem:$0x1F770]  }
0x31f: {  	v25 =	vadd.f32 v9, v14;
	v14 =	vld [tilespmem:$0x1F780]  }
0x320: {  	v1 =	vld [tilespmem:$0x1F640]  }
0x321: {  	v15 =	vld [tilespmem:s26+$0x8390]  }
0x322: {  	[tilespmem:$0x1FE00] =	vst v7;
	v7 =	vld [tilespmem:$0x1F650]  }
0x323: {  	v9 =	vadd.f32 v59, v26;
	v26 =	vld [tilespmem:$0x1F7A0]  }
0x324: {  	v10 =	vmul.f32 v14, v10;
	v14 =	vld [tilespmem:$0x1F790]  }
0x325: {  	v13 =	vld [tilespmem:s26+$0x8220]  }
0x326: {  	v28 =	vld [tilespmem:s26+$0x300]  }
0x327: {  	v52 =	vld [tilespmem:s26+$0x310]  }
0x328: {  	v1 =	vmul.f32 v7, v1;
	v7 =	vld [tilespmem:$0x1F660]  }
0x329: {  	v14 =	vmul.f32 v26, v14;
	v26 =	vadd.f32 v27, v24;
	v24 =	vld [tilespmem:$0x1F7D0]  }
0x32a: {  	v50 =	vld [tilespmem:s26+$0x8300]  }
0x32b: {  	v39 =	vld [tilespmem:s26+$0x8210]  }
0x32c: {  	v15 =	vmul.f32 v15, v35;
	v35 =	vmov v23;
	v23 =	vld [tilespmem:$0x1F7F0];
	v32 =	vadd.f32 v32, v25  }
0x32d: {  	v56 =	vmul.f32 v34, v33;
	v7 =	vmul.f32 v44, v7;
	v44 =	vld [tilespmem:s26+$0x220]  }
0x32e: {  	p1 =	sne.s32 s29, $0x7;
	v32 =	vadd.f32 v61, v32;
	v24 =	vmul.f32 v24, v17;
	v17 =	vld [tilespmem:$0x1F7E0]  }
.Ltmp5:
0x32f: {  	v25 =	vld [tilespmem:s26+$0x280];
	v61 =	vmov v30;
	v30 =	vadd.f32 v15, v56;
	(pc) =	sbr.rel @p1 .LBB2_4-.Ltmp5, $4  }
0x330: {  	v15 =	vadd.f32 v48, v32;
	v32 =	vld [tilespmem:$0x1F800];
	v26 =	vadd.f32 v51, v26  }
0x331: {  	(xrf2) =	vadd.scan.msk.f32 $0xffff, v4;
	v34 =	vmovc v37;
	v27 =	vld [tilespmem:s26+$0x210];
	v51 =	vmov v62;
	v62 =	vmov v29;
	v29 =	vmul.f32 v41, v46  }
0x332: {  	v33 =	vmovc v40;
	v46 =	vmul.f32 v53, v63;
	v41 =	vmul.f32 v50, v28;
	v40 =	vadd.f32 v31, v26;
	v26 =	vld [tilespmem:s26+$0x290]  }
0x333: {  	s28 =	smov.u32 s29;
	s29 =	sadd.s32 $0x1, s29;
	v16 =	vadd.f32 v57, v16;
	v53 =	vmovc v47;
	v47 =	vmul.f32 v55, v52;
	v17 =	vmul.f32 v23, v17;
	v23 =	vld [tilespmem:s26+$0x8280]  }
0x334: {  	v28 =	vld [tilespmem:s26+$0x8290]  }
0x335: {  	v48 =	vld [tilespmem:s26+$0x82A0]  }
0x336: {  	v20 =	vmul.f32 v49, v20;
	v49 =	vld [tilespmem:s26+$0x2B0]  }
0x337: {  	v50 =	vld [tilespmem:s26+$0x82B0]  }
0x338: {  	v40 =	vadd.f32 v54, v40;
	v54 =	vld [tilespmem:s26+$0x2C0]  }
0x339: {  	v55 =	vld [tilespmem:s26+$0x82C0]  }
0x33a: {  	v56 =	vld [tilespmem:s26+$0x2D0]  }
0x33b: {  	v57 =	vld [tilespmem:$0x1FBF0]  }
0x33c: {  	v58 =	vld [tilespmem:s26+$0x82D0]  }
0x33d: {  	v59 =	vld [tilespmem:s26+$0x2E0]  }
0x33e: {  	v0 =	vmul.f32 v0, v60;
	v60 =	vld [tilespmem:$0x1FB00]  }
0x33f: {  	v63 =	vld [tilespmem:s26+$0x2F0]  }
0x340: {  	v4 =	vadd.f32 v46, v30;
	v30 =	vld [tilespmem:s26+$0x8470]  }
0x341: {  	v37 =	vld [tilespmem:$0x1F900]  }
0x342: {  	(xrf2) =	vadd.scan.msk.f32 $0xffff, v43;
	v43 =	vld [tilespmem:$0x1F8E0]  }
0x343: {  	v13 =	vmul.f32 v13, v44;
	v44 =	vld [tilespmem:$0x1FD70]  }
0x344: {  	v31 =	vmul.f32 v42, v45;
	v45 =	vld [tilespmem:s26+$0x85F0]  }
0x345: {  	v18 =	vmul.f32 v18, v22;
	v22 =	vld [tilespmem:$0x1F880]  }
0x346: {  	v46 =	vadd.f32 v47, v41;
	v47 =	vld [tilespmem:s26+$0x2A0];
	(xrf2) =	vadd.scan.msk.f32 $0xffff, v16  }
0x347: {  	v41 =	vld [tilespmem:s26+$0x5F0];
	v4 =	vadd.f32 v29, v4;
	(xrf2) =	vadd.scan.msk.f32 $0xffff, v15  }
0x348: {  	(xrf2) =	vadd.scan.msk.f32 $0xffff, v40;
	v40 =	vld [tilespmem:$0x1FE00]  }
0x349: {  	v27 =	vmul.f32 v39, v27;
	v4 =	vadd.f32 v24, v4;
	v24 =	vld [tilespmem:s26+$0x82F0]  }
0x34a: {  	v23 =	vmul.f32 v23, v25;
	v25 =	vld [tilespmem:s26+$0x8460]  }
0x34b: {  	v27 =	vadd.f32 v27, v31;
	v31 =	vld [tilespmem:$0x1F8F0]  }
0x34c: {  	v52 =	vmul.f32 v28, v26;
	v26 =	vld [tilespmem:$0x1F910]  }
0x34d: {  	v28 =	vld [tilespmem:s26+$0x470]  }
0x34e: {  	v18 =	vadd.f32 v20, v18;
	v20 =	vmul.f32 v50, v49;
	v49 =	vld [tilespmem:s26+$0x8760]  }
0x34f: {  	v3 =	vmul.f32 v8, v3;
	v8 =	vmul.f32 v55, v54;
	v54 =	vld [tilespmem:s26+$0x770]  }
0x350: {  	v19 =	vmul.f32 v19, v21;
	v55 =	vld [tilespmem:$0x1F8B0]  }
0x351: {  	v13 =	vadd.f32 v13, v27;
	v27 =	vld [tilespmem:$0x1F920]  }
0x352: {  	v19 =	vadd.f32 v19, v46;
	v4 =	vadd.f32 v38, v4;
	v38 =	vld [tilespmem:s26+$0x85E0]  }
0x353: {  	v21 =	vmul.f32 v48, v47;
	v47 =	vld [tilespmem:$0x1F8C0];
	v23 =	vadd.f32 v52, v23  }
0x354: {  	v0 =	vadd.f32 v0, v19;
	v48 =	vld [tilespmem:$0x1F8D0]  }
0x355: {  	v3 =	vadd.f32 v3, v13;
	v13 =	vmul.f32 v57, v62;
	v62 =	vld [tilespmem:s26+$0x82E0];
	v21 =	vadd.f32 v21, v23  }
0x356: {  	v5 =	vadd.f32 v5, v9;
	v23 =	vld [tilespmem:$0x1F940]  }
0x357: {  	v0 =	vadd.f32 v17, v0;
	v20 =	vadd.f32 v20, v21;
	v21 =	vld [tilespmem:$0x1F930]  }
0x358: {  	v4 =	vadd.f32 v7, v4;
	v5 =	vadd.f32 v40, v5;
	v57 =	vld [tilespmem:s26+$0x8770]  }
0x359: {  	v7 =	vmul.f32 v58, v56;
	v56 =	vadd.f32 v33, v35;
	v33 =	vld [tilespmem:$0x1F840];
	v0 =	vadd.f32 v14, v0  }
0x35a: {  	v35 =	vld [tilespmem:$0x1F850];
	v3 =	vadd.f32 v13, v3;
	v2 =	vadd.f32 v2, v4;
	v4 =	vmul.f32 v60, v61  }
0x35b: {  	v40 =	vld [tilespmem:$0x1F810];
	v5 =	vadd.f32 v36, v5;
	v8 =	vadd.f32 v8, v20  }
0x35c: {  	v60 =	vld [tilespmem:$0x1F890];
	v3 =	vadd.f32 v12, v3;
	v4 =	vadd.f32 v4, v18;
	v12 =	vmul.f32 v23, v21  }
0x35d: {  	v50 =	vmul.f32 v30, v28;
	v61 =	vld [tilespmem:$0x1F8A0];
	v29 =	vmul.f32 v62, v59;
	v7 =	vadd.f32 v7, v8  }
0x35e: {  	v28 =	vld [tilespmem:$0x1F860];
	v3 =	vadd.f32 v10, v3;
	v10 =	vmul.f32 v27, v26;
	v4 =	vadd.f32 v12, v4  }
0x35f: {  	v39 =	vmul.f32 v24, v63;
	v36 =	vld [tilespmem:$0x1F970];
	v0 =	vadd.f32 v11, v0;
	v7 =	vadd.f32 v29, v7  }
0x360: {  	v62 =	vld [tilespmem:s26+$0x88E0];
	v3 =	vadd.f32 v6, v3;
	v6 =	vmul.f32 v37, v31;
	v4 =	vadd.f32 v10, v4  }
0x361: {  	v0 =	vadd.f32 v1, v0;
	v20 =	vld [tilespmem:$0x1FAD0];
	v46 =	vadd.f32 v39, v7;
	v7 =	vmul.f32 v48, v47  }
0x362: {  	(xrf2) =	vadd.scan.msk.f32 $0xffff, v2;
	v1 =	vmul.f32 v25, v43;
	v26 =	vld [tilespmem:$0x1FA40];
	v42 =	vadd.f32 v6, v4;
	v4 =	vadd.f32 v34, v44  }
0x363: {  	(xrf2) =	vadd.scan.msk.f32 $0xffff, v0;
	v23 =	vld [tilespmem:$0x1F9E0];
	v5 =	vadd.f32 v7, v5;
	v7 =	vmul.f32 v38, v55  }
0x364: {  	v29 =	vld [tilespmem:$0x1F870];
	(xrf2) =	vadd.scan.msk.f32 $0xffff, v3;
	v1 =	vadd.f32 v1, v42;
	v52 =	vadd.f32 v51, v4  }
0x365: {  	v25 =	vld [tilespmem:s26+$0x88F0];
	v12 =	vmul.f32 v61, v60;
	v10, _, _ =	vpop (xrf2);
	(xrf2) =	vadd.scan.msk.f32 $0xffff, v46;
	v5 =	vadd.f32 v7, v5  }
0x366: {  	v59, _, _ =	vpop (xrf2);
	v6 =	vmul.f32 v45, v41;
	v1 =	vadd.f32 v50, v1;
	v58 =	vadd.f32 v32, v52;
	v32 =	vld [tilespmem:$0x1F830]  }
0x367: {  	v9 =	vadd.f32 v20, v56;
	v63, _, _ =	vpop (xrf2);
	v41 =	vld [tilespmem:$0x1F820]  }
0x368: {  	v8 =	vmul.f32 v49, v22;
	v21 =	vld [tilespmem:s26+$0x8F0];
	v24, _, _ =	vpop (xrf2);
	v5 =	vadd.f32 v6, v5;
	v2 =	vadd.f32 v12, v58;
	(xrf2) =	vadd.scan.msk.f32 $0xffff, v1  }
0x369: {  	v30 =	vld [tilespmem:s26+$0x9E0];
	v15 =	vmul.f32 v29, v28;
	v27, _, _ =	vpop (xrf2);
	v6 =	vadd.f32 v26, v9;
	v12 =	vadd.f32 v23, v53  }
0x36a: {  	v0 =	vmul.f32 v57, v54;
	v13 =	vmul.f32 v62, v35;
	v34 =	vld [tilespmem:s26+$0x89E0];
	v31, _, _ =	vpop (xrf2);
	v2 =	vadd.f32 v8, v2  }
0x36b: {  	v38 =	vld [tilespmem:s26+$0x9F0];
	v37, _, _ =	vpop (xrf2);
	v6 =	vadd.f32 v15, v6;
	(xrf2) =	vadd.scan.msk.f32 $0xffff, v5;
	v12 =	vadd.f32 v36, v12;
	v8 =	vmul.f32 v33, v32  }
0x36c: {  	v42 =	vld [tilespmem:s26+$0x89F0];
	v39, _, _ =	vpop (xrf2);
	v18 =	vmul.f32 v41, v40;
	v0 =	vadd.f32 v0, v2  }
0x36d: {  	v1 =	vmul.f32 v25, v21;
	v43, _, _ =	vpop (xrf2);
	v6 =	vadd.f32 v13, v6;
	v8 =	vadd.f32 v8, v12  }
0x36e: {  	v44, _, _ =	vpop (xrf2);
	(xrf2) =	vadd.scan.msk.f32 $0xffff, v0  }
0x36f: {  	v46 =	vmul.f32 v34, v30;
	v1 =	vadd.f32 v1, v6;
	v47, _, _ =	vpop (xrf2);
	v45 =	vadd.f32 v18, v8  }
0x370: {  	v12 =	vbroadcast v47, $0xF;
	v0 =	vbroadcast v44, $0xF  }
0x371: {  	v5 =	vmul.f32 v42, v38;
	v48 =	vbroadcast v43, $0xF;
	(xrf2) =	vadd.scan.msk.f32 $0xffff, v1;
	v6 =	vadd.f32 v46, v45  }
0x372: {  	v2 =	vbroadcast v39, $0xF;
	v0 =	vsel vm0, v0, v12;
	v49, _, _ =	vpop (xrf2)  }
0x373: {  	v0 =	vsel vm1, v0, v48;
	v50 =	vadd.f32 v5, v6;
	v51 =	vbroadcast v49, $0xF  }
0x374: {  	v52 =	vbroadcast v37, $0xF;
	v0 =	vsel vm2, v0, v2  }
0x375: {  	v4 =	vbroadcast v31, $0xF;
	v53, _, _ =	vpop (xrf2);
	v0 =	vsel vm3, v0, v51;
	(xrf2) =	vadd.scan.msk.f32 $0xffff, v50  }
0x376: {  	v1 =	vbroadcast v53, $0xF;
	v0 =	vsel vm4, v0, v52  }
0x377: {  	v54 =	vbroadcast v27, $0xF;
	v0 =	vsel vm5, v0, v4  }
0x378: {  	v55 =	vbroadcast v24, $0xF;
	v0 =	vsel vm6, v0, v1;
	v56, _, _ =	vpop (xrf2)  }
0x379: {  	v0 =	vsel vm7, v0, v54;
	v57 =	vbroadcast v56, $0xF  }
0x37a: {  	v58 =	vbroadcast v63, $0xF;
	v0 =	vsel vm8, v0, v55  }
0x37b: {  	v59 =	vbroadcast v59, $0xF;
	v60, _, _ =	vpop (xrf2);
	v0 =	vsel vm9, v0, v57  }
0x37c: {  	v61 =	vbroadcast v60, $0xF;
	v0 =	vsel vm10, v0, v58  }
0x37d: {  	v62 =	vbroadcast v10, $0xF;
	v0 =	vsel vm11, v0, v59  }
0x37e: {  	s25 =	sshll.u32 s25, $0x7;
	v0 =	vsel vm12, v0, v61  }
0x37f: {  	s31 =	sshll.u32 s28, $0x4;
	s25 =	smin.u32 s25, $0x7A0A0;
	v0 =	vsel vm13, v0, v62;
	v63, _, _ =	vpop (xrf2)  }
0x380: {  	p1 =	sgt.u32 s24, $0xF22;
	s25 =	sshrl.u32 s25, $0x3;
	s26 =	sand.u32 $0x3FFFFFF0, s31;
	v0 =	vsel vm14, v0, v63  }
.Ltmp6:
0x381: {  	s25 =	sadd.s32 s5, s25;
	[tilespmem:s26+$0x10200] =	vst v0;
	(pc) =	sbr.rel @p1 .LBB2_7-.Ltmp6, $4  }
0x382: {  	[hbm4b:s25+s6] =	stream.linear.scatter [tilespmem:s18], [sflag:$0x6], $0x80, $0x38;
	[tilespmem:$0x10280] =	vst v63  }
0x383: {  	_ =	swait.ge [sflag:s19], $0x80  }
0x384: {  	[sflag:s19] =	ssyncset.done $0x0  }
0x385: {  	s24 =	sshll.u32 s24, $0x7;
	[sflag:s19] =	ssyncadd.s32 $0xFFFFFF80  }
0x386: {  	s25 =	smin.u32 s24, $0x790A0  }
0x387: {  	s25 =	sshrl.u32 s25, $0x3  }
0x388: {  	s25 =	sadd.s32 $0x200, s25  }
0x389: {  	s26 =	sadd.s32 s1, s25  }
0x38a: {  	[tilespmem:s6], [sflag:$0x6] =	stream.linear.gather [hbm4b:s26+s6], $0x80, $0x38;
	[tilespmem:$0x10280] =	vst v63  }
0x38b: {  	_ =	swait.ge [sflag:s19], $0x80  }
0x38c: {  	[sflag:s19] =	ssyncset.done $0x0  }
0x38d: {  	s25 =	sadd.s32 s2, s25;
	[sflag:s19] =	ssyncadd.s32 $0xFFFFFF80  }
0x38e: {  	[tilespmem:s12], [sflag:$0x6] =	stream.linear.gather [hbm4b:s25+s6], $0x80, $0x38;
	[tilespmem:$0x10280] =	vst v63  }
0x38f: {  	_ =	swait.ge [sflag:s19], $0x80  }
.Ltmp7:
0x390: {  	[sflag:s19] =	ssyncset.done $0x0;
	(pc) =	sbr.rel .LBB2_8-.Ltmp7, $4  }
0x391: {  	[sflag:s19] =	ssyncadd.s32 $0xFFFFFF80  }
0x392: {  	[tilespmem:s14], [sflag:$0x1] =	stream.indirect.gather [hbm4b:s4+s13], $0x80, s6, s13, $0xb8;
	[tilespmem:$0x10280] =	vst v63  }
0x393: {  	_ = 	snop  }
0x394: {  	[tilespmem:s15], [sflag:$0x3] =	stream.indirect.gather [hbm4b:s4+s13], $0x80, s12, s13, $0xb8;
	[tilespmem:$0x10280] =	vst v63  }
.LBB2_7:
.Ltmp8:
0x395: {  	(pc) =	sbr.rel @p0 .LBB2_11-.Ltmp8, $1  }
0x396: {  	_ =	sdelay $0x3  }
.LBB2_8:
0x397: {  	_ =	swait.ge [sflag:s20], $0x4000  }
0x398: {  	[sflag:s20] =	ssyncset.done $0x0  }
0x399: {  	[sflag:s20] =	ssyncadd.s32 $0xFFFFC000  }
0x39a: {  	_ =	swait.ge [sflag:s21], $0x4000  }
0x39b: {  	[sflag:s21] =	ssyncset.done $0x0  }
0x39c: {  	s25 =	simm.s32 $0x0;
	[sflag:s21] =	ssyncadd.s32 $0xFFFFC000  }
0x39d: {  	v3 =	vld [tilespmem:s25+$0x4660];
	_ =	sdelay $0x4  }
0x39e: {  	[tilespmem:$0x1EC90] =	vst v3;
	v3 =	vld [tilespmem:s25+$0xC660];
	_ =	sdelay $0x4  }
0x39f: {  	[tilespmem:$0x1ECA0] =	vst v3;
	v3 =	vld [tilespmem:s25+$0x46D0];
	_ =	sdelay $0x4  }
0x3a0: {  	[tilespmem:$0x1ECD0] =	vst v3;
	v3 =	vld [tilespmem:s25+$0xC6D0];
	_ =	sdelay $0x4  }
0x3a1: {  	[tilespmem:$0x1ECE0] =	vst v3;
	v3 =	vld [tilespmem:s25+$0x4740];
	_ =	sdelay $0x4  }
0x3a2: {  	[tilespmem:$0x1ECF0] =	vst v3;
	v3 =	vld [tilespmem:s25+$0xC740];
	_ =	sdelay $0x4  }
0x3a3: {  	[tilespmem:$0x1ED00] =	vst v3;
	v3 =	vld [tilespmem:s25+$0x47B0];
	_ =	sdelay $0x4  }
0x3a4: {  	[tilespmem:$0x1ECB0] =	vst v3;
	v3 =	vld [tilespmem:s25+$0x4880];
	_ =	sdelay $0x4  }
0x3a5: {  	[tilespmem:$0x1ECC0] =	vst v3;
	v3 =	vld [tilespmem:s25+$0x4570];
	_ =	sdelay $0x4  }
0x3a6: {  	[tilespmem:$0x1ED10] =	vst v3;
	v3 =	vld [tilespmem:s25+$0xC570];
	_ =	sdelay $0x4  }
0x3a7: {  	[tilespmem:$0x1ED20] =	vst v3;
	v3 =	vld [tilespmem:s25+$0x45E0];
	_ =	sdelay $0x4  }
0x3a8: {  	[tilespmem:$0x1EA30] =	vst v3;
	v3 =	vld [tilespmem:s25+$0x4650];
	_ =	sdelay $0x4  }
0x3a9: {  	[tilespmem:$0x1ED30] =	vst v3;
	v3 =	vld [tilespmem:s25+$0xC650];
	_ =	sdelay $0x4  }
0x3aa: {  	[tilespmem:$0x1ED40] =	vst v3;
	v3 =	vld [tilespmem:s25+$0x46C0];
	_ =	sdelay $0x4  }
0x3ab: {  	[tilespmem:$0x1ED50] =	vst v3;
	v3 =	vld [tilespmem:s25+$0xC6C0];
	_ =	sdelay $0x4  }
0x3ac: {  	[tilespmem:$0x1ED60] =	vst v3;
	v3 =	vld [tilespmem:s25+$0x4730];
	_ =	sdelay $0x4  }
0x3ad: {  	[tilespmem:$0x1ED90] =	vst v3;
	v3 =	vld [tilespmem:s25+$0xC730];
	_ =	sdelay $0x4  }
0x3ae: {  	[tilespmem:$0x1EDA0] =	vst v3;
	v3 =	vld [tilespmem:s25+$0x44F0];
	_ =	sdelay $0x4  }
0x3af: {  	[tilespmem:$0x1ED80] =	vst v3;
	v3 =	vld [tilespmem:s25+$0x4560];
	_ =	sdelay $0x4  }
0x3b0: {  	[tilespmem:$0x1EDB0] =	vst v3;
	v3 =	vld [tilespmem:s25+$0xC560];
	_ =	sdelay $0x4  }
0x3b1: {  	[tilespmem:$0x1EDC0] =	vst v3;
	v3 =	vld [tilespmem:s25+$0x45D0];
	_ =	sdelay $0x4  }
0x3b2: {  	[tilespmem:$0x1EA40] =	vst v3;
	v3 =	vld [tilespmem:s25+$0xC5D0];
	_ =	sdelay $0x4  }
0x3b3: {  	[tilespmem:$0x1EA50] =	vst v3;
	v3 =	vld [tilespmem:s25+$0x4640];
	_ =	sdelay $0x4  }
0x3b4: {  	[tilespmem:$0x1EDD0] =	vst v3;
	v3 =	vld [tilespmem:s25+$0xC640];
	_ =	sdelay $0x4  }
0x3b5: {  	[tilespmem:$0x1EDE0] =	vst v3;
	v3 =	vld [tilespmem:s25+$0x46B0];
	_ =	sdelay $0x4  }
0x3b6: {  	[tilespmem:$0x1EDF0] =	vst v3;
	v3 =	vld [tilespmem:s25+$0xC6B0];
	_ =	sdelay $0x4  }
0x3b7: {  	[tilespmem:$0x1EE00] =	vst v3;
	v3 =	vld [tilespmem:s25+$0x4720];
	_ =	sdelay $0x4  }
0x3b8: {  	[tilespmem:$0x1EE10] =	vst v3;
	v3 =	vld [tilespmem:s25+$0xC720];
	_ =	sdelay $0x4  }
0x3b9: {  	[tilespmem:$0x1EE20] =	vst v3;
	v3 =	vld [tilespmem:s25+$0x44E0];
	_ =	sdelay $0x4  }
0x3ba: {  	[tilespmem:$0x1EE30] =	vst v3;
	v3 =	vld [tilespmem:s25+$0xC4E0];
	_ =	sdelay $0x4  }
0x3bb: {  	[tilespmem:$0x1EE40] =	vst v3;
	v3 =	vld [tilespmem:s25+$0x4550];
	_ =	sdelay $0x4  }
0x3bc: {  	[tilespmem:$0x1EE90] =	vst v3;
	v3 =	vld [tilespmem:s25+$0xC550];
	_ =	sdelay $0x4  }
0x3bd: {  	[tilespmem:$0x1EEA0] =	vst v3;
	v3 =	vld [tilespmem:s25+$0x45C0];
	_ =	sdelay $0x4  }
0x3be: {  	[tilespmem:$0x1EED0] =	vst v3;
	v3 =	vld [tilespmem:s25+$0xC5C0];
	_ =	sdelay $0x4  }
0x3bf: {  	[tilespmem:$0x1EEE0] =	vst v3;
	v3 =	vld [tilespmem:s25+$0x4630];
	_ =	sdelay $0x4  }
0x3c0: {  	[tilespmem:$0x1EEB0] =	vst v3;
	v3 =	vld [tilespmem:s25+$0xC630];
	_ =	sdelay $0x4  }
0x3c1: {  	[tilespmem:$0x1EEC0] =	vst v3;
	v3 =	vld [tilespmem:s25+$0x4700];
	_ =	sdelay $0x4  }
0x3c2: {  	[tilespmem:$0x1EE50] =	vst v3;
	v3 =	vld [tilespmem:s25+$0xC700];
	_ =	sdelay $0x4  }
0x3c3: {  	[tilespmem:$0x1EE60] =	vst v3;
	v3 =	vld [tilespmem:s25+$0x4710];
	_ =	sdelay $0x4  }
0x3c4: {  	[tilespmem:$0x1EE70] =	vst v3;
	v3 =	vld [tilespmem:s25+$0xC710];
	_ =	sdelay $0x4  }
0x3c5: {  	[tilespmem:$0x1EE80] =	vst v3;
	v3 =	vld [tilespmem:s25+$0x43F0];
	_ =	sdelay $0x4  }
0x3c6: {  	[tilespmem:$0x1EF00] =	vst v3;
	v3 =	vld [tilespmem:s25+$0xC3F0];
	_ =	sdelay $0x4  }
0x3c7: {  	[tilespmem:$0x1EF10] =	vst v3;
	v3 =	vld [tilespmem:s25+$0x4460];
	_ =	sdelay $0x4  }
0x3c8: {  	[tilespmem:$0x1EA60] =	vst v3;
	v3 =	vld [tilespmem:s25+$0x44D0];
	_ =	sdelay $0x4  }
0x3c9: {  	[tilespmem:$0x1EF20] =	vst v3;
	v3 =	vld [tilespmem:s25+$0xC4D0];
	_ =	sdelay $0x4  }
0x3ca: {  	[tilespmem:$0x1EF30] =	vst v3;
	v3 =	vld [tilespmem:s25+$0x4540];
	_ =	sdelay $0x1  }
0x3cb: {  	v0 =	vld [tilespmem:s25+$0x49D0];
	_ =	sdelay $0x2  }
0x3cc: {  	[tilespmem:$0x1EF40] =	vst v3;
	v3 =	vld [tilespmem:s25+$0xC540];
	_ =	sdelay $0x1  }
0x3cd: {  	[tilespmem:$0x1E990] =	vst v0;
	v0 =	vld [tilespmem:s25+$0xC9D0];
	_ =	sdelay $0x2  }
0x3ce: {  	[tilespmem:$0x1EF50] =	vst v3;
	v3 =	vld [tilespmem:s25+$0x45B0];
	_ =	sdelay $0x1  }
0x3cf: {  	[tilespmem:$0x1E9A0] =	vst v0;
	v0 =	vld [tilespmem:s25+$0x49C0];
	_ =	sdelay $0x2  }
0x3d0: {  	[tilespmem:$0x1EF60] =	vst v3;
	v3 =	vld [tilespmem:s25+$0xC5B0];
	_ =	sdelay $0x1  }
0x3d1: {  	[tilespmem:$0x1E9B0] =	vst v0;
	v0 =	vld [tilespmem:s25+$0xC9C0];
	_ =	sdelay $0x2  }
0x3d2: {  	[tilespmem:$0x1EF70] =	vst v3;
	v3 =	vld [tilespmem:s25+$0x4370];
	_ =	sdelay $0x1  }
0x3d3: {  	[tilespmem:$0x1E9C0] =	vst v0;
	v0 =	vld [tilespmem:s25+$0x48E0];
	_ =	sdelay $0x2  }
0x3d4: {  	[tilespmem:$0x1EF90] =	vst v3;
	v3 =	vld [tilespmem:s25+$0xC370];
	_ =	sdelay $0x1  }
0x3d5: {  	[tilespmem:$0x1E9D0] =	vst v0;
	v0 =	vld [tilespmem:s25+$0x47F0];
	_ =	sdelay $0x2  }
0x3d6: {  	[tilespmem:$0x1EFA0] =	vst v3;
	v3 =	vld [tilespmem:s25+$0x43E0];
	_ =	sdelay $0x1  }
0x3d7: {  	[tilespmem:$0x1EAD0] =	vst v0;
	v0 =	vld [tilespmem:s25+$0xC7F0];
	_ =	sdelay $0x2  }
0x3d8: {  	[tilespmem:$0x1EFB0] =	vst v3;
	v3 =	vld [tilespmem:s25+$0xC3E0];
	_ =	sdelay $0x1  }
0x3d9: {  	[tilespmem:$0x1EAE0] =	vst v0;
	v0 =	vld [tilespmem:s25+$0x4860];
	_ =	sdelay $0x2  }
0x3da: {  	[tilespmem:$0x1EFC0] =	vst v3;
	v3 =	vld [tilespmem:s25+$0x4450];
	_ =	sdelay $0x1  }
0x3db: {  	[tilespmem:$0x1EB00] =	vst v0;
	v0 =	vld [tilespmem:s25+$0xC860];
	_ =	sdelay $0x2  }
0x3dc: {  	[tilespmem:$0x1EA70] =	vst v3;
	v3 =	vld [tilespmem:s25+$0xC450];
	_ =	sdelay $0x1  }
0x3dd: {  	[tilespmem:$0x1EB10] =	vst v0;
	v0 =	vld [tilespmem:s25+$0x48D0];
	_ =	sdelay $0x2  }
0x3de: {  	[tilespmem:$0x1EA80] =	vst v3;
	v3 =	vld [tilespmem:s25+$0x44C0];
	_ =	sdelay $0x1  }
0x3df: {  	[tilespmem:$0x1E9E0] =	vst v0;
	v0 =	vld [tilespmem:s25+$0xC8D0];
	_ =	sdelay $0x2  }
0x3e0: {  	[tilespmem:$0x1EFD0] =	vst v3;
	v3 =	vld [tilespmem:s25+$0xC4C0];
	_ =	sdelay $0x1  }
0x3e1: {  	[tilespmem:$0x1E9F0] =	vst v0;
	v0 =	vld [tilespmem:s25+$0x4940];
	_ =	sdelay $0x2  }
0x3e2: {  	[tilespmem:$0x1EFE0] =	vst v3;
	v3 =	vld [tilespmem:s25+$0x4530];
	_ =	sdelay $0x1  }
0x3e3: {  	[tilespmem:$0x1EB20] =	vst v0;
	v0 =	vld [tilespmem:s25+$0xC940];
	_ =	sdelay $0x2  }
0x3e4: {  	[tilespmem:$0x1F000] =	vst v3;
	v3 =	vld [tilespmem:s25+$0xC530];
	_ =	sdelay $0x1  }
0x3e5: {  	[tilespmem:$0x1EB30] =	vst v0;
	v0 =	vld [tilespmem:s25+$0x49A0];
	_ =	sdelay $0x2  }
0x3e6: {  	[tilespmem:$0x1F010] =	vst v3;
	v3 =	vld [tilespmem:s25+$0x45A0];
	_ =	sdelay $0x1  }
0x3e7: {  	[tilespmem:$0x1EB40] =	vst v0;
	v0 =	vld [tilespmem:s25+$0xC9A0];
	_ =	sdelay $0x2  }
0x3e8: {  	[tilespmem:$0x1F020] =	vst v3;
	v3 =	vld [tilespmem:s25+$0xC5A0];
	_ =	sdelay $0x1  }
0x3e9: {  	[tilespmem:$0x1EB50] =	vst v0;
	v0 =	vld [tilespmem:s25+$0x47E0];
	_ =	sdelay $0x2  }
0x3ea: {  	[tilespmem:$0x1F030] =	vst v3;
	v3 =	vld [tilespmem:s25+$0x4270];
	_ =	sdelay $0x1  }
0x3eb: {  	[tilespmem:$0x1EB70] =	vst v0;
	v0 =	vld [tilespmem:s25+$0xC7E0];
	_ =	sdelay $0x2  }
0x3ec: {  	[tilespmem:$0x1F0A0] =	vst v3;
	v3 =	vld [tilespmem:s25+$0xC270];
	_ =	sdelay $0x1  }
0x3ed: {  	[tilespmem:$0x1EB80] =	vst v0;
	v0 =	vld [tilespmem:s25+$0xC850];
	_ =	sdelay $0x2  }
0x3ee: {  	[tilespmem:$0x1F0B0] =	vst v3;
	v3 =	vld [tilespmem:s25+$0x4360];
	_ =	sdelay $0x1  }
0x3ef: {  	[tilespmem:$0x1EB90] =	vst v0;
	v0 =	vld [tilespmem:s25+$0x48C0];
	_ =	sdelay $0x2  }
0x3f0: {  	[tilespmem:$0x1F0C0] =	vst v3;
	v3 =	vld [tilespmem:s25+$0xC360];
	_ =	sdelay $0x1  }
0x3f1: {  	[tilespmem:$0x1EBA0] =	vst v0;
	v0 =	vld [tilespmem:s25+$0xC8C0];
	_ =	sdelay $0x2  }
0x3f2: {  	[tilespmem:$0x1F0D0] =	vst v3;
	v3 =	vld [tilespmem:s25+$0x43D0];
	_ =	sdelay $0x1  }
0x3f3: {  	[tilespmem:$0x1EBB0] =	vst v0;
	v0 =	vld [tilespmem:s25+$0x4980];
	_ =	sdelay $0x2  }
0x3f4: {  	[tilespmem:$0x1F0E0] =	vst v3;
	v3 =	vld [tilespmem:s25+$0xC3D0];
	_ =	sdelay $0x1  }
0x3f5: {  	[tilespmem:$0x1EBD0] =	vst v0;
	v0 =	vld [tilespmem:s25+$0xC980];
	_ =	sdelay $0x2  }
0x3f6: {  	[tilespmem:$0x1F0F0] =	vst v3;
	v3 =	vld [tilespmem:s25+$0x4440];
	_ =	sdelay $0x1  }
0x3f7: {  	[tilespmem:$0x1EBE0] =	vst v0;
	v0 =	vld [tilespmem:s25+$0x4990];
	_ =	sdelay $0x2  }
0x3f8: {  	[tilespmem:$0x1EA90] =	vst v3;
	v3 =	vld [tilespmem:s25+$0xC440];
	_ =	sdelay $0x1  }
0x3f9: {  	[tilespmem:$0x1EBF0] =	vst v0;
	v0 =	vld [tilespmem:s25+$0xC990];
	_ =	sdelay $0x2  }
0x3fa: {  	[tilespmem:$0x1EAA0] =	vst v3;
	v3 =	vld [tilespmem:s25+$0x44B0];
	_ =	sdelay $0x1  }
0x3fb: {  	[tilespmem:$0x1EC00] =	vst v0;
	v0 =	vld [tilespmem:s25+$0x46F0];
	_ =	sdelay $0x2  }
0x3fc: {  	[tilespmem:$0x1F040] =	vst v3;
	v3 =	vld [tilespmem:s25+$0xC4B0];
	_ =	sdelay $0x1  }
0x3fd: {  	[tilespmem:$0x1EC10] =	vst v0;
	v0 =	vld [tilespmem:s25+$0xC6F0];
	_ =	sdelay $0x2  }
0x3fe: {  	[tilespmem:$0x1F050] =	vst v3;
	v3 =	vld [tilespmem:s25+$0x4520];
	_ =	sdelay $0x1  }
0x3ff: {  	[tilespmem:$0x1EC20] =	vst v0;
	v0 =	vld [tilespmem:s25+$0x4760];
	_ =	sdelay $0x2  }
0x400: {  	[tilespmem:$0x1EFF0] =	vst v3;
	v3 =	vld [tilespmem:s25+$0x4580];
	_ =	sdelay $0x1  }
0x401: {  	[tilespmem:$0x1EA00] =	vst v0;
	v0 =	vld [tilespmem:s25+$0x47D0];
	_ =	sdelay $0x2  }
0x402: {  	[tilespmem:$0x1F060] =	vst v3;
	v3 =	vld [tilespmem:s25+$0xC580];
	_ =	sdelay $0x1  }
0x403: {  	[tilespmem:$0x1EC30] =	vst v0;
	v0 =	vld [tilespmem:s25+$0x4840];
	_ =	sdelay $0x2  }
0x404: {  	[tilespmem:$0x1F070] =	vst v3;
	v3 =	vld [tilespmem:s25+$0x4590];
	_ =	sdelay $0x1  }
0x405: {  	[tilespmem:$0x1EC40] =	vst v0;
	v0 =	vld [tilespmem:s25+$0x4750];
	_ =	sdelay $0x1  }
0x406: {  	v6 =	vld [tilespmem:s25+$0x4970]  }
0x407: {  	[tilespmem:$0x1F080] =	vst v3;
	v3 =	vld [tilespmem:s25+$0xC590]  }
0x408: {  	v7 =	vld [tilespmem:s25+$0xC970]  }
0x409: {  	[tilespmem:$0x1EA10] =	vst v0;
	v0 =	vld [tilespmem:s25+$0xC750]  }
0x40a: {  	v9 =	vld [tilespmem:s25+$0x4960]  }
0x40b: {  	v16 =	vld [tilespmem:s25+$0xC960]  }
0x40c: {  	[tilespmem:$0x1F090] =	vst v3;
	v3 =	vld [tilespmem:s25+$0x4260]  }
0x40d: {  	v23 =	vld [tilespmem:s25+$0x4870]  }
0x40e: {  	[tilespmem:$0x1EA20] =	vst v0;
	v0 =	vld [tilespmem:s25+$0x48A0]  }
0x40f: {  	v59 =	vld [tilespmem:s25+$0x4950]  }
0x410: {  	v5 =	vld [tilespmem:s25+$0xC950]  }
0x411: {  	[tilespmem:$0x1F100] =	vst v3;
	v3 =	vld [tilespmem:s25+$0xC260]  }
0x412: {  	v11 =	vld [tilespmem:s25+$0x49B0]  }
0x413: {  	[tilespmem:$0x1EC60] =	vst v0;
	v0 =	vld [tilespmem:s25+$0xC8A0]  }
0x414: {  	v12 =	vld [tilespmem:s25+$0xC9B0]  }
0x415: {  	v8 =	vld [tilespmem:s25+$0xC910]  }
0x416: {  	[tilespmem:$0x1F110] =	vst v3;
	v3 =	vld [tilespmem:s25+$0x4350]  }
0x417: {  	v59 =	vmul.f32 v5, v59;
	v5 =	vld [tilespmem:s25+$0xC430]  }
0x418: {  	[tilespmem:$0x1EC70] =	vst v0;
	v0 =	vld [tilespmem:s25+$0x4910]  }
0x419: {  	v13 =	vld [tilespmem:s25+$0x4900]  }
0x41a: {  	v10 =	vld [tilespmem:s25+$0xC900]  }
0x41b: {  	[tilespmem:$0x1F120] =	vst v3;
	v3 =	vld [tilespmem:s25+$0xC350]  }
0x41c: {  	[tilespmem:$0x1EAC0] =	vst v5;
	v5 =	vld [tilespmem:$0x1EAE0]  }
0x41d: {  	v8 =	vmul.f32 v8, v0;
	v0 =	vld [tilespmem:$0x1EAD0]  }
0x41e: {  	v38 =	vld [tilespmem:s25+$0xC870]  }
0x41f: {  	v52 =	vld [tilespmem:s25+$0x4850]  }
0x420: {  	[tilespmem:$0x1F130] =	vst v3;
	v3 =	vld [tilespmem:s25+$0x43C0]  }
0x421: {  	v56 =	vld [tilespmem:s25+$0x4920];
	v10 =	vmul.f32 v10, v13  }
0x422: {  	v1 =	vld [tilespmem:s25+$0xC920];
	v13 =	vmul.f32 v5, v0;
	v0 =	vmul.f32 v12, v11  }
0x423: {  	v5 =	vld [tilespmem:$0x1EB10]  }
0x424: {  	[tilespmem:$0x1EAF0] =	vst v0;
	v0 =	vld [tilespmem:$0x1EB00]  }
0x425: {  	[tilespmem:$0x1F150] =	vst v3;
	v3 =	vld [tilespmem:s25+$0xC3C0]  }
0x426: {  	v49 =	vld [tilespmem:s25+$0x4930]  }
0x427: {  	v30 =	vld [tilespmem:s25+$0xC930]  }
0x428: {  	v50 =	vld [tilespmem:s25+$0xC7D0]  }
0x429: {  	v8 =	vadd.f32 v8, v10;
	v10 =	vmul.f32 v1, v56;
	v1 =	vld [tilespmem:$0x1EB30]  }
0x42a: {  	[tilespmem:$0x1F160] =	vst v3;
	v3 =	vmul.f32 v7, v6;
	v7 =	vmul.f32 v5, v0;
	v0 =	vld [tilespmem:$0x1EB20]  }
0x42b: {  	v2 =	vld [tilespmem:s25+$0xC840]  }
0x42c: {  	v62 =	vld [tilespmem:s25+$0x48B0]  }
0x42d: {  	v40 =	vld [tilespmem:s25+$0xC8B0]  }
0x42e: {  	v5 =	vld [tilespmem:$0x1EB50]  }
0x42f: {  	v1 =	vmul.f32 v1, v0;
	v0 =	vld [tilespmem:$0x1EB40]  }
0x430: {  	v53 =	vld [tilespmem:s25+$0x4670]  }
0x431: {  	v48 =	vld [tilespmem:s25+$0xC670]  }
0x432: {  	v46 =	vld [tilespmem:s25+$0x46E0]  }
0x433: {  	v41 =	vld [tilespmem:s25+$0xC6E0]  }
0x434: {  	v6 =	vld [tilespmem:s25+$0x4430];
	v0 =	vmul.f32 v5, v0  }
0x435: {  	v5 =	vld [tilespmem:$0x1EB80]  }
0x436: {  	[tilespmem:$0x1EB60] =	vst v0;
	v0 =	vld [tilespmem:$0x1EB70]  }
0x437: {  	v47 =	vld [tilespmem:s25+$0x47C0]  }
0x438: {  	v43 =	vld [tilespmem:s25+$0xC7C0]  }
0x439: {  	v45 =	vld [tilespmem:s25+$0x4830]  }
0x43a: {  	v37 =	vld [tilespmem:s25+$0xC830]  }
0x43b: {  	[tilespmem:$0x1EAB0] =	vst v6;
	v6 =	vmul.f32 v5, v0;
	v0 =	vld [tilespmem:$0x1EB90]  }
0x43c: {  	v63 =	vld [tilespmem:s25+$0xC7B0]  }
0x43d: {  	v35 =	vld [tilespmem:s25+$0x4820]  }
0x43e: {  	v33 =	vld [tilespmem:s25+$0xC820]  }
0x43f: {  	v5 =	vld [tilespmem:$0x1EBB0]  }
0x440: {  	v8 =	vadd.f32 v10, v8;
	v10 =	vmul.f32 v30, v49;
	v49 =	vmul.f32 v0, v52;
	v0 =	vld [tilespmem:$0x1EBA0]  }
0x441: {  	v60 =	vld [tilespmem:s25+$0xC880]  }
0x442: {  	v55 =	vld [tilespmem:s25+$0x4890]  }
0x443: {  	v51 =	vld [tilespmem:s25+$0xC890]  }
0x444: {  	v32 =	vld [tilespmem:s25+$0x47A0]  }
0x445: {  	v29 =	vld [tilespmem:s25+$0x4800];
	v0 =	vmul.f32 v5, v0  }
0x446: {  	v5 =	vld [tilespmem:$0x1EBE0]  }
0x447: {  	[tilespmem:$0x1EBC0] =	vst v0;
	v0 =	vld [tilespmem:$0x1EBD0]  }
0x448: {  	v54 =	vld [tilespmem:s25+$0xC800]  }
0x449: {  	v28 =	vld [tilespmem:s25+$0x4810];
	v8 =	vadd.f32 v10, v8  }
0x44a: {  	v27 =	vld [tilespmem:s25+$0xC810]  }
0x44b: {  	v17 =	vld [tilespmem:s25+$0x4780];
	v1 =	vadd.f32 v1, v8  }
0x44c: {  	v10 =	vmul.f32 v5, v0;
	v0 =	vld [tilespmem:$0x1EBF0]  }
0x44d: {  	v61 =	vmul.f32 v16, v9;
	v1 =	vadd.f32 v59, v1;
	v5 =	vld [tilespmem:$0x1EC00]  }
0x44e: {  	v15 =	vld [tilespmem:s25+$0xC780]  }
0x44f: {  	v14 =	vld [tilespmem:s25+$0x4790];
	v1 =	vadd.f32 v61, v1  }
0x450: {  	v56 =	vld [tilespmem:$0x1EC40]  }
0x451: {  	v41 =	vmul.f32 v41, v46;
	v46 =	vadd.f32 v3, v1;
	v1 =	vld [tilespmem:$0x1EC90]  }
0x452: {  	v0 =	vmul.f32 v5, v0;
	v5 =	vld [tilespmem:s25+$0x4250]  }
0x453: {  	v3 =	vld [tilespmem:$0x1ECA0]  }
0x454: {  	v4 =	vld [tilespmem:s25+$0xC790]  }
0x455: {  	v31 =	vld [tilespmem:s25+$0xC7A0]  }
0x456: {  	v29 =	vmul.f32 v54, v29;
	v27 =	vmul.f32 v27, v28;
	v11 =	vld [tilespmem:$0x1EC20]  }
0x457: {  	v2 =	vmul.f32 v2, v56;
	v56 =	vmul.f32 v48, v53;
	[tilespmem:$0x1F140] =	vst v5;
	v5 =	vld [tilespmem:$0x1EC10]  }
0x458: {  	v53 =	vadd.f32 v0, v10;
	v10 =	vadd.f32 v27, v29;
	v27 =	vmul.f32 v3, v1;
	v1 =	vld [tilespmem:$0x1ECB0]  }
0x459: {  	v19 =	vld [tilespmem:s25+$0x4690];
	v4 =	vmul.f32 v4, v14;
	v0 =	vmul.f32 v15, v17  }
0x45a: {  	v8 =	vld [tilespmem:s25+$0x4340]  }
0x45b: {  	v18 =	vld [tilespmem:s25+$0xC690];
	v0 =	vadd.f32 v4, v0;
	v4 =	vmul.f32 v31, v32  }
0x45c: {  	v11 =	vmul.f32 v11, v5;
	v5 =	vld [tilespmem:$0x1EC30]  }
0x45d: {  	v57 =	vld [tilespmem:s25+$0xC4F0];
	v0 =	vadd.f32 v4, v0;
	v1 =	vmul.f32 v63, v1  }
0x45e: {  	v58 =	vld [tilespmem:s25+$0x46A0]  }
0x45f: {  	v34 =	vld [tilespmem:s25+$0xC6A0];
	[tilespmem:$0x1F170] =	vst v8;
	v8 =	vmul.f32 v43, v47;
	v0 =	vadd.f32 v1, v0  }
0x460: {  	v36 =	vld [tilespmem:s25+$0x4620]  }
0x461: {  	v18 =	vmul.f32 v18, v19;
	v19 =	vld [tilespmem:$0x1EDC0];
	v8 =	vadd.f32 v8, v0;
	v5 =	vmul.f32 v50, v5  }
0x462: {  	v0 =	vld [tilespmem:$0x1ED80]  }
0x463: {  	v14 =	vmul.f32 v33, v35;
	v5 =	vadd.f32 v5, v8;
	v8 =	vld [tilespmem:$0x1EDB0]  }
0x464: {  	v44 =	vld [tilespmem:s25+$0xC620]  }
0x465: {  	v22 =	vld [tilespmem:s25+$0x4680];
	v37 =	vmul.f32 v37, v45;
	v3 =	vadd.f32 v14, v10  }
0x466: {  	v20 =	vld [tilespmem:s25+$0xC680]  }
0x467: {  	v26 =	vld [tilespmem:s25+$0x4600];
	v3 =	vadd.f32 v37, v3  }
0x468: {  	v54 =	vmul.f32 v57, v0;
	v57 =	vmul.f32 v19, v8;
	v8 =	vld [tilespmem:$0x1EDD0]  }
0x469: {  	v2 =	vadd.f32 v2, v3;
	v19 =	vld [tilespmem:$0x1EDE0]  }
0x46a: {  	v3 =	vld [tilespmem:s25+$0xC240]  }
0x46b: {  	v4 =	vld [tilespmem:$0x1ECC0];
	v2 =	vadd.f32 v49, v2  }
0x46c: {  	v24 =	vld [tilespmem:s25+$0xC600]  }
0x46d: {  	v2 =	vadd.f32 v7, v2;
	v7 =	vld [tilespmem:$0x1EDF0]  }
0x46e: {  	v14 =	vmul.f32 v51, v55;
	v55 =	vmul.f32 v19, v8;
	v8 =	vld [tilespmem:$0x1EE00]  }
0x46f: {  	v25 =	vld [tilespmem:s25+$0x4610];
	[tilespmem:$0x1ED70] =	vst v3;
	v3 =	vmul.f32 v20, v22  }
0x470: {  	v21 =	vld [tilespmem:s25+$0xC610];
	v4 =	vmul.f32 v60, v4  }
0x471: {  	v1 =	vld [tilespmem:$0x1ED30];
	v3 =	vadd.f32 v18, v3;
	v18 =	vmul.f32 v34, v58  }
0x472: {  	v9 =	vmul.f32 v38, v23;
	v35 =	vadd.f32 v14, v4;
	v4 =	vld [tilespmem:$0x1ED40]  }
0x473: {  	v42 =	vld [tilespmem:s25+$0xC520];
	v40 =	vmul.f32 v40, v62;
	v3 =	vadd.f32 v18, v3;
	v7 =	vmul.f32 v8, v7  }
0x474: {  	v39 =	vld [tilespmem:s25+$0x44A0]  }
0x475: {  	[tilespmem:$0x1EC50] =	vst v40;
	v40 =	vadd.f32 v9, v2;
	v2 =	vadd.f32 v7, v3;
	v3 =	vld [tilespmem:$0x1EE10]  }
0x476: {  	v7 =	vld [tilespmem:$0x1EE20]  }
0x477: {  	v14 =	vmul.f32 v4, v1;
	v1 =	vld [tilespmem:$0x1ED50]  }
0x478: {  	v4 =	vld [tilespmem:$0x1ED60];
	v5 =	vadd.f32 v6, v5  }
0x479: {  	v38 =	vld [tilespmem:s25+$0xC4A0]  }
0x47a: {  	v37 =	vadd.f32 v13, v5;
	v5 =	vld [tilespmem:$0x1EE40]  }
0x47b: {  	v34 =	vmul.f32 v7, v3;
	v3 =	vld [tilespmem:$0x1EE30]  }
0x47c: {  	v28 =	vld [tilespmem:$0x1ECD0]  }
0x47d: {  	v29 =	vld [tilespmem:$0x1ECE0];
	v1 =	vmul.f32 v4, v1  }
0x47e: {  	v23 =	vld [tilespmem:s25+$0x4500]  }
0x47f: {  	v1 =	vadd.f32 v1, v2;
	v2 =	vld [tilespmem:$0x1EE50]  }
0x480: {  	v63 =	vmul.f32 v5, v3;
	v3 =	vld [tilespmem:$0x1EE60]  }
0x481: {  	v16 =	vld [tilespmem:s25+$0xC500]  }
0x482: {  	v43 =	vmul.f32 v29, v28;
	v28 =	vld [tilespmem:$0x1ECF0]  }
0x483: {  	v29 =	vld [tilespmem:$0x1ED00]  }
0x484: {  	v6 =	vmul.f32 v24, v26;
	v7 =	vld [tilespmem:$0x1EE80]  }
0x485: {  	v8 =	vmul.f32 v21, v25;
	v2 =	vmul.f32 v3, v2;
	v3 =	vld [tilespmem:$0x1EE70]  }
0x486: {  	v9 =	vld [tilespmem:$0x1EEA0]  }
0x487: {  	v5 =	vadd.f32 v8, v6;
	v8 =	vld [tilespmem:$0x1EE90]  }
0x488: {  	v45 =	vld [tilespmem:s25+$0xC490]  }
0x489: {  	v62 =	vld [tilespmem:s25+$0x4240]  }
0x48a: {  	v32 =	vmul.f32 v29, v28;
	v28 =	vld [tilespmem:$0x1ED10];
	v7 =	vmul.f32 v7, v3  }
0x48b: {  	v13 =	vld [tilespmem:$0x1EEE0]  }
0x48c: {  	v25 =	vmul.f32 v9, v8;
	v9 =	vld [tilespmem:$0x1EED0];
	v2 =	vadd.f32 v7, v2  }
0x48d: {  	v6 =	vmul.f32 v44, v36;
	v7 =	vld [tilespmem:$0x1EF10]  }
0x48e: {  	[tilespmem:$0x1EEF0] =	vst v2;
	v2 =	vld [tilespmem:$0x1EF00]  }
0x48f: {  	v5 =	vadd.f32 v6, v5;
	v6 =	vld [tilespmem:$0x1EEB0]  }
0x490: {  	v8 =	vld [tilespmem:$0x1EEC0]  }
0x491: {  	v29 =	vld [tilespmem:$0x1ED20]  }
0x492: {  	v36 =	vmul.f32 v13, v9;
	v9 =	vld [tilespmem:$0x1EF30]  }
0x493: {  	v2 =	vmul.f32 v7, v2;
	v7 =	vld [tilespmem:$0x1EF20]  }
0x494: {  	v30 =	vld [tilespmem:s25+$0x4510]  }
0x495: {  	v12 =	vld [tilespmem:s25+$0xC510];
	v6 =	vmul.f32 v8, v6  }
0x496: {  	v48 =	vld [tilespmem:s25+$0xC3B0]  }
0x497: {  	v5 =	vadd.f32 v6, v5;
	v6 =	vld [tilespmem:$0x1EF40]  }
0x498: {  	v28 =	vmul.f32 v29, v28;
	v29 =	vmul.f32 v9, v7;
	v7 =	vld [tilespmem:$0x1EF50]  }
0x499: {  	v59 =	vld [tilespmem:s25+$0xC3A0]  }
0x49a: {  	v61 =	vld [tilespmem:s25+$0x4420]  }
0x49b: {  	v15 =	vld [tilespmem:$0x1EC60]  }
0x49c: {  	v17 =	vld [tilespmem:$0x1EC70]  }
0x49d: {  	v9 =	vmul.f32 v7, v6;
	v6 =	vld [tilespmem:$0x1EF60]  }
0x49e: {  	v7 =	vld [tilespmem:$0x1EF70]  }
0x49f: {  	v47 =	vld [tilespmem:s25+$0x43B0]  }
0x4a0: {  	v52 =	vld [tilespmem:s25+$0xC340]  }
0x4a1: {  	v10 =	vld [tilespmem:s25+$0xC480]  }
0x4a2: {  	v31 =	vld [tilespmem:s25+$0x4380]  }
0x4a3: {  	v33 =	vmul.f32 v17, v15;
	v15 =	vld [tilespmem:s25+$0xC420];
	v1 =	vadd.f32 v43, v1;
	v6 =	vmul.f32 v7, v6  }
0x4a4: {  	v7 =	vld [tilespmem:$0x1EFA0]  }
0x4a5: {  	[tilespmem:$0x1EF80] =	vst v6;
	v6 =	vadd.f32 v41, v1;
	v1 =	vld [tilespmem:$0x1EF90]  }
0x4a6: {  	v17 =	vld [tilespmem:s25+$0x4480]  }
0x4a7: {  	v49 =	vld [tilespmem:s25+$0xC410]  }
0x4a8: {  	v60 =	vld [tilespmem:s25+$0x4330]  }
0x4a9: {  	v13 =	vld [tilespmem:$0x1EFC0];
	v5 =	vadd.f32 v55, v5  }
0x4aa: {  	v1 =	vmul.f32 v7, v1;
	v7 =	vld [tilespmem:$0x1EFB0]  }
0x4ab: {  	v5 =	vadd.f32 v14, v5;
	v14 =	vld [tilespmem:$0x1EFE0]  }
0x4ac: {  	v43 =	vadd.f32 v11, v6;
	v11 =	vld [tilespmem:$0x1EFD0]  }
0x4ad: {  	[tilespmem:$0x1EC80] =	vst v15;
	v15 =	vld [tilespmem:s25+$0x4490]  }
0x4ae: {  	v12 =	vmul.f32 v12, v30;
	v22 =	vld [tilespmem:s25+$0x4400]  }
0x4af: {  	v20 =	vld [tilespmem:s25+$0x4410];
	v7 =	vmul.f32 v13, v7;
	v13 =	vmul.f32 v16, v23  }
0x4b0: {  	v50 =	vld [tilespmem:s25+$0xC250]  }
0x4b1: {  	v24 =	vmul.f32 v14, v11;
	v11 =	vadd.f32 v12, v13;
	v12 =	vld [tilespmem:$0x1EFF0]  }
0x4b2: {  	v58 =	vld [tilespmem:s25+$0xC380]  }
0x4b3: {  	v0 =	vld [tilespmem:$0x1ED90]  }
0x4b4: {  	v18 =	vld [tilespmem:s25+$0xC400]  }
0x4b5: {  	v4 =	vld [tilespmem:$0x1EDA0]  }
0x4b6: {  	v26 =	vld [tilespmem:s25+$0x4310];
	v12 =	vmul.f32 v42, v12  }
0x4b7: {  	v14 =	vadd.f32 v27, v5;
	v5 =	vld [tilespmem:$0x1F000]  }
0x4b8: {  	v11 =	vadd.f32 v12, v11;
	v12 =	vld [tilespmem:$0x1F010]  }
0x4b9: {  	v19 =	vld [tilespmem:s25+$0xC320]  }
0x4ba: {  	v51 =	vmul.f32 v4, v0;
	v0 =	vld [tilespmem:s25+$0xC330]  }
0x4bb: {  	v4 =	vld [tilespmem:s25+$0x43A0]  }
0x4bc: {  	v6 =	vmul.f32 v10, v17;
	v10 =	vmul.f32 v45, v15;
	v15 =	vld [tilespmem:$0x1F030]  }
0x4bd: {  	v12 =	vmul.f32 v12, v5;
	v5 =	vld [tilespmem:$0x1F020]  }
0x4be: {  	v21 =	vld [tilespmem:s25+$0x4320]  }
0x4bf: {  	v44 =	vld [tilespmem:s25+$0x4220];
	v6 =	vadd.f32 v10, v6;
	v10 =	vmul.f32 v38, v39  }
0x4c0: {  	v3 =	vld [tilespmem:s25+$0x4230]  }
0x4c1: {  	v10 =	vadd.f32 v10, v6;
	v6 =	vld [tilespmem:$0x1F040]  }
0x4c2: {  	v5 =	vmul.f32 v15, v5;
	v15 =	vld [tilespmem:$0x1F050]  }
0x4c3: {  	v8 =	vld [tilespmem:s25+$0xC230]  }
0x4c4: {  	v55 =	vld [tilespmem:s25+$0xC300]  }
0x4c5: {  	v41 =	vld [tilespmem:s25+$0x4300]  }
0x4c6: {  	v12 =	vadd.f32 v12, v11;
	v11 =	vld [tilespmem:$0x1F070]  }
0x4c7: {  	v27 =	vmul.f32 v15, v6;
	v6 =	vld [tilespmem:$0x1F060]  }
0x4c8: {  	v17 =	vld [tilespmem:s25+$0xC390]  }
0x4c9: {  	v45 =	vld [tilespmem:$0x1F0F0]  }
0x4ca: {  	v27 =	vadd.f32 v27, v10;
	v10 =	vld [tilespmem:$0x1F0E0]  }
0x4cb: {  	v39 =	vld [tilespmem:s25+$0xC210]  }
0x4cc: {  	v16 =	vadd.f32 v56, v14;
	v14 =	vmul.f32 v11, v6;
	v6 =	vld [tilespmem:$0x1F080]  }
0x4cd: {  	v11 =	vld [tilespmem:$0x1F090]  }
0x4ce: {  	v56 =	vadd.f32 v9, v12;
	v12 =	vld [tilespmem:$0x1F110]  }
0x4cf: {  	v38 =	vmul.f32 v45, v10;
	v10 =	vld [tilespmem:$0x1F100]  }
0x4d0: {  	v23 =	vld [tilespmem:s25+$0x4390]  }
0x4d1: {  	v13 =	vld [tilespmem:s25+$0xC220]  }
0x4d2: {  	v30 =	vmul.f32 v11, v6;
	v6 =	vld [tilespmem:$0x1F0A0]  }
0x4d3: {  	v11 =	vld [tilespmem:$0x1F0B0]  }
0x4d4: {  	v10 =	vmul.f32 v12, v10;
	v12 =	vld [tilespmem:$0x1F120]  }
0x4d5: {  	v9 =	vadd.f32 v30, v14;
	v14 =	vld [tilespmem:$0x1F130]  }
0x4d6: {  	v23 =	vmul.f32 v17, v23;
	v17 =	vld [tilespmem:$0x1F170]  }
0x4d7: {  	v15 =	vld [tilespmem:$0x1F0D0]  }
0x4d8: {  	v6 =	vmul.f32 v11, v6;
	v11 =	vld [tilespmem:$0x1F0C0]  }
0x4d9: {  	v30 =	vadd.f32 v24, v27;
	v24 =	vld [tilespmem:$0x1F150]  }
0x4da: {  	v14 =	vmul.f32 v14, v12;
	v12 =	vld [tilespmem:$0x1F140]  }
0x4db: {  	v27 =	vld [tilespmem:$0x1F160]  }
0x4dc: {  	v42 =	vld [tilespmem:s25+$0xC200];
	v25 =	vadd.f32 v25, v56  }
0x4dd: {  	(xrf2) =	vadd.scan.msk.f32 $0xffff, v46;
	v11 =	vmul.f32 v15, v11;
	v15 =	vld [tilespmem:s25+$0xC310]  }
0x4de: {  	v46 =	vmul.f32 v59, v4;
	v57 =	vadd.f32 v57, v25;
	v25 =	vld [tilespmem:s25+$0x4280]  }
0x4df: {  	v45 =	vld [tilespmem:s25+$0x4200];
	v12 =	vmul.f32 v50, v12;
	v50 =	vmul.f32 v58, v31  }
0x4e0: {  	v41 =	vmul.f32 v55, v41;
	v24 =	vmul.f32 v27, v24;
	v27 =	vld [tilespmem:s25+$0x4210];
	v58 =	vadd.f32 v29, v30  }
0x4e1: {  	(xrf2) =	vadd.scan.msk.f32 $0xffff, v40;
	v17 =	vmul.f32 v52, v17;
	v29 =	vmul.f32 v48, v47;
	v30 =	vadd.f32 v23, v50;
	v23 =	vld [tilespmem:s25+$0xC280]  }
0x4e2: {  	s26 =	simm.s32 $0x0;
	s28 =	simm.s32 $0x1;
	(xrf2) =	vadd.scan.msk.f32 $0xffff, v37;
	v40 =	vadd.f32 v63, v58;
	v47 =	vmul.f32 v15, v26;
	v15 =	vadd.f32 v28, v57;
	v26 =	vld [tilespmem:s25+$0x4290]  }
.LBB2_9:
0x4e3: {  	v30 =	vadd.f32 v46, v30  }
0x4e4: {  	v19 =	vmul.f32 v19, v21  }
0x4e5: {  	v29 =	vadd.f32 v29, v30;
	v21 =	vmul.f32 v42, v45;
	v27 =	vmul.f32 v39, v27  }
0x4e6: {  	(xrf2) =	vadd.scan.msk.f32 $0xffff, v43  }
0x4e7: {  	v4, _, _ =	vpop (xrf2);
	(xrf2) =	vadd.scan.msk.f32 $0xffff, v16;
	v16 =	vadd.f32 v27, v21;
	v21 =	vadd.f32 v24, v29;
	_ =	sdelay $0x1  }
0x4e8: {  	v21 =	vadd.f32 v38, v21  }
0x4e9: {  	v41 =	vadd.f32 v47, v41  }
0x4ea: {  	v48 =	vld [tilespmem:s25+$0xC290];
	v7 =	vadd.f32 v7, v21  }
0x4eb: {  	v50 =	vld [tilespmem:s25+$0xC2A0];
	v37 =	vmul.f32 v0, v60;
	v19 =	vadd.f32 v19, v41  }
0x4ec: {  	v7 =	vadd.f32 v2, v7;
	v2 =	vld [tilespmem:$0x1EC80]  }
0x4ed: {  	v46 =	vld [tilespmem:s25+$0x42A0];
	v18 =	vmul.f32 v18, v22;
	v13 =	vmul.f32 v13, v44;
	v19 =	vadd.f32 v37, v19  }
0x4ee: {  	v30 =	vld [tilespmem:s25+$0x42B0];
	v20 =	vmul.f32 v49, v20;
	v23 =	vmul.f32 v23, v25  }
0x4ef: {  	v25 =	vld [tilespmem:s25+$0x42C0];
	v8 =	vmul.f32 v8, v3;
	v13 =	vadd.f32 v13, v16;
	v17 =	vadd.f32 v17, v19  }
0x4f0: {  	v18 =	vadd.f32 v20, v18;
	v20 =	vld [tilespmem:s25+$0xC2B0]  }
0x4f1: {  	v8 =	vadd.f32 v8, v13;
	v13 =	vld [tilespmem:$0x1ED70];
	v14 =	vadd.f32 v14, v17;
	v17 =	vmul.f32 v2, v61  }
0x4f2: {  	v24 =	vmul.f32 v48, v26;
	v16 =	vld [tilespmem:s25+$0xC2C0]  }
0x4f3: {  	v11 =	vadd.f32 v11, v14;
	v14 =	vadd.f32 v17, v18;
	v17 =	vld [tilespmem:$0x1EAB0]  }
0x4f4: {  	v0, _, _ =	vpop (xrf2);
	(xrf2) =	vadd.scan.msk.f32 $0xffff, v15;
	v15 =	vadd.f32 v24, v23;
	v23 =	vmul.f32 v50, v46;
	v18 =	vld [tilespmem:$0x1EAC0]  }
0x4f5: {  	v24 =	vld [tilespmem:s25+$0x42D0]  }
0x4f6: {  	v19 =	vld [tilespmem:s25+$0xC2D0];
	v15 =	vadd.f32 v23, v15;
	v20 =	vmul.f32 v20, v30;
	v13 =	vmul.f32 v13, v62  }
0x4f7: {  	v21 =	vld [tilespmem:s25+$0x42E0]  }
0x4f8: {  	v15 =	vadd.f32 v20, v15;
	v20 =	vld [tilespmem:s25+$0x42F0];
	v8 =	vadd.f32 v13, v8  }
0x4f9: {  	v22 =	vadd.f32 v54, v40;
	v13 =	vld [tilespmem:s25+$0xC2E0];
	v17 =	vmul.f32 v18, v17  }
0x4fa: {  	v8 =	vadd.f32 v12, v8;
	v12 =	vld [tilespmem:s25+$0xC2F0]  }
0x4fb: {  	v3, _, _ =	vpop (xrf2);
	(xrf2) =	vadd.scan.msk.f32 $0xffff, v22;
	v22 =	vmul.f32 v16, v25;
	v18 =	vadd.f32 v17, v14;
	v14 =	vld [tilespmem:$0x1EA90]  }
0x4fc: {  	v1 =	vadd.f32 v1, v11;
	v8 =	vadd.f32 v10, v8;
	v17 =	vld [tilespmem:$0x1EAA0]  }
0x4fd: {  	v5 =	vadd.f32 v5, v9;
	v9 =	vld [tilespmem:$0x1EA80];
	v2, _, _ =	vpop (xrf2);
	(xrf2) =	vadd.scan.msk.f32 $0xffff, v7;
	v7 =	vadd.f32 v22, v15;
	v15 =	vmul.f32 v19, v24  }
0x4fe: {  	v16, _, _ =	vpop (xrf2);
	(xrf2) =	vadd.scan.msk.f32 $0xffff, v1;
	v1 =	vadd.f32 v6, v8;
	v8 =	vld [tilespmem:$0x1EA70]  }
0x4ff: {  	v7 =	vadd.f32 v15, v7;
	v13 =	vmul.f32 v13, v21  }
0x500: {  	v11 =	vld [tilespmem:s25+$0xC460]  }
0x501: {  	v15 =	vld [tilespmem:s25+$0xC470];
	v7 =	vadd.f32 v13, v7;
	v12 =	vmul.f32 v12, v20;
	v14 =	vmul.f32 v17, v14  }
0x502: {  	v13 =	vld [tilespmem:$0x1EF80]  }
0x503: {  	v10, _, _ =	vpop (xrf2);
	(xrf2) =	vadd.scan.msk.f32 $0xffff, v1;
	v1 =	vadd.f32 v12, v7;
	v7 =	vld [tilespmem:$0x1EA40];
	v8 =	vmul.f32 v9, v8;
	v6 =	vadd.f32 v14, v18  }
0x504: {  	v12 =	vld [tilespmem:$0x1EA50]  }
0x505: {  	v6 =	vadd.f32 v8, v6;
	v8 =	vld [tilespmem:$0x1EA60]  }
0x506: {  	v14 =	vld [tilespmem:$0x1EEF0]  }
0x507: {  	v17 =	vld [tilespmem:s25+$0x4470];
	_ =	sdelay $0x1  }
0x508: {  	v5 =	vadd.f32 v13, v5  }
0x509: {  	v8 =	vmul.f32 v11, v8  }
0x50a: {  	v9 =	vld [tilespmem:s25+$0xC5E0];
	v5 =	vadd.f32 v36, v5;
	v7 =	vmul.f32 v12, v7;
	v14 =	vadd.f32 v34, v14  }
0x50b: {  	v13 =	vld [tilespmem:s25+$0x45F0];
	v6 =	vadd.f32 v8, v6;
	v8 =	vmul.f32 v15, v17  }
0x50c: {  	v5 =	vadd.f32 v7, v5;
	v7 =	vld [tilespmem:$0x1EA30];
	v14 =	vadd.f32 v51, v14  }
0x50d: {  	v18, _, _ =	vpop (xrf2);
	(xrf2) =	vadd.scan.msk.f32 $0xffff, v1;
	v1 =	vadd.f32 v8, v6;
	v8 =	vld [tilespmem:$0x1EA10]  }
0x50e: {  	v6 =	vadd.f32 v32, v14;
	v14 =	vld [tilespmem:$0x1EA20]  }
0x50f: {  	v11 =	vld [tilespmem:s25+$0xC5F0]  }
0x510: {  	v12 =	vld [tilespmem:s25+$0xC760]  }
0x511: {  	v7 =	vmul.f32 v9, v7;
	v9 =	vld [tilespmem:s25+$0xC770]  }
0x512: {  	v15 =	vld [tilespmem:s25+$0x4770]  }
0x513: {  	v19, _, _ =	vpop (xrf2);
	v8 =	vmul.f32 v14, v8;
	v14 =	vld [tilespmem:s25+$0xC8E0]  }
0x514: {  	v5 =	vadd.f32 v7, v5;
	v7 =	vmul.f32 v11, v13;
	v11 =	vld [tilespmem:$0x1EC50];
	_ =	sdelay $0x1  }
0x515: {  	(xrf2) =	vadd.scan.msk.f32 $0xffff, v1;
	v1 =	vadd.f32 v7, v5;
	v5 =	vld [tilespmem:$0x1EBC0]  }
0x516: {  	v17 =	vadd.f32 v33, v35;
	_ =	sdelay $0x1  }
0x517: {  	v11 =	vadd.f32 v11, v17  }
0x518: {  	v7 =	vld [tilespmem:$0x1E9E0]  }
0x519: {  	v5 =	vadd.f32 v5, v11;
	v11 =	vld [tilespmem:$0x1E9F0]  }
0x51a: {  	v6 =	vadd.f32 v8, v6;
	v8 =	vld [tilespmem:$0x1EA00];
	_ =	sdelay $0x3  }
0x51b: {  	v7 =	vmul.f32 v11, v7  }
0x51c: {  	v17 =	vld [tilespmem:$0x1EB60];
	v8 =	vmul.f32 v12, v8  }
0x51d: {  	v5 =	vadd.f32 v7, v5;
	v7 =	vld [tilespmem:$0x1E9D0]  }
0x51e: {  	v6 =	vadd.f32 v8, v6;
	v8 =	vmul.f32 v9, v15;
	v9 =	vld [tilespmem:$0x1E9B0]  }
0x51f: {  	v15 =	vld [tilespmem:$0x1E9C0]  }
0x520: {  	v20, _, _ =	vpop (xrf2);
	(xrf2) =	vadd.scan.msk.f32 $0xffff, v1;
	v1 =	vadd.f32 v8, v6;
	v6 =	vld [tilespmem:$0x1E990]  }
0x521: {  	v8 =	vld [tilespmem:$0x1E9A0]  }
0x522: {  	v7 =	vmul.f32 v14, v7;
	v14 =	vld [tilespmem:$0x1EAF0]  }
0x523: {  	v13 =	vld [tilespmem:s25+$0x48F0]  }
0x524: {  	v12 =	vld [tilespmem:s25+$0xC8F0]  }
0x525: {  	v17 =	vadd.f32 v17, v53;
	v11 =	vld [tilespmem:s25+$0x49E0]  }
0x526: {  	v9 =	vmul.f32 v15, v9;
	v15 =	vld [tilespmem:s25+$0xC9E0]  }
0x527: {  	v6 =	vmul.f32 v8, v6;
	v8 =	vld [tilespmem:s25+$0xC9F0];
	v14 =	vadd.f32 v14, v17  }
0x528: {  	v17 =	vld [tilespmem:s25+$0x49F0]  }
0x529: {  	v12 =	vmul.f32 v12, v13;
	v5 =	vadd.f32 v7, v5;
	v9 =	vadd.f32 v9, v14  }
0x52a: {  	v21, _, _ =	vpop (xrf2);
	(xrf2) =	vadd.scan.msk.f32 $0xffff, v1  }
0x52b: {  	v1 =	vadd.f32 v12, v5;
	v7, _, _ =	vpop (xrf2);
	v5 =	vadd.f32 v6, v9;
	v6 =	vmul.f32 v15, v11  }
0x52c: {  	v7 =	vbroadcast v7, $0xF;
	v9 =	vbroadcast v21, $0xF  }
0x52d: {  	(xrf2) =	vadd.scan.msk.f32 $0xffff, v1;
	v11 =	vbroadcast v20, $0xF;
	v5 =	vadd.f32 v6, v5;
	v6 =	vmul.f32 v8, v17  }
0x52e: {  	v1 =	vsel vm0, v9, v7;
	v7 =	vbroadcast v19, $0xF;
	v8, _, _ =	vpop (xrf2)  }
0x52f: {  	v1 =	vsel vm1, v1, v11;
	v9 =	vbroadcast v8, $0xF;
	v5 =	vadd.f32 v6, v5  }
0x530: {  	v1 =	vsel vm2, v1, v7;
	v6 =	vbroadcast v18, $0xF  }
0x531: {  	v8, _, _ =	vpop (xrf2);
	v7 =	vbroadcast v10, $0xF;
	v1 =	vsel vm3, v1, v9;
	(xrf2) =	vadd.scan.msk.f32 $0xffff, v5  }
0x532: {  	v8 =	vbroadcast v8, $0xF;
	v1 =	vsel vm4, v1, v6  }
0x533: {  	v6 =	vbroadcast v16, $0xF;
	v1 =	vsel vm5, v1, v7  }
0x534: {  	v2 =	vbroadcast v2, $0xF;
	v1 =	vsel vm6, v1, v8;
	v5, _, _ =	vpop (xrf2)  }
0x535: {  	v1 =	vsel vm7, v1, v6;
	v5 =	vbroadcast v5, $0xF  }
0x536: {  	v1 =	vsel vm8, v1, v2;
	v2 =	vbroadcast v3, $0xF  }
0x537: {  	v0 =	vbroadcast v0, $0xF;
	v3, _, _ =	vpop (xrf2);
	v1 =	vsel vm9, v1, v5  }
0x538: {  	v1 =	vsel vm10, v1, v2;
	v2 =	vbroadcast v3, $0xF  }
0x539: {  	v3 =	vbroadcast v4, $0xF;
	v0 =	vsel vm11, v1, v0  }
0x53a: {  	v0 =	vsel vm12, v0, v2  }
0x53b: {  	s31 =	sshll.u32 s26, $0x4;
	v0 =	vsel vm13, v0, v3;
	v1, _, _ =	vpop (xrf2)  }
0x53c: {  	s29 =	sand.u32 $0x3FFFFFF0, s31;
	v0 =	vsel vm14, v0, v1  }
0x53d: {  	s25 =	sshll.u32 s28, $0xB;
	[tilespmem:s29+$0x10200] =	vst v0  }
0x53e: {  	v0 =	vld [tilespmem:s25+$0x49D0];
	_ =	sdelay $0x4  }
0x53f: {  	[tilespmem:$0x1E990] =	vst v0;
	v0 =	vld [tilespmem:s25+$0xC9D0];
	_ =	sdelay $0x4  }
0x540: {  	[tilespmem:$0x1E9A0] =	vst v0;
	v0 =	vld [tilespmem:s25+$0x49C0];
	_ =	sdelay $0x4  }
0x541: {  	[tilespmem:$0x1E9B0] =	vst v0;
	v0 =	vld [tilespmem:s25+$0xC9C0];
	_ =	sdelay $0x4  }
0x542: {  	[tilespmem:$0x1E9C0] =	vst v0;
	v0 =	vld [tilespmem:s25+$0x48E0];
	_ =	sdelay $0x4  }
0x543: {  	[tilespmem:$0x1E9D0] =	vst v0;
	v0 =	vld [tilespmem:s25+$0x48D0];
	_ =	sdelay $0x4  }
0x544: {  	[tilespmem:$0x1E9E0] =	vst v0;
	v0 =	vld [tilespmem:s25+$0xC8D0];
	_ =	sdelay $0x4  }
0x545: {  	[tilespmem:$0x1E9F0] =	vst v0;
	v0 =	vld [tilespmem:s25+$0x48C0];
	_ =	sdelay $0x4  }
0x546: {  	[tilespmem:$0x1E320] =	vst v0;
	v0 =	vld [tilespmem:s25+$0xC8C0];
	_ =	sdelay $0x4  }
0x547: {  	[tilespmem:$0x1E330] =	vst v0;
	v0 =	vld [tilespmem:s25+$0x4930];
	_ =	sdelay $0x4  }
0x548: {  	[tilespmem:$0x1E300] =	vst v0;
	v0 =	vld [tilespmem:s25+$0xC930];
	_ =	sdelay $0x4  }
0x549: {  	[tilespmem:$0x1E310] =	vst v0;
	v0 =	vld [tilespmem:s25+$0x4980];
	_ =	sdelay $0x4  }
0x54a: {  	[tilespmem:$0x1E340] =	vst v0;
	v0 =	vld [tilespmem:s25+$0xC980];
	_ =	sdelay $0x4  }
0x54b: {  	[tilespmem:$0x1E350] =	vst v0;
	v0 =	vld [tilespmem:s25+$0x4990];
	_ =	sdelay $0x4  }
0x54c: {  	[tilespmem:$0x1E360] =	vst v0;
	v0 =	vld [tilespmem:s25+$0xC990];
	_ =	sdelay $0x4  }
0x54d: {  	[tilespmem:$0x1E370] =	vst v0;
	v0 =	vld [tilespmem:s25+$0x46F0];
	_ =	sdelay $0x4  }
0x54e: {  	[tilespmem:$0x1E380] =	vst v0;
	v0 =	vld [tilespmem:s25+$0xC6F0];
	_ =	sdelay $0x4  }
0x54f: {  	[tilespmem:$0x1E390] =	vst v0;
	v0 =	vld [tilespmem:s25+$0x4760];
	_ =	sdelay $0x4  }
0x550: {  	[tilespmem:$0x1EA00] =	vst v0;
	v0 =	vld [tilespmem:s25+$0x47D0];
	_ =	sdelay $0x4  }
0x551: {  	[tilespmem:$0x1E3A0] =	vst v0;
	v0 =	vld [tilespmem:s25+$0xC7D0];
	_ =	sdelay $0x4  }
0x552: {  	[tilespmem:$0x1E3B0] =	vst v0;
	v0 =	vld [tilespmem:s25+$0x4840];
	_ =	sdelay $0x4  }
0x553: {  	[tilespmem:$0x1E3C0] =	vst v0;
	v0 =	vld [tilespmem:s25+$0xC840];
	_ =	sdelay $0x4  }
0x554: {  	[tilespmem:$0x1E3D0] =	vst v0;
	v0 =	vld [tilespmem:s25+$0x48B0];
	_ =	sdelay $0x4  }
0x555: {  	[tilespmem:$0x1E3E0] =	vst v0;
	v0 =	vld [tilespmem:s25+$0xC8B0];
	_ =	sdelay $0x4  }
0x556: {  	[tilespmem:$0x1E3F0] =	vst v0;
	v0 =	vld [tilespmem:s25+$0x4670];
	_ =	sdelay $0x4  }
0x557: {  	[tilespmem:$0x1E400] =	vst v0;
	v0 =	vld [tilespmem:s25+$0xC670];
	_ =	sdelay $0x4  }
0x558: {  	[tilespmem:$0x1E410] =	vst v0;
	v0 =	vld [tilespmem:s25+$0x46E0];
	_ =	sdelay $0x4  }
0x559: {  	[tilespmem:$0x1E420] =	vst v0;
	v0 =	vld [tilespmem:s25+$0xC6E0];
	_ =	sdelay $0x4  }
0x55a: {  	[tilespmem:$0x1E430] =	vst v0;
	v0 =	vld [tilespmem:s25+$0x4750];
	_ =	sdelay $0x4  }
0x55b: {  	[tilespmem:$0x1EA10] =	vst v0;
	v0 =	vld [tilespmem:s25+$0xC750];
	_ =	sdelay $0x4  }
0x55c: {  	[tilespmem:$0x1EA20] =	vst v0;
	v0 =	vld [tilespmem:s25+$0x47C0];
	_ =	sdelay $0x4  }
0x55d: {  	[tilespmem:$0x1E440] =	vst v0;
	v0 =	vld [tilespmem:s25+$0xC7C0];
	_ =	sdelay $0x4  }
0x55e: {  	[tilespmem:$0x1E450] =	vst v0;
	v0 =	vld [tilespmem:s25+$0x4830];
	_ =	sdelay $0x4  }
0x55f: {  	[tilespmem:$0x1E460] =	vst v0;
	v0 =	vld [tilespmem:s25+$0xC830];
	_ =	sdelay $0x4  }
0x560: {  	[tilespmem:$0x1E470] =	vst v0;
	v0 =	vld [tilespmem:s25+$0x48A0];
	_ =	sdelay $0x4  }
0x561: {  	[tilespmem:$0x1E480] =	vst v0;
	v0 =	vld [tilespmem:s25+$0xC8A0];
	_ =	sdelay $0x4  }
0x562: {  	[tilespmem:$0x1E490] =	vst v0;
	v0 =	vld [tilespmem:s25+$0x4660];
	_ =	sdelay $0x4  }
0x563: {  	[tilespmem:$0x1E4A0] =	vst v0;
	v0 =	vld [tilespmem:s25+$0xC660];
	_ =	sdelay $0x4  }
0x564: {  	[tilespmem:$0x1E4B0] =	vst v0;
	v0 =	vld [tilespmem:s25+$0x46D0];
	_ =	sdelay $0x4  }
0x565: {  	[tilespmem:$0x1E520] =	vst v0;
	v0 =	vld [tilespmem:s25+$0xC6D0];
	_ =	sdelay $0x4  }
0x566: {  	[tilespmem:$0x1E530] =	vst v0;
	v0 =	vld [tilespmem:s25+$0x4740];
	_ =	sdelay $0x4  }
0x567: {  	[tilespmem:$0x1E540] =	vst v0;
	v0 =	vld [tilespmem:s25+$0xC740];
	_ =	sdelay $0x4  }
0x568: {  	[tilespmem:$0x1E550] =	vst v0;
	v0 =	vld [tilespmem:s25+$0x47B0];
	_ =	sdelay $0x4  }
0x569: {  	[tilespmem:$0x1E4C0] =	vst v0;
	v0 =	vld [tilespmem:s25+$0xC7B0];
	_ =	sdelay $0x4  }
0x56a: {  	[tilespmem:$0x1E4D0] =	vst v0;
	v0 =	vld [tilespmem:s25+$0x4880];
	_ =	sdelay $0x4  }
0x56b: {  	[tilespmem:$0x1E4E0] =	vst v0;
	v0 =	vld [tilespmem:s25+$0xC880];
	_ =	sdelay $0x4  }
0x56c: {  	[tilespmem:$0x1E4F0] =	vst v0;
	v0 =	vld [tilespmem:s25+$0x4890];
	_ =	sdelay $0x4  }
0x56d: {  	[tilespmem:$0x1E500] =	vst v0;
	v0 =	vld [tilespmem:s25+$0xC890];
	_ =	sdelay $0x4  }
0x56e: {  	[tilespmem:$0x1E510] =	vst v0;
	v0 =	vld [tilespmem:s25+$0x4570];
	_ =	sdelay $0x4  }
0x56f: {  	[tilespmem:$0x1E560] =	vst v0;
	v0 =	vld [tilespmem:s25+$0xC570];
	_ =	sdelay $0x4  }
0x570: {  	[tilespmem:$0x1E570] =	vst v0;
	v0 =	vld [tilespmem:s25+$0x45E0];
	_ =	sdelay $0x4  }
0x571: {  	[tilespmem:$0x1EA30] =	vst v0;
	v0 =	vld [tilespmem:s25+$0x4650];
	_ =	sdelay $0x4  }
0x572: {  	[tilespmem:$0x1E580] =	vst v0;
	v0 =	vld [tilespmem:s25+$0xC650];
	_ =	sdelay $0x4  }
0x573: {  	[tilespmem:$0x1E590] =	vst v0;
	v0 =	vld [tilespmem:s25+$0x46C0];
	_ =	sdelay $0x4  }
0x574: {  	[tilespmem:$0x1E5A0] =	vst v0;
	v0 =	vld [tilespmem:s25+$0xC6C0];
	_ =	sdelay $0x4  }
0x575: {  	[tilespmem:$0x1E5B0] =	vst v0;
	v0 =	vld [tilespmem:s25+$0x4730];
	_ =	sdelay $0x4  }
0x576: {  	[tilespmem:$0x1E5E0] =	vst v0;
	v0 =	vld [tilespmem:s25+$0xC730];
	_ =	sdelay $0x4  }
0x577: {  	[tilespmem:$0x1E5F0] =	vst v0;
	v0 =	vld [tilespmem:s25+$0x44F0];
	_ =	sdelay $0x4  }
0x578: {  	[tilespmem:$0x1E5C0] =	vst v0;
	v0 =	vld [tilespmem:s25+$0xC4F0];
	_ =	sdelay $0x4  }
0x579: {  	[tilespmem:$0x1E5D0] =	vst v0;
	v0 =	vld [tilespmem:s25+$0x4560];
	_ =	sdelay $0x4  }
0x57a: {  	[tilespmem:$0x1E600] =	vst v0;
	v0 =	vld [tilespmem:s25+$0xC560];
	_ =	sdelay $0x4  }
0x57b: {  	[tilespmem:$0x1E610] =	vst v0;
	v0 =	vld [tilespmem:s25+$0x45D0];
	_ =	sdelay $0x4  }
0x57c: {  	[tilespmem:$0x1EA40] =	vst v0;
	v0 =	vld [tilespmem:s25+$0xC5D0];
	_ =	sdelay $0x4  }
0x57d: {  	[tilespmem:$0x1EA50] =	vst v0;
	v0 =	vld [tilespmem:s25+$0x4640];
	_ =	sdelay $0x4  }
0x57e: {  	[tilespmem:$0x1E620] =	vst v0;
	v0 =	vld [tilespmem:s25+$0xC640];
	_ =	sdelay $0x4  }
0x57f: {  	[tilespmem:$0x1E630] =	vst v0;
	v0 =	vld [tilespmem:s25+$0x46B0];
	_ =	sdelay $0x4  }
0x580: {  	[tilespmem:$0x1E640] =	vst v0;
	v0 =	vld [tilespmem:s25+$0xC6B0];
	_ =	sdelay $0x4  }
0x581: {  	[tilespmem:$0x1E650] =	vst v0;
	v0 =	vld [tilespmem:s25+$0x4720];
	_ =	sdelay $0x4  }
0x582: {  	[tilespmem:$0x1E660] =	vst v0;
	v0 =	vld [tilespmem:s25+$0xC720];
	_ =	sdelay $0x4  }
0x583: {  	[tilespmem:$0x1E670] =	vst v0;
	v0 =	vld [tilespmem:s25+$0x44E0];
	_ =	sdelay $0x4  }
0x584: {  	[tilespmem:$0x1E680] =	vst v0;
	v0 =	vld [tilespmem:s25+$0xC4E0];
	_ =	sdelay $0x4  }
0x585: {  	[tilespmem:$0x1E690] =	vst v0;
	v0 =	vld [tilespmem:s25+$0x4550];
	_ =	sdelay $0x4  }
0x586: {  	[tilespmem:$0x1E6E0] =	vst v0;
	v0 =	vld [tilespmem:s25+$0xC550];
	_ =	sdelay $0x4  }
0x587: {  	[tilespmem:$0x1E6F0] =	vst v0;
	v0 =	vld [tilespmem:s25+$0x45C0];
	_ =	sdelay $0x4  }
0x588: {  	[tilespmem:$0x1E720] =	vst v0;
	v0 =	vld [tilespmem:s25+$0xC5C0];
	_ =	sdelay $0x4  }
0x589: {  	[tilespmem:$0x1E730] =	vst v0;
	v0 =	vld [tilespmem:s25+$0x4630];
	_ =	sdelay $0x4  }
0x58a: {  	[tilespmem:$0x1E700] =	vst v0;
	v0 =	vld [tilespmem:s25+$0xC630];
	_ =	sdelay $0x4  }
0x58b: {  	[tilespmem:$0x1E710] =	vst v0;
	v0 =	vld [tilespmem:s25+$0x4700];
	_ =	sdelay $0x4  }
0x58c: {  	[tilespmem:$0x1E6A0] =	vst v0;
	v0 =	vld [tilespmem:s25+$0xC700];
	_ =	sdelay $0x4  }
0x58d: {  	[tilespmem:$0x1E6B0] =	vst v0;
	v0 =	vld [tilespmem:s25+$0x4710];
	_ =	sdelay $0x4  }
0x58e: {  	[tilespmem:$0x1E6C0] =	vst v0;
	v0 =	vld [tilespmem:s25+$0xC710];
	_ =	sdelay $0x4  }
0x58f: {  	[tilespmem:$0x1E6D0] =	vst v0;
	v0 =	vld [tilespmem:s25+$0x43F0];
	_ =	sdelay $0x4  }
0x590: {  	[tilespmem:$0x1E740] =	vst v0;
	v0 =	vld [tilespmem:s25+$0xC3F0];
	_ =	sdelay $0x4  }
0x591: {  	[tilespmem:$0x1E750] =	vst v0;
	v0 =	vld [tilespmem:s25+$0x4460];
	_ =	sdelay $0x4  }
0x592: {  	[tilespmem:$0x1EA60] =	vst v0;
	v0 =	vld [tilespmem:s25+$0x44D0];
	_ =	sdelay $0x4  }
0x593: {  	[tilespmem:$0x1E760] =	vst v0;
	v0 =	vld [tilespmem:s25+$0xC4D0];
	_ =	sdelay $0x4  }
0x594: {  	[tilespmem:$0x1E770] =	vst v0;
	v0 =	vld [tilespmem:s25+$0x4540];
	_ =	sdelay $0x4  }
0x595: {  	[tilespmem:$0x1E780] =	vst v0;
	v0 =	vld [tilespmem:s25+$0xC540];
	_ =	sdelay $0x4  }
0x596: {  	[tilespmem:$0x1E790] =	vst v0;
	v0 =	vld [tilespmem:s25+$0x45B0];
	_ =	sdelay $0x4  }
0x597: {  	[tilespmem:$0x1E7A0] =	vst v0;
	v0 =	vld [tilespmem:s25+$0xC5B0];
	_ =	sdelay $0x4  }
0x598: {  	[tilespmem:$0x1E7B0] =	vst v0;
	v0 =	vld [tilespmem:s25+$0x4370];
	_ =	sdelay $0x4  }
0x599: {  	[tilespmem:$0x1E7C0] =	vst v0;
	v0 =	vld [tilespmem:s25+$0xC370];
	_ =	sdelay $0x4  }
0x59a: {  	[tilespmem:$0x1E7D0] =	vst v0;
	v0 =	vld [tilespmem:s25+$0x43E0];
	_ =	sdelay $0x4  }
0x59b: {  	[tilespmem:$0x1E7E0] =	vst v0;
	v0 =	vld [tilespmem:s25+$0x4450];
	_ =	sdelay $0x4  }
0x59c: {  	[tilespmem:$0x1EA70] =	vst v0;
	v0 =	vld [tilespmem:s25+$0xC450];
	_ =	sdelay $0x4  }
0x59d: {  	[tilespmem:$0x1EA80] =	vst v0;
	v0 =	vld [tilespmem:s25+$0x44C0];
	_ =	sdelay $0x4  }
0x59e: {  	[tilespmem:$0x1E7F0] =	vst v0;
	v0 =	vld [tilespmem:s25+$0xC4C0];
	_ =	sdelay $0x4  }
0x59f: {  	[tilespmem:$0x1E800] =	vst v0;
	v0 =	vld [tilespmem:s25+$0x4530];
	_ =	sdelay $0x4  }
0x5a0: {  	[tilespmem:$0x1E810] =	vst v0;
	v0 =	vld [tilespmem:s25+$0xC530];
	_ =	sdelay $0x4  }
0x5a1: {  	[tilespmem:$0x1E820] =	vst v0;
	v0 =	vld [tilespmem:s25+$0x45A0];
	_ =	sdelay $0x4  }
0x5a2: {  	[tilespmem:$0x1E830] =	vst v0;
	v0 =	vld [tilespmem:s25+$0xC5A0];
	_ =	sdelay $0x4  }
0x5a3: {  	[tilespmem:$0x1E840] =	vst v0;
	v0 =	vld [tilespmem:s25+$0x4270];
	_ =	sdelay $0x4  }
0x5a4: {  	[tilespmem:$0x1E890] =	vst v0;
	v0 =	vld [tilespmem:s25+$0xC270];
	_ =	sdelay $0x4  }
0x5a5: {  	[tilespmem:$0x1E8A0] =	vst v0;
	v0 =	vld [tilespmem:s25+$0x4360];
	_ =	sdelay $0x4  }
0x5a6: {  	[tilespmem:$0x1E8B0] =	vst v0;
	v0 =	vld [tilespmem:s25+$0xC360];
	_ =	sdelay $0x4  }
0x5a7: {  	[tilespmem:$0x1E8C0] =	vst v0;
	v0 =	vld [tilespmem:s25+$0x43D0];
	_ =	sdelay $0x4  }
0x5a8: {  	[tilespmem:$0x1E8D0] =	vst v0;
	v0 =	vld [tilespmem:s25+$0xC3D0];
	_ =	sdelay $0x4  }
0x5a9: {  	[tilespmem:$0x1E8E0] =	vst v0;
	v0 =	vld [tilespmem:s25+$0x4440];
	_ =	sdelay $0x4  }
0x5aa: {  	[tilespmem:$0x1EA90] =	vst v0;
	v0 =	vld [tilespmem:s25+$0xC440];
	_ =	sdelay $0x4  }
0x5ab: {  	[tilespmem:$0x1EAA0] =	vst v0;
	v0 =	vld [tilespmem:s25+$0x44B0];
	_ =	sdelay $0x4  }
0x5ac: {  	[tilespmem:$0x1E850] =	vst v0;
	v0 =	vld [tilespmem:s25+$0xC4B0];
	_ =	sdelay $0x4  }
0x5ad: {  	[tilespmem:$0x1E860] =	vst v0;
	v0 =	vld [tilespmem:s25+$0x4580];
	_ =	sdelay $0x4  }
0x5ae: {  	[tilespmem:$0x1E870] =	vst v0;
	v0 =	vld [tilespmem:s25+$0xC580];
	_ =	sdelay $0x4  }
0x5af: {  	[tilespmem:$0x1E880] =	vst v0;
	v0 =	vld [tilespmem:s25+$0x4260];
	_ =	sdelay $0x4  }
0x5b0: {  	[tilespmem:$0x1E8F0] =	vst v0;
	v0 =	vld [tilespmem:s25+$0xC260];
	_ =	sdelay $0x4  }
0x5b1: {  	[tilespmem:$0x1E900] =	vst v0;
	v0 =	vld [tilespmem:s25+$0x4350];
	_ =	sdelay $0x4  }
0x5b2: {  	[tilespmem:$0x1E910] =	vst v0;
	v0 =	vld [tilespmem:s25+$0xC350];
	_ =	sdelay $0x4  }
0x5b3: {  	[tilespmem:$0x1E920] =	vst v0;
	v0 =	vld [tilespmem:s25+$0x43C0];
	_ =	sdelay $0x4  }
0x5b4: {  	[tilespmem:$0x1E940] =	vst v0;
	v0 =	vld [tilespmem:s25+$0xC3C0];
	_ =	sdelay $0x3  }
0x5b5: {  	v1 =	vld [tilespmem:s25+$0x4970]  }
0x5b6: {  	[tilespmem:$0x1E950] =	vst v0;
	v0 =	vld [tilespmem:s25+$0x4430]  }
0x5b7: {  	v2 =	vld [tilespmem:s25+$0xC970]  }
0x5b8: {  	v7 =	vld [tilespmem:s25+$0x49B0]  }
0x5b9: {  	v9 =	vld [tilespmem:s25+$0xC9B0]  }
0x5ba: {  	v52 =	vld [tilespmem:s25+$0x49A0]  }
0x5bb: {  	[tilespmem:$0x1EAB0] =	vst v0;
	v0 =	vld [tilespmem:s25+$0xC430]  }
0x5bc: {  	v58 =	vld [tilespmem:s25+$0xC9A0]  }
0x5bd: {  	v23 =	vld [tilespmem:s25+$0x4900]  }
0x5be: {  	v47 =	vld [tilespmem:s25+$0xC900]  }
0x5bf: {  	v48 =	vld [tilespmem:s25+$0x4910]  }
0x5c0: {  	v12 =	vld [tilespmem:s25+$0xC910];
	[tilespmem:$0x1EAC0] =	vst v0;
	v0 =	vmul.f32 v9, v7  }
0x5c1: {  	v56 =	vld [tilespmem:s25+$0x4920]  }
0x5c2: {  	v29 =	vld [tilespmem:s25+$0xC920];
	[tilespmem:$0x1EAF0] =	vst v0;
	v0 =	vmul.f32 v58, v52  }
0x5c3: {  	v6 =	vmul.f32 v2, v1;
	v1 =	vld [tilespmem:$0x1E310]  }
0x5c4: {  	[tilespmem:$0x1EB60] =	vst v0;
	v0 =	vld [tilespmem:$0x1E300]  }
0x5c5: {  	v23 =	vmul.f32 v47, v23;
	v12 =	vmul.f32 v12, v48;
	_ =	sdelay $0x1  }
0x5c6: {  	v12 =	vadd.f32 v12, v23;
	v23 =	vmul.f32 v29, v56;
	_ =	sdelay $0x1  }
0x5c7: {  	v12 =	vadd.f32 v23, v12;
	v23 =	vmul.f32 v1, v0;
	v0 =	vld [tilespmem:$0x1E320]  }
0x5c8: {  	v1 =	vld [tilespmem:$0x1E330];
	_ =	sdelay $0x4  }
0x5c9: {  	v0 =	vmul.f32 v1, v0;
	_ =	sdelay $0x1  }
0x5ca: {  	[tilespmem:$0x1EBC0] =	vst v0;
	v0 =	vld [tilespmem:s25+$0x4250];
	_ =	sdelay $0x3  }
0x5cb: {  	v1 =	vld [tilespmem:$0x1E350]  }
0x5cc: {  	[tilespmem:$0x1E930] =	vst v0;
	v0 =	vld [tilespmem:$0x1E340];
	_ =	sdelay $0x2  }
0x5cd: {  	v3 =	vld [tilespmem:s25+$0x4960]  }
0x5ce: {  	v4 =	vld [tilespmem:s25+$0xC960]  }
0x5cf: {  	v2 =	vmul.f32 v1, v0;
	v0 =	vld [tilespmem:$0x1E360]  }
0x5d0: {  	v1 =	vld [tilespmem:$0x1E370];
	_ =	sdelay $0x3  }
0x5d1: {  	v54 =	vmul.f32 v4, v3;
	v3 =	vld [tilespmem:$0x1E390]  }
0x5d2: {  	v1 =	vmul.f32 v1, v0;
	v0 =	vld [tilespmem:$0x1E380];
	_ =	sdelay $0x4  }
0x5d3: {  	v56 =	vmul.f32 v3, v0;
	v0 =	vld [tilespmem:$0x1E3A0]  }
0x5d4: {  	v3 =	vld [tilespmem:$0x1E3B0];
	_ =	sdelay $0x4  }
0x5d5: {  	v7 =	vmul.f32 v3, v0;
	v0 =	vld [tilespmem:s25+$0x4340];
	_ =	sdelay $0x1  }
0x5d6: {  	v5 =	vld [tilespmem:s25+$0x4870]  }
0x5d7: {  	v8 =	vld [tilespmem:s25+$0xC870]  }
0x5d8: {  	v3 =	vld [tilespmem:$0x1E3D0]  }
0x5d9: {  	[tilespmem:$0x1E960] =	vst v0;
	v0 =	vld [tilespmem:$0x1E3C0];
	_ =	sdelay $0x4  }
0x5da: {  	v14 =	vmul.f32 v8, v5;
	v5 =	vmul.f32 v3, v0;
	v0 =	vld [tilespmem:$0x1E3E0]  }
0x5db: {  	v3 =	vld [tilespmem:$0x1E3F0];
	_ =	sdelay $0x4  }
0x5dc: {  	v0 =	vmul.f32 v3, v0;
	v3 =	vld [tilespmem:s25+$0xC340];
	_ =	sdelay $0x1  }
0x5dd: {  	v57 =	vld [tilespmem:s25+$0x47E0]  }
0x5de: {  	v59 =	vld [tilespmem:s25+$0xC7E0]  }
0x5df: {  	v4 =	vld [tilespmem:$0x1E410]  }
0x5e0: {  	[tilespmem:$0x1E970] =	vst v3;
	v3 =	vld [tilespmem:$0x1E400]  }
0x5e1: {  	v10 =	vld [tilespmem:s25+$0x4950]  }
0x5e2: {  	v13 =	vld [tilespmem:s25+$0xC950]  }
0x5e3: {  	v11 =	vld [tilespmem:s25+$0x47F0]  }
0x5e4: {  	v15 =	vld [tilespmem:s25+$0xC7F0]  }
0x5e5: {  	v9 =	vmul.f32 v59, v57;
	v57 =	vmul.f32 v4, v3;
	v3 =	vld [tilespmem:$0x1E420]  }
0x5e6: {  	v4 =	vld [tilespmem:$0x1E430];
	_ =	sdelay $0x3  }
0x5e7: {  	v30 =	vmul.f32 v13, v10  }
0x5e8: {  	v13 =	vmul.f32 v15, v11;
	v11 =	vmul.f32 v4, v3;
	v3 =	vld [tilespmem:$0x1E440]  }
0x5e9: {  	v4 =	vld [tilespmem:$0x1E450];
	_ =	sdelay $0x3  }
0x5ea: {  	v52 =	vadd.f32 v23, v12;
	v23 =	vld [tilespmem:$0x1E470]  }
0x5eb: {  	v4 =	vmul.f32 v4, v3;
	v3 =	vld [tilespmem:$0x1E460]  }
0x5ec: {  	v41 =	vld [tilespmem:s25+$0x4940]  }
0x5ed: {  	v46 =	vld [tilespmem:s25+$0xC940]  }
0x5ee: {  	v27 =	vld [tilespmem:s25+$0x4790]  }
0x5ef: {  	v25 =	vld [tilespmem:s25+$0xC790]  }
0x5f0: {  	v3 =	vmul.f32 v23, v3;
	v23 =	vld [tilespmem:s25+$0xC420];
	_ =	sdelay $0x1  }
0x5f1: {  	v16 =	vld [tilespmem:s25+$0x4860];
	v29 =	vmul.f32 v46, v41  }
0x5f2: {  	v40 =	vld [tilespmem:s25+$0xC860]  }
0x5f3: {  	v47 =	vadd.f32 v1, v2;
	v2 =	vmul.f32 v25, v27;
	v25 =	vld [tilespmem:$0x1E490];
	[tilespmem:$0x1EC50] =	vst v0;
	v0 =	vadd.f32 v29, v52  }
0x5f4: {  	[tilespmem:$0x1EC80] =	vst v23;
	v23 =	vld [tilespmem:$0x1E480]  }
0x5f5: {  	v0 =	vadd.f32 v30, v0  }
0x5f6: {  	v50 =	vld [tilespmem:s25+$0x4800]  }
0x5f7: {  	v33 =	vld [tilespmem:s25+$0xC800];
	v0 =	vadd.f32 v54, v0  }
0x5f8: {  	v31 =	vld [tilespmem:s25+$0x4780]  }
0x5f9: {  	v10 =	vmul.f32 v40, v16;
	v40 =	vmul.f32 v25, v23;
	v25 =	vadd.f32 v6, v0;
	v0 =	vld [tilespmem:$0x1E4A0]  }
0x5fa: {  	v23 =	vld [tilespmem:$0x1E4B0]  }
0x5fb: {  	v28 =	vld [tilespmem:s25+$0xC780]  }
0x5fc: {  	v63 =	vld [tilespmem:s25+$0x47A0]  }
0x5fd: {  	v62 =	vld [tilespmem:s25+$0xC7A0];
	_ =	sdelay $0x1  }
0x5fe: {  	v33 =	vmul.f32 v33, v50;
	v50 =	vmul.f32 v23, v0;
	v0 =	vld [tilespmem:$0x1E4C0]  }
0x5ff: {  	v1 =	vmul.f32 v28, v31;
	v23 =	vld [tilespmem:$0x1E4D0];
	_ =	sdelay $0x1  }
0x600: {  	v1 =	vadd.f32 v2, v1;
	v2 =	vmul.f32 v62, v63;
	_ =	sdelay $0x1  }
0x601: {  	v1 =	vadd.f32 v2, v1;
	v2 =	vld [tilespmem:$0x1E4E0]  }
0x602: {  	v0 =	vmul.f32 v23, v0;
	v23 =	vld [tilespmem:$0x1E4F0];
	_ =	sdelay $0x3  }
0x603: {  	v29 =	vld [tilespmem:$0x1E510]  }
0x604: {  	v2 =	vmul.f32 v23, v2;
	v23 =	vld [tilespmem:$0x1E500]  }
0x605: {  	v51 =	vld [tilespmem:s25+$0x4850]  }
0x606: {  	v60 =	vld [tilespmem:s25+$0xC850]  }
0x607: {  	v61 =	vld [tilespmem:s25+$0x4810]  }
0x608: {  	v55 =	vld [tilespmem:s25+$0xC810]  }
0x609: {  	v31 =	vmul.f32 v29, v23;
	v23 =	vld [tilespmem:$0x1E520]  }
0x60a: {  	v29 =	vld [tilespmem:$0x1E530]  }
0x60b: {  	v37 =	vld [tilespmem:s25+$0x4820]  }
0x60c: {  	v35 =	vld [tilespmem:s25+$0xC820];
	_ =	sdelay $0x1  }
0x60d: {  	v8 =	vmul.f32 v60, v51  }
0x60e: {  	v55 =	vmul.f32 v55, v61;
	v51 =	vmul.f32 v29, v23;
	v23 =	vld [tilespmem:$0x1E540]  }
0x60f: {  	v29 =	vld [tilespmem:$0x1E550]  }
0x610: {  	v27 =	vadd.f32 v55, v33;
	v28 =	vmul.f32 v35, v37;
	_ =	sdelay $0x1  }
0x611: {  	v27 =	vadd.f32 v28, v27;
	_ =	sdelay $0x1  }
0x612: {  	v3 =	vadd.f32 v3, v27;
	v27 =	vld [tilespmem:$0x1E570];
	v23 =	vmul.f32 v29, v23  }
0x613: {  	v0 =	vadd.f32 v0, v1;
	v1 =	vld [tilespmem:s25+$0xC240]  }
0x614: {  	[tilespmem:$0x1E980] =	vst v23;
	v23 =	vld [tilespmem:$0x1E560];
	_ =	sdelay $0x3  }
0x615: {  	[tilespmem:$0x1ED70] =	vst v1;
	v1 =	vld [tilespmem:$0x1E580]  }
0x616: {  	v48 =	vmul.f32 v27, v23;
	v23 =	vadd.f32 v31, v2;
	v2 =	vld [tilespmem:$0x1E590];
	_ =	sdelay $0x4  }
0x617: {  	v27 =	vmul.f32 v2, v1;
	v1 =	vld [tilespmem:$0x1E5A0]  }
0x618: {  	v2 =	vld [tilespmem:$0x1E5B0];
	_ =	sdelay $0x2  }
0x619: {  	v22 =	vld [tilespmem:s25+$0x4680]  }
0x61a: {  	v49 =	vld [tilespmem:s25+$0xC680];
	v4 =	vadd.f32 v4, v0  }
0x61b: {  	v21 =	vld [tilespmem:s25+$0x4690];
	v1 =	vmul.f32 v2, v1;
	v2 =	vadd.f32 v5, v3  }
0x61c: {  	v4 =	vadd.f32 v7, v4;
	v7 =	vld [tilespmem:$0x1E600]  }
0x61d: {  	v2 =	vadd.f32 v8, v2;
	v8 =	vld [tilespmem:$0x1E610]  }
0x61e: {  	v18 =	vld [tilespmem:s25+$0xC690]  }
0x61f: {  	v43 =	vld [tilespmem:s25+$0x46A0]  }
0x620: {  	v53 =	vld [tilespmem:s25+$0xC6A0];
	_ =	sdelay $0x1  }
0x621: {  	v61 =	vmul.f32 v8, v7;
	v7 =	vld [tilespmem:$0x1E620]  }
0x622: {  	v3 =	vmul.f32 v49, v22;
	v5 =	vmul.f32 v18, v21;
	v8 =	vld [tilespmem:$0x1E630];
	_ =	sdelay $0x1  }
0x623: {  	v3 =	vadd.f32 v5, v3;
	v5 =	vmul.f32 v53, v43;
	_ =	sdelay $0x1  }
0x624: {  	v3 =	vadd.f32 v5, v3;
	v5 =	vld [tilespmem:$0x1E640]  }
0x625: {  	v43 =	vmul.f32 v8, v7;
	v7 =	vld [tilespmem:$0x1E650]  }
0x626: {  	v17 =	vld [tilespmem:s25+$0x4610]  }
0x627: {  	v36 =	vld [tilespmem:s25+$0xC610];
	_ =	sdelay $0x2  }
0x628: {  	v2 =	vadd.f32 v10, v2;
	v5 =	vmul.f32 v7, v5;
	_ =	sdelay $0x1  }
0x629: {  	v8 =	vmul.f32 v36, v17;
	v17 =	vadd.f32 v14, v2;
	v2 =	vadd.f32 v5, v3;
	v3 =	vld [tilespmem:$0x1E660]  }
0x62a: {  	v5 =	vld [tilespmem:$0x1E670];
	_ =	sdelay $0x2  }
0x62b: {  	v19 =	vld [tilespmem:s25+$0x4600]  }
0x62c: {  	v20 =	vld [tilespmem:s25+$0xC600]  }
0x62d: {  	v37 =	vmul.f32 v5, v3;
	v3 =	vld [tilespmem:$0x1E680]  }
0x62e: {  	v5 =	vld [tilespmem:$0x1E690]  }
0x62f: {  	v34 =	vld [tilespmem:s25+$0x4620];
	v4 =	vadd.f32 v9, v4  }
0x630: {  	v32 =	vld [tilespmem:s25+$0xC620]  }
0x631: {  	v4 =	vadd.f32 v13, v4;
	v13 =	vld [tilespmem:$0x1E6F0];
	v7 =	vmul.f32 v20, v19  }
0x632: {  	v1 =	vadd.f32 v1, v2;
	v2 =	vld [tilespmem:$0x1E6A0]  }
0x633: {  	v31 =	vmul.f32 v5, v3;
	v5 =	vadd.f32 v8, v7;
	v8 =	vld [tilespmem:$0x1E6B0]  }
0x634: {  	v10 =	vld [tilespmem:$0x1E6E0];
	_ =	sdelay $0x1  }
0x635: {  	v44 =	vld [tilespmem:s25+$0xC3E0]  }
0x636: {  	v9 =	vld [tilespmem:$0x1E6D0]  }
0x637: {  	v7 =	vmul.f32 v32, v34;
	v2 =	vmul.f32 v8, v2;
	v8 =	vld [tilespmem:$0x1E6C0]  }
0x638: {  	v32 =	vmul.f32 v13, v10;
	v10 =	vld [tilespmem:$0x1E710]  }
0x639: {  	v5 =	vadd.f32 v7, v5;
	v7 =	vld [tilespmem:$0x1E700]  }
0x63a: {  	v39 =	vld [tilespmem:s25+$0x4520]  }
0x63b: {  	v38 =	vld [tilespmem:s25+$0xC520]  }
0x63c: {  	v45 =	vld [tilespmem:s25+$0x4590];
	v9 =	vmul.f32 v9, v8  }
0x63d: {  	v13 =	vld [tilespmem:$0x1E730]  }
0x63e: {  	v7 =	vmul.f32 v10, v7;
	v10 =	vld [tilespmem:$0x1E720];
	v2 =	vadd.f32 v9, v2  }
0x63f: {  	v9 =	vld [tilespmem:$0x1E750]  }
0x640: {  	[tilespmem:$0x1EEF0] =	vst v2;
	v2 =	vld [tilespmem:$0x1E740]  }
0x641: {  	v42 =	vld [tilespmem:s25+$0xC590]  }
0x642: {  	v26 =	vld [tilespmem:s25+$0x44A0]  }
0x643: {  	v24 =	vld [tilespmem:s25+$0xC4A0]  }
0x644: {  	v36 =	vmul.f32 v13, v10;
	v10 =	vld [tilespmem:$0x1E770]  }
0x645: {  	v2 =	vmul.f32 v9, v2;
	v9 =	vld [tilespmem:$0x1E760]  }
0x646: {  	v15 =	vld [tilespmem:s25+$0x4500]  }
0x647: {  	v16 =	vld [tilespmem:s25+$0xC500]  }
0x648: {  	v60 =	vld [tilespmem:s25+$0x4330]  }
0x649: {  	v5 =	vadd.f32 v7, v5;
	v7 =	vld [tilespmem:$0x1E780]  }
0x64a: {  	v1 =	vadd.f32 v51, v1;
	v51 =	vmul.f32 v10, v9;
	v9 =	vld [tilespmem:$0x1E790]  }
0x64b: {  	v46 =	vld [tilespmem:s25+$0x43B0]  }
0x64c: {  	v41 =	vld [tilespmem:s25+$0xC3B0]  }
0x64d: {  	v59 =	vld [tilespmem:s25+$0xC510]  }
0x64e: {  	v10 =	vld [tilespmem:$0x1E7B0]  }
0x64f: {  	v9 =	vmul.f32 v9, v7;
	v7 =	vld [tilespmem:$0x1E7A0]  }
0x650: {  	v58 =	vld [tilespmem:s25+$0x4510]  }
0x651: {  	v12 =	vld [tilespmem:s25+$0xC250]  }
0x652: {  	v55 =	vld [tilespmem:s25+$0x4480]  }
0x653: {  	v14 =	vld [tilespmem:$0x1E7F0]  }
0x654: {  	v7 =	vmul.f32 v10, v7;
	v10 =	vadd.f32 v11, v1;
	v11 =	vmul.f32 v16, v15;
	v16 =	vld [tilespmem:$0x1E800]  }
0x655: {  	v33 =	vld [tilespmem:s25+$0x4380]  }
0x656: {  	v28 =	vld [tilespmem:s25+$0x4490];
	v5 =	vadd.f32 v43, v5  }
0x657: {  	v52 =	vld [tilespmem:s25+$0xC490];
	v13 =	vmul.f32 v59, v58  }
0x658: {  	v6 =	vld [tilespmem:s25+$0xC480];
	v5 =	vadd.f32 v27, v5  }
0x659: {  	v35 =	vld [tilespmem:s25+$0x4390];
	v11 =	vadd.f32 v13, v11;
	v27 =	vmul.f32 v16, v14;
	v14 =	vmul.f32 v38, v39  }
0x65a: {  	v16 =	vadd.f32 v50, v5;
	v5 =	vld [tilespmem:$0x1E810]  }
0x65b: {  	v11 =	vadd.f32 v14, v11;
	v14 =	vld [tilespmem:$0x1E820]  }
0x65c: {  	v63 =	vld [tilespmem:s25+$0x43A0]  }
0x65d: {  	v30 =	vld [tilespmem:s25+$0x4420];
	v6 =	vmul.f32 v6, v55;
	v43 =	vadd.f32 v56, v10;
	v10 =	vmul.f32 v52, v28  }
0x65e: {  	(xrf2) =	vadd.scan.msk.f32 $0xffff, v25;
	v25 =	vld [tilespmem:$0x1E8C0]  }
0x65f: {  	v6 =	vadd.f32 v10, v6;
	v10 =	vmul.f32 v24, v26;
	v24 =	vld [tilespmem:$0x1E840]  }
0x660: {  	v14 =	vmul.f32 v14, v5;
	v5 =	vld [tilespmem:$0x1E830]  }
0x661: {  	v55 =	vld [tilespmem:s25+$0xC310]  }
0x662: {  	v0 =	vld [tilespmem:s25+$0xC330]  }
0x663: {  	v18 =	vld [tilespmem:$0x1E5C0]  }
0x664: {  	v10 =	vadd.f32 v10, v6;
	v6 =	vld [tilespmem:$0x1E850]  }
0x665: {  	v5 =	vmul.f32 v24, v5;
	v24 =	vld [tilespmem:$0x1E860]  }
0x666: {  	v21 =	vld [tilespmem:$0x1E5D0]  }
0x667: {  	v29 =	vld [tilespmem:s25+$0x4240]  }
0x668: {  	v22 =	vld [tilespmem:s25+$0x4400]  }
0x669: {  	v14 =	vadd.f32 v14, v11;
	v11 =	vld [tilespmem:$0x1E880]  }
0x66a: {  	v24 =	vmul.f32 v24, v6;
	v6 =	vld [tilespmem:$0x1E870]  }
0x66b: {  	v54 =	vmul.f32 v21, v18;
	v18 =	vld [tilespmem:$0x1E5E0]  }
0x66c: {  	v21 =	vld [tilespmem:$0x1E5F0]  }
0x66d: {  	v49 =	vld [tilespmem:s25+$0xC410]  }
0x66e: {  	v53 =	vld [tilespmem:s25+$0xC3A0]  }
0x66f: {  	v26 =	vmul.f32 v11, v6;
	v6 =	vld [tilespmem:$0x1E890]  }
0x670: {  	v11 =	vld [tilespmem:$0x1E8A0]  }
0x671: {  	v62 =	vmul.f32 v21, v18;
	v18 =	vld [tilespmem:s25+$0xC400]  }
0x672: {  	(xrf2) =	vadd.scan.msk.f32 $0xffff, v17;
	v17 =	vld [tilespmem:$0x1E930]  }
0x673: {  	v21 =	vld [tilespmem:s25+$0x4320]  }
0x674: {  	v20 =	vld [tilespmem:s25+$0x4410]  }
0x675: {  	v6 =	vmul.f32 v11, v6;
	v11 =	vld [tilespmem:$0x1E8B0]  }
0x676: {  	v19 =	vld [tilespmem:s25+$0xC320]  }
0x677: {  	v12 =	vmul.f32 v12, v17;
	v17 =	vld [tilespmem:$0x1E940]  }
0x678: {  	v3 =	vld [tilespmem:s25+$0x4230]  }
0x679: {  	v24 =	vadd.f32 v24, v10;
	v10 =	vld [tilespmem:$0x1E8D0]  }
0x67a: {  	v11 =	vmul.f32 v25, v11;
	v25 =	vld [tilespmem:$0x1E8E0]  }
0x67b: {  	v34 =	vld [tilespmem:s25+$0xC380]  }
0x67c: {  	v8 =	vld [tilespmem:s25+$0xC230]  }
0x67d: {  	v59 =	vmul.f32 v42, v45;
	v42 =	vld [tilespmem:s25+$0xC200]  }
0x67e: {  	v45 =	vld [tilespmem:s25+$0x4200]  }
0x67f: {  	v38 =	vmul.f32 v25, v10;
	v10 =	vld [tilespmem:$0x1E8F0]  }
0x680: {  	v25 =	vadd.f32 v9, v14;
	v14 =	vld [tilespmem:$0x1E900]  }
0x681: {  	v1 =	vld [tilespmem:$0x1E7C0]  }
0x682: {  	v15 =	vld [tilespmem:s25+$0xC390]  }
0x683: {  	[tilespmem:$0x1EF80] =	vst v7;
	v7 =	vld [tilespmem:$0x1E7D0]  }
0x684: {  	v9 =	vadd.f32 v59, v26;
	v26 =	vld [tilespmem:$0x1E920]  }
0x685: {  	v10 =	vmul.f32 v14, v10;
	v14 =	vld [tilespmem:$0x1E910]  }
0x686: {  	v13 =	vld [tilespmem:s25+$0xC220]  }
0x687: {  	v28 =	vld [tilespmem:s25+$0x4300]  }
0x688: {  	v52 =	vld [tilespmem:s25+$0x4310]  }
0x689: {  	v1 =	vmul.f32 v7, v1;
	v7 =	vld [tilespmem:$0x1E7E0]  }
0x68a: {  	v14 =	vmul.f32 v26, v14;
	v26 =	vadd.f32 v27, v24;
	v24 =	vld [tilespmem:$0x1E950]  }
0x68b: {  	v50 =	vld [tilespmem:s25+$0xC300]  }
0x68c: {  	v39 =	vld [tilespmem:s25+$0xC210]  }
0x68d: {  	v15 =	vmul.f32 v15, v35;
	v35 =	vmov v23;
	v23 =	vld [tilespmem:$0x1E970];
	v32 =	vadd.f32 v32, v25  }
0x68e: {  	v56 =	vmul.f32 v34, v33;
	v7 =	vmul.f32 v44, v7;
	v44 =	vld [tilespmem:s25+$0x4220]  }
0x68f: {  	p0 =	sne.s32 s28, $0x7;
	v32 =	vadd.f32 v61, v32;
	v24 =	vmul.f32 v24, v17;
	v17 =	vld [tilespmem:$0x1E960]  }
.Ltmp9:
0x690: {  	v25 =	vld [tilespmem:s25+$0x4280];
	v61 =	vmov v30;
	v30 =	vadd.f32 v15, v56;
	(pc) =	sbr.rel @p0 .LBB2_9-.Ltmp9, $4  }
0x691: {  	v15 =	vadd.f32 v48, v32;
	v32 =	vld [tilespmem:$0x1E980];
	v26 =	vadd.f32 v51, v26  }
0x692: {  	(xrf2) =	vadd.scan.msk.f32 $0xffff, v4;
	v34 =	vmovc v37;
	v27 =	vld [tilespmem:s25+$0x4210];
	v51 =	vmov v62;
	v62 =	vmov v29;
	v29 =	vmul.f32 v41, v46  }
0x693: {  	v33 =	vmovc v40;
	v46 =	vmul.f32 v53, v63;
	v41 =	vmul.f32 v50, v28;
	v40 =	vadd.f32 v31, v26;
	v26 =	vld [tilespmem:s25+$0x4290]  }
0x694: {  	s26 =	smov.u32 s28;
	s28 =	sadd.s32 $0x1, s28;
	v16 =	vadd.f32 v57, v16;
	v53 =	vmovc v47;
	v47 =	vmul.f32 v55, v52;
	v17 =	vmul.f32 v23, v17;
	v23 =	vld [tilespmem:s25+$0xC280]  }
0x695: {  	v28 =	vld [tilespmem:s25+$0xC290]  }
0x696: {  	v48 =	vld [tilespmem:s25+$0xC2A0]  }
0x697: {  	v20 =	vmul.f32 v49, v20;
	v49 =	vld [tilespmem:s25+$0x42B0]  }
0x698: {  	v50 =	vld [tilespmem:s25+$0xC2B0]  }
0x699: {  	v40 =	vadd.f32 v54, v40;
	v54 =	vld [tilespmem:s25+$0x42C0]  }
0x69a: {  	v55 =	vld [tilespmem:s25+$0xC2C0]  }
0x69b: {  	v56 =	vld [tilespmem:s25+$0x42D0]  }
0x69c: {  	v57 =	vld [tilespmem:$0x1ED70]  }
0x69d: {  	v58 =	vld [tilespmem:s25+$0xC2D0]  }
0x69e: {  	v59 =	vld [tilespmem:s25+$0x42E0]  }
0x69f: {  	v0 =	vmul.f32 v0, v60;
	v60 =	vld [tilespmem:$0x1EC80]  }
0x6a0: {  	v63 =	vld [tilespmem:s25+$0x42F0]  }
0x6a1: {  	v4 =	vadd.f32 v46, v30;
	v30 =	vld [tilespmem:s25+$0xC470]  }
0x6a2: {  	v37 =	vld [tilespmem:$0x1EA80]  }
0x6a3: {  	(xrf2) =	vadd.scan.msk.f32 $0xffff, v43;
	v43 =	vld [tilespmem:$0x1EA60]  }
0x6a4: {  	v13 =	vmul.f32 v13, v44;
	v44 =	vld [tilespmem:$0x1EEF0]  }
0x6a5: {  	v31 =	vmul.f32 v42, v45;
	v45 =	vld [tilespmem:s25+$0xC5F0]  }
0x6a6: {  	v18 =	vmul.f32 v18, v22;
	v22 =	vld [tilespmem:$0x1EA00]  }
0x6a7: {  	v46 =	vadd.f32 v47, v41;
	v47 =	vld [tilespmem:s25+$0x42A0];
	(xrf2) =	vadd.scan.msk.f32 $0xffff, v16  }
0x6a8: {  	v41 =	vld [tilespmem:s25+$0x45F0];
	v4 =	vadd.f32 v29, v4;
	(xrf2) =	vadd.scan.msk.f32 $0xffff, v15  }
0x6a9: {  	(xrf2) =	vadd.scan.msk.f32 $0xffff, v40;
	v40 =	vld [tilespmem:$0x1EF80]  }
0x6aa: {  	v27 =	vmul.f32 v39, v27;
	v4 =	vadd.f32 v24, v4;
	v24 =	vld [tilespmem:s25+$0xC2F0]  }
0x6ab: {  	v23 =	vmul.f32 v23, v25;
	v25 =	vld [tilespmem:s25+$0xC460]  }
0x6ac: {  	v27 =	vadd.f32 v27, v31;
	v31 =	vld [tilespmem:$0x1EA70]  }
0x6ad: {  	v52 =	vmul.f32 v28, v26;
	v26 =	vld [tilespmem:$0x1EA90]  }
0x6ae: {  	v28 =	vld [tilespmem:s25+$0x4470]  }
0x6af: {  	v18 =	vadd.f32 v20, v18;
	v20 =	vmul.f32 v50, v49;
	v49 =	vld [tilespmem:s25+$0xC760]  }
0x6b0: {  	v3 =	vmul.f32 v8, v3;
	v8 =	vmul.f32 v55, v54;
	v54 =	vld [tilespmem:s25+$0x4770]  }
0x6b1: {  	v19 =	vmul.f32 v19, v21;
	v55 =	vld [tilespmem:$0x1EA30]  }
0x6b2: {  	v13 =	vadd.f32 v13, v27;
	v27 =	vld [tilespmem:$0x1EAA0]  }
0x6b3: {  	v19 =	vadd.f32 v19, v46;
	v4 =	vadd.f32 v38, v4;
	v38 =	vld [tilespmem:s25+$0xC5E0]  }
0x6b4: {  	v21 =	vmul.f32 v48, v47;
	v47 =	vld [tilespmem:$0x1EA40];
	v23 =	vadd.f32 v52, v23  }
0x6b5: {  	v0 =	vadd.f32 v0, v19;
	v48 =	vld [tilespmem:$0x1EA50]  }
0x6b6: {  	v3 =	vadd.f32 v3, v13;
	v13 =	vmul.f32 v57, v62;
	v62 =	vld [tilespmem:s25+$0xC2E0];
	v21 =	vadd.f32 v21, v23  }
0x6b7: {  	v5 =	vadd.f32 v5, v9;
	v23 =	vld [tilespmem:$0x1EAC0]  }
0x6b8: {  	v0 =	vadd.f32 v17, v0;
	v20 =	vadd.f32 v20, v21;
	v21 =	vld [tilespmem:$0x1EAB0]  }
0x6b9: {  	v4 =	vadd.f32 v7, v4;
	v5 =	vadd.f32 v40, v5;
	v57 =	vld [tilespmem:s25+$0xC770]  }
0x6ba: {  	v7 =	vmul.f32 v58, v56;
	v56 =	vadd.f32 v33, v35;
	v33 =	vld [tilespmem:$0x1E9C0];
	v0 =	vadd.f32 v14, v0  }
0x6bb: {  	v35 =	vld [tilespmem:$0x1E9D0];
	v3 =	vadd.f32 v13, v3;
	v2 =	vadd.f32 v2, v4;
	v4 =	vmul.f32 v60, v61  }
0x6bc: {  	v40 =	vld [tilespmem:$0x1E990];
	v5 =	vadd.f32 v36, v5;
	v8 =	vadd.f32 v8, v20  }
0x6bd: {  	v60 =	vld [tilespmem:$0x1EA10];
	v3 =	vadd.f32 v12, v3;
	v4 =	vadd.f32 v4, v18;
	v12 =	vmul.f32 v23, v21  }
0x6be: {  	v50 =	vmul.f32 v30, v28;
	v61 =	vld [tilespmem:$0x1EA20];
	v29 =	vmul.f32 v62, v59;
	v7 =	vadd.f32 v7, v8  }
0x6bf: {  	v28 =	vld [tilespmem:$0x1E9E0];
	v3 =	vadd.f32 v10, v3;
	v10 =	vmul.f32 v27, v26;
	v4 =	vadd.f32 v12, v4  }
0x6c0: {  	v39 =	vmul.f32 v24, v63;
	v36 =	vld [tilespmem:$0x1EAF0];
	v0 =	vadd.f32 v11, v0;
	v7 =	vadd.f32 v29, v7  }
0x6c1: {  	v62 =	vld [tilespmem:s25+$0xC8E0];
	v3 =	vadd.f32 v6, v3;
	v6 =	vmul.f32 v37, v31;
	v4 =	vadd.f32 v10, v4  }
0x6c2: {  	v0 =	vadd.f32 v1, v0;
	v20 =	vld [tilespmem:$0x1EC50];
	v46 =	vadd.f32 v39, v7;
	v7 =	vmul.f32 v48, v47  }
0x6c3: {  	(xrf2) =	vadd.scan.msk.f32 $0xffff, v2;
	v1 =	vmul.f32 v25, v43;
	v26 =	vld [tilespmem:$0x1EBC0];
	v42 =	vadd.f32 v6, v4;
	v4 =	vadd.f32 v34, v44  }
0x6c4: {  	(xrf2) =	vadd.scan.msk.f32 $0xffff, v0;
	v23 =	vld [tilespmem:$0x1EB60];
	v5 =	vadd.f32 v7, v5;
	v7 =	vmul.f32 v38, v55  }
0x6c5: {  	v29 =	vld [tilespmem:$0x1E9F0];
	(xrf2) =	vadd.scan.msk.f32 $0xffff, v3;
	v1 =	vadd.f32 v1, v42;
	v52 =	vadd.f32 v51, v4  }
0x6c6: {  	v25 =	vld [tilespmem:s25+$0xC8F0];
	v12 =	vmul.f32 v61, v60;
	v10, _, _ =	vpop (xrf2);
	(xrf2) =	vadd.scan.msk.f32 $0xffff, v46;
	v5 =	vadd.f32 v7, v5  }
0x6c7: {  	v59, _, _ =	vpop (xrf2);
	v6 =	vmul.f32 v45, v41;
	v1 =	vadd.f32 v50, v1;
	v58 =	vadd.f32 v32, v52;
	v32 =	vld [tilespmem:$0x1E9B0]  }
0x6c8: {  	v9 =	vadd.f32 v20, v56;
	v63, _, _ =	vpop (xrf2);
	v41 =	vld [tilespmem:$0x1E9A0]  }
0x6c9: {  	v8 =	vmul.f32 v49, v22;
	v21 =	vld [tilespmem:s25+$0x48F0];
	v24, _, _ =	vpop (xrf2);
	v5 =	vadd.f32 v6, v5;
	v2 =	vadd.f32 v12, v58;
	(xrf2) =	vadd.scan.msk.f32 $0xffff, v1  }
0x6ca: {  	v30 =	vld [tilespmem:s25+$0x49E0];
	v15 =	vmul.f32 v29, v28;
	v27, _, _ =	vpop (xrf2);
	v6 =	vadd.f32 v26, v9;
	v12 =	vadd.f32 v23, v53  }
0x6cb: {  	v0 =	vmul.f32 v57, v54;
	v13 =	vmul.f32 v62, v35;
	v34 =	vld [tilespmem:s25+$0xC9E0];
	v31, _, _ =	vpop (xrf2);
	v2 =	vadd.f32 v8, v2  }
0x6cc: {  	v38 =	vld [tilespmem:s25+$0x49F0];
	v37, _, _ =	vpop (xrf2);
	v6 =	vadd.f32 v15, v6;
	(xrf2) =	vadd.scan.msk.f32 $0xffff, v5;
	v12 =	vadd.f32 v36, v12;
	v8 =	vmul.f32 v33, v32  }
0x6cd: {  	v42 =	vld [tilespmem:s25+$0xC9F0];
	v39, _, _ =	vpop (xrf2);
	v18 =	vmul.f32 v41, v40;
	v0 =	vadd.f32 v0, v2  }
0x6ce: {  	v1 =	vmul.f32 v25, v21;
	v43, _, _ =	vpop (xrf2);
	v6 =	vadd.f32 v13, v6;
	v8 =	vadd.f32 v8, v12  }
0x6cf: {  	v44, _, _ =	vpop (xrf2);
	(xrf2) =	vadd.scan.msk.f32 $0xffff, v0  }
0x6d0: {  	v46 =	vmul.f32 v34, v30;
	v1 =	vadd.f32 v1, v6;
	v47, _, _ =	vpop (xrf2);
	v45 =	vadd.f32 v18, v8  }
0x6d1: {  	v12 =	vbroadcast v47, $0xF;
	v0 =	vbroadcast v44, $0xF  }
0x6d2: {  	v5 =	vmul.f32 v42, v38;
	v48 =	vbroadcast v43, $0xF;
	(xrf2) =	vadd.scan.msk.f32 $0xffff, v1;
	v6 =	vadd.f32 v46, v45  }
0x6d3: {  	v2 =	vbroadcast v39, $0xF;
	v0 =	vsel vm0, v0, v12;
	v49, _, _ =	vpop (xrf2)  }
0x6d4: {  	v0 =	vsel vm1, v0, v48;
	v50 =	vadd.f32 v5, v6;
	v51 =	vbroadcast v49, $0xF  }
0x6d5: {  	v52 =	vbroadcast v37, $0xF;
	v0 =	vsel vm2, v0, v2  }
0x6d6: {  	v4 =	vbroadcast v31, $0xF;
	v53, _, _ =	vpop (xrf2);
	v0 =	vsel vm3, v0, v51;
	(xrf2) =	vadd.scan.msk.f32 $0xffff, v50  }
0x6d7: {  	v1 =	vbroadcast v53, $0xF;
	v0 =	vsel vm4, v0, v52  }
0x6d8: {  	v54 =	vbroadcast v27, $0xF;
	v0 =	vsel vm5, v0, v4  }
0x6d9: {  	v55 =	vbroadcast v24, $0xF;
	v0 =	vsel vm6, v0, v1;
	v56, _, _ =	vpop (xrf2)  }
0x6da: {  	v0 =	vsel vm7, v0, v54;
	v57 =	vbroadcast v56, $0xF  }
0x6db: {  	v58 =	vbroadcast v63, $0xF;
	v0 =	vsel vm8, v0, v55  }
0x6dc: {  	v59 =	vbroadcast v59, $0xF;
	v60, _, _ =	vpop (xrf2);
	v0 =	vsel vm9, v0, v57  }
0x6dd: {  	v61 =	vbroadcast v60, $0xF;
	v0 =	vsel vm10, v0, v58  }
0x6de: {  	v62 =	vbroadcast v10, $0xF;
	v0 =	vsel vm11, v0, v59  }
0x6df: {  	v0 =	vsel vm12, v0, v61  }
0x6e0: {  	s31 =	sshll.u32 s26, $0x4;
	s24 =	smin.u32 s24, $0x7A0A0;
	v0 =	vsel vm13, v0, v62;
	v63, _, _ =	vpop (xrf2)  }
0x6e1: {  	s24 =	sshrl.u32 s24, $0x3;
	s25 =	sand.u32 $0x3FFFFFF0, s31;
	v0 =	vsel vm14, v0, v63  }
.Ltmp10:
0x6e2: {  	s24 =	sadd.s32 s5, s24;
	[tilespmem:s25+$0x10200] =	vst v0;
	(pc) =	sbr.rel .LBB2_11-.Ltmp10, $4  }
0x6e3: {  	[hbm4b:s24+s6] =	stream.linear.scatter [tilespmem:s18], [sflag:$0x5], $0x80, $0x38;
	[tilespmem:$0x10280] =	vst v63  }
0x6e4: {  	_ =	swait.ge [sflag:s11], $0x80  }
0x6e5: {  	[sflag:s11] =	ssyncset.done $0x0  }
0x6e6: {  	[sflag:s11] =	ssyncadd.s32 $0xFFFFFF80  }
.LBB2_13:
0x6e7: {  	_ =	sfence.sel $0x180000  }
0x6e8: {  	[bflag:$0x0] =	sbarrier.arrive $0xFFFF  }
0x6e9: {  	p0 =	sne.s32 s3, $0x0;
	_ =	strace $0x90000047  }
0x6ea: {  	s0 =	sadd.s32 @!p0 $0x100000, s0;
	[bflag:$0x2] =	sbarrier.arrive $0xFFFF  }
0x6eb: {  	[sflag:s0] =	ssyncadd.tile.s32 @!p0 $0x1;
	_ =	shalt  }
.Lfunc_end2:
_tile_overlayer_lowered:
.L_overlay_start_2:
0x6ec: {  	(tag) =	ssettag $0x2  }
0x6ed: {  	s0 =	rddreg [dreg:$0x0];
	s2 =	stileid.u32  }
0x6ee: {  	s1 =	rddreg [dreg:$0x1];
	p0 =	sne.s32 s2, $0x0  }
0x6ef: {  	s3 =	rddreg [dreg:$0x2];
	[bflag:$0x3] =	sbarrier.arrive $0xFFFF;
	s2 =	simm.s32 @!p0 $0x1C05  }
0x6f0: {  	[timem:s3], [sflag:s2] =	dma.local @!p0 [hbm:s0], s1  }
0x6f1: {  	s0 =	simm.s32 @!p0 $0x5  }
0x6f2: {  	_ =	swait.ge @!p0 [sflag:s0], s1  }
0x6f3: {  	s1 =	ssub.s32 @!p0 $0x0, s1;
	[sflag:s0] =	ssyncset.done @!p0 $0x0  }
0x6f4: {  	[sflag:s0] =	ssyncadd.s32 @!p0 s1  }
0x6f5: {  	[bflag:$0x3] =	sbarrier.arrive $0xFFFF  }
0x6f6: {  	_ =	shalt  }

</sc_bundles>
